<compile_context>
chip_gen: v7x
topology: tpu7x:2x2x1
jax: 0.10.2.dev20260603
libtpu: 0.0.44.dev20260713+nightly
codegen_flags: <defaults>
</compile_context>

<pallas_src>
import functools

import jax
import jax.numpy as jnp
from jax import lax
from jax.experimental import pallas as pl
from jax.experimental.pallas import tpu as pltpu
from jax.experimental.pallas import tpu_sc as plsc

N = 10000
E = 320000
CH = 128
NCHUNK = E // CH
NW = 32
CPW = NCHUNK // NW
XTRA = NCHUNK - CPW * NW
GS = 6
NG = CPW // GS
RPS = 624
REM = N - 16 * RPS

_SC_PARAMS = pltpu.CompilerParams(use_tc_tiling_on_sc=False)


def _zero_rows(ref, nrows, ncols):
    z = jnp.zeros((16,), jnp.float32)

    def body(i, carry):
        for k in range(ncols // 16):
            ref[i, pl.ds(k * 16, 16)] = z
        return carry

    lax.fori_loop(0, nrows, body, 0)


def _zero_acc_slice(zbuf, acc_sh, s):
    row0 = s * RPS
    for k in range(4):
        pltpu.sync_copy(zbuf, acc_sh.at[pl.ds(row0 + k * CH, CH)])
    pltpu.sync_copy(zbuf.at[pl.ds(0, RPS - 4 * CH)],
                    acc_sh.at[pl.ds(row0 + 4 * CH, RPS - 4 * CH)])

    @pl.when(s == 15)
    def _():
        pltpu.sync_copy(zbuf.at[pl.ds(0, REM)],
                        acc_sh.at[pl.ds(16 * RPS, REM)])


def _copy_out(acc_sh, out_hbm, c, s):
    row0 = s * RPS
    pltpu.sync_copy(acc_sh.at[pl.ds(row0, RPS)],
                    out_hbm.at[c].at[pl.ds(row0, RPS)])

    @pl.when(s == 15)
    def _():
        pltpu.sync_copy(acc_sh.at[pl.ds(16 * RPS, REM)],
                        out_hbm.at[c].at[pl.ds(16 * RPS, REM)])


def _make_agg(F, NBUF):
    mesh = plsc.VectorSubcoreMesh(core_axis_name="c", subcore_axis_name="s")

    @functools.partial(
        pl.kernel,
        out_type=jax.ShapeDtypeStruct((2, N, F), jnp.float32),
        mesh=mesh,
        compiler_params=_SC_PARAMS,
        scratch_types=(
            [pltpu.VMEM((GS, CH), jnp.int32)] * 4
            + [pltpu.VMEM((CH, F), jnp.float32)] * NBUF
            + [pltpu.VMEM_SHARED((N, F), jnp.float32)]
            + [pltpu.SemaphoreType.DMA] * (2 * NBUF)
        ),
    )
    def agg(g_hbm, ei2_hbm, out_hbm, *scr):
        sbufs = scr[0:2]
        dbufs = scr[2:4]
        rows = scr[4:4 + NBUF]
        acc_sh = scr[4 + NBUF]
        gsems = scr[5 + NBUF:5 + 2 * NBUF]
        ssems = scr[5 + 2 * NBUF:5 + 3 * NBUF]
        c = lax.axis_index("c")
        s = lax.axis_index("s")
        wid = s * 2 + c
        cstart = wid * CPW + jnp.minimum(wid, XTRA)
        extra = wid < XTRA

        for r in rows:
            _zero_rows(r, CH, F)
        _zero_acc_slice(rows[0], acc_sh, s)
        plsc.subcore_barrier()

        def load_group(g, p):
            pltpu.sync_copy(ei2_hbm.at[0].at[pl.ds(cstart + g * GS, GS)],
                            sbufs[p])
            pltpu.sync_copy(ei2_hbm.at[1].at[pl.ds(cstart + g * GS, GS)],
                            dbufs[p])

        def gather(p, t, b):
            return pltpu.async_copy(
                g_hbm.at[sbufs[p].at[t]], rows[b], gsems[b])

        def wait_gather(b):
            pltpu.make_async_copy(g_hbm.at[sbufs[0].at[0]],
                                  rows[b], gsems[b]).wait()

        def scatter_start(p, t, b):
            pltpu.make_async_copy(rows[b], acc_sh.at[dbufs[p].at[t]],
                                  ssems[b]).start(add=True)

        def wait_scatter(b):
            pltpu.make_async_copy(rows[b], acc_sh.at[dbufs[0].at[0]],
                                  ssems[b]).wait()

        def process(p, t, o, nxt):
            b = o % NBUF
            nb = (o + 1) % NBUF
            wait_scatter(nb)
            if nxt is not None:
                gather(nxt[0], nxt[1], nb)
            wait_gather(b)
            scatter_start(p, t, b)

        def half_group(p, t0, o0, nxt_last):
            for t in range(t0, t0 + GS // 2):
                nxt = (p, t + 1) if t < GS - 1 else (nxt_last, 0)
                process(p, t, o0 + t - t0, nxt)

        load_group(0, 0)
        for b in range(1, NBUF):
            pltpu.make_async_copy(rows[b], acc_sh.at[dbufs[0].at[0]],
                                  ssems[b]).start(add=True)
        gather(0, 0, 0)

        def body(k, carry):
            half_group(0, 0, 0, None)
            load_group(2 * k + 1, 1)
            half_group(0, GS // 2, GS // 2, 1)
            half_group(1, 0, GS, None)
            load_group(2 * k + 2, 0)
            half_group(1, GS // 2, GS + GS // 2, 0)
            return carry

        lax.fori_loop(0, NG // 2, body, 0)

        for t in range(GS):
            process(0, t, t, (0, t + 1) if t < GS - 1 else None)
        starts = [CPW // NBUF + (1 if k < CPW % NBUF else 0) + (k >= 1)
                  for k in range(NBUF)]
        waits = [sum(1 for j in range(CPW) if (j + 1) % NBUF == k)
                 for k in range(NBUF)]
        for k in range(NBUF):
            for _ in range(starts[k] - waits[k]):
                wait_scatter(k)

        @pl.when(extra)
        def _():
            pltpu.sync_copy(ei2_hbm.at[0].at[pl.ds(cstart + CPW, 1)],
                            sbufs[1].at[pl.ds(0, 1)])
            pltpu.sync_copy(ei2_hbm.at[1].at[pl.ds(cstart + CPW, 1)],
                            dbufs[1].at[pl.ds(0, 1)])
            gather(1, 0, 0).wait()
            pltpu.sync_copy(rows[0], acc_sh.at[dbufs[1].at[0]], add=True)

        plsc.subcore_barrier()
        _copy_out(acc_sh, out_hbm, c, s)

    return agg


def _make_deg():
    mesh = plsc.VectorSubcoreMesh(core_axis_name="c", subcore_axis_name="s")

    @functools.partial(
        pl.kernel,
        out_type=jax.ShapeDtypeStruct((2, N, 16), jnp.float32),
        mesh=mesh,
        compiler_params=_SC_PARAMS,
        scratch_types=[
            pltpu.VMEM((CPW + 1, CH), jnp.int32),
            pltpu.VMEM((CH, 16), jnp.float32),
            pltpu.VMEM_SHARED((N, 16), jnp.float32),
            pltpu.SemaphoreType.DMA,
        ],
    )
    def deg(ei2_hbm, out_hbm, dstr_v, ones_v, acc_sh, ssem):
        c = lax.axis_index("c")
        s = lax.axis_index("s")
        wid = s * 2 + c
        cstart = wid * CPW + jnp.minimum(wid, XTRA)
        extra = wid < XTRA

        _zero_rows(ones_v, CH, 16)
        _zero_acc_slice(ones_v, acc_sh, s)
        pltpu.sync_copy(ei2_hbm.at[1].at[pl.ds(cstart, CPW)],
                        dstr_v.at[pl.ds(0, CPW)])

        @pl.when(extra)
        def _():
            pltpu.sync_copy(ei2_hbm.at[1].at[pl.ds(cstart + CPW, 1)],
                            dstr_v.at[pl.ds(CPW, 1)])

        one = jnp.ones((16,), jnp.float32)

        def fill(i, carry):
            ones_v[i, pl.ds(0, 16)] = one
            return carry

        lax.fori_loop(0, CH, fill, 0)
        plsc.subcore_barrier()

        DGRP = 13

        def body(k, carry):
            for t in range(DGRP):
                pltpu.make_async_copy(
                    ones_v, acc_sh.at[dstr_v.at[k * DGRP + t]],
                    ssem).start(add=True)
            for t in range(DGRP):
                pltpu.make_async_copy(
                    ones_v, acc_sh.at[dstr_v.at[k * DGRP + t]],
                    ssem).wait()
            return carry

        lax.fori_loop(0, CPW // DGRP, body, 0)

        @pl.when(extra)
        def _():
            pltpu.sync_copy(ones_v, acc_sh.at[dstr_v.at[CPW]], add=True)

        plsc.subcore_barrier()
        _copy_out(acc_sh, out_hbm, c, s)

    return deg


_R = 2000
_RP = _R // 8


def _dsel(dinvp):
    l = lax.broadcasted_iota(jnp.int32, (128, 8), 0)
    k = lax.broadcasted_iota(jnp.int32, (128, 8), 1)
    sel = jnp.where(l == 16 * k, 1.0, 0.0).astype(jnp.float32)
    return jnp.dot(dinvp, sel, preferred_element_type=jnp.float32,
                   precision=lax.Precision.HIGHEST)


def _rowscale(dsel, t):
    t3 = t.reshape(_RP, 8, t.shape[-1])
    return (dsel[:, :, None] * t3).reshape(t.shape)


def _tc1_body(degp, x, w1, g1, dinvp_out):
    r0 = pl.program_id(0) * _RP
    dinvp = lax.rsqrt(degp[0, pl.ds(r0, _RP), :]
                      + degp[1, pl.ds(r0, _RP), :] + 1.0)
    dinvp_out[pl.ds(r0, _RP), :] = dinvp
    u1 = jnp.dot(x[...], w1[...], preferred_element_type=jnp.float32)
    g1[...] = _rowscale(_dsel(dinvp), u1)


def _tc2_body(aggp, g1, dinvp, b1, w2, g2):
    r0 = pl.program_id(0) * _RP
    dsel = _dsel(dinvp[pl.ds(r0, _RP), :])
    h = _rowscale(dsel, aggp[0] + aggp[1] + g1[...]) + b1[...]
    h = jnp.maximum(h, 0.0)
    g2[...] = _rowscale(dsel, jnp.dot(h, w2[...],
                                      preferred_element_type=jnp.float32))


def _tc3_body(aggp, g2, dinvp, b2, out):
    r0 = pl.program_id(0) * _RP
    logits = _rowscale(_dsel(dinvp[pl.ds(r0, _RP), :]),
                       aggp[0] + aggp[1] + g2[...]) + b2[...]
    m = jnp.max(logits, axis=1, keepdims=True)
    e = logits - m
    out[...] = e - jnp.log(jnp.sum(jnp.exp(e), axis=1, keepdims=True))


def _row_spec(F):
    return pl.BlockSpec((_R, F), lambda i: (i, 0))


def _pair_spec(F):
    return pl.BlockSpec((2, _R, F), lambda i: (0, i, 0))


def _full_spec(a, b):
    return pl.BlockSpec((a, b), lambda i: (0, 0))


_packed_spec = pl.BlockSpec((N // 8, 128), lambda i: (0, 0))
_pairp_spec = pl.BlockSpec((2, N // 8, 128), lambda i: (0, 0, 0))

_tc1 = pl.pallas_call(
    _tc1_body,
    grid=(N // _R,),
    in_specs=[_pairp_spec, _row_spec(128), _full_spec(128, 128)],
    out_specs=[_row_spec(128), _packed_spec],
    out_shape=[jax.ShapeDtypeStruct((N, 128), jnp.float32),
               jax.ShapeDtypeStruct((N // 8, 128), jnp.float32)],
)

_tc2 = pl.pallas_call(
    _tc2_body,
    grid=(N // _R,),
    in_specs=[_pair_spec(128), _row_spec(128), _packed_spec,
              _full_spec(1, 128), _full_spec(128, 64)],
    out_specs=[_row_spec(64)],
    out_shape=[jax.ShapeDtypeStruct((N, 64), jnp.float32)],
)

_tc3 = pl.pallas_call(
    _tc3_body,
    grid=(N // _R,),
    in_specs=[_pair_spec(64), _row_spec(64), _packed_spec,
              _full_spec(1, 64)],
    out_specs=[_row_spec(64)],
    out_shape=[jax.ShapeDtypeStruct((N, 64), jnp.float32)],
)

_agg128 = _make_agg(128, 2)
_agg64 = _make_agg(64, 4)
_deg = _make_deg()


@jax.jit
def kernel(x, edge_index, W1, b1, W2, b2):
    ei2 = edge_index.reshape(2, NCHUNK, CH)
    degp = _deg(ei2).reshape(2, N // 8, 128)
    g1, dinvp = _tc1(degp, x, W1)
    aggp1 = _agg128(g1, ei2)
    (g2,) = _tc2(aggp1, g1, dinvp, b1.reshape(1, -1), W2)
    aggp2 = _agg64(g2, ei2)
    (out,) = _tc3(aggp2, g2, dinvp, b2.reshape(1, -1))
    return out

# --- scband reference (transcript-rebuilt; emitter-appended) ---
"""Pipeline reference for scband-gcnnet-43843026157851 (READ-ONLY COPY).

The authoritative reference and input builder live on the scoring server;
editing this copy changes nothing except your own understanding.
"""

import jax, jax.numpy as jnp
import numpy as np

N = 10000
E = 320000
D = 128
H = 128
C = 64


def setup_inputs(seed: int = 0) -> dict:
    key = jax.random.key(seed)
    k1, k2, k3, k4 = jax.random.split(key, 4)
    x = jax.random.normal(k1, (N, D), dtype=jnp.float32)
    edge_index = jax.random.randint(k2, (2, E), 0, N, dtype=jnp.int32)
    W1 = jax.random.normal(k3, (D, H), dtype=jnp.float32) * (1.0 / np.sqrt(D))
    b1 = jnp.zeros((H,), dtype=jnp.float32)
    W2 = jax.random.normal(k4, (H, C), dtype=jnp.float32) * (1.0 / np.sqrt(H))
    b2 = jnp.zeros((C,), dtype=jnp.float32)
    return {"x": x, "edge_index": edge_index, "W1": W1, "b1": b1, "W2": W2, "b2": b2}


def _gcn_conv(x, src, dst, W, b):
    # GCNConv with added self-loops and symmetric normalization
    n = x.shape[0]
    loop = jnp.arange(n, dtype=src.dtype)
    s = jnp.concatenate([src, loop])
    d = jnp.concatenate([dst, loop])
    deg = jnp.zeros((n,), dtype=x.dtype).at[d].add(1.0)
    dinv = 1.0 / jnp.sqrt(deg)
    norm = dinv[s] * dinv[d]
    h = x @ W
    msg = jnp.take(h, s, axis=0) * norm[:, None]
    out = jnp.zeros((n, W.shape[1]), dtype=x.dtype).at[d].add(msg)
    return out + b


def reference(x, edge_index, W1, b1, W2, b2):
    src = edge_index[0]
    dst = edge_index[1]
    # layer 0: conv -> relu (dropout is identity in eval mode)
    h = jax.nn.relu(_gcn_conv(x, src, dst, W1, b1))
    # last layer: conv, then log_softmax
    logits = _gcn_conv(h, src, dst, W2, b2)
    return jax.nn.log_softmax(logits, axis=1)

if __name__ == "__main__":
    import jax
    _d = setup_inputs()
    print(jax.jit(kernel)(*tuple(_d.values())))

</pallas_src>

<mosaic_0001>
#map = affine_map<(d0, d1) -> (0, 0)>
#map1 = affine_map<(d0, d1) -> (0, 0, 0)>
module attributes {stable_mosaic.version = 14 : i64} {
  func.func @agg(%arg0: i32, %arg1: i32, %arg2: memref<10000x64xf32, #tpu.memory_space<hbm>>, %arg3: memref<2x2500x128xi32, #tpu.memory_space<hbm>>, %arg4: memref<2x10000x64xf32, #tpu.memory_space<hbm>>, %arg5: memref<6x128xi32, #tpu.memory_space<vmem>>, %arg6: memref<6x128xi32, #tpu.memory_space<vmem>>, %arg7: memref<6x128xi32, #tpu.memory_space<vmem>>, %arg8: memref<6x128xi32, #tpu.memory_space<vmem>>, %arg9: memref<128x64xf32, #tpu.memory_space<vmem>>, %arg10: memref<128x64xf32, #tpu.memory_space<vmem>>, %arg11: memref<128x64xf32, #tpu.memory_space<vmem>>, %arg12: memref<128x64xf32, #tpu.memory_space<vmem>>, %arg13: memref<10000x64xf32, #tpu.memory_space<vmem_shared>>, %arg14: memref<!tpu.dma_semaphore, #tpu.memory_space<semaphore_mem>>, %arg15: memref<!tpu.dma_semaphore, #tpu.memory_space<semaphore_mem>>, %arg16: memref<!tpu.dma_semaphore, #tpu.memory_space<semaphore_mem>>, %arg17: memref<!tpu.dma_semaphore, #tpu.memory_space<semaphore_mem>>, %arg18: memref<!tpu.dma_semaphore, #tpu.memory_space<semaphore_mem>>, %arg19: memref<!tpu.dma_semaphore, #tpu.memory_space<semaphore_mem>>, %arg20: memref<!tpu.dma_semaphore, #tpu.memory_space<semaphore_mem>>, %arg21: memref<!tpu.dma_semaphore, #tpu.memory_space<semaphore_mem>>) attributes {dimension_semantics = [#tpu.dimension_semantics<core_parallel>, #tpu.dimension_semantics<subcore_parallel>], iteration_bounds = array<i64: 2, 16>, scalar_prefetch = 0 : i64, scratch_operands = 17 : i64, tpu.core_type = #tpu.core_type<sc_vector_subcore>, window_params = [{transform_indices = #map}, {transform_indices = #map1}, {transform_indices = #map1}]} {
    %mul3A = arith.constant 2 : i32
    %mul3A_0 = arith.muli %arg1, %mul3A : i32
    %add3A = arith.addi %mul3A_0, %arg0 : i32
    %mul3A_1 = arith.constant 78 : i32
    %mul3A_2 = arith.muli %add3A, %mul3A_1 : i32
    %min3A = arith.constant 4 : i32
    %min3A_3 = arith.minsi %add3A, %min3A : i32
    %add3A_4 = arith.addi %mul3A_2, %min3A_3 : i32
    %lt3A = arith.constant 4 : i32
    %lt3A_5 = arith.cmpi slt, %add3A, %lt3A : i32
    %broadcast_in_dim3A = arith.constant 0.000000e+00 : f32
    %broadcast_in_dim3A_6 = vector.broadcast %broadcast_in_dim3A : f32 to vector<16xf32>
    %scan3A = arith.constant 0 : i32
    %scan3A_7 = arith.constant 0 : i32
    %scan3A_8 = arith.constant 128 : i32
    %scan3A_9 = arith.addi %scan3A_7, %scan3A_8 : i32
    %scan3A_10 = arith.constant 1 : i32
    scf.for %scan3A_280 = %scan3A_7 to %scan3A_9 step %scan3A_10  : i32 {
      %swap3A = arith.index_cast %scan3A_280 : i32 to index
      %swap3A_281 = arith.constant 0 : index
      %swap3A_282 = tpu.vector_load %arg9[%swap3A, %swap3A_281] {strides = array<i32>} : memref<128x64xf32, #tpu.memory_space<vmem>>, vector<1x16xf32>,
      %swap3A_283 = vector.shape_cast %swap3A_282 : vector<1x16xf32> to vector<16xf32>
      %swap3A_284 = vector.shape_cast %broadcast_in_dim3A_6 : vector<16xf32> to vector<1x16xf32>
      tpu.vector_store %arg9[%swap3A, %swap3A_281], %swap3A_284 {strides = array<i32>} : memref<128x64xf32, #tpu.memory_space<vmem>>, vector<1x16xf32>,
      %swap3A_285 = arith.index_cast %scan3A_280 : i32 to index
      %swap3A_286 = arith.constant 16 : index
      %swap3A_287 = tpu.vector_load %arg9[%swap3A_285, %swap3A_286] {strides = array<i32>} : memref<128x64xf32, #tpu.memory_space<vmem>>, vector<1x16xf32>,
      %swap3A_288 = vector.shape_cast %swap3A_287 : vector<1x16xf32> to vector<16xf32>
      %swap3A_289 = vector.shape_cast %broadcast_in_dim3A_6 : vector<16xf32> to vector<1x16xf32>
      tpu.vector_store %arg9[%swap3A_285, %swap3A_286], %swap3A_289 {strides = array<i32>} : memref<128x64xf32, #tpu.memory_space<vmem>>, vector<1x16xf32>,
      %swap3A_290 = arith.index_cast %scan3A_280 : i32 to index
      %swap3A_291 = arith.constant 32 : index
      %swap3A_292 = tpu.vector_load %arg9[%swap3A_290, %swap3A_291] {strides = array<i32>} : memref<128x64xf32, #tpu.memory_space<vmem>>, vector<1x16xf32>,
      %swap3A_293 = vector.shape_cast %swap3A_292 : vector<1x16xf32> to vector<16xf32>
      %swap3A_294 = vector.shape_cast %broadcast_in_dim3A_6 : vector<16xf32> to vector<1x16xf32>
      tpu.vector_store %arg9[%swap3A_290, %swap3A_291], %swap3A_294 {strides = array<i32>} : memref<128x64xf32, #tpu.memory_space<vmem>>, vector<1x16xf32>,
      %swap3A_295 = arith.index_cast %scan3A_280 : i32 to index
      %swap3A_296 = arith.constant 48 : index
      %swap3A_297 = tpu.vector_load %arg9[%swap3A_295, %swap3A_296] {strides = array<i32>} : memref<128x64xf32, #tpu.memory_space<vmem>>, vector<1x16xf32>,
      %swap3A_298 = vector.shape_cast %swap3A_297 : vector<1x16xf32> to vector<16xf32>
      %swap3A_299 = vector.shape_cast %broadcast_in_dim3A_6 : vector<16xf32> to vector<1x16xf32>
      tpu.vector_store %arg9[%swap3A_295, %swap3A_296], %swap3A_299 {strides = array<i32>} : memref<128x64xf32, #tpu.memory_space<vmem>>, vector<1x16xf32>,
    }
    %scan3A_11 = arith.constant 128 : i32
    %broadcast_in_dim3A_12 = arith.constant 0.000000e+00 : f32
    %broadcast_in_dim3A_13 = vector.broadcast %broadcast_in_dim3A_12 : f32 to vector<16xf32>
    %scan3A_14 = arith.constant 0 : i32
    %scan3A_15 = arith.constant 0 : i32
    %scan3A_16 = arith.constant 128 : i32
    %scan3A_17 = arith.addi %scan3A_15, %scan3A_16 : i32
    %scan3A_18 = arith.constant 1 : i32
    scf.for %scan3A_280 = %scan3A_15 to %scan3A_17 step %scan3A_18  : i32 {
      %swap3A = arith.index_cast %scan3A_280 : i32 to index
      %swap3A_281 = arith.constant 0 : index
      %swap3A_282 = tpu.vector_load %arg10[%swap3A, %swap3A_281] {strides = array<i32>} : memref<128x64xf32, #tpu.memory_space<vmem>>, vector<1x16xf32>,
      %swap3A_283 = vector.shape_cast %swap3A_282 : vector<1x16xf32> to vector<16xf32>
      %swap3A_284 = vector.shape_cast %broadcast_in_dim3A_13 : vector<16xf32> to vector<1x16xf32>
      tpu.vector_store %arg10[%swap3A, %swap3A_281], %swap3A_284 {strides = array<i32>} : memref<128x64xf32, #tpu.memory_space<vmem>>, vector<1x16xf32>,
      %swap3A_285 = arith.index_cast %scan3A_280 : i32 to index
      %swap3A_286 = arith.constant 16 : index
      %swap3A_287 = tpu.vector_load %arg10[%swap3A_285, %swap3A_286] {strides = array<i32>} : memref<128x64xf32, #tpu.memory_space<vmem>>, vector<1x16xf32>,
      %swap3A_288 = vector.shape_cast %swap3A_287 : vector<1x16xf32> to vector<16xf32>
      %swap3A_289 = vector.shape_cast %broadcast_in_dim3A_13 : vector<16xf32> to vector<1x16xf32>
      tpu.vector_store %arg10[%swap3A_285, %swap3A_286], %swap3A_289 {strides = array<i32>} : memref<128x64xf32, #tpu.memory_space<vmem>>, vector<1x16xf32>,
      %swap3A_290 = arith.index_cast %scan3A_280 : i32 to index
      %swap3A_291 = arith.constant 32 : index
      %swap3A_292 = tpu.vector_load %arg10[%swap3A_290, %swap3A_291] {strides = array<i32>} : memref<128x64xf32, #tpu.memory_space<vmem>>, vector<1x16xf32>,
      %swap3A_293 = vector.shape_cast %swap3A_292 : vector<1x16xf32> to vector<16xf32>
      %swap3A_294 = vector.shape_cast %broadcast_in_dim3A_13 : vector<16xf32> to vector<1x16xf32>
      tpu.vector_store %arg10[%swap3A_290, %swap3A_291], %swap3A_294 {strides = array<i32>} : memref<128x64xf32, #tpu.memory_space<vmem>>, vector<1x16xf32>,
      %swap3A_295 = arith.index_cast %scan3A_280 : i32 to index
      %swap3A_296 = arith.constant 48 : index
      %swap3A_297 = tpu.vector_load %arg10[%swap3A_295, %swap3A_296] {strides = array<i32>} : memref<128x64xf32, #tpu.memory_space<vmem>>, vector<1x16xf32>,
      %swap3A_298 = vector.shape_cast %swap3A_297 : vector<1x16xf32> to vector<16xf32>
      %swap3A_299 = vector.shape_cast %broadcast_in_dim3A_13 : vector<16xf32> to vector<1x16xf32>
      tpu.vector_store %arg10[%swap3A_295, %swap3A_296], %swap3A_299 {strides = array<i32>} : memref<128x64xf32, #tpu.memory_space<vmem>>, vector<1x16xf32>,
    }
    %scan3A_19 = arith.constant 128 : i32
    %broadcast_in_dim3A_20 = arith.constant 0.000000e+00 : f32
    %broadcast_in_dim3A_21 = vector.broadcast %broadcast_in_dim3A_20 : f32 to vector<16xf32>
    %scan3A_22 = arith.constant 0 : i32
    %scan3A_23 = arith.constant 0 : i32
    %scan3A_24 = arith.constant 128 : i32
    %scan3A_25 = arith.addi %scan3A_23, %scan3A_24 : i32
    %scan3A_26 = arith.constant 1 : i32
    scf.for %scan3A_280 = %scan3A_23 to %scan3A_25 step %scan3A_26  : i32 {
      %swap3A = arith.index_cast %scan3A_280 : i32 to index
      %swap3A_281 = arith.constant 0 : index
      %swap3A_282 = tpu.vector_load %arg11[%swap3A, %swap3A_281] {strides = array<i32>} : memref<128x64xf32, #tpu.memory_space<vmem>>, vector<1x16xf32>,
      %swap3A_283 = vector.shape_cast %swap3A_282 : vector<1x16xf32> to vector<16xf32>
      %swap3A_284 = vector.shape_cast %broadcast_in_dim3A_21 : vector<16xf32> to vector<1x16xf32>
      tpu.vector_store %arg11[%swap3A, %swap3A_281], %swap3A_284 {strides = array<i32>} : memref<128x64xf32, #tpu.memory_space<vmem>>, vector<1x16xf32>,
      %swap3A_285 = arith.index_cast %scan3A_280 : i32 to index
      %swap3A_286 = arith.constant 16 : index
      %swap3A_287 = tpu.vector_load %arg11[%swap3A_285, %swap3A_286] {strides = array<i32>} : memref<128x64xf32, #tpu.memory_space<vmem>>, vector<1x16xf32>,
      %swap3A_288 = vector.shape_cast %swap3A_287 : vector<1x16xf32> to vector<16xf32>
      %swap3A_289 = vector.shape_cast %broadcast_in_dim3A_21 : vector<16xf32> to vector<1x16xf32>
      tpu.vector_store %arg11[%swap3A_285, %swap3A_286], %swap3A_289 {strides = array<i32>} : memref<128x64xf32, #tpu.memory_space<vmem>>, vector<1x16xf32>,
      %swap3A_290 = arith.index_cast %scan3A_280 : i32 to index
      %swap3A_291 = arith.constant 32 : index
      %swap3A_292 = tpu.vector_load %arg11[%swap3A_290, %swap3A_291] {strides = array<i32>} : memref<128x64xf32, #tpu.memory_space<vmem>>, vector<1x16xf32>,
      %swap3A_293 = vector.shape_cast %swap3A_292 : vector<1x16xf32> to vector<16xf32>
      %swap3A_294 = vector.shape_cast %broadcast_in_dim3A_21 : vector<16xf32> to vector<1x16xf32>
      tpu.vector_store %arg11[%swap3A_290, %swap3A_291], %swap3A_294 {strides = array<i32>} : memref<128x64xf32, #tpu.memory_space<vmem>>, vector<1x16xf32>,
      %swap3A_295 = arith.index_cast %scan3A_280 : i32 to index
      %swap3A_296 = arith.constant 48 : index
      %swap3A_297 = tpu.vector_load %arg11[%swap3A_295, %swap3A_296] {strides = array<i32>} : memref<128x64xf32, #tpu.memory_space<vmem>>, vector<1x16xf32>,
      %swap3A_298 = vector.shape_cast %swap3A_297 : vector<1x16xf32> to vector<16xf32>
      %swap3A_299 = vector.shape_cast %broadcast_in_dim3A_21 : vector<16xf32> to vector<1x16xf32>
      tpu.vector_store %arg11[%swap3A_295, %swap3A_296], %swap3A_299 {strides = array<i32>} : memref<128x64xf32, #tpu.memory_space<vmem>>, vector<1x16xf32>,
    }
    %scan3A_27 = arith.constant 128 : i32
    %broadcast_in_dim3A_28 = arith.constant 0.000000e+00 : f32
    %broadcast_in_dim3A_29 = vector.broadcast %broadcast_in_dim3A_28 : f32 to vector<16xf32>
    %scan3A_30 = arith.constant 0 : i32
    %scan3A_31 = arith.constant 0 : i32
    %scan3A_32 = arith.constant 128 : i32
    %scan3A_33 = arith.addi %scan3A_31, %scan3A_32 : i32
    %scan3A_34 = arith.constant 1 : i32
    scf.for %scan3A_280 = %scan3A_31 to %scan3A_33 step %scan3A_34  : i32 {
      %swap3A = arith.index_cast %scan3A_280 : i32 to index
      %swap3A_281 = arith.constant 0 : index
      %swap3A_282 = tpu.vector_load %arg12[%swap3A, %swap3A_281] {strides = array<i32>} : memref<128x64xf32, #tpu.memory_space<vmem>>, vector<1x16xf32>,
      %swap3A_283 = vector.shape_cast %swap3A_282 : vector<1x16xf32> to vector<16xf32>
      %swap3A_284 = vector.shape_cast %broadcast_in_dim3A_29 : vector<16xf32> to vector<1x16xf32>
      tpu.vector_store %arg12[%swap3A, %swap3A_281], %swap3A_284 {strides = array<i32>} : memref<128x64xf32, #tpu.memory_space<vmem>>, vector<1x16xf32>,
      %swap3A_285 = arith.index_cast %scan3A_280 : i32 to index
      %swap3A_286 = arith.constant 16 : index
      %swap3A_287 = tpu.vector_load %arg12[%swap3A_285, %swap3A_286] {strides = array<i32>} : memref<128x64xf32, #tpu.memory_space<vmem>>, vector<1x16xf32>,
      %swap3A_288 = vector.shape_cast %swap3A_287 : vector<1x16xf32> to vector<16xf32>
      %swap3A_289 = vector.shape_cast %broadcast_in_dim3A_29 : vector<16xf32> to vector<1x16xf32>
      tpu.vector_store %arg12[%swap3A_285, %swap3A_286], %swap3A_289 {strides = array<i32>} : memref<128x64xf32, #tpu.memory_space<vmem>>, vector<1x16xf32>,
      %swap3A_290 = arith.index_cast %scan3A_280 : i32 to index
      %swap3A_291 = arith.constant 32 : index
      %swap3A_292 = tpu.vector_load %arg12[%swap3A_290, %swap3A_291] {strides = array<i32>} : memref<128x64xf32, #tpu.memory_space<vmem>>, vector<1x16xf32>,
      %swap3A_293 = vector.shape_cast %swap3A_292 : vector<1x16xf32> to vector<16xf32>
      %swap3A_294 = vector.shape_cast %broadcast_in_dim3A_29 : vector<16xf32> to vector<1x16xf32>
      tpu.vector_store %arg12[%swap3A_290, %swap3A_291], %swap3A_294 {strides = array<i32>} : memref<128x64xf32, #tpu.memory_space<vmem>>, vector<1x16xf32>,
      %swap3A_295 = arith.index_cast %scan3A_280 : i32 to index
      %swap3A_296 = arith.constant 48 : index
      %swap3A_297 = tpu.vector_load %arg12[%swap3A_295, %swap3A_296] {strides = array<i32>} : memref<128x64xf32, #tpu.memory_space<vmem>>, vector<1x16xf32>,
      %swap3A_298 = vector.shape_cast %swap3A_297 : vector<1x16xf32> to vector<16xf32>
      %swap3A_299 = vector.shape_cast %broadcast_in_dim3A_29 : vector<16xf32> to vector<1x16xf32>
      tpu.vector_store %arg12[%swap3A_295, %swap3A_296], %swap3A_299 {strides = array<i32>} : memref<128x64xf32, #tpu.memory_space<vmem>>, vector<1x16xf32>,
    }
    %scan3A_35 = arith.constant 128 : i32
    %mul3A_36 = arith.constant 624 : i32
    %mul3A_37 = arith.muli %arg1, %mul3A_36 : i32
    %add3A_38 = arith.constant 0 : i32
    %add3A_39 = arith.addi %mul3A_37, %add3A_38 : i32
    "tpu.region"() ({
      %run_scoped3A_280 = tpu.sem_alloc : memref<!tpu.dma_semaphore, #tpu.memory_space<semaphore_mem>>
      %dma_start3A_281 = arith.constant 0 : i32
      %dma_start3A_282 = tpu.memref_slice %arg13[%add3A_39, %dma_start3A_281] : memref<10000x64xf32, #tpu.memory_space<vmem_shared>> -> memref<128x64xf32, #tpu.memory_space<vmem_shared>>
      %dma_start3A_283 = arith.constant 0 : i32
      %dma_start3A_284 = tpu.memref_slice %arg13[%add3A_39, %dma_start3A_283] : memref<10000x64xf32, #tpu.memory_space<vmem_shared>> -> memref<128x64xf32, #tpu.memory_space<vmem_shared>>
      tpu.enqueue_dma source(%arg9 : memref<128x64xf32, #tpu.memory_space<vmem>>) target(%dma_start3A_284 : memref<128x64xf32, #tpu.memory_space<vmem_shared>>) target_semaphore(%run_scoped3A_280 : memref<!tpu.dma_semaphore, #tpu.memory_space<semaphore_mem>>)
      %dma_wait3A_285 = arith.constant 0 : i32
      %dma_wait3A_286 = tpu.memref_slice %arg13[%add3A_39, %dma_wait3A_285] : memref<10000x64xf32, #tpu.memory_space<vmem_shared>> -> memref<128x64xf32, #tpu.memory_space<vmem_shared>>
      %dma_wait3A_287 = arith.constant 0 : i32
      %dma_wait3A_288 = tpu.memref_slice %arg13[%add3A_39, %dma_wait3A_287] : memref<10000x64xf32, #tpu.memory_space<vmem_shared>> -> memref<128x64xf32, #tpu.memory_space<vmem_shared>>
      tpu.wait_dma2 semaphore(%run_scoped3A_280 : memref<!tpu.dma_semaphore, #tpu.memory_space<semaphore_mem>>) src(%arg9 : memref<128x64xf32, #tpu.memory_space<vmem>>) dst(%dma_wait3A_288 : memref<128x64xf32, #tpu.memory_space<vmem_shared>>)
      tpu.yield
    }) : () -> ()
    %add3A_40 = arith.constant 128 : i32
    %add3A_41 = arith.addi %mul3A_37, %add3A_40 : i32
    "tpu.region"() ({
      %run_scoped3A_280 = tpu.sem_alloc : memref<!tpu.dma_semaphore, #tpu.memory_space<semaphore_mem>>
      %dma_start3A_281 = arith.constant 0 : i32
      %dma_start3A_282 = tpu.memref_slice %arg13[%add3A_41, %dma_start3A_281] : memref<10000x64xf32, #tpu.memory_space<vmem_shared>> -> memref<128x64xf32, #tpu.memory_space<vmem_shared>>
      %dma_start3A_283 = arith.constant 0 : i32
      %dma_start3A_284 = tpu.memref_slice %arg13[%add3A_41, %dma_start3A_283] : memref<10000x64xf32, #tpu.memory_space<vmem_shared>> -> memref<128x64xf32, #tpu.memory_space<vmem_shared>>
      tpu.enqueue_dma source(%arg9 : memref<128x64xf32, #tpu.memory_space<vmem>>) target(%dma_start3A_284 : memref<128x64xf32, #tpu.memory_space<vmem_shared>>) target_semaphore(%run_scoped3A_280 : memref<!tpu.dma_semaphore, #tpu.memory_space<semaphore_mem>>)
      %dma_wait3A_285 = arith.constant 0 : i32
      %dma_wait3A_286 = tpu.memref_slice %arg13[%add3A_41, %dma_wait3A_285] : memref<10000x64xf32, #tpu.memory_space<vmem_shared>> -> memref<128x64xf32, #tpu.memory_space<vmem_shared>>
      %dma_wait3A_287 = arith.constant 0 : i32
      %dma_wait3A_288 = tpu.memref_slice %arg13[%add3A_41, %dma_wait3A_287] : memref<10000x64xf32, #tpu.memory_space<vmem_shared>> -> memref<128x64xf32, #tpu.memory_space<vmem_shared>>
      tpu.wait_dma2 semaphore(%run_scoped3A_280 : memref<!tpu.dma_semaphore, #tpu.memory_space<semaphore_mem>>) src(%arg9 : memref<128x64xf32, #tpu.memory_space<vmem>>) dst(%dma_wait3A_288 : memref<128x64xf32, #tpu.memory_space<vmem_shared>>)
      tpu.yield
    }) : () -> ()
    %add3A_42 = arith.constant 256 : i32
    %add3A_43 = arith.addi %mul3A_37, %add3A_42 : i32
    "tpu.region"() ({
      %run_scoped3A_280 = tpu.sem_alloc : memref<!tpu.dma_semaphore, #tpu.memory_space<semaphore_mem>>
      %dma_start3A_281 = arith.constant 0 : i32
      %dma_start3A_282 = tpu.memref_slice %arg13[%add3A_43, %dma_start3A_281] : memref<10000x64xf32, #tpu.memory_space<vmem_shared>> -> memref<128x64xf32, #tpu.memory_space<vmem_shared>>
      %dma_start3A_283 = arith.constant 0 : i32
      %dma_start3A_284 = tpu.memref_slice %arg13[%add3A_43, %dma_start3A_283] : memref<10000x64xf32, #tpu.memory_space<vmem_shared>> -> memref<128x64xf32, #tpu.memory_space<vmem_shared>>
      tpu.enqueue_dma source(%arg9 : memref<128x64xf32, #tpu.memory_space<vmem>>) target(%dma_start3A_284 : memref<128x64xf32, #tpu.memory_space<vmem_shared>>) target_semaphore(%run_scoped3A_280 : memref<!tpu.dma_semaphore, #tpu.memory_space<semaphore_mem>>)
      %dma_wait3A_285 = arith.constant 0 : i32
      %dma_wait3A_286 = tpu.memref_slice %arg13[%add3A_43, %dma_wait3A_285] : memref<10000x64xf32, #tpu.memory_space<vmem_shared>> -> memref<128x64xf32, #tpu.memory_space<vmem_shared>>
      %dma_wait3A_287 = arith.constant 0 : i32
      %dma_wait3A_288 = tpu.memref_slice %arg13[%add3A_43, %dma_wait3A_287] : memref<10000x64xf32, #tpu.memory_space<vmem_shared>> -> memref<128x64xf32, #tpu.memory_space<vmem_shared>>
      tpu.wait_dma2 semaphore(%run_scoped3A_280 : memref<!tpu.dma_semaphore, #tpu.memory_space<semaphore_mem>>) src(%arg9 : memref<128x64xf32, #tpu.memory_space<vmem>>) dst(%dma_wait3A_288 : memref<128x64xf32, #tpu.memory_space<vmem_shared>>)
      tpu.yield
    }) : () -> ()
    %add3A_44 = arith.constant 384 : i32
    %add3A_45 = arith.addi %mul3A_37, %add3A_44 : i32
    "tpu.region"() ({
      %run_scoped3A_280 = tpu.sem_alloc : memref<!tpu.dma_semaphore, #tpu.memory_space<semaphore_mem>>
      %dma_start3A_281 = arith.constant 0 : i32
      %dma_start3A_282 = tpu.memref_slice %arg13[%add3A_45, %dma_start3A_281] : memref<10000x64xf32, #tpu.memory_space<vmem_shared>> -> memref<128x64xf32, #tpu.memory_space<vmem_shared>>
      %dma_start3A_283 = arith.constant 0 : i32
      %dma_start3A_284 = tpu.memref_slice %arg13[%add3A_45, %dma_start3A_283] : memref<10000x64xf32, #tpu.memory_space<vmem_shared>> -> memref<128x64xf32, #tpu.memory_space<vmem_shared>>
      tpu.enqueue_dma source(%arg9 : memref<128x64xf32, #tpu.memory_space<vmem>>) target(%dma_start3A_284 : memref<128x64xf32, #tpu.memory_space<vmem_shared>>) target_semaphore(%run_scoped3A_280 : memref<!tpu.dma_semaphore, #tpu.memory_space<semaphore_mem>>)
      %dma_wait3A_285 = arith.constant 0 : i32
      %dma_wait3A_286 = tpu.memref_slice %arg13[%add3A_45, %dma_wait3A_285] : memref<10000x64xf32, #tpu.memory_space<vmem_shared>> -> memref<128x64xf32, #tpu.memory_space<vmem_shared>>
      %dma_wait3A_287 = arith.constant 0 : i32
      %dma_wait3A_288 = tpu.memref_slice %arg13[%add3A_45, %dma_wait3A_287] : memref<10000x64xf32, #tpu.memory_space<vmem_shared>> -> memref<128x64xf32, #tpu.memory_space<vmem_shared>>
      tpu.wait_dma2 semaphore(%run_scoped3A_280 : memref<!tpu.dma_semaphore, #tpu.memory_space<semaphore_mem>>) src(%arg9 : memref<128x64xf32, #tpu.memory_space<vmem>>) dst(%dma_wait3A_288 : memref<128x64xf32, #tpu.memory_space<vmem_shared>>)
      tpu.yield
    }) : () -> ()
    %add3A_46 = arith.constant 512 : i32
    %add3A_47 = arith.addi %mul3A_37, %add3A_46 : i32
    "tpu.region"() ({
      %run_scoped3A_280 = tpu.sem_alloc : memref<!tpu.dma_semaphore, #tpu.memory_space<semaphore_mem>>
      %dma_start3A_281 = arith.constant 0 : i32
      %dma_start3A_282 = arith.constant 0 : i32
      %dma_start3A_283 = tpu.memref_slice %arg9[%dma_start3A_281, %dma_start3A_282] : memref<128x64xf32, #tpu.memory_space<vmem>> -> memref<112x64xf32, #tpu.memory_space<vmem>>
      %dma_start3A_284 = arith.constant 0 : i32
      %dma_start3A_285 = tpu.memref_slice %arg13[%add3A_47, %dma_start3A_284] : memref<10000x64xf32, #tpu.memory_space<vmem_shared>> -> memref<112x64xf32, #tpu.memory_space<vmem_shared>>
      %dma_start3A_286 = arith.constant 0 : i32
      %dma_start3A_287 = tpu.memref_slice %arg13[%add3A_47, %dma_start3A_286] : memref<10000x64xf32, #tpu.memory_space<vmem_shared>> -> memref<112x64xf32, #tpu.memory_space<vmem_shared>>
      %dma_start3A_288 = arith.constant 0 : i32
      %dma_start3A_289 = arith.constant 0 : i32
      %dma_start3A_290 = tpu.memref_slice %arg9[%dma_start3A_288, %dma_start3A_289] : memref<128x64xf32, #tpu.memory_space<vmem>> -> memref<112x64xf32, #tpu.memory_space<vmem>>
      tpu.enqueue_dma source(%dma_start3A_290 : memref<112x64xf32, #tpu.memory_space<vmem>>) target(%dma_start3A_287 : memref<112x64xf32, #tpu.memory_space<vmem_shared>>) target_semaphore(%run_scoped3A_280 : memref<!tpu.dma_semaphore, #tpu.memory_space<semaphore_mem>>)
      %dma_wait3A_291 = arith.constant 0 : i32
      %dma_wait3A_292 = arith.constant 0 : i32
      %dma_wait3A_293 = tpu.memref_slice %arg9[%dma_wait3A_291, %dma_wait3A_292] : memref<128x64xf32, #tpu.memory_space<vmem>> -> memref<112x64xf32, #tpu.memory_space<vmem>>
      %dma_wait3A_294 = arith.constant 0 : i32
      %dma_wait3A_295 = tpu.memref_slice %arg13[%add3A_47, %dma_wait3A_294] : memref<10000x64xf32, #tpu.memory_space<vmem_shared>> -> memref<112x64xf32, #tpu.memory_space<vmem_shared>>
      %dma_wait3A_296 = arith.constant 0 : i32
      %dma_wait3A_297 = tpu.memref_slice %arg13[%add3A_47, %dma_wait3A_296] : memref<10000x64xf32, #tpu.memory_space<vmem_shared>> -> memref<112x64xf32, #tpu.memory_space<vmem_shared>>
      %dma_wait3A_298 = arith.constant 0 : i32
      %dma_wait3A_299 = arith.constant 0 : i32
      %dma_wait3A_300 = tpu.memref_slice %arg9[%dma_wait3A_298, %dma_wait3A_299] : memref<128x64xf32, #tpu.memory_space<vmem>> -> memref<112x64xf32, #tpu.memory_space<vmem>>
      tpu.wait_dma2 semaphore(%run_scoped3A_280 : memref<!tpu.dma_semaphore, #tpu.memory_space<semaphore_mem>>) src(%dma_wait3A_300 : memref<112x64xf32, #tpu.memory_space<vmem>>) dst(%dma_wait3A_297 : memref<112x64xf32, #tpu.memory_space<vmem_shared>>)
      tpu.yield
    }) : () -> ()
    %eq3A = arith.constant 15 : i32
    %eq3A_48 = arith.cmpi eq, %arg1, %eq3A : i32
    %convert_element_type3A = arith.extui %eq3A_48 : i1 to i32
    %cond3A = arith.constant 0 : i32
    %cond3A_49 = arith.cmpi ne, %convert_element_type3A, %cond3A : i32
    scf.if %cond3A_49 {
      "tpu.region"() ({
        %run_scoped3A_280 = tpu.sem_alloc : memref<!tpu.dma_semaphore, #tpu.memory_space<semaphore_mem>>
        %dma_start3A_281 = arith.constant 0 : i32
        %dma_start3A_282 = arith.constant 0 : i32
        %dma_start3A_283 = tpu.memref_slice %arg9[%dma_start3A_281, %dma_start3A_282] : memref<128x64xf32, #tpu.memory_space<vmem>> -> memref<16x64xf32, #tpu.memory_space<vmem>>
        %dma_start3A_284 = arith.constant 9984 : i32
        %dma_start3A_285 = arith.constant 0 : i32
        %dma_start3A_286 = tpu.memref_slice %arg13[%dma_start3A_284, %dma_start3A_285] : memref<10000x64xf32, #tpu.memory_space<vmem_shared>> -> memref<16x64xf32, #tpu.memory_space<vmem_shared>>
        %dma_start3A_287 = arith.constant 9984 : i32
        %dma_start3A_288 = arith.constant 0 : i32
        %dma_start3A_289 = tpu.memref_slice %arg13[%dma_start3A_287, %dma_start3A_288] : memref<10000x64xf32, #tpu.memory_space<vmem_shared>> -> memref<16x64xf32, #tpu.memory_space<vmem_shared>>
        %dma_start3A_290 = arith.constant 0 : i32
        %dma_start3A_291 = arith.constant 0 : i32
        %dma_start3A_292 = tpu.memref_slice %arg9[%dma_start3A_290, %dma_start3A_291] : memref<128x64xf32, #tpu.memory_space<vmem>> -> memref<16x64xf32, #tpu.memory_space<vmem>>
        tpu.enqueue_dma source(%dma_start3A_292 : memref<16x64xf32, #tpu.memory_space<vmem>>) target(%dma_start3A_289 : memref<16x64xf32, #tpu.memory_space<vmem_shared>>) target_semaphore(%run_scoped3A_280 : memref<!tpu.dma_semaphore, #tpu.memory_space<semaphore_mem>>)
        %dma_wait3A_293 = arith.constant 0 : i32
        %dma_wait3A_294 = arith.constant 0 : i32
        %dma_wait3A_295 = tpu.memref_slice %arg9[%dma_wait3A_293, %dma_wait3A_294] : memref<128x64xf32, #tpu.memory_space<vmem>> -> memref<16x64xf32, #tpu.memory_space<vmem>>
        %dma_wait3A_296 = arith.constant 9984 : i32
        %dma_wait3A_297 = arith.constant 0 : i32
        %dma_wait3A_298 = tpu.memref_slice %arg13[%dma_wait3A_296, %dma_wait3A_297] : memref<10000x64xf32, #tpu.memory_space<vmem_shared>> -> memref<16x64xf32, #tpu.memory_space<vmem_shared>>
        %dma_wait3A_299 = arith.constant 9984 : i32
        %dma_wait3A_300 = arith.constant 0 : i32
        %dma_wait3A_301 = tpu.memref_slice %arg13[%dma_wait3A_299, %dma_wait3A_300] : memref<10000x64xf32, #tpu.memory_space<vmem_shared>> -> memref<16x64xf32, #tpu.memory_space<vmem_shared>>
        %dma_wait3A_302 = arith.constant 0 : i32
        %dma_wait3A_303 = arith.constant 0 : i32
        %dma_wait3A_304 = tpu.memref_slice %arg9[%dma_wait3A_302, %dma_wait3A_303] : memref<128x64xf32, #tpu.memory_space<vmem>> -> memref<16x64xf32, #tpu.memory_space<vmem>>
        tpu.wait_dma2 semaphore(%run_scoped3A_280 : memref<!tpu.dma_semaphore, #tpu.memory_space<semaphore_mem>>) src(%dma_wait3A_304 : memref<16x64xf32, #tpu.memory_space<vmem>>) dst(%dma_wait3A_301 : memref<16x64xf32, #tpu.memory_space<vmem_shared>>)
        tpu.yield
      }) : () -> ()
    } else {
    }
    %barrier3A = arith.constant 0 : index
    tpu.barrier barrier_id(%barrier3A)
    %add3A_50 = arith.constant 0 : i32
    %add3A_51 = arith.addi %add3A_4, %add3A_50 : i32
    %run_scoped3A = arith.constant 0 : i32
    "tpu.region"() ({
      %run_scoped3A_280 = tpu.sem_alloc : memref<!tpu.dma_semaphore, #tpu.memory_space<semaphore_mem>>
      %dma_start3A_281 = arith.constant 0 : i32
      %dma_start3A_282 = arith.constant 0 : i32
      %dma_start3A_283 = tpu.memref_slice %arg3[%run_scoped3A, %dma_start3A_281, %dma_start3A_282] : memref<2x2500x128xi32, #tpu.memory_space<hbm>> -> memref<1x2500x128xi32, #tpu.memory_space<hbm>>
      %dma_start3A_284 = tpu.memref_squeeze %dma_start3A_283 : memref<1x2500x128xi32, #tpu.memory_space<hbm>> -> memref<2500x128xi32, #tpu.memory_space<hbm>>
      %dma_start3A_285 = arith.constant 0 : i32
      %dma_start3A_286 = tpu.memref_slice %dma_start3A_284[%add3A_51, %dma_start3A_285] : memref<2500x128xi32, #tpu.memory_space<hbm>> -> memref<6x128xi32, #tpu.memory_space<hbm>>
      %dma_start3A_287 = arith.constant 0 : i32
      %dma_start3A_288 = arith.constant 0 : i32
      %dma_start3A_289 = tpu.memref_slice %arg3[%run_scoped3A, %dma_start3A_287, %dma_start3A_288] : memref<2x2500x128xi32, #tpu.memory_space<hbm>> -> memref<1x2500x128xi32, #tpu.memory_space<hbm>>
      %dma_start3A_290 = tpu.memref_squeeze %dma_start3A_289 : memref<1x2500x128xi32, #tpu.memory_space<hbm>> -> memref<2500x128xi32, #tpu.memory_space<hbm>>
      %dma_start3A_291 = arith.constant 0 : i32
      %dma_start3A_292 = tpu.memref_slice %dma_start3A_290[%add3A_51, %dma_start3A_291] : memref<2500x128xi32, #tpu.memory_space<hbm>> -> memref<6x128xi32, #tpu.memory_space<hbm>>
      tpu.enqueue_dma source(%dma_start3A_292 : memref<6x128xi32, #tpu.memory_space<hbm>>) target(%arg5 : memref<6x128xi32, #tpu.memory_space<vmem>>) target_semaphore(%run_scoped3A_280 : memref<!tpu.dma_semaphore, #tpu.memory_space<semaphore_mem>>)
      %dma_wait3A_293 = arith.constant 0 : i32
      %dma_wait3A_294 = arith.constant 0 : i32
      %dma_wait3A_295 = tpu.memref_slice %arg3[%run_scoped3A, %dma_wait3A_293, %dma_wait3A_294] : memref<2x2500x128xi32, #tpu.memory_space<hbm>> -> memref<1x2500x128xi32, #tpu.memory_space<hbm>>
      %dma_wait3A_296 = tpu.memref_squeeze %dma_wait3A_295 : memref<1x2500x128xi32, #tpu.memory_space<hbm>> -> memref<2500x128xi32, #tpu.memory_space<hbm>>
      %dma_wait3A_297 = arith.constant 0 : i32
      %dma_wait3A_298 = tpu.memref_slice %dma_wait3A_296[%add3A_51, %dma_wait3A_297] : memref<2500x128xi32, #tpu.memory_space<hbm>> -> memref<6x128xi32, #tpu.memory_space<hbm>>
      %dma_wait3A_299 = arith.constant 0 : i32
      %dma_wait3A_300 = arith.constant 0 : i32
      %dma_wait3A_301 = tpu.memref_slice %arg3[%run_scoped3A, %dma_wait3A_299, %dma_wait3A_300] : memref<2x2500x128xi32, #tpu.memory_space<hbm>> -> memref<1x2500x128xi32, #tpu.memory_space<hbm>>
      %dma_wait3A_302 = tpu.memref_squeeze %dma_wait3A_301 : memref<1x2500x128xi32, #tpu.memory_space<hbm>> -> memref<2500x128xi32, #tpu.memory_space<hbm>>
      %dma_wait3A_303 = arith.constant 0 : i32
      %dma_wait3A_304 = tpu.memref_slice %dma_wait3A_302[%add3A_51, %dma_wait3A_303] : memref<2500x128xi32, #tpu.memory_space<hbm>> -> memref<6x128xi32, #tpu.memory_space<hbm>>
      tpu.wait_dma2 semaphore(%run_scoped3A_280 : memref<!tpu.dma_semaphore, #tpu.memory_space<semaphore_mem>>) src(%dma_wait3A_304 : memref<6x128xi32, #tpu.memory_space<hbm>>) dst(%arg5 : memref<6x128xi32, #tpu.memory_space<vmem>>)
      tpu.yield
    }) : () -> ()
    %add3A_52 = arith.constant 0 : i32
    %add3A_53 = arith.addi %add3A_4, %add3A_52 : i32
    %run_scoped3A_54 = arith.constant 1 : i32
    "tpu.region"() ({
      %run_scoped3A_280 = tpu.sem_alloc : memref<!tpu.dma_semaphore, #tpu.memory_space<semaphore_mem>>
      %dma_start3A_281 = arith.constant 0 : i32
      %dma_start3A_282 = arith.constant 0 : i32
      %dma_start3A_283 = tpu.memref_slice %arg3[%run_scoped3A_54, %dma_start3A_281, %dma_start3A_282] : memref<2x2500x128xi32, #tpu.memory_space<hbm>> -> memref<1x2500x128xi32, #tpu.memory_space<hbm>>
      %dma_start3A_284 = tpu.memref_squeeze %dma_start3A_283 : memref<1x2500x128xi32, #tpu.memory_space<hbm>> -> memref<2500x128xi32, #tpu.memory_space<hbm>>
      %dma_start3A_285 = arith.constant 0 : i32
      %dma_start3A_286 = tpu.memref_slice %dma_start3A_284[%add3A_53, %dma_start3A_285] : memref<2500x128xi32, #tpu.memory_space<hbm>> -> memref<6x128xi32, #tpu.memory_space<hbm>>
      %dma_start3A_287 = arith.constant 0 : i32
      %dma_start3A_288 = arith.constant 0 : i32
      %dma_start3A_289 = tpu.memref_slice %arg3[%run_scoped3A_54, %dma_start3A_287, %dma_start3A_288] : memref<2x2500x128xi32, #tpu.memory_space<hbm>> -> memref<1x2500x128xi32, #tpu.memory_space<hbm>>
      %dma_start3A_290 = tpu.memref_squeeze %dma_start3A_289 : memref<1x2500x128xi32, #tpu.memory_space<hbm>> -> memref<2500x128xi32, #tpu.memory_space<hbm>>
      %dma_start3A_291 = arith.constant 0 : i32
      %dma_start3A_292 = tpu.memref_slice %dma_start3A_290[%add3A_53, %dma_start3A_291] : memref<2500x128xi32, #tpu.memory_space<hbm>> -> memref<6x128xi32, #tpu.memory_space<hbm>>
      tpu.enqueue_dma source(%dma_start3A_292 : memref<6x128xi32, #tpu.memory_space<hbm>>) target(%arg7 : memref<6x128xi32, #tpu.memory_space<vmem>>) target_semaphore(%run_scoped3A_280 : memref<!tpu.dma_semaphore, #tpu.memory_space<semaphore_mem>>)
      %dma_wait3A_293 = arith.constant 0 : i32
      %dma_wait3A_294 = arith.constant 0 : i32
      %dma_wait3A_295 = tpu.memref_slice %arg3[%run_scoped3A_54, %dma_wait3A_293, %dma_wait3A_294] : memref<2x2500x128xi32, #tpu.memory_space<hbm>> -> memref<1x2500x128xi32, #tpu.memory_space<hbm>>
      %dma_wait3A_296 = tpu.memref_squeeze %dma_wait3A_295 : memref<1x2500x128xi32, #tpu.memory_space<hbm>> -> memref<2500x128xi32, #tpu.memory_space<hbm>>
      %dma_wait3A_297 = arith.constant 0 : i32
      %dma_wait3A_298 = tpu.memref_slice %dma_wait3A_296[%add3A_53, %dma_wait3A_297] : memref<2500x128xi32, #tpu.memory_space<hbm>> -> memref<6x128xi32, #tpu.memory_space<hbm>>
      %dma_wait3A_299 = arith.constant 0 : i32
      %dma_wait3A_300 = arith.constant 0 : i32
      %dma_wait3A_301 = tpu.memref_slice %arg3[%run_scoped3A_54, %dma_wait3A_299, %dma_wait3A_300] : memref<2x2500x128xi32, #tpu.memory_space<hbm>> -> memref<1x2500x128xi32, #tpu.memory_space<hbm>>
      %dma_wait3A_302 = tpu.memref_squeeze %dma_wait3A_301 : memref<1x2500x128xi32, #tpu.memory_space<hbm>> -> memref<2500x128xi32, #tpu.memory_space<hbm>>
      %dma_wait3A_303 = arith.constant 0 : i32
      %dma_wait3A_304 = tpu.memref_slice %dma_wait3A_302[%add3A_53, %dma_wait3A_303] : memref<2500x128xi32, #tpu.memory_space<hbm>> -> memref<6x128xi32, #tpu.memory_space<hbm>>
      tpu.wait_dma2 semaphore(%run_scoped3A_280 : memref<!tpu.dma_semaphore, #tpu.memory_space<semaphore_mem>>) src(%dma_wait3A_304 : memref<6x128xi32, #tpu.memory_space<hbm>>) dst(%arg7 : memref<6x128xi32, #tpu.memory_space<vmem>>)
      tpu.yield
    }) : () -> ()
    %dma_start3A = arith.constant 0 : i32
    %dma_start3A_55 = arith.constant 0 : i32
    %dma_start3A_56 = tpu.memref_slice %arg7[%dma_start3A, %dma_start3A_55] : memref<6x128xi32, #tpu.memory_space<vmem>> -> memref<1x128xi32, #tpu.memory_space<vmem>>
    %dma_start3A_57 = tpu.memref_squeeze %dma_start3A_56 : memref<1x128xi32, #tpu.memory_space<vmem>> -> memref<128xi32, #tpu.memory_space<vmem>>
    %dma_start3A_58 = arith.constant 0 : i32
    %dma_start3A_59 = arith.constant 0 : i32
    %dma_start3A_60 = tpu.memref_slice %arg13[%dma_start3A_58, %dma_start3A_59] : memref<10000x64xf32, #tpu.memory_space<vmem_shared>> -> memref<10000x64xf32, #tpu.memory_space<vmem_shared>>
    tpu.enqueue_indirect_dma source(%arg10 : memref<128x64xf32, #tpu.memory_space<vmem>>) target(%dma_start3A_60 : memref<10000x64xf32, #tpu.memory_space<vmem_shared>>) offsets(%dma_start3A_57 : memref<128xi32, #tpu.memory_space<vmem>>) semaphore(%arg19 : memref<!tpu.dma_semaphore, #tpu.memory_space<semaphore_mem>>) {add = true}
    %dma_start3A_61 = arith.constant 0 : i32
    %dma_start3A_62 = arith.constant 0 : i32
    %dma_start3A_63 = tpu.memref_slice %arg7[%dma_start3A_61, %dma_start3A_62] : memref<6x128xi32, #tpu.memory_space<vmem>> -> memref<1x128xi32, #tpu.memory_space<vmem>>
    %dma_start3A_64 = tpu.memref_squeeze %dma_start3A_63 : memref<1x128xi32, #tpu.memory_space<vmem>> -> memref<128xi32, #tpu.memory_space<vmem>>
    %dma_start3A_65 = arith.constant 0 : i32
    %dma_start3A_66 = arith.constant 0 : i32
    %dma_start3A_67 = tpu.memref_slice %arg13[%dma_start3A_65, %dma_start3A_66] : memref<10000x64xf32, #tpu.memory_space<vmem_shared>> -> memref<10000x64xf32, #tpu.memory_space<vmem_shared>>
    tpu.enqueue_indirect_dma source(%arg11 : memref<128x64xf32, #tpu.memory_space<vmem>>) target(%dma_start3A_67 : memref<10000x64xf32, #tpu.memory_space<vmem_shared>>) offsets(%dma_start3A_64 : memref<128xi32, #tpu.memory_space<vmem>>) semaphore(%arg20 : memref<!tpu.dma_semaphore, #tpu.memory_space<semaphore_mem>>) {add = true}
    %dma_start3A_68 = arith.constant 0 : i32
    %dma_start3A_69 = arith.constant 0 : i32
    %dma_start3A_70 = tpu.memref_slice %arg7[%dma_start3A_68, %dma_start3A_69] : memref<6x128xi32, #tpu.memory_space<vmem>> -> memref<1x128xi32, #tpu.memory_space<vmem>>
    %dma_start3A_71 = tpu.memref_squeeze %dma_start3A_70 : memref<1x128xi32, #tpu.memory_space<vmem>> -> memref<128xi32, #tpu.memory_space<vmem>>
    %dma_start3A_72 = arith.constant 0 : i32
    %dma_start3A_73 = arith.constant 0 : i32
    %dma_start3A_74 = tpu.memref_slice %arg13[%dma_start3A_72, %dma_start3A_73] : memref<10000x64xf32, #tpu.memory_space<vmem_shared>> -> memref<10000x64xf32, #tpu.memory_space<vmem_shared>>
    tpu.enqueue_indirect_dma source(%arg12 : memref<128x64xf32, #tpu.memory_space<vmem>>) target(%dma_start3A_74 : memref<10000x64xf32, #tpu.memory_space<vmem_shared>>) offsets(%dma_start3A_71 : memref<128xi32, #tpu.memory_space<vmem>>) semaphore(%arg21 : memref<!tpu.dma_semaphore, #tpu.memory_space<semaphore_mem>>) {add = true}
    %dma_start3A_75 = arith.constant 0 : i32
    %dma_start3A_76 = arith.constant 0 : i32
    %dma_start3A_77 = tpu.memref_slice %arg5[%dma_start3A_75, %dma_start3A_76] : memref<6x128xi32, #tpu.memory_space<vmem>> -> memref<1x128xi32, #tpu.memory_space<vmem>>
    %dma_start3A_78 = tpu.memref_squeeze %dma_start3A_77 : memref<1x128xi32, #tpu.memory_space<vmem>> -> memref<128xi32, #tpu.memory_space<vmem>>
    %dma_start3A_79 = arith.constant 0 : i32
    %dma_start3A_80 = arith.constant 0 : i32
    %dma_start3A_81 = tpu.memref_slice %arg2[%dma_start3A_79, %dma_start3A_80] : memref<10000x64xf32, #tpu.memory_space<hbm>> -> memref<10000x64xf32, #tpu.memory_space<hbm>>
    tpu.enqueue_indirect_dma source(%dma_start3A_81 : memref<10000x64xf32, #tpu.memory_space<hbm>>) target(%arg9 : memref<128x64xf32, #tpu.memory_space<vmem>>) offsets(%dma_start3A_78 : memref<128xi32, #tpu.memory_space<vmem>>) semaphore(%arg14 : memref<!tpu.dma_semaphore, #tpu.memory_space<semaphore_mem>>)
    %scan3A_82 = arith.constant 0 : i32
    %scan3A_83 = arith.constant 0 : i32
    %scan3A_84 = arith.constant 6 : i32
    %scan3A_85 = arith.addi %scan3A_83, %scan3A_84 : i32
    %scan3A_86 = arith.constant 1 : i32
    scf.for %scan3A_280 = %scan3A_83 to %scan3A_85 step %scan3A_86  : i32 {
      %dma_wait3A_281 = arith.constant 0 : i32
      %dma_wait3A_282 = arith.constant 0 : i32
      %dma_wait3A_283 = tpu.memref_slice %arg7[%dma_wait3A_281, %dma_wait3A_282] : memref<6x128xi32, #tpu.memory_space<vmem>> -> memref<1x128xi32, #tpu.memory_space<vmem>>
      %dma_wait3A_284 = tpu.memref_squeeze %dma_wait3A_283 : memref<1x128xi32, #tpu.memory_space<vmem>> -> memref<128xi32, #tpu.memory_space<vmem>>
      %dma_wait3A_285 = arith.constant 0 : i32
      %dma_wait3A_286 = arith.constant 0 : i32
      %dma_wait3A_287 = tpu.memref_slice %arg13[%dma_wait3A_285, %dma_wait3A_286] : memref<10000x64xf32, #tpu.memory_space<vmem_shared>> -> memref<10000x64xf32, #tpu.memory_space<vmem_shared>>
      tpu.wait_indirect_dma semaphore(%arg19 : memref<!tpu.dma_semaphore, #tpu.memory_space<semaphore_mem>>) src(%arg10 : memref<128x64xf32, #tpu.memory_space<vmem>>) dst(%dma_wait3A_287 : memref<10000x64xf32, #tpu.memory_space<vmem_shared>>)
      %dma_start3A_288 = arith.constant 1 : i32
      %dma_start3A_289 = arith.constant 0 : i32
      %dma_start3A_290 = tpu.memref_slice %arg5[%dma_start3A_288, %dma_start3A_289] : memref<6x128xi32, #tpu.memory_space<vmem>> -> memref<1x128xi32, #tpu.memory_space<vmem>>
      %dma_start3A_291 = tpu.memref_squeeze %dma_start3A_290 : memref<1x128xi32, #tpu.memory_space<vmem>> -> memref<128xi32, #tpu.memory_space<vmem>>
      %dma_start3A_292 = arith.constant 0 : i32
      %dma_start3A_293 = arith.constant 0 : i32
      %dma_start3A_294 = tpu.memref_slice %arg2[%dma_start3A_292, %dma_start3A_293] : memref<10000x64xf32, #tpu.memory_space<hbm>> -> memref<10000x64xf32, #tpu.memory_space<hbm>>
      tpu.enqueue_indirect_dma source(%dma_start3A_294 : memref<10000x64xf32, #tpu.memory_space<hbm>>) target(%arg10 : memref<128x64xf32, #tpu.memory_space<vmem>>) offsets(%dma_start3A_291 : memref<128xi32, #tpu.memory_space<vmem>>) semaphore(%arg15 : memref<!tpu.dma_semaphore, #tpu.memory_space<semaphore_mem>>)
      %dma_wait3A_295 = arith.constant 0 : i32
      %dma_wait3A_296 = arith.constant 0 : i32
      %dma_wait3A_297 = tpu.memref_slice %arg5[%dma_wait3A_295, %dma_wait3A_296] : memref<6x128xi32, #tpu.memory_space<vmem>> -> memref<1x128xi32, #tpu.memory_space<vmem>>
      %dma_wait3A_298 = tpu.memref_squeeze %dma_wait3A_297 : memref<1x128xi32, #tpu.memory_space<vmem>> -> memref<128xi32, #tpu.memory_space<vmem>>
      %dma_wait3A_299 = arith.constant 0 : i32
      %dma_wait3A_300 = arith.constant 0 : i32
      %dma_wait3A_301 = tpu.memref_slice %arg2[%dma_wait3A_299, %dma_wait3A_300] : memref<10000x64xf32, #tpu.memory_space<hbm>> -> memref<10000x64xf32, #tpu.memory_space<hbm>>
      tpu.wait_indirect_dma semaphore(%arg14 : memref<!tpu.dma_semaphore, #tpu.memory_space<semaphore_mem>>) src(%dma_wait3A_301 : memref<10000x64xf32, #tpu.memory_space<hbm>>) dst(%arg9 : memref<128x64xf32, #tpu.memory_space<vmem>>)
      %dma_start3A_302 = arith.constant 0 : i32
      %dma_start3A_303 = arith.constant 0 : i32
      %dma_start3A_304 = tpu.memref_slice %arg7[%dma_start3A_302, %dma_start3A_303] : memref<6x128xi32, #tpu.memory_space<vmem>> -> memref<1x128xi32, #tpu.memory_space<vmem>>
      %dma_start3A_305 = tpu.memref_squeeze %dma_start3A_304 : memref<1x128xi32, #tpu.memory_space<vmem>> -> memref<128xi32, #tpu.memory_space<vmem>>
      %dma_start3A_306 = arith.constant 0 : i32
      %dma_start3A_307 = arith.constant 0 : i32
      %dma_start3A_308 = tpu.memref_slice %arg13[%dma_start3A_306, %dma_start3A_307] : memref<10000x64xf32, #tpu.memory_space<vmem_shared>> -> memref<10000x64xf32, #tpu.memory_space<vmem_shared>>
      tpu.enqueue_indirect_dma source(%arg9 : memref<128x64xf32, #tpu.memory_space<vmem>>) target(%dma_start3A_308 : memref<10000x64xf32, #tpu.memory_space<vmem_shared>>) offsets(%dma_start3A_305 : memref<128xi32, #tpu.memory_space<vmem>>) semaphore(%arg18 : memref<!tpu.dma_semaphore, #tpu.memory_space<semaphore_mem>>) {add = true}
      %dma_wait3A_309 = arith.constant 0 : i32
      %dma_wait3A_310 = arith.constant 0 : i32
      %dma_wait3A_311 = tpu.memref_slice %arg7[%dma_wait3A_309, %dma_wait3A_310] : memref<6x128xi32, #tpu.memory_space<vmem>> -> memref<1x128xi32, #tpu.memory_space<vmem>>
      %dma_wait3A_312 = tpu.memref_squeeze %dma_wait3A_311 : memref<1x128xi32, #tpu.memory_space<vmem>> -> memref<128xi32, #tpu.memory_space<vmem>>
      %dma_wait3A_313 = arith.constant 0 : i32
      %dma_wait3A_314 = arith.constant 0 : i32
      %dma_wait3A_315 = tpu.memref_slice %arg13[%dma_wait3A_313, %dma_wait3A_314] : memref<10000x64xf32, #tpu.memory_space<vmem_shared>> -> memref<10000x64xf32, #tpu.memory_space<vmem_shared>>
      tpu.wait_indirect_dma semaphore(%arg20 : memref<!tpu.dma_semaphore, #tpu.memory_space<semaphore_mem>>) src(%arg11 : memref<128x64xf32, #tpu.memory_space<vmem>>) dst(%dma_wait3A_315 : memref<10000x64xf32, #tpu.memory_space<vmem_shared>>)
      %dma_start3A_316 = arith.constant 2 : i32
      %dma_start3A_317 = arith.constant 0 : i32
      %dma_start3A_318 = tpu.memref_slice %arg5[%dma_start3A_316, %dma_start3A_317] : memref<6x128xi32, #tpu.memory_space<vmem>> -> memref<1x128xi32, #tpu.memory_space<vmem>>
      %dma_start3A_319 = tpu.memref_squeeze %dma_start3A_318 : memref<1x128xi32, #tpu.memory_space<vmem>> -> memref<128xi32, #tpu.memory_space<vmem>>
      %dma_start3A_320 = arith.constant 0 : i32
      %dma_start3A_321 = arith.constant 0 : i32
      %dma_start3A_322 = tpu.memref_slice %arg2[%dma_start3A_320, %dma_start3A_321] : memref<10000x64xf32, #tpu.memory_space<hbm>> -> memref<10000x64xf32, #tpu.memory_space<hbm>>
      tpu.enqueue_indirect_dma source(%dma_start3A_322 : memref<10000x64xf32, #tpu.memory_space<hbm>>) target(%arg11 : memref<128x64xf32, #tpu.memory_space<vmem>>) offsets(%dma_start3A_319 : memref<128xi32, #tpu.memory_space<vmem>>) semaphore(%arg16 : memref<!tpu.dma_semaphore, #tpu.memory_space<semaphore_mem>>)
      %dma_wait3A_323 = arith.constant 0 : i32
      %dma_wait3A_324 = arith.constant 0 : i32
      %dma_wait3A_325 = tpu.memref_slice %arg5[%dma_wait3A_323, %dma_wait3A_324] : memref<6x128xi32, #tpu.memory_space<vmem>> -> memref<1x128xi32, #tpu.memory_space<vmem>>
      %dma_wait3A_326 = tpu.memref_squeeze %dma_wait3A_325 : memref<1x128xi32, #tpu.memory_space<vmem>> -> memref<128xi32, #tpu.memory_space<vmem>>
      %dma_wait3A_327 = arith.constant 0 : i32
      %dma_wait3A_328 = arith.constant 0 : i32
      %dma_wait3A_329 = tpu.memref_slice %arg2[%dma_wait3A_327, %dma_wait3A_328] : memref<10000x64xf32, #tpu.memory_space<hbm>> -> memref<10000x64xf32, #tpu.memory_space<hbm>>
      tpu.wait_indirect_dma semaphore(%arg15 : memref<!tpu.dma_semaphore, #tpu.memory_space<semaphore_mem>>) src(%dma_wait3A_329 : memref<10000x64xf32, #tpu.memory_space<hbm>>) dst(%arg10 : memref<128x64xf32, #tpu.memory_space<vmem>>)
      %dma_start3A_330 = arith.constant 1 : i32
      %dma_start3A_331 = arith.constant 0 : i32
      %dma_start3A_332 = tpu.memref_slice %arg7[%dma_start3A_330, %dma_start3A_331] : memref<6x128xi32, #tpu.memory_space<vmem>> -> memref<1x128xi32, #tpu.memory_space<vmem>>
      %dma_start3A_333 = tpu.memref_squeeze %dma_start3A_332 : memref<1x128xi32, #tpu.memory_space<vmem>> -> memref<128xi32, #tpu.memory_space<vmem>>
      %dma_start3A_334 = arith.constant 0 : i32
      %dma_start3A_335 = arith.constant 0 : i32
      %dma_start3A_336 = tpu.memref_slice %arg13[%dma_start3A_334, %dma_start3A_335] : memref<10000x64xf32, #tpu.memory_space<vmem_shared>> -> memref<10000x64xf32, #tpu.memory_space<vmem_shared>>
      tpu.enqueue_indirect_dma source(%arg10 : memref<128x64xf32, #tpu.memory_space<vmem>>) target(%dma_start3A_336 : memref<10000x64xf32, #tpu.memory_space<vmem_shared>>) offsets(%dma_start3A_333 : memref<128xi32, #tpu.memory_space<vmem>>) semaphore(%arg19 : memref<!tpu.dma_semaphore, #tpu.memory_space<semaphore_mem>>) {add = true}
      %dma_wait3A_337 = arith.constant 0 : i32
      %dma_wait3A_338 = arith.constant 0 : i32
      %dma_wait3A_339 = tpu.memref_slice %arg7[%dma_wait3A_337, %dma_wait3A_338] : memref<6x128xi32, #tpu.memory_space<vmem>> -> memref<1x128xi32, #tpu.memory_space<vmem>>
      %dma_wait3A_340 = tpu.memref_squeeze %dma_wait3A_339 : memref<1x128xi32, #tpu.memory_space<vmem>> -> memref<128xi32, #tpu.memory_space<vmem>>
      %dma_wait3A_341 = arith.constant 0 : i32
      %dma_wait3A_342 = arith.constant 0 : i32
      %dma_wait3A_343 = tpu.memref_slice %arg13[%dma_wait3A_341, %dma_wait3A_342] : memref<10000x64xf32, #tpu.memory_space<vmem_shared>> -> memref<10000x64xf32, #tpu.memory_space<vmem_shared>>
      tpu.wait_indirect_dma semaphore(%arg21 : memref<!tpu.dma_semaphore, #tpu.memory_space<semaphore_mem>>) src(%arg12 : memref<128x64xf32, #tpu.memory_space<vmem>>) dst(%dma_wait3A_343 : memref<10000x64xf32, #tpu.memory_space<vmem_shared>>)
      %dma_start3A_344 = arith.constant 3 : i32
      %dma_start3A_345 = arith.constant 0 : i32
      %dma_start3A_346 = tpu.memref_slice %arg5[%dma_start3A_344, %dma_start3A_345] : memref<6x128xi32, #tpu.memory_space<vmem>> -> memref<1x128xi32, #tpu.memory_space<vmem>>
      %dma_start3A_347 = tpu.memref_squeeze %dma_start3A_346 : memref<1x128xi32, #tpu.memory_space<vmem>> -> memref<128xi32, #tpu.memory_space<vmem>>
      %dma_start3A_348 = arith.constant 0 : i32
      %dma_start3A_349 = arith.constant 0 : i32
      %dma_start3A_350 = tpu.memref_slice %arg2[%dma_start3A_348, %dma_start3A_349] : memref<10000x64xf32, #tpu.memory_space<hbm>> -> memref<10000x64xf32, #tpu.memory_space<hbm>>
      tpu.enqueue_indirect_dma source(%dma_start3A_350 : memref<10000x64xf32, #tpu.memory_space<hbm>>) target(%arg12 : memref<128x64xf32, #tpu.memory_space<vmem>>) offsets(%dma_start3A_347 : memref<128xi32, #tpu.memory_space<vmem>>) semaphore(%arg17 : memref<!tpu.dma_semaphore, #tpu.memory_space<semaphore_mem>>)
      %dma_wait3A_351 = arith.constant 0 : i32
      %dma_wait3A_352 = arith.constant 0 : i32
      %dma_wait3A_353 = tpu.memref_slice %arg5[%dma_wait3A_351, %dma_wait3A_352] : memref<6x128xi32, #tpu.memory_space<vmem>> -> memref<1x128xi32, #tpu.memory_space<vmem>>
      %dma_wait3A_354 = tpu.memref_squeeze %dma_wait3A_353 : memref<1x128xi32, #tpu.memory_space<vmem>> -> memref<128xi32, #tpu.memory_space<vmem>>
      %dma_wait3A_355 = arith.constant 0 : i32
      %dma_wait3A_356 = arith.constant 0 : i32
      %dma_wait3A_357 = tpu.memref_slice %arg2[%dma_wait3A_355, %dma_wait3A_356] : memref<10000x64xf32, #tpu.memory_space<hbm>> -> memref<10000x64xf32, #tpu.memory_space<hbm>>
      tpu.wait_indirect_dma semaphore(%arg16 : memref<!tpu.dma_semaphore, #tpu.memory_space<semaphore_mem>>) src(%dma_wait3A_357 : memref<10000x64xf32, #tpu.memory_space<hbm>>) dst(%arg11 : memref<128x64xf32, #tpu.memory_space<vmem>>)
      %dma_start3A_358 = arith.constant 2 : i32
      %dma_start3A_359 = arith.constant 0 : i32
      %dma_start3A_360 = tpu.memref_slice %arg7[%dma_start3A_358, %dma_start3A_359] : memref<6x128xi32, #tpu.memory_space<vmem>> -> memref<1x128xi32, #tpu.memory_space<vmem>>
      %dma_start3A_361 = tpu.memref_squeeze %dma_start3A_360 : memref<1x128xi32, #tpu.memory_space<vmem>> -> memref<128xi32, #tpu.memory_space<vmem>>
      %dma_start3A_362 = arith.constant 0 : i32
      %dma_start3A_363 = arith.constant 0 : i32
      %dma_start3A_364 = tpu.memref_slice %arg13[%dma_start3A_362, %dma_start3A_363] : memref<10000x64xf32, #tpu.memory_space<vmem_shared>> -> memref<10000x64xf32, #tpu.memory_space<vmem_shared>>
      tpu.enqueue_indirect_dma source(%arg11 : memref<128x64xf32, #tpu.memory_space<vmem>>) target(%dma_start3A_364 : memref<10000x64xf32, #tpu.memory_space<vmem_shared>>) offsets(%dma_start3A_361 : memref<128xi32, #tpu.memory_space<vmem>>) semaphore(%arg20 : memref<!tpu.dma_semaphore, #tpu.memory_space<semaphore_mem>>) {add = true}
      %mul3A_365 = arith.constant 2 : i32
      %mul3A_366 = arith.muli %mul3A_365, %scan3A_280 : i32
      %add3A_367 = arith.constant 1 : i32
      %add3A_368 = arith.addi %mul3A_366, %add3A_367 : i32
      %mul3A_369 = arith.constant 6 : i32
      %mul3A_370 = arith.muli %add3A_368, %mul3A_369 : i32
      %add3A_371 = arith.addi %add3A_4, %mul3A_370 : i32
      %run_scoped3A_372 = arith.constant 0 : i32
      "tpu.region"() ({
        %run_scoped3A_641 = tpu.sem_alloc : memref<!tpu.dma_semaphore, #tpu.memory_space<semaphore_mem>>
        %dma_start3A_642 = arith.constant 0 : i32
        %dma_start3A_643 = arith.constant 0 : i32
        %dma_start3A_644 = tpu.memref_slice %arg3[%run_scoped3A_372, %dma_start3A_642, %dma_start3A_643] : memref<2x2500x128xi32, #tpu.memory_space<hbm>> -> memref<1x2500x128xi32, #tpu.memory_space<hbm>>
        %dma_start3A_645 = tpu.memref_squeeze %dma_start3A_644 : memref<1x2500x128xi32, #tpu.memory_space<hbm>> -> memref<2500x128xi32, #tpu.memory_space<hbm>>
        %dma_start3A_646 = arith.constant 0 : i32
        %dma_start3A_647 = tpu.memref_slice %dma_start3A_645[%add3A_371, %dma_start3A_646] : memref<2500x128xi32, #tpu.memory_space<hbm>> -> memref<6x128xi32, #tpu.memory_space<hbm>>
        %dma_start3A_648 = arith.constant 0 : i32
        %dma_start3A_649 = arith.constant 0 : i32
        %dma_start3A_650 = tpu.memref_slice %arg3[%run_scoped3A_372, %dma_start3A_648, %dma_start3A_649] : memref<2x2500x128xi32, #tpu.memory_space<hbm>> -> memref<1x2500x128xi32, #tpu.memory_space<hbm>>
        %dma_start3A_651 = tpu.memref_squeeze %dma_start3A_650 : memref<1x2500x128xi32, #tpu.memory_space<hbm>> -> memref<2500x128xi32, #tpu.memory_space<hbm>>
        %dma_start3A_652 = arith.constant 0 : i32
        %dma_start3A_653 = tpu.memref_slice %dma_start3A_651[%add3A_371, %dma_start3A_652] : memref<2500x128xi32, #tpu.memory_space<hbm>> -> memref<6x128xi32, #tpu.memory_space<hbm>>
        tpu.enqueue_dma source(%dma_start3A_653 : memref<6x128xi32, #tpu.memory_space<hbm>>) target(%arg6 : memref<6x128xi32, #tpu.memory_space<vmem>>) target_semaphore(%run_scoped3A_641 : memref<!tpu.dma_semaphore, #tpu.memory_space<semaphore_mem>>)
        %dma_wait3A_654 = arith.constant 0 : i32
        %dma_wait3A_655 = arith.constant 0 : i32
        %dma_wait3A_656 = tpu.memref_slice %arg3[%run_scoped3A_372, %dma_wait3A_654, %dma_wait3A_655] : memref<2x2500x128xi32, #tpu.memory_space<hbm>> -> memref<1x2500x128xi32, #tpu.memory_space<hbm>>
        %dma_wait3A_657 = tpu.memref_squeeze %dma_wait3A_656 : memref<1x2500x128xi32, #tpu.memory_space<hbm>> -> memref<2500x128xi32, #tpu.memory_space<hbm>>
        %dma_wait3A_658 = arith.constant 0 : i32
        %dma_wait3A_659 = tpu.memref_slice %dma_wait3A_657[%add3A_371, %dma_wait3A_658] : memref<2500x128xi32, #tpu.memory_space<hbm>> -> memref<6x128xi32, #tpu.memory_space<hbm>>
        %dma_wait3A_660 = arith.constant 0 : i32
        %dma_wait3A_661 = arith.constant 0 : i32
        %dma_wait3A_662 = tpu.memref_slice %arg3[%run_scoped3A_372, %dma_wait3A_660, %dma_wait3A_661] : memref<2x2500x128xi32, #tpu.memory_space<hbm>> -> memref<1x2500x128xi32, #tpu.memory_space<hbm>>
        %dma_wait3A_663 = tpu.memref_squeeze %dma_wait3A_662 : memref<1x2500x128xi32, #tpu.memory_space<hbm>> -> memref<2500x128xi32, #tpu.memory_space<hbm>>
        %dma_wait3A_664 = arith.constant 0 : i32
        %dma_wait3A_665 = tpu.memref_slice %dma_wait3A_663[%add3A_371, %dma_wait3A_664] : memref<2500x128xi32, #tpu.memory_space<hbm>> -> memref<6x128xi32, #tpu.memory_space<hbm>>
        tpu.wait_dma2 semaphore(%run_scoped3A_641 : memref<!tpu.dma_semaphore, #tpu.memory_space<semaphore_mem>>) src(%dma_wait3A_665 : memref<6x128xi32, #tpu.memory_space<hbm>>) dst(%arg6 : memref<6x128xi32, #tpu.memory_space<vmem>>)
        tpu.yield
      }) : () -> ()
      %mul3A_373 = arith.constant 6 : i32
      %mul3A_374 = arith.muli %add3A_368, %mul3A_373 : i32
      %add3A_375 = arith.addi %add3A_4, %mul3A_374 : i32
      %run_scoped3A_376 = arith.constant 1 : i32
      "tpu.region"() ({
        %run_scoped3A_641 = tpu.sem_alloc : memref<!tpu.dma_semaphore, #tpu.memory_space<semaphore_mem>>
        %dma_start3A_642 = arith.constant 0 : i32
        %dma_start3A_643 = arith.constant 0 : i32
        %dma_start3A_644 = tpu.memref_slice %arg3[%run_scoped3A_376, %dma_start3A_642, %dma_start3A_643] : memref<2x2500x128xi32, #tpu.memory_space<hbm>> -> memref<1x2500x128xi32, #tpu.memory_space<hbm>>
        %dma_start3A_645 = tpu.memref_squeeze %dma_start3A_644 : memref<1x2500x128xi32, #tpu.memory_space<hbm>> -> memref<2500x128xi32, #tpu.memory_space<hbm>>
        %dma_start3A_646 = arith.constant 0 : i32
        %dma_start3A_647 = tpu.memref_slice %dma_start3A_645[%add3A_375, %dma_start3A_646] : memref<2500x128xi32, #tpu.memory_space<hbm>> -> memref<6x128xi32, #tpu.memory_space<hbm>>
        %dma_start3A_648 = arith.constant 0 : i32
        %dma_start3A_649 = arith.constant 0 : i32
        %dma_start3A_650 = tpu.memref_slice %arg3[%run_scoped3A_376, %dma_start3A_648, %dma_start3A_649] : memref<2x2500x128xi32, #tpu.memory_space<hbm>> -> memref<1x2500x128xi32, #tpu.memory_space<hbm>>
        %dma_start3A_651 = tpu.memref_squeeze %dma_start3A_650 : memref<1x2500x128xi32, #tpu.memory_space<hbm>> -> memref<2500x128xi32, #tpu.memory_space<hbm>>
        %dma_start3A_652 = arith.constant 0 : i32
        %dma_start3A_653 = tpu.memref_slice %dma_start3A_651[%add3A_375, %dma_start3A_652] : memref<2500x128xi32, #tpu.memory_space<hbm>> -> memref<6x128xi32, #tpu.memory_space<hbm>>
        tpu.enqueue_dma source(%dma_start3A_653 : memref<6x128xi32, #tpu.memory_space<hbm>>) target(%arg8 : memref<6x128xi32, #tpu.memory_space<vmem>>) target_semaphore(%run_scoped3A_641 : memref<!tpu.dma_semaphore, #tpu.memory_space<semaphore_mem>>)
        %dma_wait3A_654 = arith.constant 0 : i32
        %dma_wait3A_655 = arith.constant 0 : i32
        %dma_wait3A_656 = tpu.memref_slice %arg3[%run_scoped3A_376, %dma_wait3A_654, %dma_wait3A_655] : memref<2x2500x128xi32, #tpu.memory_space<hbm>> -> memref<1x2500x128xi32, #tpu.memory_space<hbm>>
        %dma_wait3A_657 = tpu.memref_squeeze %dma_wait3A_656 : memref<1x2500x128xi32, #tpu.memory_space<hbm>> -> memref<2500x128xi32, #tpu.memory_space<hbm>>
        %dma_wait3A_658 = arith.constant 0 : i32
        %dma_wait3A_659 = tpu.memref_slice %dma_wait3A_657[%add3A_375, %dma_wait3A_658] : memref<2500x128xi32, #tpu.memory_space<hbm>> -> memref<6x128xi32, #tpu.memory_space<hbm>>
        %dma_wait3A_660 = arith.constant 0 : i32
        %dma_wait3A_661 = arith.constant 0 : i32
        %dma_wait3A_662 = tpu.memref_slice %arg3[%run_scoped3A_376, %dma_wait3A_660, %dma_wait3A_661] : memref<2x2500x128xi32, #tpu.memory_space<hbm>> -> memref<1x2500x128xi32, #tpu.memory_space<hbm>>
        %dma_wait3A_663 = tpu.memref_squeeze %dma_wait3A_662 : memref<1x2500x128xi32, #tpu.memory_space<hbm>> -> memref<2500x128xi32, #tpu.memory_space<hbm>>
        %dma_wait3A_664 = arith.constant 0 : i32
        %dma_wait3A_665 = tpu.memref_slice %dma_wait3A_663[%add3A_375, %dma_wait3A_664] : memref<2500x128xi32, #tpu.memory_space<hbm>> -> memref<6x128xi32, #tpu.memory_space<hbm>>
        tpu.wait_dma2 semaphore(%run_scoped3A_641 : memref<!tpu.dma_semaphore, #tpu.memory_space<semaphore_mem>>) src(%dma_wait3A_665 : memref<6x128xi32, #tpu.memory_space<hbm>>) dst(%arg8 : memref<6x128xi32, #tpu.memory_space<vmem>>)
        tpu.yield
      }) : () -> ()
      %dma_wait3A_377 = arith.constant 0 : i32
      %dma_wait3A_378 = arith.constant 0 : i32
      %dma_wait3A_379 = tpu.memref_slice %arg7[%dma_wait3A_377, %dma_wait3A_378] : memref<6x128xi32, #tpu.memory_space<vmem>> -> memref<1x128xi32, #tpu.memory_space<vmem>>
      %dma_wait3A_380 = tpu.memref_squeeze %dma_wait3A_379 : memref<1x128xi32, #tpu.memory_space<vmem>> -> memref<128xi32, #tpu.memory_space<vmem>>
      %dma_wait3A_381 = arith.constant 0 : i32
      %dma_wait3A_382 = arith.constant 0 : i32
      %dma_wait3A_383 = tpu.memref_slice %arg13[%dma_wait3A_381, %dma_wait3A_382] : memref<10000x64xf32, #tpu.memory_space<vmem_shared>> -> memref<10000x64xf32, #tpu.memory_space<vmem_shared>>
      tpu.wait_indirect_dma semaphore(%arg18 : memref<!tpu.dma_semaphore, #tpu.memory_space<semaphore_mem>>) src(%arg9 : memref<128x64xf32, #tpu.memory_space<vmem>>) dst(%dma_wait3A_383 : memref<10000x64xf32, #tpu.memory_space<vmem_shared>>)
      %dma_start3A_384 = arith.constant 4 : i32
      %dma_start3A_385 = arith.constant 0 : i32
      %dma_start3A_386 = tpu.memref_slice %arg5[%dma_start3A_384, %dma_start3A_385] : memref<6x128xi32, #tpu.memory_space<vmem>> -> memref<1x128xi32, #tpu.memory_space<vmem>>
      %dma_start3A_387 = tpu.memref_squeeze %dma_start3A_386 : memref<1x128xi32, #tpu.memory_space<vmem>> -> memref<128xi32, #tpu.memory_space<vmem>>
      %dma_start3A_388 = arith.constant 0 : i32
      %dma_start3A_389 = arith.constant 0 : i32
      %dma_start3A_390 = tpu.memref_slice %arg2[%dma_start3A_388, %dma_start3A_389] : memref<10000x64xf32, #tpu.memory_space<hbm>> -> memref<10000x64xf32, #tpu.memory_space<hbm>>
      tpu.enqueue_indirect_dma source(%dma_start3A_390 : memref<10000x64xf32, #tpu.memory_space<hbm>>) target(%arg9 : memref<128x64xf32, #tpu.memory_space<vmem>>) offsets(%dma_start3A_387 : memref<128xi32, #tpu.memory_space<vmem>>) semaphore(%arg14 : memref<!tpu.dma_semaphore, #tpu.memory_space<semaphore_mem>>)
      %dma_wait3A_391 = arith.constant 0 : i32
      %dma_wait3A_392 = arith.constant 0 : i32
      %dma_wait3A_393 = tpu.memref_slice %arg5[%dma_wait3A_391, %dma_wait3A_392] : memref<6x128xi32, #tpu.memory_space<vmem>> -> memref<1x128xi32, #tpu.memory_space<vmem>>
      %dma_wait3A_394 = tpu.memref_squeeze %dma_wait3A_393 : memref<1x128xi32, #tpu.memory_space<vmem>> -> memref<128xi32, #tpu.memory_space<vmem>>
      %dma_wait3A_395 = arith.constant 0 : i32
      %dma_wait3A_396 = arith.constant 0 : i32
      %dma_wait3A_397 = tpu.memref_slice %arg2[%dma_wait3A_395, %dma_wait3A_396] : memref<10000x64xf32, #tpu.memory_space<hbm>> -> memref<10000x64xf32, #tpu.memory_space<hbm>>
      tpu.wait_indirect_dma semaphore(%arg17 : memref<!tpu.dma_semaphore, #tpu.memory_space<semaphore_mem>>) src(%dma_wait3A_397 : memref<10000x64xf32, #tpu.memory_space<hbm>>) dst(%arg12 : memref<128x64xf32, #tpu.memory_space<vmem>>)
      %dma_start3A_398 = arith.constant 3 : i32
      %dma_start3A_399 = arith.constant 0 : i32
      %dma_start3A_400 = tpu.memref_slice %arg7[%dma_start3A_398, %dma_start3A_399] : memref<6x128xi32, #tpu.memory_space<vmem>> -> memref<1x128xi32, #tpu.memory_space<vmem>>
      %dma_start3A_401 = tpu.memref_squeeze %dma_start3A_400 : memref<1x128xi32, #tpu.memory_space<vmem>> -> memref<128xi32, #tpu.memory_space<vmem>>
      %dma_start3A_402 = arith.constant 0 : i32
      %dma_start3A_403 = arith.constant 0 : i32
      %dma_start3A_404 = tpu.memref_slice %arg13[%dma_start3A_402, %dma_start3A_403] : memref<10000x64xf32, #tpu.memory_space<vmem_shared>> -> memref<10000x64xf32, #tpu.memory_space<vmem_shared>>
      tpu.enqueue_indirect_dma source(%arg12 : memref<128x64xf32, #tpu.memory_space<vmem>>) target(%dma_start3A_404 : memref<10000x64xf32, #tpu.memory_space<vmem_shared>>) offsets(%dma_start3A_401 : memref<128xi32, #tpu.memory_space<vmem>>) semaphore(%arg21 : memref<!tpu.dma_semaphore, #tpu.memory_space<semaphore_mem>>) {add = true}
      %dma_wait3A_405 = arith.constant 0 : i32
      %dma_wait3A_406 = arith.constant 0 : i32
      %dma_wait3A_407 = tpu.memref_slice %arg7[%dma_wait3A_405, %dma_wait3A_406] : memref<6x128xi32, #tpu.memory_space<vmem>> -> memref<1x128xi32, #tpu.memory_space<vmem>>
      %dma_wait3A_408 = tpu.memref_squeeze %dma_wait3A_407 : memref<1x128xi32, #tpu.memory_space<vmem>> -> memref<128xi32, #tpu.memory_space<vmem>>
      %dma_wait3A_409 = arith.constant 0 : i32
      %dma_wait3A_410 = arith.constant 0 : i32
      %dma_wait3A_411 = tpu.memref_slice %arg13[%dma_wait3A_409, %dma_wait3A_410] : memref<10000x64xf32, #tpu.memory_space<vmem_shared>> -> memref<10000x64xf32, #tpu.memory_space<vmem_shared>>
      tpu.wait_indirect_dma semaphore(%arg19 : memref<!tpu.dma_semaphore, #tpu.memory_space<semaphore_mem>>) src(%arg10 : memref<128x64xf32, #tpu.memory_space<vmem>>) dst(%dma_wait3A_411 : memref<10000x64xf32, #tpu.memory_space<vmem_shared>>)
      %dma_start3A_412 = arith.constant 5 : i32
      %dma_start3A_413 = arith.constant 0 : i32
      %dma_start3A_414 = tpu.memref_slice %arg5[%dma_start3A_412, %dma_start3A_413] : memref<6x128xi32, #tpu.memory_space<vmem>> -> memref<1x128xi32, #tpu.memory_space<vmem>>
      %dma_start3A_415 = tpu.memref_squeeze %dma_start3A_414 : memref<1x128xi32, #tpu.memory_space<vmem>> -> memref<128xi32, #tpu.memory_space<vmem>>
      %dma_start3A_416 = arith.constant 0 : i32
      %dma_start3A_417 = arith.constant 0 : i32
      %dma_start3A_418 = tpu.memref_slice %arg2[%dma_start3A_416, %dma_start3A_417] : memref<10000x64xf32, #tpu.memory_space<hbm>> -> memref<10000x64xf32, #tpu.memory_space<hbm>>
      tpu.enqueue_indirect_dma source(%dma_start3A_418 : memref<10000x64xf32, #tpu.memory_space<hbm>>) target(%arg10 : memref<128x64xf32, #tpu.memory_space<vmem>>) offsets(%dma_start3A_415 : memref<128xi32, #tpu.memory_space<vmem>>) semaphore(%arg15 : memref<!tpu.dma_semaphore, #tpu.memory_space<semaphore_mem>>)
      %dma_wait3A_419 = arith.constant 0 : i32
      %dma_wait3A_420 = arith.constant 0 : i32
      %dma_wait3A_421 = tpu.memref_slice %arg5[%dma_wait3A_419, %dma_wait3A_420] : memref<6x128xi32, #tpu.memory_space<vmem>> -> memref<1x128xi32, #tpu.memory_space<vmem>>
      %dma_wait3A_422 = tpu.memref_squeeze %dma_wait3A_421 : memref<1x128xi32, #tpu.memory_space<vmem>> -> memref<128xi32, #tpu.memory_space<vmem>>
      %dma_wait3A_423 = arith.constant 0 : i32
      %dma_wait3A_424 = arith.constant 0 : i32
      %dma_wait3A_425 = tpu.memref_slice %arg2[%dma_wait3A_423, %dma_wait3A_424] : memref<10000x64xf32, #tpu.memory_space<hbm>> -> memref<10000x64xf32, #tpu.memory_space<hbm>>
      tpu.wait_indirect_dma semaphore(%arg14 : memref<!tpu.dma_semaphore, #tpu.memory_space<semaphore_mem>>) src(%dma_wait3A_425 : memref<10000x64xf32, #tpu.memory_space<hbm>>) dst(%arg9 : memref<128x64xf32, #tpu.memory_space<vmem>>)
      %dma_start3A_426 = arith.constant 4 : i32
      %dma_start3A_427 = arith.constant 0 : i32
      %dma_start3A_428 = tpu.memref_slice %arg7[%dma_start3A_426, %dma_start3A_427] : memref<6x128xi32, #tpu.memory_space<vmem>> -> memref<1x128xi32, #tpu.memory_space<vmem>>
      %dma_start3A_429 = tpu.memref_squeeze %dma_start3A_428 : memref<1x128xi32, #tpu.memory_space<vmem>> -> memref<128xi32, #tpu.memory_space<vmem>>
      %dma_start3A_430 = arith.constant 0 : i32
      %dma_start3A_431 = arith.constant 0 : i32
      %dma_start3A_432 = tpu.memref_slice %arg13[%dma_start3A_430, %dma_start3A_431] : memref<10000x64xf32, #tpu.memory_space<vmem_shared>> -> memref<10000x64xf32, #tpu.memory_space<vmem_shared>>
      tpu.enqueue_indirect_dma source(%arg9 : memref<128x64xf32, #tpu.memory_space<vmem>>) target(%dma_start3A_432 : memref<10000x64xf32, #tpu.memory_space<vmem_shared>>) offsets(%dma_start3A_429 : memref<128xi32, #tpu.memory_space<vmem>>) semaphore(%arg18 : memref<!tpu.dma_semaphore, #tpu.memory_space<semaphore_mem>>) {add = true}
      %dma_wait3A_433 = arith.constant 0 : i32
      %dma_wait3A_434 = arith.constant 0 : i32
      %dma_wait3A_435 = tpu.memref_slice %arg7[%dma_wait3A_433, %dma_wait3A_434] : memref<6x128xi32, #tpu.memory_space<vmem>> -> memref<1x128xi32, #tpu.memory_space<vmem>>
      %dma_wait3A_436 = tpu.memref_squeeze %dma_wait3A_435 : memref<1x128xi32, #tpu.memory_space<vmem>> -> memref<128xi32, #tpu.memory_space<vmem>>
      %dma_wait3A_437 = arith.constant 0 : i32
      %dma_wait3A_438 = arith.constant 0 : i32
      %dma_wait3A_439 = tpu.memref_slice %arg13[%dma_wait3A_437, %dma_wait3A_438] : memref<10000x64xf32, #tpu.memory_space<vmem_shared>> -> memref<10000x64xf32, #tpu.memory_space<vmem_shared>>
      tpu.wait_indirect_dma semaphore(%arg20 : memref<!tpu.dma_semaphore, #tpu.memory_space<semaphore_mem>>) src(%arg11 : memref<128x64xf32, #tpu.memory_space<vmem>>) dst(%dma_wait3A_439 : memref<10000x64xf32, #tpu.memory_space<vmem_shared>>)
      %dma_start3A_440 = arith.constant 0 : i32
      %dma_start3A_441 = arith.constant 0 : i32
      %dma_start3A_442 = tpu.memref_slice %arg6[%dma_start3A_440, %dma_start3A_441] : memref<6x128xi32, #tpu.memory_space<vmem>> -> memref<1x128xi32, #tpu.memory_space<vmem>>
      %dma_start3A_443 = tpu.memref_squeeze %dma_start3A_442 : memref<1x128xi32, #tpu.memory_space<vmem>> -> memref<128xi32, #tpu.memory_space<vmem>>
      %dma_start3A_444 = arith.constant 0 : i32
      %dma_start3A_445 = arith.constant 0 : i32
      %dma_start3A_446 = tpu.memref_slice %arg2[%dma_start3A_444, %dma_start3A_445] : memref<10000x64xf32, #tpu.memory_space<hbm>> -> memref<10000x64xf32, #tpu.memory_space<hbm>>
      tpu.enqueue_indirect_dma source(%dma_start3A_446 : memref<10000x64xf32, #tpu.memory_space<hbm>>) target(%arg11 : memref<128x64xf32, #tpu.memory_space<vmem>>) offsets(%dma_start3A_443 : memref<128xi32, #tpu.memory_space<vmem>>) semaphore(%arg16 : memref<!tpu.dma_semaphore, #tpu.memory_space<semaphore_mem>>)
      %dma_wait3A_447 = arith.constant 0 : i32
      %dma_wait3A_448 = arith.constant 0 : i32
      %dma_wait3A_449 = tpu.memref_slice %arg5[%dma_wait3A_447, %dma_wait3A_448] : memref<6x128xi32, #tpu.memory_space<vmem>> -> memref<1x128xi32, #tpu.memory_space<vmem>>
      %dma_wait3A_450 = tpu.memref_squeeze %dma_wait3A_449 : memref<1x128xi32, #tpu.memory_space<vmem>> -> memref<128xi32, #tpu.memory_space<vmem>>
      %dma_wait3A_451 = arith.constant 0 : i32
      %dma_wait3A_452 = arith.constant 0 : i32
      %dma_wait3A_453 = tpu.memref_slice %arg2[%dma_wait3A_451, %dma_wait3A_452] : memref<10000x64xf32, #tpu.memory_space<hbm>> -> memref<10000x64xf32, #tpu.memory_space<hbm>>
      tpu.wait_indirect_dma semaphore(%arg15 : memref<!tpu.dma_semaphore, #tpu.memory_space<semaphore_mem>>) src(%dma_wait3A_453 : memref<10000x64xf32, #tpu.memory_space<hbm>>) dst(%arg10 : memref<128x64xf32, #tpu.memory_space<vmem>>)
      %dma_start3A_454 = arith.constant 5 : i32
      %dma_start3A_455 = arith.constant 0 : i32
      %dma_start3A_456 = tpu.memref_slice %arg7[%dma_start3A_454, %dma_start3A_455] : memref<6x128xi32, #tpu.memory_space<vmem>> -> memref<1x128xi32, #tpu.memory_space<vmem>>
      %dma_start3A_457 = tpu.memref_squeeze %dma_start3A_456 : memref<1x128xi32, #tpu.memory_space<vmem>> -> memref<128xi32, #tpu.memory_space<vmem>>
      %dma_start3A_458 = arith.constant 0 : i32
      %dma_start3A_459 = arith.constant 0 : i32
      %dma_start3A_460 = tpu.memref_slice %arg13[%dma_start3A_458, %dma_start3A_459] : memref<10000x64xf32, #tpu.memory_space<vmem_shared>> -> memref<10000x64xf32, #tpu.memory_space<vmem_shared>>
      tpu.enqueue_indirect_dma source(%arg10 : memref<128x64xf32, #tpu.memory_space<vmem>>) target(%dma_start3A_460 : memref<10000x64xf32, #tpu.memory_space<vmem_shared>>) offsets(%dma_start3A_457 : memref<128xi32, #tpu.memory_space<vmem>>) semaphore(%arg19 : memref<!tpu.dma_semaphore, #tpu.memory_space<semaphore_mem>>) {add = true}
      %dma_wait3A_461 = arith.constant 0 : i32
      %dma_wait3A_462 = arith.constant 0 : i32
      %dma_wait3A_463 = tpu.memref_slice %arg7[%dma_wait3A_461, %dma_wait3A_462] : memref<6x128xi32, #tpu.memory_space<vmem>> -> memref<1x128xi32, #tpu.memory_space<vmem>>
      %dma_wait3A_464 = tpu.memref_squeeze %dma_wait3A_463 : memref<1x128xi32, #tpu.memory_space<vmem>> -> memref<128xi32, #tpu.memory_space<vmem>>
      %dma_wait3A_465 = arith.constant 0 : i32
      %dma_wait3A_466 = arith.constant 0 : i32
      %dma_wait3A_467 = tpu.memref_slice %arg13[%dma_wait3A_465, %dma_wait3A_466] : memref<10000x64xf32, #tpu.memory_space<vmem_shared>> -> memref<10000x64xf32, #tpu.memory_space<vmem_shared>>
      tpu.wait_indirect_dma semaphore(%arg21 : memref<!tpu.dma_semaphore, #tpu.memory_space<semaphore_mem>>) src(%arg12 : memref<128x64xf32, #tpu.memory_space<vmem>>) dst(%dma_wait3A_467 : memref<10000x64xf32, #tpu.memory_space<vmem_shared>>)
      %dma_start3A_468 = arith.constant 1 : i32
      %dma_start3A_469 = arith.constant 0 : i32
      %dma_start3A_470 = tpu.memref_slice %arg6[%dma_start3A_468, %dma_start3A_469] : memref<6x128xi32, #tpu.memory_space<vmem>> -> memref<1x128xi32, #tpu.memory_space<vmem>>
      %dma_start3A_471 = tpu.memref_squeeze %dma_start3A_470 : memref<1x128xi32, #tpu.memory_space<vmem>> -> memref<128xi32, #tpu.memory_space<vmem>>
      %dma_start3A_472 = arith.constant 0 : i32
      %dma_start3A_473 = arith.constant 0 : i32
      %dma_start3A_474 = tpu.memref_slice %arg2[%dma_start3A_472, %dma_start3A_473] : memref<10000x64xf32, #tpu.memory_space<hbm>> -> memref<10000x64xf32, #tpu.memory_space<hbm>>
      tpu.enqueue_indirect_dma source(%dma_start3A_474 : memref<10000x64xf32, #tpu.memory_space<hbm>>) target(%arg12 : memref<128x64xf32, #tpu.memory_space<vmem>>) offsets(%dma_start3A_471 : memref<128xi32, #tpu.memory_space<vmem>>) semaphore(%arg17 : memref<!tpu.dma_semaphore, #tpu.memory_space<semaphore_mem>>)
      %dma_wait3A_475 = arith.constant 0 : i32
      %dma_wait3A_476 = arith.constant 0 : i32
      %dma_wait3A_477 = tpu.memref_slice %arg5[%dma_wait3A_475, %dma_wait3A_476] : memref<6x128xi32, #tpu.memory_space<vmem>> -> memref<1x128xi32, #tpu.memory_space<vmem>>
      %dma_wait3A_478 = tpu.memref_squeeze %dma_wait3A_477 : memref<1x128xi32, #tpu.memory_space<vmem>> -> memref<128xi32, #tpu.memory_space<vmem>>
      %dma_wait3A_479 = arith.constant 0 : i32
      %dma_wait3A_480 = arith.constant 0 : i32
      %dma_wait3A_481 = tpu.memref_slice %arg2[%dma_wait3A_479, %dma_wait3A_480] : memref<10000x64xf32, #tpu.memory_space<hbm>> -> memref<10000x64xf32, #tpu.memory_space<hbm>>
      tpu.wait_indirect_dma semaphore(%arg16 : memref<!tpu.dma_semaphore, #tpu.memory_space<semaphore_mem>>) src(%dma_wait3A_481 : memref<10000x64xf32, #tpu.memory_space<hbm>>) dst(%arg11 : memref<128x64xf32, #tpu.memory_space<vmem>>)
      %dma_start3A_482 = arith.constant 0 : i32
      %dma_start3A_483 = arith.constant 0 : i32
      %dma_start3A_484 = tpu.memref_slice %arg8[%dma_start3A_482, %dma_start3A_483] : memref<6x128xi32, #tpu.memory_space<vmem>> -> memref<1x128xi32, #tpu.memory_space<vmem>>
      %dma_start3A_485 = tpu.memref_squeeze %dma_start3A_484 : memref<1x128xi32, #tpu.memory_space<vmem>> -> memref<128xi32, #tpu.memory_space<vmem>>
      %dma_start3A_486 = arith.constant 0 : i32
      %dma_start3A_487 = arith.constant 0 : i32
      %dma_start3A_488 = tpu.memref_slice %arg13[%dma_start3A_486, %dma_start3A_487] : memref<10000x64xf32, #tpu.memory_space<vmem_shared>> -> memref<10000x64xf32, #tpu.memory_space<vmem_shared>>
      tpu.enqueue_indirect_dma source(%arg11 : memref<128x64xf32, #tpu.memory_space<vmem>>) target(%dma_start3A_488 : memref<10000x64xf32, #tpu.memory_space<vmem_shared>>) offsets(%dma_start3A_485 : memref<128xi32, #tpu.memory_space<vmem>>) semaphore(%arg20 : memref<!tpu.dma_semaphore, #tpu.memory_space<semaphore_mem>>) {add = true}
      %dma_wait3A_489 = arith.constant 0 : i32
      %dma_wait3A_490 = arith.constant 0 : i32
      %dma_wait3A_491 = tpu.memref_slice %arg7[%dma_wait3A_489, %dma_wait3A_490] : memref<6x128xi32, #tpu.memory_space<vmem>> -> memref<1x128xi32, #tpu.memory_space<vmem>>
      %dma_wait3A_492 = tpu.memref_squeeze %dma_wait3A_491 : memref<1x128xi32, #tpu.memory_space<vmem>> -> memref<128xi32, #tpu.memory_space<vmem>>
      %dma_wait3A_493 = arith.constant 0 : i32
      %dma_wait3A_494 = arith.constant 0 : i32
      %dma_wait3A_495 = tpu.memref_slice %arg13[%dma_wait3A_493, %dma_wait3A_494] : memref<10000x64xf32, #tpu.memory_space<vmem_shared>> -> memref<10000x64xf32, #tpu.memory_space<vmem_shared>>
      tpu.wait_indirect_dma semaphore(%arg18 : memref<!tpu.dma_semaphore, #tpu.memory_space<semaphore_mem>>) src(%arg9 : memref<128x64xf32, #tpu.memory_space<vmem>>) dst(%dma_wait3A_495 : memref<10000x64xf32, #tpu.memory_space<vmem_shared>>)
      %dma_start3A_496 = arith.constant 2 : i32
      %dma_start3A_497 = arith.constant 0 : i32
      %dma_start3A_498 = tpu.memref_slice %arg6[%dma_start3A_496, %dma_start3A_497] : memref<6x128xi32, #tpu.memory_space<vmem>> -> memref<1x128xi32, #tpu.memory_space<vmem>>
      %dma_start3A_499 = tpu.memref_squeeze %dma_start3A_498 : memref<1x128xi32, #tpu.memory_space<vmem>> -> memref<128xi32, #tpu.memory_space<vmem>>
      %dma_start3A_500 = arith.constant 0 : i32
      %dma_start3A_501 = arith.constant 0 : i32
      %dma_start3A_502 = tpu.memref_slice %arg2[%dma_start3A_500, %dma_start3A_501] : memref<10000x64xf32, #tpu.memory_space<hbm>> -> memref<10000x64xf32, #tpu.memory_space<hbm>>
      tpu.enqueue_indirect_dma source(%dma_start3A_502 : memref<10000x64xf32, #tpu.memory_space<hbm>>) target(%arg9 : memref<128x64xf32, #tpu.memory_space<vmem>>) offsets(%dma_start3A_499 : memref<128xi32, #tpu.memory_space<vmem>>) semaphore(%arg14 : memref<!tpu.dma_semaphore, #tpu.memory_space<semaphore_mem>>)
      %dma_wait3A_503 = arith.constant 0 : i32
      %dma_wait3A_504 = arith.constant 0 : i32
      %dma_wait3A_505 = tpu.memref_slice %arg5[%dma_wait3A_503, %dma_wait3A_504] : memref<6x128xi32, #tpu.memory_space<vmem>> -> memref<1x128xi32, #tpu.memory_space<vmem>>
      %dma_wait3A_506 = tpu.memref_squeeze %dma_wait3A_505 : memref<1x128xi32, #tpu.memory_space<vmem>> -> memref<128xi32, #tpu.memory_space<vmem>>
      %dma_wait3A_507 = arith.constant 0 : i32
      %dma_wait3A_508 = arith.constant 0 : i32
      %dma_wait3A_509 = tpu.memref_slice %arg2[%dma_wait3A_507, %dma_wait3A_508] : memref<10000x64xf32, #tpu.memory_space<hbm>> -> memref<10000x64xf32, #tpu.memory_space<hbm>>
      tpu.wait_indirect_dma semaphore(%arg17 : memref<!tpu.dma_semaphore, #tpu.memory_space<semaphore_mem>>) src(%dma_wait3A_509 : memref<10000x64xf32, #tpu.memory_space<hbm>>) dst(%arg12 : memref<128x64xf32, #tpu.memory_space<vmem>>)
      %dma_start3A_510 = arith.constant 1 : i32
      %dma_start3A_511 = arith.constant 0 : i32
      %dma_start3A_512 = tpu.memref_slice %arg8[%dma_start3A_510, %dma_start3A_511] : memref<6x128xi32, #tpu.memory_space<vmem>> -> memref<1x128xi32, #tpu.memory_space<vmem>>
      %dma_start3A_513 = tpu.memref_squeeze %dma_start3A_512 : memref<1x128xi32, #tpu.memory_space<vmem>> -> memref<128xi32, #tpu.memory_space<vmem>>
      %dma_start3A_514 = arith.constant 0 : i32
      %dma_start3A_515 = arith.constant 0 : i32
      %dma_start3A_516 = tpu.memref_slice %arg13[%dma_start3A_514, %dma_start3A_515] : memref<10000x64xf32, #tpu.memory_space<vmem_shared>> -> memref<10000x64xf32, #tpu.memory_space<vmem_shared>>
      tpu.enqueue_indirect_dma source(%arg12 : memref<128x64xf32, #tpu.memory_space<vmem>>) target(%dma_start3A_516 : memref<10000x64xf32, #tpu.memory_space<vmem_shared>>) offsets(%dma_start3A_513 : memref<128xi32, #tpu.memory_space<vmem>>) semaphore(%arg21 : memref<!tpu.dma_semaphore, #tpu.memory_space<semaphore_mem>>) {add = true}
      %dma_wait3A_517 = arith.constant 0 : i32
      %dma_wait3A_518 = arith.constant 0 : i32
      %dma_wait3A_519 = tpu.memref_slice %arg7[%dma_wait3A_517, %dma_wait3A_518] : memref<6x128xi32, #tpu.memory_space<vmem>> -> memref<1x128xi32, #tpu.memory_space<vmem>>
      %dma_wait3A_520 = tpu.memref_squeeze %dma_wait3A_519 : memref<1x128xi32, #tpu.memory_space<vmem>> -> memref<128xi32, #tpu.memory_space<vmem>>
      %dma_wait3A_521 = arith.constant 0 : i32
      %dma_wait3A_522 = arith.constant 0 : i32
      %dma_wait3A_523 = tpu.memref_slice %arg13[%dma_wait3A_521, %dma_wait3A_522] : memref<10000x64xf32, #tpu.memory_space<vmem_shared>> -> memref<10000x64xf32, #tpu.memory_space<vmem_shared>>
      tpu.wait_indirect_dma semaphore(%arg19 : memref<!tpu.dma_semaphore, #tpu.memory_space<semaphore_mem>>) src(%arg10 : memref<128x64xf32, #tpu.memory_space<vmem>>) dst(%dma_wait3A_523 : memref<10000x64xf32, #tpu.memory_space<vmem_shared>>)
      %dma_start3A_524 = arith.constant 3 : i32
      %dma_start3A_525 = arith.constant 0 : i32
      %dma_start3A_526 = tpu.memref_slice %arg6[%dma_start3A_524, %dma_start3A_525] : memref<6x128xi32, #tpu.memory_space<vmem>> -> memref<1x128xi32, #tpu.memory_space<vmem>>
      %dma_start3A_527 = tpu.memref_squeeze %dma_start3A_526 : memref<1x128xi32, #tpu.memory_space<vmem>> -> memref<128xi32, #tpu.memory_space<vmem>>
      %dma_start3A_528 = arith.constant 0 : i32
      %dma_start3A_529 = arith.constant 0 : i32
      %dma_start3A_530 = tpu.memref_slice %arg2[%dma_start3A_528, %dma_start3A_529] : memref<10000x64xf32, #tpu.memory_space<hbm>> -> memref<10000x64xf32, #tpu.memory_space<hbm>>
      tpu.enqueue_indirect_dma source(%dma_start3A_530 : memref<10000x64xf32, #tpu.memory_space<hbm>>) target(%arg10 : memref<128x64xf32, #tpu.memory_space<vmem>>) offsets(%dma_start3A_527 : memref<128xi32, #tpu.memory_space<vmem>>) semaphore(%arg15 : memref<!tpu.dma_semaphore, #tpu.memory_space<semaphore_mem>>)
      %dma_wait3A_531 = arith.constant 0 : i32
      %dma_wait3A_532 = arith.constant 0 : i32
      %dma_wait3A_533 = tpu.memref_slice %arg5[%dma_wait3A_531, %dma_wait3A_532] : memref<6x128xi32, #tpu.memory_space<vmem>> -> memref<1x128xi32, #tpu.memory_space<vmem>>
      %dma_wait3A_534 = tpu.memref_squeeze %dma_wait3A_533 : memref<1x128xi32, #tpu.memory_space<vmem>> -> memref<128xi32, #tpu.memory_space<vmem>>
      %dma_wait3A_535 = arith.constant 0 : i32
      %dma_wait3A_536 = arith.constant 0 : i32
      %dma_wait3A_537 = tpu.memref_slice %arg2[%dma_wait3A_535, %dma_wait3A_536] : memref<10000x64xf32, #tpu.memory_space<hbm>> -> memref<10000x64xf32, #tpu.memory_space<hbm>>
      tpu.wait_indirect_dma semaphore(%arg14 : memref<!tpu.dma_semaphore, #tpu.memory_space<semaphore_mem>>) src(%dma_wait3A_537 : memref<10000x64xf32, #tpu.memory_space<hbm>>) dst(%arg9 : memref<128x64xf32, #tpu.memory_space<vmem>>)
      %dma_start3A_538 = arith.constant 2 : i32
      %dma_start3A_539 = arith.constant 0 : i32
      %dma_start3A_540 = tpu.memref_slice %arg8[%dma_start3A_538, %dma_start3A_539] : memref<6x128xi32, #tpu.memory_space<vmem>> -> memref<1x128xi32, #tpu.memory_space<vmem>>
      %dma_start3A_541 = tpu.memref_squeeze %dma_start3A_540 : memref<1x128xi32, #tpu.memory_space<vmem>> -> memref<128xi32, #tpu.memory_space<vmem>>
      %dma_start3A_542 = arith.constant 0 : i32
      %dma_start3A_543 = arith.constant 0 : i32
      %dma_start3A_544 = tpu.memref_slice %arg13[%dma_start3A_542, %dma_start3A_543] : memref<10000x64xf32, #tpu.memory_space<vmem_shared>> -> memref<10000x64xf32, #tpu.memory_space<vmem_shared>>
      tpu.enqueue_indirect_dma source(%arg9 : memref<128x64xf32, #tpu.memory_space<vmem>>) target(%dma_start3A_544 : memref<10000x64xf32, #tpu.memory_space<vmem_shared>>) offsets(%dma_start3A_541 : memref<128xi32, #tpu.memory_space<vmem>>) semaphore(%arg18 : memref<!tpu.dma_semaphore, #tpu.memory_space<semaphore_mem>>) {add = true}
      %mul3A_545 = arith.constant 2 : i32
      %mul3A_546 = arith.muli %mul3A_545, %scan3A_280 : i32
      %add3A_547 = arith.constant 2 : i32
      %add3A_548 = arith.addi %mul3A_546, %add3A_547 : i32
      %mul3A_549 = arith.constant 6 : i32
      %mul3A_550 = arith.muli %add3A_548, %mul3A_549 : i32
      %add3A_551 = arith.addi %add3A_4, %mul3A_550 : i32
      %run_scoped3A_552 = arith.constant 0 : i32
      "tpu.region"() ({
        %run_scoped3A_641 = tpu.sem_alloc : memref<!tpu.dma_semaphore, #tpu.memory_space<semaphore_mem>>
        %dma_start3A_642 = arith.constant 0 : i32
        %dma_start3A_643 = arith.constant 0 : i32
        %dma_start3A_644 = tpu.memref_slice %arg3[%run_scoped3A_552, %dma_start3A_642, %dma_start3A_643] : memref<2x2500x128xi32, #tpu.memory_space<hbm>> -> memref<1x2500x128xi32, #tpu.memory_space<hbm>>
        %dma_start3A_645 = tpu.memref_squeeze %dma_start3A_644 : memref<1x2500x128xi32, #tpu.memory_space<hbm>> -> memref<2500x128xi32, #tpu.memory_space<hbm>>
        %dma_start3A_646 = arith.constant 0 : i32
        %dma_start3A_647 = tpu.memref_slice %dma_start3A_645[%add3A_551, %dma_start3A_646] : memref<2500x128xi32, #tpu.memory_space<hbm>> -> memref<6x128xi32, #tpu.memory_space<hbm>>
        %dma_start3A_648 = arith.constant 0 : i32
        %dma_start3A_649 = arith.constant 0 : i32
        %dma_start3A_650 = tpu.memref_slice %arg3[%run_scoped3A_552, %dma_start3A_648, %dma_start3A_649] : memref<2x2500x128xi32, #tpu.memory_space<hbm>> -> memref<1x2500x128xi32, #tpu.memory_space<hbm>>
        %dma_start3A_651 = tpu.memref_squeeze %dma_start3A_650 : memref<1x2500x128xi32, #tpu.memory_space<hbm>> -> memref<2500x128xi32, #tpu.memory_space<hbm>>
        %dma_start3A_652 = arith.constant 0 : i32
        %dma_start3A_653 = tpu.memref_slice %dma_start3A_651[%add3A_551, %dma_start3A_652] : memref<2500x128xi32, #tpu.memory_space<hbm>> -> memref<6x128xi32, #tpu.memory_space<hbm>>
        tpu.enqueue_dma source(%dma_start3A_653 : memref<6x128xi32, #tpu.memory_space<hbm>>) target(%arg5 : memref<6x128xi32, #tpu.memory_space<vmem>>) target_semaphore(%run_scoped3A_641 : memref<!tpu.dma_semaphore, #tpu.memory_space<semaphore_mem>>)
        %dma_wait3A_654 = arith.constant 0 : i32
        %dma_wait3A_655 = arith.constant 0 : i32
        %dma_wait3A_656 = tpu.memref_slice %arg3[%run_scoped3A_552, %dma_wait3A_654, %dma_wait3A_655] : memref<2x2500x128xi32, #tpu.memory_space<hbm>> -> memref<1x2500x128xi32, #tpu.memory_space<hbm>>
        %dma_wait3A_657 = tpu.memref_squeeze %dma_wait3A_656 : memref<1x2500x128xi32, #tpu.memory_space<hbm>> -> memref<2500x128xi32, #tpu.memory_space<hbm>>
        %dma_wait3A_658 = arith.constant 0 : i32
        %dma_wait3A_659 = tpu.memref_slice %dma_wait3A_657[%add3A_551, %dma_wait3A_658] : memref<2500x128xi32, #tpu.memory_space<hbm>> -> memref<6x128xi32, #tpu.memory_space<hbm>>
        %dma_wait3A_660 = arith.constant 0 : i32
        %dma_wait3A_661 = arith.constant 0 : i32
        %dma_wait3A_662 = tpu.memref_slice %arg3[%run_scoped3A_552, %dma_wait3A_660, %dma_wait3A_661] : memref<2x2500x128xi32, #tpu.memory_space<hbm>> -> memref<1x2500x128xi32, #tpu.memory_space<hbm>>
        %dma_wait3A_663 = tpu.memref_squeeze %dma_wait3A_662 : memref<1x2500x128xi32, #tpu.memory_space<hbm>> -> memref<2500x128xi32, #tpu.memory_space<hbm>>
        %dma_wait3A_664 = arith.constant 0 : i32
        %dma_wait3A_665 = tpu.memref_slice %dma_wait3A_663[%add3A_551, %dma_wait3A_664] : memref<2500x128xi32, #tpu.memory_space<hbm>> -> memref<6x128xi32, #tpu.memory_space<hbm>>
        tpu.wait_dma2 semaphore(%run_scoped3A_641 : memref<!tpu.dma_semaphore, #tpu.memory_space<semaphore_mem>>) src(%dma_wait3A_665 : memref<6x128xi32, #tpu.memory_space<hbm>>) dst(%arg5 : memref<6x128xi32, #tpu.memory_space<vmem>>)
        tpu.yield
      }) : () -> ()
      %mul3A_553 = arith.constant 6 : i32
      %mul3A_554 = arith.muli %add3A_548, %mul3A_553 : i32
      %add3A_555 = arith.addi %add3A_4, %mul3A_554 : i32
      %run_scoped3A_556 = arith.constant 1 : i32
      "tpu.region"() ({
        %run_scoped3A_641 = tpu.sem_alloc : memref<!tpu.dma_semaphore, #tpu.memory_space<semaphore_mem>>
        %dma_start3A_642 = arith.constant 0 : i32
        %dma_start3A_643 = arith.constant 0 : i32
        %dma_start3A_644 = tpu.memref_slice %arg3[%run_scoped3A_556, %dma_start3A_642, %dma_start3A_643] : memref<2x2500x128xi32, #tpu.memory_space<hbm>> -> memref<1x2500x128xi32, #tpu.memory_space<hbm>>
        %dma_start3A_645 = tpu.memref_squeeze %dma_start3A_644 : memref<1x2500x128xi32, #tpu.memory_space<hbm>> -> memref<2500x128xi32, #tpu.memory_space<hbm>>
        %dma_start3A_646 = arith.constant 0 : i32
        %dma_start3A_647 = tpu.memref_slice %dma_start3A_645[%add3A_555, %dma_start3A_646] : memref<2500x128xi32, #tpu.memory_space<hbm>> -> memref<6x128xi32, #tpu.memory_space<hbm>>
        %dma_start3A_648 = arith.constant 0 : i32
        %dma_start3A_649 = arith.constant 0 : i32
        %dma_start3A_650 = tpu.memref_slice %arg3[%run_scoped3A_556, %dma_start3A_648, %dma_start3A_649] : memref<2x2500x128xi32, #tpu.memory_space<hbm>> -> memref<1x2500x128xi32, #tpu.memory_space<hbm>>
        %dma_start3A_651 = tpu.memref_squeeze %dma_start3A_650 : memref<1x2500x128xi32, #tpu.memory_space<hbm>> -> memref<2500x128xi32, #tpu.memory_space<hbm>>
        %dma_start3A_652 = arith.constant 0 : i32
        %dma_start3A_653 = tpu.memref_slice %dma_start3A_651[%add3A_555, %dma_start3A_652] : memref<2500x128xi32, #tpu.memory_space<hbm>> -> memref<6x128xi32, #tpu.memory_space<hbm>>
        tpu.enqueue_dma source(%dma_start3A_653 : memref<6x128xi32, #tpu.memory_space<hbm>>) target(%arg7 : memref<6x128xi32, #tpu.memory_space<vmem>>) target_semaphore(%run_scoped3A_641 : memref<!tpu.dma_semaphore, #tpu.memory_space<semaphore_mem>>)
        %dma_wait3A_654 = arith.constant 0 : i32
        %dma_wait3A_655 = arith.constant 0 : i32
        %dma_wait3A_656 = tpu.memref_slice %arg3[%run_scoped3A_556, %dma_wait3A_654, %dma_wait3A_655] : memref<2x2500x128xi32, #tpu.memory_space<hbm>> -> memref<1x2500x128xi32, #tpu.memory_space<hbm>>
        %dma_wait3A_657 = tpu.memref_squeeze %dma_wait3A_656 : memref<1x2500x128xi32, #tpu.memory_space<hbm>> -> memref<2500x128xi32, #tpu.memory_space<hbm>>
        %dma_wait3A_658 = arith.constant 0 : i32
        %dma_wait3A_659 = tpu.memref_slice %dma_wait3A_657[%add3A_555, %dma_wait3A_658] : memref<2500x128xi32, #tpu.memory_space<hbm>> -> memref<6x128xi32, #tpu.memory_space<hbm>>
        %dma_wait3A_660 = arith.constant 0 : i32
        %dma_wait3A_661 = arith.constant 0 : i32
        %dma_wait3A_662 = tpu.memref_slice %arg3[%run_scoped3A_556, %dma_wait3A_660, %dma_wait3A_661] : memref<2x2500x128xi32, #tpu.memory_space<hbm>> -> memref<1x2500x128xi32, #tpu.memory_space<hbm>>
        %dma_wait3A_663 = tpu.memref_squeeze %dma_wait3A_662 : memref<1x2500x128xi32, #tpu.memory_space<hbm>> -> memref<2500x128xi32, #tpu.memory_space<hbm>>
        %dma_wait3A_664 = arith.constant 0 : i32
        %dma_wait3A_665 = tpu.memref_slice %dma_wait3A_663[%add3A_555, %dma_wait3A_664] : memref<2500x128xi32, #tpu.memory_space<hbm>> -> memref<6x128xi32, #tpu.memory_space<hbm>>
        tpu.wait_dma2 semaphore(%run_scoped3A_641 : memref<!tpu.dma_semaphore, #tpu.memory_space<semaphore_mem>>) src(%dma_wait3A_665 : memref<6x128xi32, #tpu.memory_space<hbm>>) dst(%arg7 : memref<6x128xi32, #tpu.memory_space<vmem>>)
        tpu.yield
      }) : () -> ()
      %dma_wait3A_557 = arith.constant 0 : i32
      %dma_wait3A_558 = arith.constant 0 : i32
      %dma_wait3A_559 = tpu.memref_slice %arg7[%dma_wait3A_557, %dma_wait3A_558] : memref<6x128xi32, #tpu.memory_space<vmem>> -> memref<1x128xi32, #tpu.memory_space<vmem>>
      %dma_wait3A_560 = tpu.memref_squeeze %dma_wait3A_559 : memref<1x128xi32, #tpu.memory_space<vmem>> -> memref<128xi32, #tpu.memory_space<vmem>>
      %dma_wait3A_561 = arith.constant 0 : i32
      %dma_wait3A_562 = arith.constant 0 : i32
      %dma_wait3A_563 = tpu.memref_slice %arg13[%dma_wait3A_561, %dma_wait3A_562] : memref<10000x64xf32, #tpu.memory_space<vmem_shared>> -> memref<10000x64xf32, #tpu.memory_space<vmem_shared>>
      tpu.wait_indirect_dma semaphore(%arg20 : memref<!tpu.dma_semaphore, #tpu.memory_space<semaphore_mem>>) src(%arg11 : memref<128x64xf32, #tpu.memory_space<vmem>>) dst(%dma_wait3A_563 : memref<10000x64xf32, #tpu.memory_space<vmem_shared>>)
      %dma_start3A_564 = arith.constant 4 : i32
      %dma_start3A_565 = arith.constant 0 : i32
      %dma_start3A_566 = tpu.memref_slice %arg6[%dma_start3A_564, %dma_start3A_565] : memref<6x128xi32, #tpu.memory_space<vmem>> -> memref<1x128xi32, #tpu.memory_space<vmem>>
      %dma_start3A_567 = tpu.memref_squeeze %dma_start3A_566 : memref<1x128xi32, #tpu.memory_space<vmem>> -> memref<128xi32, #tpu.memory_space<vmem>>
      %dma_start3A_568 = arith.constant 0 : i32
      %dma_start3A_569 = arith.constant 0 : i32
      %dma_start3A_570 = tpu.memref_slice %arg2[%dma_start3A_568, %dma_start3A_569] : memref<10000x64xf32, #tpu.memory_space<hbm>> -> memref<10000x64xf32, #tpu.memory_space<hbm>>
      tpu.enqueue_indirect_dma source(%dma_start3A_570 : memref<10000x64xf32, #tpu.memory_space<hbm>>) target(%arg11 : memref<128x64xf32, #tpu.memory_space<vmem>>) offsets(%dma_start3A_567 : memref<128xi32, #tpu.memory_space<vmem>>) semaphore(%arg16 : memref<!tpu.dma_semaphore, #tpu.memory_space<semaphore_mem>>)
      %dma_wait3A_571 = arith.constant 0 : i32
      %dma_wait3A_572 = arith.constant 0 : i32
      %dma_wait3A_573 = tpu.memref_slice %arg5[%dma_wait3A_571, %dma_wait3A_572] : memref<6x128xi32, #tpu.memory_space<vmem>> -> memref<1x128xi32, #tpu.memory_space<vmem>>
      %dma_wait3A_574 = tpu.memref_squeeze %dma_wait3A_573 : memref<1x128xi32, #tpu.memory_space<vmem>> -> memref<128xi32, #tpu.memory_space<vmem>>
      %dma_wait3A_575 = arith.constant 0 : i32
      %dma_wait3A_576 = arith.constant 0 : i32
      %dma_wait3A_577 = tpu.memref_slice %arg2[%dma_wait3A_575, %dma_wait3A_576] : memref<10000x64xf32, #tpu.memory_space<hbm>> -> memref<10000x64xf32, #tpu.memory_space<hbm>>
      tpu.wait_indirect_dma semaphore(%arg15 : memref<!tpu.dma_semaphore, #tpu.memory_space<semaphore_mem>>) src(%dma_wait3A_577 : memref<10000x64xf32, #tpu.memory_space<hbm>>) dst(%arg10 : memref<128x64xf32, #tpu.memory_space<vmem>>)
      %dma_start3A_578 = arith.constant 3 : i32
      %dma_start3A_579 = arith.constant 0 : i32
      %dma_start3A_580 = tpu.memref_slice %arg8[%dma_start3A_578, %dma_start3A_579] : memref<6x128xi32, #tpu.memory_space<vmem>> -> memref<1x128xi32, #tpu.memory_space<vmem>>
      %dma_start3A_581 = tpu.memref_squeeze %dma_start3A_580 : memref<1x128xi32, #tpu.memory_space<vmem>> -> memref<128xi32, #tpu.memory_space<vmem>>
      %dma_start3A_582 = arith.constant 0 : i32
      %dma_start3A_583 = arith.constant 0 : i32
      %dma_start3A_584 = tpu.memref_slice %arg13[%dma_start3A_582, %dma_start3A_583] : memref<10000x64xf32, #tpu.memory_space<vmem_shared>> -> memref<10000x64xf32, #tpu.memory_space<vmem_shared>>
      tpu.enqueue_indirect_dma source(%arg10 : memref<128x64xf32, #tpu.memory_space<vmem>>) target(%dma_start3A_584 : memref<10000x64xf32, #tpu.memory_space<vmem_shared>>) offsets(%dma_start3A_581 : memref<128xi32, #tpu.memory_space<vmem>>) semaphore(%arg19 : memref<!tpu.dma_semaphore, #tpu.memory_space<semaphore_mem>>) {add = true}
      %dma_wait3A_585 = arith.constant 0 : i32
      %dma_wait3A_586 = arith.constant 0 : i32
      %dma_wait3A_587 = tpu.memref_slice %arg7[%dma_wait3A_585, %dma_wait3A_586] : memref<6x128xi32, #tpu.memory_space<vmem>> -> memref<1x128xi32, #tpu.memory_space<vmem>>
      %dma_wait3A_588 = tpu.memref_squeeze %dma_wait3A_587 : memref<1x128xi32, #tpu.memory_space<vmem>> -> memref<128xi32, #tpu.memory_space<vmem>>
      %dma_wait3A_589 = arith.constant 0 : i32
      %dma_wait3A_590 = arith.constant 0 : i32
      %dma_wait3A_591 = tpu.memref_slice %arg13[%dma_wait3A_589, %dma_wait3A_590] : memref<10000x64xf32, #tpu.memory_space<vmem_shared>> -> memref<10000x64xf32, #tpu.memory_space<vmem_shared>>
      tpu.wait_indirect_dma semaphore(%arg21 : memref<!tpu.dma_semaphore, #tpu.memory_space<semaphore_mem>>) src(%arg12 : memref<128x64xf32, #tpu.memory_space<vmem>>) dst(%dma_wait3A_591 : memref<10000x64xf32, #tpu.memory_space<vmem_shared>>)
      %dma_start3A_592 = arith.constant 5 : i32
      %dma_start3A_593 = arith.constant 0 : i32
      %dma_start3A_594 = tpu.memref_slice %arg6[%dma_start3A_592, %dma_start3A_593] : memref<6x128xi32, #tpu.memory_space<vmem>> -> memref<1x128xi32, #tpu.memory_space<vmem>>
      %dma_start3A_595 = tpu.memref_squeeze %dma_start3A_594 : memref<1x128xi32, #tpu.memory_space<vmem>> -> memref<128xi32, #tpu.memory_space<vmem>>
      %dma_start3A_596 = arith.constant 0 : i32
      %dma_start3A_597 = arith.constant 0 : i32
      %dma_start3A_598 = tpu.memref_slice %arg2[%dma_start3A_596, %dma_start3A_597] : memref<10000x64xf32, #tpu.memory_space<hbm>> -> memref<10000x64xf32, #tpu.memory_space<hbm>>
      tpu.enqueue_indirect_dma source(%dma_start3A_598 : memref<10000x64xf32, #tpu.memory_space<hbm>>) target(%arg12 : memref<128x64xf32, #tpu.memory_space<vmem>>) offsets(%dma_start3A_595 : memref<128xi32, #tpu.memory_space<vmem>>) semaphore(%arg17 : memref<!tpu.dma_semaphore, #tpu.memory_space<semaphore_mem>>)
      %dma_wait3A_599 = arith.constant 0 : i32
      %dma_wait3A_600 = arith.constant 0 : i32
      %dma_wait3A_601 = tpu.memref_slice %arg5[%dma_wait3A_599, %dma_wait3A_600] : memref<6x128xi32, #tpu.memory_space<vmem>> -> memref<1x128xi32, #tpu.memory_space<vmem>>
      %dma_wait3A_602 = tpu.memref_squeeze %dma_wait3A_601 : memref<1x128xi32, #tpu.memory_space<vmem>> -> memref<128xi32, #tpu.memory_space<vmem>>
      %dma_wait3A_603 = arith.constant 0 : i32
      %dma_wait3A_604 = arith.constant 0 : i32
      %dma_wait3A_605 = tpu.memref_slice %arg2[%dma_wait3A_603, %dma_wait3A_604] : memref<10000x64xf32, #tpu.memory_space<hbm>> -> memref<10000x64xf32, #tpu.memory_space<hbm>>
      tpu.wait_indirect_dma semaphore(%arg16 : memref<!tpu.dma_semaphore, #tpu.memory_space<semaphore_mem>>) src(%dma_wait3A_605 : memref<10000x64xf32, #tpu.memory_space<hbm>>) dst(%arg11 : memref<128x64xf32, #tpu.memory_space<vmem>>)
      %dma_start3A_606 = arith.constant 4 : i32
      %dma_start3A_607 = arith.constant 0 : i32
      %dma_start3A_608 = tpu.memref_slice %arg8[%dma_start3A_606, %dma_start3A_607] : memref<6x128xi32, #tpu.memory_space<vmem>> -> memref<1x128xi32, #tpu.memory_space<vmem>>
      %dma_start3A_609 = tpu.memref_squeeze %dma_start3A_608 : memref<1x128xi32, #tpu.memory_space<vmem>> -> memref<128xi32, #tpu.memory_space<vmem>>
      %dma_start3A_610 = arith.constant 0 : i32
      %dma_start3A_611 = arith.constant 0 : i32
      %dma_start3A_612 = tpu.memref_slice %arg13[%dma_start3A_610, %dma_start3A_611] : memref<10000x64xf32, #tpu.memory_space<vmem_shared>> -> memref<10000x64xf32, #tpu.memory_space<vmem_shared>>
      tpu.enqueue_indirect_dma source(%arg11 : memref<128x64xf32, #tpu.memory_space<vmem>>) target(%dma_start3A_612 : memref<10000x64xf32, #tpu.memory_space<vmem_shared>>) offsets(%dma_start3A_609 : memref<128xi32, #tpu.memory_space<vmem>>) semaphore(%arg20 : memref<!tpu.dma_semaphore, #tpu.memory_space<semaphore_mem>>) {add = true}
      %dma_wait3A_613 = arith.constant 0 : i32
      %dma_wait3A_614 = arith.constant 0 : i32
      %dma_wait3A_615 = tpu.memref_slice %arg7[%dma_wait3A_613, %dma_wait3A_614] : memref<6x128xi32, #tpu.memory_space<vmem>> -> memref<1x128xi32, #tpu.memory_space<vmem>>
      %dma_wait3A_616 = tpu.memref_squeeze %dma_wait3A_615 : memref<1x128xi32, #tpu.memory_space<vmem>> -> memref<128xi32, #tpu.memory_space<vmem>>
      %dma_wait3A_617 = arith.constant 0 : i32
      %dma_wait3A_618 = arith.constant 0 : i32
      %dma_wait3A_619 = tpu.memref_slice %arg13[%dma_wait3A_617, %dma_wait3A_618] : memref<10000x64xf32, #tpu.memory_space<vmem_shared>> -> memref<10000x64xf32, #tpu.memory_space<vmem_shared>>
      tpu.wait_indirect_dma semaphore(%arg18 : memref<!tpu.dma_semaphore, #tpu.memory_space<semaphore_mem>>) src(%arg9 : memref<128x64xf32, #tpu.memory_space<vmem>>) dst(%dma_wait3A_619 : memref<10000x64xf32, #tpu.memory_space<vmem_shared>>)
      %dma_start3A_620 = arith.constant 0 : i32
      %dma_start3A_621 = arith.constant 0 : i32
      %dma_start3A_622 = tpu.memref_slice %arg5[%dma_start3A_620, %dma_start3A_621] : memref<6x128xi32, #tpu.memory_space<vmem>> -> memref<1x128xi32, #tpu.memory_space<vmem>>
      %dma_start3A_623 = tpu.memref_squeeze %dma_start3A_622 : memref<1x128xi32, #tpu.memory_space<vmem>> -> memref<128xi32, #tpu.memory_space<vmem>>
      %dma_start3A_624 = arith.constant 0 : i32
      %dma_start3A_625 = arith.constant 0 : i32
      %dma_start3A_626 = tpu.memref_slice %arg2[%dma_start3A_624, %dma_start3A_625] : memref<10000x64xf32, #tpu.memory_space<hbm>> -> memref<10000x64xf32, #tpu.memory_space<hbm>>
      tpu.enqueue_indirect_dma source(%dma_start3A_626 : memref<10000x64xf32, #tpu.memory_space<hbm>>) target(%arg9 : memref<128x64xf32, #tpu.memory_space<vmem>>) offsets(%dma_start3A_623 : memref<128xi32, #tpu.memory_space<vmem>>) semaphore(%arg14 : memref<!tpu.dma_semaphore, #tpu.memory_space<semaphore_mem>>)
      %dma_wait3A_627 = arith.constant 0 : i32
      %dma_wait3A_628 = arith.constant 0 : i32
      %dma_wait3A_629 = tpu.memref_slice %arg5[%dma_wait3A_627, %dma_wait3A_628] : memref<6x128xi32, #tpu.memory_space<vmem>> -> memref<1x128xi32, #tpu.memory_space<vmem>>
      %dma_wait3A_630 = tpu.memref_squeeze %dma_wait3A_629 : memref<1x128xi32, #tpu.memory_space<vmem>> -> memref<128xi32, #tpu.memory_space<vmem>>
      %dma_wait3A_631 = arith.constant 0 : i32
      %dma_wait3A_632 = arith.constant 0 : i32
      %dma_wait3A_633 = tpu.memref_slice %arg2[%dma_wait3A_631, %dma_wait3A_632] : memref<10000x64xf32, #tpu.memory_space<hbm>> -> memref<10000x64xf32, #tpu.memory_space<hbm>>
      tpu.wait_indirect_dma semaphore(%arg17 : memref<!tpu.dma_semaphore, #tpu.memory_space<semaphore_mem>>) src(%dma_wait3A_633 : memref<10000x64xf32, #tpu.memory_space<hbm>>) dst(%arg12 : memref<128x64xf32, #tpu.memory_space<vmem>>)
      %dma_start3A_634 = arith.constant 5 : i32
      %dma_start3A_635 = arith.constant 0 : i32
      %dma_start3A_636 = tpu.memref_slice %arg8[%dma_start3A_634, %dma_start3A_635] : memref<6x128xi32, #tpu.memory_space<vmem>> -> memref<1x128xi32, #tpu.memory_space<vmem>>
      %dma_start3A_637 = tpu.memref_squeeze %dma_start3A_636 : memref<1x128xi32, #tpu.memory_space<vmem>> -> memref<128xi32, #tpu.memory_space<vmem>>
      %dma_start3A_638 = arith.constant 0 : i32
      %dma_start3A_639 = arith.constant 0 : i32
      %dma_start3A_640 = tpu.memref_slice %arg13[%dma_start3A_638, %dma_start3A_639] : memref<10000x64xf32, #tpu.memory_space<vmem_shared>> -> memref<10000x64xf32, #tpu.memory_space<vmem_shared>>
      tpu.enqueue_indirect_dma source(%arg12 : memref<128x64xf32, #tpu.memory_space<vmem>>) target(%dma_start3A_640 : memref<10000x64xf32, #tpu.memory_space<vmem_shared>>) offsets(%dma_start3A_637 : memref<128xi32, #tpu.memory_space<vmem>>) semaphore(%arg21 : memref<!tpu.dma_semaphore, #tpu.memory_space<semaphore_mem>>) {add = true}
    }
    %scan3A_87 = arith.constant 6 : i32
    %dma_wait3A = arith.constant 0 : i32
    %dma_wait3A_88 = arith.constant 0 : i32
    %dma_wait3A_89 = tpu.memref_slice %arg7[%dma_wait3A, %dma_wait3A_88] : memref<6x128xi32, #tpu.memory_space<vmem>> -> memref<1x128xi32, #tpu.memory_space<vmem>>
    %dma_wait3A_90 = tpu.memref_squeeze %dma_wait3A_89 : memref<1x128xi32, #tpu.memory_space<vmem>> -> memref<128xi32, #tpu.memory_space<vmem>>
    %dma_wait3A_91 = arith.constant 0 : i32
    %dma_wait3A_92 = arith.constant 0 : i32
    %dma_wait3A_93 = tpu.memref_slice %arg13[%dma_wait3A_91, %dma_wait3A_92] : memref<10000x64xf32, #tpu.memory_space<vmem_shared>> -> memref<10000x64xf32, #tpu.memory_space<vmem_shared>>
    tpu.wait_indirect_dma semaphore(%arg19 : memref<!tpu.dma_semaphore, #tpu.memory_space<semaphore_mem>>) src(%arg10 : memref<128x64xf32, #tpu.memory_space<vmem>>) dst(%dma_wait3A_93 : memref<10000x64xf32, #tpu.memory_space<vmem_shared>>)
    %dma_start3A_94 = arith.constant 1 : i32
    %dma_start3A_95 = arith.constant 0 : i32
    %dma_start3A_96 = tpu.memref_slice %arg5[%dma_start3A_94, %dma_start3A_95] : memref<6x128xi32, #tpu.memory_space<vmem>> -> memref<1x128xi32, #tpu.memory_space<vmem>>
    %dma_start3A_97 = tpu.memref_squeeze %dma_start3A_96 : memref<1x128xi32, #tpu.memory_space<vmem>> -> memref<128xi32, #tpu.memory_space<vmem>>
    %dma_start3A_98 = arith.constant 0 : i32
    %dma_start3A_99 = arith.constant 0 : i32
    %dma_start3A_100 = tpu.memref_slice %arg2[%dma_start3A_98, %dma_start3A_99] : memref<10000x64xf32, #tpu.memory_space<hbm>> -> memref<10000x64xf32, #tpu.memory_space<hbm>>
    tpu.enqueue_indirect_dma source(%dma_start3A_100 : memref<10000x64xf32, #tpu.memory_space<hbm>>) target(%arg10 : memref<128x64xf32, #tpu.memory_space<vmem>>) offsets(%dma_start3A_97 : memref<128xi32, #tpu.memory_space<vmem>>) semaphore(%arg15 : memref<!tpu.dma_semaphore, #tpu.memory_space<semaphore_mem>>)
    %dma_wait3A_101 = arith.constant 0 : i32
    %dma_wait3A_102 = arith.constant 0 : i32
    %dma_wait3A_103 = tpu.memref_slice %arg5[%dma_wait3A_101, %dma_wait3A_102] : memref<6x128xi32, #tpu.memory_space<vmem>> -> memref<1x128xi32, #tpu.memory_space<vmem>>
    %dma_wait3A_104 = tpu.memref_squeeze %dma_wait3A_103 : memref<1x128xi32, #tpu.memory_space<vmem>> -> memref<128xi32, #tpu.memory_space<vmem>>
    %dma_wait3A_105 = arith.constant 0 : i32
    %dma_wait3A_106 = arith.constant 0 : i32
    %dma_wait3A_107 = tpu.memref_slice %arg2[%dma_wait3A_105, %dma_wait3A_106] : memref<10000x64xf32, #tpu.memory_space<hbm>> -> memref<10000x64xf32, #tpu.memory_space<hbm>>
    tpu.wait_indirect_dma semaphore(%arg14 : memref<!tpu.dma_semaphore, #tpu.memory_space<semaphore_mem>>) src(%dma_wait3A_107 : memref<10000x64xf32, #tpu.memory_space<hbm>>) dst(%arg9 : memref<128x64xf32, #tpu.memory_space<vmem>>)
    %dma_start3A_108 = arith.constant 0 : i32
    %dma_start3A_109 = arith.constant 0 : i32
    %dma_start3A_110 = tpu.memref_slice %arg7[%dma_start3A_108, %dma_start3A_109] : memref<6x128xi32, #tpu.memory_space<vmem>> -> memref<1x128xi32, #tpu.memory_space<vmem>>
    %dma_start3A_111 = tpu.memref_squeeze %dma_start3A_110 : memref<1x128xi32, #tpu.memory_space<vmem>> -> memref<128xi32, #tpu.memory_space<vmem>>
    %dma_start3A_112 = arith.constant 0 : i32
    %dma_start3A_113 = arith.constant 0 : i32
    %dma_start3A_114 = tpu.memref_slice %arg13[%dma_start3A_112, %dma_start3A_113] : memref<10000x64xf32, #tpu.memory_space<vmem_shared>> -> memref<10000x64xf32, #tpu.memory_space<vmem_shared>>
    tpu.enqueue_indirect_dma source(%arg9 : memref<128x64xf32, #tpu.memory_space<vmem>>) target(%dma_start3A_114 : memref<10000x64xf32, #tpu.memory_space<vmem_shared>>) offsets(%dma_start3A_111 : memref<128xi32, #tpu.memory_space<vmem>>) semaphore(%arg18 : memref<!tpu.dma_semaphore, #tpu.memory_space<semaphore_mem>>) {add = true}
    %dma_wait3A_115 = arith.constant 0 : i32
    %dma_wait3A_116 = arith.constant 0 : i32
    %dma_wait3A_117 = tpu.memref_slice %arg7[%dma_wait3A_115, %dma_wait3A_116] : memref<6x128xi32, #tpu.memory_space<vmem>> -> memref<1x128xi32, #tpu.memory_space<vmem>>
    %dma_wait3A_118 = tpu.memref_squeeze %dma_wait3A_117 : memref<1x128xi32, #tpu.memory_space<vmem>> -> memref<128xi32, #tpu.memory_space<vmem>>
    %dma_wait3A_119 = arith.constant 0 : i32
    %dma_wait3A_120 = arith.constant 0 : i32
    %dma_wait3A_121 = tpu.memref_slice %arg13[%dma_wait3A_119, %dma_wait3A_120] : memref<10000x64xf32, #tpu.memory_space<vmem_shared>> -> memref<10000x64xf32, #tpu.memory_space<vmem_shared>>
    tpu.wait_indirect_dma semaphore(%arg20 : memref<!tpu.dma_semaphore, #tpu.memory_space<semaphore_mem>>) src(%arg11 : memref<128x64xf32, #tpu.memory_space<vmem>>) dst(%dma_wait3A_121 : memref<10000x64xf32, #tpu.memory_space<vmem_shared>>)
    %dma_start3A_122 = arith.constant 2 : i32
    %dma_start3A_123 = arith.constant 0 : i32
    %dma_start3A_124 = tpu.memref_slice %arg5[%dma_start3A_122, %dma_start3A_123] : memref<6x128xi32, #tpu.memory_space<vmem>> -> memref<1x128xi32, #tpu.memory_space<vmem>>
    %dma_start3A_125 = tpu.memref_squeeze %dma_start3A_124 : memref<1x128xi32, #tpu.memory_space<vmem>> -> memref<128xi32, #tpu.memory_space<vmem>>
    %dma_start3A_126 = arith.constant 0 : i32
    %dma_start3A_127 = arith.constant 0 : i32
    %dma_start3A_128 = tpu.memref_slice %arg2[%dma_start3A_126, %dma_start3A_127] : memref<10000x64xf32, #tpu.memory_space<hbm>> -> memref<10000x64xf32, #tpu.memory_space<hbm>>
    tpu.enqueue_indirect_dma source(%dma_start3A_128 : memref<10000x64xf32, #tpu.memory_space<hbm>>) target(%arg11 : memref<128x64xf32, #tpu.memory_space<vmem>>) offsets(%dma_start3A_125 : memref<128xi32, #tpu.memory_space<vmem>>) semaphore(%arg16 : memref<!tpu.dma_semaphore, #tpu.memory_space<semaphore_mem>>)
    %dma_wait3A_129 = arith.constant 0 : i32
    %dma_wait3A_130 = arith.constant 0 : i32
    %dma_wait3A_131 = tpu.memref_slice %arg5[%dma_wait3A_129, %dma_wait3A_130] : memref<6x128xi32, #tpu.memory_space<vmem>> -> memref<1x128xi32, #tpu.memory_space<vmem>>
    %dma_wait3A_132 = tpu.memref_squeeze %dma_wait3A_131 : memref<1x128xi32, #tpu.memory_space<vmem>> -> memref<128xi32, #tpu.memory_space<vmem>>
    %dma_wait3A_133 = arith.constant 0 : i32
    %dma_wait3A_134 = arith.constant 0 : i32
    %dma_wait3A_135 = tpu.memref_slice %arg2[%dma_wait3A_133, %dma_wait3A_134] : memref<10000x64xf32, #tpu.memory_space<hbm>> -> memref<10000x64xf32, #tpu.memory_space<hbm>>
    tpu.wait_indirect_dma semaphore(%arg15 : memref<!tpu.dma_semaphore, #tpu.memory_space<semaphore_mem>>) src(%dma_wait3A_135 : memref<10000x64xf32, #tpu.memory_space<hbm>>) dst(%arg10 : memref<128x64xf32, #tpu.memory_space<vmem>>)
    %dma_start3A_136 = arith.constant 1 : i32
    %dma_start3A_137 = arith.constant 0 : i32
    %dma_start3A_138 = tpu.memref_slice %arg7[%dma_start3A_136, %dma_start3A_137] : memref<6x128xi32, #tpu.memory_space<vmem>> -> memref<1x128xi32, #tpu.memory_space<vmem>>
    %dma_start3A_139 = tpu.memref_squeeze %dma_start3A_138 : memref<1x128xi32, #tpu.memory_space<vmem>> -> memref<128xi32, #tpu.memory_space<vmem>>
    %dma_start3A_140 = arith.constant 0 : i32
    %dma_start3A_141 = arith.constant 0 : i32
    %dma_start3A_142 = tpu.memref_slice %arg13[%dma_start3A_140, %dma_start3A_141] : memref<10000x64xf32, #tpu.memory_space<vmem_shared>> -> memref<10000x64xf32, #tpu.memory_space<vmem_shared>>
    tpu.enqueue_indirect_dma source(%arg10 : memref<128x64xf32, #tpu.memory_space<vmem>>) target(%dma_start3A_142 : memref<10000x64xf32, #tpu.memory_space<vmem_shared>>) offsets(%dma_start3A_139 : memref<128xi32, #tpu.memory_space<vmem>>) semaphore(%arg19 : memref<!tpu.dma_semaphore, #tpu.memory_space<semaphore_mem>>) {add = true}
    %dma_wait3A_143 = arith.constant 0 : i32
    %dma_wait3A_144 = arith.constant 0 : i32
    %dma_wait3A_145 = tpu.memref_slice %arg7[%dma_wait3A_143, %dma_wait3A_144] : memref<6x128xi32, #tpu.memory_space<vmem>> -> memref<1x128xi32, #tpu.memory_space<vmem>>
    %dma_wait3A_146 = tpu.memref_squeeze %dma_wait3A_145 : memref<1x128xi32, #tpu.memory_space<vmem>> -> memref<128xi32, #tpu.memory_space<vmem>>
    %dma_wait3A_147 = arith.constant 0 : i32
    %dma_wait3A_148 = arith.constant 0 : i32
    %dma_wait3A_149 = tpu.memref_slice %arg13[%dma_wait3A_147, %dma_wait3A_148] : memref<10000x64xf32, #tpu.memory_space<vmem_shared>> -> memref<10000x64xf32, #tpu.memory_space<vmem_shared>>
    tpu.wait_indirect_dma semaphore(%arg21 : memref<!tpu.dma_semaphore, #tpu.memory_space<semaphore_mem>>) src(%arg12 : memref<128x64xf32, #tpu.memory_space<vmem>>) dst(%dma_wait3A_149 : memref<10000x64xf32, #tpu.memory_space<vmem_shared>>)
    %dma_start3A_150 = arith.constant 3 : i32
    %dma_start3A_151 = arith.constant 0 : i32
    %dma_start3A_152 = tpu.memref_slice %arg5[%dma_start3A_150, %dma_start3A_151] : memref<6x128xi32, #tpu.memory_space<vmem>> -> memref<1x128xi32, #tpu.memory_space<vmem>>
    %dma_start3A_153 = tpu.memref_squeeze %dma_start3A_152 : memref<1x128xi32, #tpu.memory_space<vmem>> -> memref<128xi32, #tpu.memory_space<vmem>>
    %dma_start3A_154 = arith.constant 0 : i32
    %dma_start3A_155 = arith.constant 0 : i32
    %dma_start3A_156 = tpu.memref_slice %arg2[%dma_start3A_154, %dma_start3A_155] : memref<10000x64xf32, #tpu.memory_space<hbm>> -> memref<10000x64xf32, #tpu.memory_space<hbm>>
    tpu.enqueue_indirect_dma source(%dma_start3A_156 : memref<10000x64xf32, #tpu.memory_space<hbm>>) target(%arg12 : memref<128x64xf32, #tpu.memory_space<vmem>>) offsets(%dma_start3A_153 : memref<128xi32, #tpu.memory_space<vmem>>) semaphore(%arg17 : memref<!tpu.dma_semaphore, #tpu.memory_space<semaphore_mem>>)
    %dma_wait3A_157 = arith.constant 0 : i32
    %dma_wait3A_158 = arith.constant 0 : i32
    %dma_wait3A_159 = tpu.memref_slice %arg5[%dma_wait3A_157, %dma_wait3A_158] : memref<6x128xi32, #tpu.memory_space<vmem>> -> memref<1x128xi32, #tpu.memory_space<vmem>>
    %dma_wait3A_160 = tpu.memref_squeeze %dma_wait3A_159 : memref<1x128xi32, #tpu.memory_space<vmem>> -> memref<128xi32, #tpu.memory_space<vmem>>
    %dma_wait3A_161 = arith.constant 0 : i32
    %dma_wait3A_162 = arith.constant 0 : i32
    %dma_wait3A_163 = tpu.memref_slice %arg2[%dma_wait3A_161, %dma_wait3A_162] : memref<10000x64xf32, #tpu.memory_space<hbm>> -> memref<10000x64xf32, #tpu.memory_space<hbm>>
    tpu.wait_indirect_dma semaphore(%arg16 : memref<!tpu.dma_semaphore, #tpu.memory_space<semaphore_mem>>) src(%dma_wait3A_163 : memref<10000x64xf32, #tpu.memory_space<hbm>>) dst(%arg11 : memref<128x64xf32, #tpu.memory_space<vmem>>)
    %dma_start3A_164 = arith.constant 2 : i32
    %dma_start3A_165 = arith.constant 0 : i32
    %dma_start3A_166 = tpu.memref_slice %arg7[%dma_start3A_164, %dma_start3A_165] : memref<6x128xi32, #tpu.memory_space<vmem>> -> memref<1x128xi32, #tpu.memory_space<vmem>>
    %dma_start3A_167 = tpu.memref_squeeze %dma_start3A_166 : memref<1x128xi32, #tpu.memory_space<vmem>> -> memref<128xi32, #tpu.memory_space<vmem>>
    %dma_start3A_168 = arith.constant 0 : i32
    %dma_start3A_169 = arith.constant 0 : i32
    %dma_start3A_170 = tpu.memref_slice %arg13[%dma_start3A_168, %dma_start3A_169] : memref<10000x64xf32, #tpu.memory_space<vmem_shared>> -> memref<10000x64xf32, #tpu.memory_space<vmem_shared>>
    tpu.enqueue_indirect_dma source(%arg11 : memref<128x64xf32, #tpu.memory_space<vmem>>) target(%dma_start3A_170 : memref<10000x64xf32, #tpu.memory_space<vmem_shared>>) offsets(%dma_start3A_167 : memref<128xi32, #tpu.memory_space<vmem>>) semaphore(%arg20 : memref<!tpu.dma_semaphore, #tpu.memory_space<semaphore_mem>>) {add = true}
    %dma_wait3A_171 = arith.constant 0 : i32
    %dma_wait3A_172 = arith.constant 0 : i32
    %dma_wait3A_173 = tpu.memref_slice %arg7[%dma_wait3A_171, %dma_wait3A_172] : memref<6x128xi32, #tpu.memory_space<vmem>> -> memref<1x128xi32, #tpu.memory_space<vmem>>
    %dma_wait3A_174 = tpu.memref_squeeze %dma_wait3A_173 : memref<1x128xi32, #tpu.memory_space<vmem>> -> memref<128xi32, #tpu.memory_space<vmem>>
    %dma_wait3A_175 = arith.constant 0 : i32
    %dma_wait3A_176 = arith.constant 0 : i32
    %dma_wait3A_177 = tpu.memref_slice %arg13[%dma_wait3A_175, %dma_wait3A_176] : memref<10000x64xf32, #tpu.memory_space<vmem_shared>> -> memref<10000x64xf32, #tpu.memory_space<vmem_shared>>
    tpu.wait_indirect_dma semaphore(%arg18 : memref<!tpu.dma_semaphore, #tpu.memory_space<semaphore_mem>>) src(%arg9 : memref<128x64xf32, #tpu.memory_space<vmem>>) dst(%dma_wait3A_177 : memref<10000x64xf32, #tpu.memory_space<vmem_shared>>)
    %dma_start3A_178 = arith.constant 4 : i32
    %dma_start3A_179 = arith.constant 0 : i32
    %dma_start3A_180 = tpu.memref_slice %arg5[%dma_start3A_178, %dma_start3A_179] : memref<6x128xi32, #tpu.memory_space<vmem>> -> memref<1x128xi32, #tpu.memory_space<vmem>>
    %dma_start3A_181 = tpu.memref_squeeze %dma_start3A_180 : memref<1x128xi32, #tpu.memory_space<vmem>> -> memref<128xi32, #tpu.memory_space<vmem>>
    %dma_start3A_182 = arith.constant 0 : i32
    %dma_start3A_183 = arith.constant 0 : i32
    %dma_start3A_184 = tpu.memref_slice %arg2[%dma_start3A_182, %dma_start3A_183] : memref<10000x64xf32, #tpu.memory_space<hbm>> -> memref<10000x64xf32, #tpu.memory_space<hbm>>
    tpu.enqueue_indirect_dma source(%dma_start3A_184 : memref<10000x64xf32, #tpu.memory_space<hbm>>) target(%arg9 : memref<128x64xf32, #tpu.memory_space<vmem>>) offsets(%dma_start3A_181 : memref<128xi32, #tpu.memory_space<vmem>>) semaphore(%arg14 : memref<!tpu.dma_semaphore, #tpu.memory_space<semaphore_mem>>)
    %dma_wait3A_185 = arith.constant 0 : i32
    %dma_wait3A_186 = arith.constant 0 : i32
    %dma_wait3A_187 = tpu.memref_slice %arg5[%dma_wait3A_185, %dma_wait3A_186] : memref<6x128xi32, #tpu.memory_space<vmem>> -> memref<1x128xi32, #tpu.memory_space<vmem>>
    %dma_wait3A_188 = tpu.memref_squeeze %dma_wait3A_187 : memref<1x128xi32, #tpu.memory_space<vmem>> -> memref<128xi32, #tpu.memory_space<vmem>>
    %dma_wait3A_189 = arith.constant 0 : i32
    %dma_wait3A_190 = arith.constant 0 : i32
    %dma_wait3A_191 = tpu.memref_slice %arg2[%dma_wait3A_189, %dma_wait3A_190] : memref<10000x64xf32, #tpu.memory_space<hbm>> -> memref<10000x64xf32, #tpu.memory_space<hbm>>
    tpu.wait_indirect_dma semaphore(%arg17 : memref<!tpu.dma_semaphore, #tpu.memory_space<semaphore_mem>>) src(%dma_wait3A_191 : memref<10000x64xf32, #tpu.memory_space<hbm>>) dst(%arg12 : memref<128x64xf32, #tpu.memory_space<vmem>>)
    %dma_start3A_192 = arith.constant 3 : i32
    %dma_start3A_193 = arith.constant 0 : i32
    %dma_start3A_194 = tpu.memref_slice %arg7[%dma_start3A_192, %dma_start3A_193] : memref<6x128xi32, #tpu.memory_space<vmem>> -> memref<1x128xi32, #tpu.memory_space<vmem>>
    %dma_start3A_195 = tpu.memref_squeeze %dma_start3A_194 : memref<1x128xi32, #tpu.memory_space<vmem>> -> memref<128xi32, #tpu.memory_space<vmem>>
    %dma_start3A_196 = arith.constant 0 : i32
    %dma_start3A_197 = arith.constant 0 : i32
    %dma_start3A_198 = tpu.memref_slice %arg13[%dma_start3A_196, %dma_start3A_197] : memref<10000x64xf32, #tpu.memory_space<vmem_shared>> -> memref<10000x64xf32, #tpu.memory_space<vmem_shared>>
    tpu.enqueue_indirect_dma source(%arg12 : memref<128x64xf32, #tpu.memory_space<vmem>>) target(%dma_start3A_198 : memref<10000x64xf32, #tpu.memory_space<vmem_shared>>) offsets(%dma_start3A_195 : memref<128xi32, #tpu.memory_space<vmem>>) semaphore(%arg21 : memref<!tpu.dma_semaphore, #tpu.memory_space<semaphore_mem>>) {add = true}
    %dma_wait3A_199 = arith.constant 0 : i32
    %dma_wait3A_200 = arith.constant 0 : i32
    %dma_wait3A_201 = tpu.memref_slice %arg7[%dma_wait3A_199, %dma_wait3A_200] : memref<6x128xi32, #tpu.memory_space<vmem>> -> memref<1x128xi32, #tpu.memory_space<vmem>>
    %dma_wait3A_202 = tpu.memref_squeeze %dma_wait3A_201 : memref<1x128xi32, #tpu.memory_space<vmem>> -> memref<128xi32, #tpu.memory_space<vmem>>
    %dma_wait3A_203 = arith.constant 0 : i32
    %dma_wait3A_204 = arith.constant 0 : i32
    %dma_wait3A_205 = tpu.memref_slice %arg13[%dma_wait3A_203, %dma_wait3A_204] : memref<10000x64xf32, #tpu.memory_space<vmem_shared>> -> memref<10000x64xf32, #tpu.memory_space<vmem_shared>>
    tpu.wait_indirect_dma semaphore(%arg19 : memref<!tpu.dma_semaphore, #tpu.memory_space<semaphore_mem>>) src(%arg10 : memref<128x64xf32, #tpu.memory_space<vmem>>) dst(%dma_wait3A_205 : memref<10000x64xf32, #tpu.memory_space<vmem_shared>>)
    %dma_start3A_206 = arith.constant 5 : i32
    %dma_start3A_207 = arith.constant 0 : i32
    %dma_start3A_208 = tpu.memref_slice %arg5[%dma_start3A_206, %dma_start3A_207] : memref<6x128xi32, #tpu.memory_space<vmem>> -> memref<1x128xi32, #tpu.memory_space<vmem>>
    %dma_start3A_209 = tpu.memref_squeeze %dma_start3A_208 : memref<1x128xi32, #tpu.memory_space<vmem>> -> memref<128xi32, #tpu.memory_space<vmem>>
    %dma_start3A_210 = arith.constant 0 : i32
    %dma_start3A_211 = arith.constant 0 : i32
    %dma_start3A_212 = tpu.memref_slice %arg2[%dma_start3A_210, %dma_start3A_211] : memref<10000x64xf32, #tpu.memory_space<hbm>> -> memref<10000x64xf32, #tpu.memory_space<hbm>>
    tpu.enqueue_indirect_dma source(%dma_start3A_212 : memref<10000x64xf32, #tpu.memory_space<hbm>>) target(%arg10 : memref<128x64xf32, #tpu.memory_space<vmem>>) offsets(%dma_start3A_209 : memref<128xi32, #tpu.memory_space<vmem>>) semaphore(%arg15 : memref<!tpu.dma_semaphore, #tpu.memory_space<semaphore_mem>>)
    %dma_wait3A_213 = arith.constant 0 : i32
    %dma_wait3A_214 = arith.constant 0 : i32
    %dma_wait3A_215 = tpu.memref_slice %arg5[%dma_wait3A_213, %dma_wait3A_214] : memref<6x128xi32, #tpu.memory_space<vmem>> -> memref<1x128xi32, #tpu.memory_space<vmem>>
    %dma_wait3A_216 = tpu.memref_squeeze %dma_wait3A_215 : memref<1x128xi32, #tpu.memory_space<vmem>> -> memref<128xi32, #tpu.memory_space<vmem>>
    %dma_wait3A_217 = arith.constant 0 : i32
    %dma_wait3A_218 = arith.constant 0 : i32
    %dma_wait3A_219 = tpu.memref_slice %arg2[%dma_wait3A_217, %dma_wait3A_218] : memref<10000x64xf32, #tpu.memory_space<hbm>> -> memref<10000x64xf32, #tpu.memory_space<hbm>>
    tpu.wait_indirect_dma semaphore(%arg14 : memref<!tpu.dma_semaphore, #tpu.memory_space<semaphore_mem>>) src(%dma_wait3A_219 : memref<10000x64xf32, #tpu.memory_space<hbm>>) dst(%arg9 : memref<128x64xf32, #tpu.memory_space<vmem>>)
    %dma_start3A_220 = arith.constant 4 : i32
    %dma_start3A_221 = arith.constant 0 : i32
    %dma_start3A_222 = tpu.memref_slice %arg7[%dma_start3A_220, %dma_start3A_221] : memref<6x128xi32, #tpu.memory_space<vmem>> -> memref<1x128xi32, #tpu.memory_space<vmem>>
    %dma_start3A_223 = tpu.memref_squeeze %dma_start3A_222 : memref<1x128xi32, #tpu.memory_space<vmem>> -> memref<128xi32, #tpu.memory_space<vmem>>
    %dma_start3A_224 = arith.constant 0 : i32
    %dma_start3A_225 = arith.constant 0 : i32
    %dma_start3A_226 = tpu.memref_slice %arg13[%dma_start3A_224, %dma_start3A_225] : memref<10000x64xf32, #tpu.memory_space<vmem_shared>> -> memref<10000x64xf32, #tpu.memory_space<vmem_shared>>
    tpu.enqueue_indirect_dma source(%arg9 : memref<128x64xf32, #tpu.memory_space<vmem>>) target(%dma_start3A_226 : memref<10000x64xf32, #tpu.memory_space<vmem_shared>>) offsets(%dma_start3A_223 : memref<128xi32, #tpu.memory_space<vmem>>) semaphore(%arg18 : memref<!tpu.dma_semaphore, #tpu.memory_space<semaphore_mem>>) {add = true}
    %dma_wait3A_227 = arith.constant 0 : i32
    %dma_wait3A_228 = arith.constant 0 : i32
    %dma_wait3A_229 = tpu.memref_slice %arg7[%dma_wait3A_227, %dma_wait3A_228] : memref<6x128xi32, #tpu.memory_space<vmem>> -> memref<1x128xi32, #tpu.memory_space<vmem>>
    %dma_wait3A_230 = tpu.memref_squeeze %dma_wait3A_229 : memref<1x128xi32, #tpu.memory_space<vmem>> -> memref<128xi32, #tpu.memory_space<vmem>>
    %dma_wait3A_231 = arith.constant 0 : i32
    %dma_wait3A_232 = arith.constant 0 : i32
    %dma_wait3A_233 = tpu.memref_slice %arg13[%dma_wait3A_231, %dma_wait3A_232] : memref<10000x64xf32, #tpu.memory_space<vmem_shared>> -> memref<10000x64xf32, #tpu.memory_space<vmem_shared>>
    tpu.wait_indirect_dma semaphore(%arg20 : memref<!tpu.dma_semaphore, #tpu.memory_space<semaphore_mem>>) src(%arg11 : memref<128x64xf32, #tpu.memory_space<vmem>>) dst(%dma_wait3A_233 : memref<10000x64xf32, #tpu.memory_space<vmem_shared>>)
    %dma_wait3A_234 = arith.constant 0 : i32
    %dma_wait3A_235 = arith.constant 0 : i32
    %dma_wait3A_236 = tpu.memref_slice %arg5[%dma_wait3A_234, %dma_wait3A_235] : memref<6x128xi32, #tpu.memory_space<vmem>> -> memref<1x128xi32, #tpu.memory_space<vmem>>
    %dma_wait3A_237 = tpu.memref_squeeze %dma_wait3A_236 : memref<1x128xi32, #tpu.memory_space<vmem>> -> memref<128xi32, #tpu.memory_space<vmem>>
    %dma_wait3A_238 = arith.constant 0 : i32
    %dma_wait3A_239 = arith.constant 0 : i32
    %dma_wait3A_240 = tpu.memref_slice %arg2[%dma_wait3A_238, %dma_wait3A_239] : memref<10000x64xf32, #tpu.memory_space<hbm>> -> memref<10000x64xf32, #tpu.memory_space<hbm>>
    tpu.wait_indirect_dma semaphore(%arg15 : memref<!tpu.dma_semaphore, #tpu.memory_space<semaphore_mem>>) src(%dma_wait3A_240 : memref<10000x64xf32, #tpu.memory_space<hbm>>) dst(%arg10 : memref<128x64xf32, #tpu.memory_space<vmem>>)
    %dma_start3A_241 = arith.constant 5 : i32
    %dma_start3A_242 = arith.constant 0 : i32
    %dma_start3A_243 = tpu.memref_slice %arg7[%dma_start3A_241, %dma_start3A_242] : memref<6x128xi32, #tpu.memory_space<vmem>> -> memref<1x128xi32, #tpu.memory_space<vmem>>
    %dma_start3A_244 = tpu.memref_squeeze %dma_start3A_243 : memref<1x128xi32, #tpu.memory_space<vmem>> -> memref<128xi32, #tpu.memory_space<vmem>>
    %dma_start3A_245 = arith.constant 0 : i32
    %dma_start3A_246 = arith.constant 0 : i32
    %dma_start3A_247 = tpu.memref_slice %arg13[%dma_start3A_245, %dma_start3A_246] : memref<10000x64xf32, #tpu.memory_space<vmem_shared>> -> memref<10000x64xf32, #tpu.memory_space<vmem_shared>>
    tpu.enqueue_indirect_dma source(%arg10 : memref<128x64xf32, #tpu.memory_space<vmem>>) target(%dma_start3A_247 : memref<10000x64xf32, #tpu.memory_space<vmem_shared>>) offsets(%dma_start3A_244 : memref<128xi32, #tpu.memory_space<vmem>>) semaphore(%arg19 : memref<!tpu.dma_semaphore, #tpu.memory_space<semaphore_mem>>) {add = true}
    %dma_wait3A_248 = arith.constant 0 : i32
    %dma_wait3A_249 = arith.constant 0 : i32
    %dma_wait3A_250 = tpu.memref_slice %arg7[%dma_wait3A_248, %dma_wait3A_249] : memref<6x128xi32, #tpu.memory_space<vmem>> -> memref<1x128xi32, #tpu.memory_space<vmem>>
    %dma_wait3A_251 = tpu.memref_squeeze %dma_wait3A_250 : memref<1x128xi32, #tpu.memory_space<vmem>> -> memref<128xi32, #tpu.memory_space<vmem>>
    %dma_wait3A_252 = arith.constant 0 : i32
    %dma_wait3A_253 = arith.constant 0 : i32
    %dma_wait3A_254 = tpu.memref_slice %arg13[%dma_wait3A_252, %dma_wait3A_253] : memref<10000x64xf32, #tpu.memory_space<vmem_shared>> -> memref<10000x64xf32, #tpu.memory_space<vmem_shared>>
    tpu.wait_indirect_dma semaphore(%arg18 : memref<!tpu.dma_semaphore, #tpu.memory_space<semaphore_mem>>) src(%arg9 : memref<128x64xf32, #tpu.memory_space<vmem>>) dst(%dma_wait3A_254 : memref<10000x64xf32, #tpu.memory_space<vmem_shared>>)
    %dma_wait3A_255 = arith.constant 0 : i32
    %dma_wait3A_256 = arith.constant 0 : i32
    %dma_wait3A_257 = tpu.memref_slice %arg7[%dma_wait3A_255, %dma_wait3A_256] : memref<6x128xi32, #tpu.memory_space<vmem>> -> memref<1x128xi32, #tpu.memory_space<vmem>>
    %dma_wait3A_258 = tpu.memref_squeeze %dma_wait3A_257 : memref<1x128xi32, #tpu.memory_space<vmem>> -> memref<128xi32, #tpu.memory_space<vmem>>
    %dma_wait3A_259 = arith.constant 0 : i32
    %dma_wait3A_260 = arith.constant 0 : i32
    %dma_wait3A_261 = tpu.memref_slice %arg13[%dma_wait3A_259, %dma_wait3A_260] : memref<10000x64xf32, #tpu.memory_space<vmem_shared>> -> memref<10000x64xf32, #tpu.memory_space<vmem_shared>>
    tpu.wait_indirect_dma semaphore(%arg19 : memref<!tpu.dma_semaphore, #tpu.memory_space<semaphore_mem>>) src(%arg10 : memref<128x64xf32, #tpu.memory_space<vmem>>) dst(%dma_wait3A_261 : memref<10000x64xf32, #tpu.memory_space<vmem_shared>>)
    %dma_wait3A_262 = arith.constant 0 : i32
    %dma_wait3A_263 = arith.constant 0 : i32
    %dma_wait3A_264 = tpu.memref_slice %arg7[%dma_wait3A_262, %dma_wait3A_263] : memref<6x128xi32, #tpu.memory_space<vmem>> -> memref<1x128xi32, #tpu.memory_space<vmem>>
    %dma_wait3A_265 = tpu.memref_squeeze %dma_wait3A_264 : memref<1x128xi32, #tpu.memory_space<vmem>> -> memref<128xi32, #tpu.memory_space<vmem>>
    %dma_wait3A_266 = arith.constant 0 : i32
    %dma_wait3A_267 = arith.constant 0 : i32
    %dma_wait3A_268 = tpu.memref_slice %arg13[%dma_wait3A_266, %dma_wait3A_267] : memref<10000x64xf32, #tpu.memory_space<vmem_shared>> -> memref<10000x64xf32, #tpu.memory_space<vmem_shared>>
    tpu.wait_indirect_dma semaphore(%arg21 : memref<!tpu.dma_semaphore, #tpu.memory_space<semaphore_mem>>) src(%arg12 : memref<128x64xf32, #tpu.memory_space<vmem>>) dst(%dma_wait3A_268 : memref<10000x64xf32, #tpu.memory_space<vmem_shared>>)
    %convert_element_type3A_269 = arith.extui %lt3A_5 : i1 to i32
    %cond3A_270 = arith.constant 0 : i32
    %cond3A_271 = arith.cmpi ne, %convert_element_type3A_269, %cond3A_270 : i32
    scf.if %cond3A_271 {
      %add3A_280 = arith.constant 78 : i32
      %add3A_281 = arith.addi %add3A_4, %add3A_280 : i32
      %run_scoped3A_282 = arith.constant 0 : i32
      "tpu.region"() ({
        %run_scoped3A_301 = tpu.sem_alloc : memref<!tpu.dma_semaphore, #tpu.memory_space<semaphore_mem>>
        %dma_start3A_302 = arith.constant 0 : i32
        %dma_start3A_303 = arith.constant 0 : i32
        %dma_start3A_304 = tpu.memref_slice %arg6[%dma_start3A_302, %dma_start3A_303] : memref<6x128xi32, #tpu.memory_space<vmem>> -> memref<1x128xi32, #tpu.memory_space<vmem>>
        %dma_start3A_305 = arith.constant 0 : i32
        %dma_start3A_306 = arith.constant 0 : i32
        %dma_start3A_307 = tpu.memref_slice %arg3[%run_scoped3A_282, %dma_start3A_305, %dma_start3A_306] : memref<2x2500x128xi32, #tpu.memory_space<hbm>> -> memref<1x2500x128xi32, #tpu.memory_space<hbm>>
        %dma_start3A_308 = tpu.memref_squeeze %dma_start3A_307 : memref<1x2500x128xi32, #tpu.memory_space<hbm>> -> memref<2500x128xi32, #tpu.memory_space<hbm>>
        %dma_start3A_309 = arith.constant 0 : i32
        %dma_start3A_310 = tpu.memref_slice %dma_start3A_308[%add3A_281, %dma_start3A_309] : memref<2500x128xi32, #tpu.memory_space<hbm>> -> memref<1x128xi32, #tpu.memory_space<hbm>>
        %dma_start3A_311 = arith.constant 0 : i32
        %dma_start3A_312 = arith.constant 0 : i32
        %dma_start3A_313 = tpu.memref_slice %arg6[%dma_start3A_311, %dma_start3A_312] : memref<6x128xi32, #tpu.memory_space<vmem>> -> memref<1x128xi32, #tpu.memory_space<vmem>>
        %dma_start3A_314 = arith.constant 0 : i32
        %dma_start3A_315 = arith.constant 0 : i32
        %dma_start3A_316 = tpu.memref_slice %arg3[%run_scoped3A_282, %dma_start3A_314, %dma_start3A_315] : memref<2x2500x128xi32, #tpu.memory_space<hbm>> -> memref<1x2500x128xi32, #tpu.memory_space<hbm>>
        %dma_start3A_317 = tpu.memref_squeeze %dma_start3A_316 : memref<1x2500x128xi32, #tpu.memory_space<hbm>> -> memref<2500x128xi32, #tpu.memory_space<hbm>>
        %dma_start3A_318 = arith.constant 0 : i32
        %dma_start3A_319 = tpu.memref_slice %dma_start3A_317[%add3A_281, %dma_start3A_318] : memref<2500x128xi32, #tpu.memory_space<hbm>> -> memref<1x128xi32, #tpu.memory_space<hbm>>
        tpu.enqueue_dma source(%dma_start3A_319 : memref<1x128xi32, #tpu.memory_space<hbm>>) target(%dma_start3A_313 : memref<1x128xi32, #tpu.memory_space<vmem>>) target_semaphore(%run_scoped3A_301 : memref<!tpu.dma_semaphore, #tpu.memory_space<semaphore_mem>>)
        %dma_wait3A_320 = arith.constant 0 : i32
        %dma_wait3A_321 = arith.constant 0 : i32
        %dma_wait3A_322 = tpu.memref_slice %arg6[%dma_wait3A_320, %dma_wait3A_321] : memref<6x128xi32, #tpu.memory_space<vmem>> -> memref<1x128xi32, #tpu.memory_space<vmem>>
        %dma_wait3A_323 = arith.constant 0 : i32
        %dma_wait3A_324 = arith.constant 0 : i32
        %dma_wait3A_325 = tpu.memref_slice %arg3[%run_scoped3A_282, %dma_wait3A_323, %dma_wait3A_324] : memref<2x2500x128xi32, #tpu.memory_space<hbm>> -> memref<1x2500x128xi32, #tpu.memory_space<hbm>>
        %dma_wait3A_326 = tpu.memref_squeeze %dma_wait3A_325 : memref<1x2500x128xi32, #tpu.memory_space<hbm>> -> memref<2500x128xi32, #tpu.memory_space<hbm>>
        %dma_wait3A_327 = arith.constant 0 : i32
        %dma_wait3A_328 = tpu.memref_slice %dma_wait3A_326[%add3A_281, %dma_wait3A_327] : memref<2500x128xi32, #tpu.memory_space<hbm>> -> memref<1x128xi32, #tpu.memory_space<hbm>>
        %dma_wait3A_329 = arith.constant 0 : i32
        %dma_wait3A_330 = arith.constant 0 : i32
        %dma_wait3A_331 = tpu.memref_slice %arg6[%dma_wait3A_329, %dma_wait3A_330] : memref<6x128xi32, #tpu.memory_space<vmem>> -> memref<1x128xi32, #tpu.memory_space<vmem>>
        %dma_wait3A_332 = arith.constant 0 : i32
        %dma_wait3A_333 = arith.constant 0 : i32
        %dma_wait3A_334 = tpu.memref_slice %arg3[%run_scoped3A_282, %dma_wait3A_332, %dma_wait3A_333] : memref<2x2500x128xi32, #tpu.memory_space<hbm>> -> memref<1x2500x128xi32, #tpu.memory_space<hbm>>
        %dma_wait3A_335 = tpu.memref_squeeze %dma_wait3A_334 : memref<1x2500x128xi32, #tpu.memory_space<hbm>> -> memref<2500x128xi32, #tpu.memory_space<hbm>>
        %dma_wait3A_336 = arith.constant 0 : i32
        %dma_wait3A_337 = tpu.memref_slice %dma_wait3A_335[%add3A_281, %dma_wait3A_336] : memref<2500x128xi32, #tpu.memory_space<hbm>> -> memref<1x128xi32, #tpu.memory_space<hbm>>
        tpu.wait_dma2 semaphore(%run_scoped3A_301 : memref<!tpu.dma_semaphore, #tpu.memory_space<semaphore_mem>>) src(%dma_wait3A_337 : memref<1x128xi32, #tpu.memory_space<hbm>>) dst(%dma_wait3A_331 : memref<1x128xi32, #tpu.memory_space<vmem>>)
        tpu.yield
      }) : () -> ()
      %add3A_283 = arith.constant 78 : i32
      %add3A_284 = arith.addi %add3A_4, %add3A_283 : i32
      %run_scoped3A_285 = arith.constant 1 : i32
      "tpu.region"() ({
        %run_scoped3A_301 = tpu.sem_alloc : memref<!tpu.dma_semaphore, #tpu.memory_space<semaphore_mem>>
        %dma_start3A_302 = arith.constant 0 : i32
        %dma_start3A_303 = arith.constant 0 : i32
        %dma_start3A_304 = tpu.memref_slice %arg8[%dma_start3A_302, %dma_start3A_303] : memref<6x128xi32, #tpu.memory_space<vmem>> -> memref<1x128xi32, #tpu.memory_space<vmem>>
        %dma_start3A_305 = arith.constant 0 : i32
        %dma_start3A_306 = arith.constant 0 : i32
        %dma_start3A_307 = tpu.memref_slice %arg3[%run_scoped3A_285, %dma_start3A_305, %dma_start3A_306] : memref<2x2500x128xi32, #tpu.memory_space<hbm>> -> memref<1x2500x128xi32, #tpu.memory_space<hbm>>
        %dma_start3A_308 = tpu.memref_squeeze %dma_start3A_307 : memref<1x2500x128xi32, #tpu.memory_space<hbm>> -> memref<2500x128xi32, #tpu.memory_space<hbm>>
        %dma_start3A_309 = arith.constant 0 : i32
        %dma_start3A_310 = tpu.memref_slice %dma_start3A_308[%add3A_284, %dma_start3A_309] : memref<2500x128xi32, #tpu.memory_space<hbm>> -> memref<1x128xi32, #tpu.memory_space<hbm>>
        %dma_start3A_311 = arith.constant 0 : i32
        %dma_start3A_312 = arith.constant 0 : i32
        %dma_start3A_313 = tpu.memref_slice %arg8[%dma_start3A_311, %dma_start3A_312] : memref<6x128xi32, #tpu.memory_space<vmem>> -> memref<1x128xi32, #tpu.memory_space<vmem>>
        %dma_start3A_314 = arith.constant 0 : i32
        %dma_start3A_315 = arith.constant 0 : i32
        %dma_start3A_316 = tpu.memref_slice %arg3[%run_scoped3A_285, %dma_start3A_314, %dma_start3A_315] : memref<2x2500x128xi32, #tpu.memory_space<hbm>> -> memref<1x2500x128xi32, #tpu.memory_space<hbm>>
        %dma_start3A_317 = tpu.memref_squeeze %dma_start3A_316 : memref<1x2500x128xi32, #tpu.memory_space<hbm>> -> memref<2500x128xi32, #tpu.memory_space<hbm>>
        %dma_start3A_318 = arith.constant 0 : i32
        %dma_start3A_319 = tpu.memref_slice %dma_start3A_317[%add3A_284, %dma_start3A_318] : memref<2500x128xi32, #tpu.memory_space<hbm>> -> memref<1x128xi32, #tpu.memory_space<hbm>>
        tpu.enqueue_dma source(%dma_start3A_319 : memref<1x128xi32, #tpu.memory_space<hbm>>) target(%dma_start3A_313 : memref<1x128xi32, #tpu.memory_space<vmem>>) target_semaphore(%run_scoped3A_301 : memref<!tpu.dma_semaphore, #tpu.memory_space<semaphore_mem>>)
        %dma_wait3A_320 = arith.constant 0 : i32
        %dma_wait3A_321 = arith.constant 0 : i32
        %dma_wait3A_322 = tpu.memref_slice %arg8[%dma_wait3A_320, %dma_wait3A_321] : memref<6x128xi32, #tpu.memory_space<vmem>> -> memref<1x128xi32, #tpu.memory_space<vmem>>
        %dma_wait3A_323 = arith.constant 0 : i32
        %dma_wait3A_324 = arith.constant 0 : i32
        %dma_wait3A_325 = tpu.memref_slice %arg3[%run_scoped3A_285, %dma_wait3A_323, %dma_wait3A_324] : memref<2x2500x128xi32, #tpu.memory_space<hbm>> -> memref<1x2500x128xi32, #tpu.memory_space<hbm>>
        %dma_wait3A_326 = tpu.memref_squeeze %dma_wait3A_325 : memref<1x2500x128xi32, #tpu.memory_space<hbm>> -> memref<2500x128xi32, #tpu.memory_space<hbm>>
        %dma_wait3A_327 = arith.constant 0 : i32
        %dma_wait3A_328 = tpu.memref_slice %dma_wait3A_326[%add3A_284, %dma_wait3A_327] : memref<2500x128xi32, #tpu.memory_space<hbm>> -> memref<1x128xi32, #tpu.memory_space<hbm>>
        %dma_wait3A_329 = arith.constant 0 : i32
        %dma_wait3A_330 = arith.constant 0 : i32
        %dma_wait3A_331 = tpu.memref_slice %arg8[%dma_wait3A_329, %dma_wait3A_330] : memref<6x128xi32, #tpu.memory_space<vmem>> -> memref<1x128xi32, #tpu.memory_space<vmem>>
        %dma_wait3A_332 = arith.constant 0 : i32
        %dma_wait3A_333 = arith.constant 0 : i32
        %dma_wait3A_334 = tpu.memref_slice %arg3[%run_scoped3A_285, %dma_wait3A_332, %dma_wait3A_333] : memref<2x2500x128xi32, #tpu.memory_space<hbm>> -> memref<1x2500x128xi32, #tpu.memory_space<hbm>>
        %dma_wait3A_335 = tpu.memref_squeeze %dma_wait3A_334 : memref<1x2500x128xi32, #tpu.memory_space<hbm>> -> memref<2500x128xi32, #tpu.memory_space<hbm>>
        %dma_wait3A_336 = arith.constant 0 : i32
        %dma_wait3A_337 = tpu.memref_slice %dma_wait3A_335[%add3A_284, %dma_wait3A_336] : memref<2500x128xi32, #tpu.memory_space<hbm>> -> memref<1x128xi32, #tpu.memory_space<hbm>>
        tpu.wait_dma2 semaphore(%run_scoped3A_301 : memref<!tpu.dma_semaphore, #tpu.memory_space<semaphore_mem>>) src(%dma_wait3A_337 : memref<1x128xi32, #tpu.memory_space<hbm>>) dst(%dma_wait3A_331 : memref<1x128xi32, #tpu.memory_space<vmem>>)
        tpu.yield
      }) : () -> ()
      %dma_start3A_286 = arith.constant 0 : i32
      %dma_start3A_287 = arith.constant 0 : i32
      %dma_start3A_288 = tpu.memref_slice %arg6[%dma_start3A_286, %dma_start3A_287] : memref<6x128xi32, #tpu.memory_space<vmem>> -> memref<1x128xi32, #tpu.memory_space<vmem>>
      %dma_start3A_289 = tpu.memref_squeeze %dma_start3A_288 : memref<1x128xi32, #tpu.memory_space<vmem>> -> memref<128xi32, #tpu.memory_space<vmem>>
      %dma_start3A_290 = arith.constant 0 : i32
      %dma_start3A_291 = arith.constant 0 : i32
      %dma_start3A_292 = tpu.memref_slice %arg2[%dma_start3A_290, %dma_start3A_291] : memref<10000x64xf32, #tpu.memory_space<hbm>> -> memref<10000x64xf32, #tpu.memory_space<hbm>>
      tpu.enqueue_indirect_dma source(%dma_start3A_292 : memref<10000x64xf32, #tpu.memory_space<hbm>>) target(%arg9 : memref<128x64xf32, #tpu.memory_space<vmem>>) offsets(%dma_start3A_289 : memref<128xi32, #tpu.memory_space<vmem>>) semaphore(%arg14 : memref<!tpu.dma_semaphore, #tpu.memory_space<semaphore_mem>>)
      %dma_wait3A_293 = arith.constant 0 : i32
      %dma_wait3A_294 = arith.constant 0 : i32
      %dma_wait3A_295 = tpu.memref_slice %arg6[%dma_wait3A_293, %dma_wait3A_294] : memref<6x128xi32, #tpu.memory_space<vmem>> -> memref<1x128xi32, #tpu.memory_space<vmem>>
      %dma_wait3A_296 = tpu.memref_squeeze %dma_wait3A_295 : memref<1x128xi32, #tpu.memory_space<vmem>> -> memref<128xi32, #tpu.memory_space<vmem>>
      %dma_wait3A_297 = arith.constant 0 : i32
      %dma_wait3A_298 = arith.constant 0 : i32
      %dma_wait3A_299 = tpu.memref_slice %arg2[%dma_wait3A_297, %dma_wait3A_298] : memref<10000x64xf32, #tpu.memory_space<hbm>> -> memref<10000x64xf32, #tpu.memory_space<hbm>>
      tpu.wait_indirect_dma semaphore(%arg14 : memref<!tpu.dma_semaphore, #tpu.memory_space<semaphore_mem>>) src(%dma_wait3A_299 : memref<10000x64xf32, #tpu.memory_space<hbm>>) dst(%arg9 : memref<128x64xf32, #tpu.memory_space<vmem>>)
      %run_scoped3A_300 = arith.constant 0 : i32
      "tpu.region"() ({
        %run_scoped3A_301 = tpu.sem_alloc : memref<!tpu.dma_semaphore, #tpu.memory_space<semaphore_mem>>
        %dma_start3A_302 = arith.constant 0 : i32
        %dma_start3A_303 = tpu.memref_slice %arg8[%run_scoped3A_300, %dma_start3A_302] : memref<6x128xi32, #tpu.memory_space<vmem>> -> memref<1x128xi32, #tpu.memory_space<vmem>>
        %dma_start3A_304 = tpu.memref_squeeze %dma_start3A_303 : memref<1x128xi32, #tpu.memory_space<vmem>> -> memref<128xi32, #tpu.memory_space<vmem>>
        %dma_start3A_305 = arith.constant 0 : i32
        %dma_start3A_306 = arith.constant 0 : i32
        %dma_start3A_307 = tpu.memref_slice %arg13[%dma_start3A_305, %dma_start3A_306] : memref<10000x64xf32, #tpu.memory_space<vmem_shared>> -> memref<10000x64xf32, #tpu.memory_space<vmem_shared>>
        tpu.enqueue_indirect_dma source(%arg9 : memref<128x64xf32, #tpu.memory_space<vmem>>) target(%dma_start3A_307 : memref<10000x64xf32, #tpu.memory_space<vmem_shared>>) offsets(%dma_start3A_304 : memref<128xi32, #tpu.memory_space<vmem>>) semaphore(%run_scoped3A_301 : memref<!tpu.dma_semaphore, #tpu.memory_space<semaphore_mem>>) {add = true}
        %dma_wait3A_308 = arith.constant 0 : i32
        %dma_wait3A_309 = tpu.memref_slice %arg8[%run_scoped3A_300, %dma_wait3A_308] : memref<6x128xi32, #tpu.memory_space<vmem>> -> memref<1x128xi32, #tpu.memory_space<vmem>>
        %dma_wait3A_310 = tpu.memref_squeeze %dma_wait3A_309 : memref<1x128xi32, #tpu.memory_space<vmem>> -> memref<128xi32, #tpu.memory_space<vmem>>
        %dma_wait3A_311 = arith.constant 0 : i32
        %dma_wait3A_312 = arith.constant 0 : i32
        %dma_wait3A_313 = tpu.memref_slice %arg13[%dma_wait3A_311, %dma_wait3A_312] : memref<10000x64xf32, #tpu.memory_space<vmem_shared>> -> memref<10000x64xf32, #tpu.memory_space<vmem_shared>>
        tpu.wait_indirect_dma semaphore(%run_scoped3A_301 : memref<!tpu.dma_semaphore, #tpu.memory_space<semaphore_mem>>) src(%arg9 : memref<128x64xf32, #tpu.memory_space<vmem>>) dst(%dma_wait3A_313 : memref<10000x64xf32, #tpu.memory_space<vmem_shared>>)
        tpu.yield
      }) : () -> ()
    } else {
    }
    %barrier3A_272 = arith.constant 0 : index
    tpu.barrier barrier_id(%barrier3A_272)
    %mul3A_273 = arith.constant 624 : i32
    %mul3A_274 = arith.muli %arg1, %mul3A_273 : i32
    "tpu.region"() ({
      %run_scoped3A_280 = tpu.sem_alloc : memref<!tpu.dma_semaphore, #tpu.memory_space<semaphore_mem>>
      %dma_start3A_281 = arith.constant 0 : i32
      %dma_start3A_282 = arith.constant 0 : i32
      %dma_start3A_283 = tpu.memref_slice %arg4[%arg0, %dma_start3A_281, %dma_start3A_282] : memref<2x10000x64xf32, #tpu.memory_space<hbm>> -> memref<1x10000x64xf32, #tpu.memory_space<hbm>>
      %dma_start3A_284 = tpu.memref_squeeze %dma_start3A_283 : memref<1x10000x64xf32, #tpu.memory_space<hbm>> -> memref<10000x64xf32, #tpu.memory_space<hbm>>
      %dma_start3A_285 = arith.constant 0 : i32
      %dma_start3A_286 = tpu.memref_slice %dma_start3A_284[%mul3A_274, %dma_start3A_285] : memref<10000x64xf32, #tpu.memory_space<hbm>> -> memref<624x64xf32, #tpu.memory_space<hbm>>
      %dma_start3A_287 = arith.constant 0 : i32
      %dma_start3A_288 = tpu.memref_slice %arg13[%mul3A_274, %dma_start3A_287] : memref<10000x64xf32, #tpu.memory_space<vmem_shared>> -> memref<624x64xf32, #tpu.memory_space<vmem_shared>>
      tpu.enqueue_dma source(%dma_start3A_288 : memref<624x64xf32, #tpu.memory_space<vmem_shared>>) target(%dma_start3A_286 : memref<624x64xf32, #tpu.memory_space<hbm>>) target_semaphore(%run_scoped3A_280 : memref<!tpu.dma_semaphore, #tpu.memory_space<semaphore_mem>>)
      %dma_wait3A_289 = arith.constant 0 : i32
      %dma_wait3A_290 = arith.constant 0 : i32
      %dma_wait3A_291 = tpu.memref_slice %arg4[%arg0, %dma_wait3A_289, %dma_wait3A_290] : memref<2x10000x64xf32, #tpu.memory_space<hbm>> -> memref<1x10000x64xf32, #tpu.memory_space<hbm>>
      %dma_wait3A_292 = tpu.memref_squeeze %dma_wait3A_291 : memref<1x10000x64xf32, #tpu.memory_space<hbm>> -> memref<10000x64xf32, #tpu.memory_space<hbm>>
      %dma_wait3A_293 = arith.constant 0 : i32
      %dma_wait3A_294 = tpu.memref_slice %dma_wait3A_292[%mul3A_274, %dma_wait3A_293] : memref<10000x64xf32, #tpu.memory_space<hbm>> -> memref<624x64xf32, #tpu.memory_space<hbm>>
      %dma_wait3A_295 = arith.constant 0 : i32
      %dma_wait3A_296 = tpu.memref_slice %arg13[%mul3A_274, %dma_wait3A_295] : memref<10000x64xf32, #tpu.memory_space<vmem_shared>> -> memref<624x64xf32, #tpu.memory_space<vmem_shared>>
      tpu.wait_dma2 semaphore(%run_scoped3A_280 : memref<!tpu.dma_semaphore, #tpu.memory_space<semaphore_mem>>) src(%dma_wait3A_296 : memref<624x64xf32, #tpu.memory_space<vmem_shared>>) dst(%dma_wait3A_294 : memref<624x64xf32, #tpu.memory_space<hbm>>)
      tpu.yield
    }) : () -> ()
    %eq3A_275 = arith.constant 15 : i32
    %eq3A_276 = arith.cmpi eq, %arg1, %eq3A_275 : i32
    %convert_element_type3A_277 = arith.extui %eq3A_276 : i1 to i32
    %cond3A_278 = arith.constant 0 : i32
    %cond3A_279 = arith.cmpi ne, %convert_element_type3A_277, %cond3A_278 : i32
    scf.if %cond3A_279 {
      "tpu.region"() ({
        %run_scoped3A_280 = tpu.sem_alloc : memref<!tpu.dma_semaphore, #tpu.memory_space<semaphore_mem>>
        %dma_start3A_281 = arith.constant 0 : i32
        %dma_start3A_282 = arith.constant 0 : i32
        %dma_start3A_283 = tpu.memref_slice %arg4[%arg0, %dma_start3A_281, %dma_start3A_282] : memref<2x10000x64xf32, #tpu.memory_space<hbm>> -> memref<1x10000x64xf32, #tpu.memory_space<hbm>>
        %dma_start3A_284 = tpu.memref_squeeze %dma_start3A_283 : memref<1x10000x64xf32, #tpu.memory_space<hbm>> -> memref<10000x64xf32, #tpu.memory_space<hbm>>
        %dma_start3A_285 = arith.constant 9984 : i32
        %dma_start3A_286 = arith.constant 0 : i32
        %dma_start3A_287 = tpu.memref_slice %dma_start3A_284[%dma_start3A_285, %dma_start3A_286] : memref<10000x64xf32, #tpu.memory_space<hbm>> -> memref<16x64xf32, #tpu.memory_space<hbm>>
        %dma_start3A_288 = arith.constant 9984 : i32
        %dma_start3A_289 = arith.constant 0 : i32
        %dma_start3A_290 = tpu.memref_slice %arg13[%dma_start3A_288, %dma_start3A_289] : memref<10000x64xf32, #tpu.memory_space<vmem_shared>> -> memref<16x64xf32, #tpu.memory_space<vmem_shared>>
        tpu.enqueue_dma source(%dma_start3A_290 : memref<16x64xf32, #tpu.memory_space<vmem_shared>>) target(%dma_start3A_287 : memref<16x64xf32, #tpu.memory_space<hbm>>) target_semaphore(%run_scoped3A_280 : memref<!tpu.dma_semaphore, #tpu.memory_space<semaphore_mem>>)
        %dma_wait3A_291 = arith.constant 0 : i32
        %dma_wait3A_292 = arith.constant 0 : i32
        %dma_wait3A_293 = tpu.memref_slice %arg4[%arg0, %dma_wait3A_291, %dma_wait3A_292] : memref<2x10000x64xf32, #tpu.memory_space<hbm>> -> memref<1x10000x64xf32, #tpu.memory_space<hbm>>
        %dma_wait3A_294 = tpu.memref_squeeze %dma_wait3A_293 : memref<1x10000x64xf32, #tpu.memory_space<hbm>> -> memref<10000x64xf32, #tpu.memory_space<hbm>>
        %dma_wait3A_295 = arith.constant 9984 : i32
        %dma_wait3A_296 = arith.constant 0 : i32
        %dma_wait3A_297 = tpu.memref_slice %dma_wait3A_294[%dma_wait3A_295, %dma_wait3A_296] : memref<10000x64xf32, #tpu.memory_space<hbm>> -> memref<16x64xf32, #tpu.memory_space<hbm>>
        %dma_wait3A_298 = arith.constant 9984 : i32
        %dma_wait3A_299 = arith.constant 0 : i32
        %dma_wait3A_300 = tpu.memref_slice %arg13[%dma_wait3A_298, %dma_wait3A_299] : memref<10000x64xf32, #tpu.memory_space<vmem_shared>> -> memref<16x64xf32, #tpu.memory_space<vmem_shared>>
        tpu.wait_dma2 semaphore(%run_scoped3A_280 : memref<!tpu.dma_semaphore, #tpu.memory_space<semaphore_mem>>) src(%dma_wait3A_300 : memref<16x64xf32, #tpu.memory_space<vmem_shared>>) dst(%dma_wait3A_297 : memref<16x64xf32, #tpu.memory_space<hbm>>)
        tpu.yield
      }) : () -> ()
    } else {
    }
    return
  }
}

#map = affine_map<(d0, d1) -> (0, 0)>
#map1 = affine_map<(d0, d1) -> (0, 0, 0)>
module attributes {stable_mosaic.version = 14 : i64} {
  func.func @agg(%arg0: i32, %arg1: i32, %arg2: memref<10000x128xf32, #tpu.memory_space<hbm>>, %arg3: memref<2x2500x128xi32, #tpu.memory_space<hbm>>, %arg4: memref<2x10000x128xf32, #tpu.memory_space<hbm>>, %arg5: memref<6x128xi32, #tpu.memory_space<vmem>>, %arg6: memref<6x128xi32, #tpu.memory_space<vmem>>, %arg7: memref<6x128xi32, #tpu.memory_space<vmem>>, %arg8: memref<6x128xi32, #tpu.memory_space<vmem>>, %arg9: memref<128x128xf32, #tpu.memory_space<vmem>>, %arg10: memref<128x128xf32, #tpu.memory_space<vmem>>, %arg11: memref<10000x128xf32, #tpu.memory_space<vmem_shared>>, %arg12: memref<!tpu.dma_semaphore, #tpu.memory_space<semaphore_mem>>, %arg13: memref<!tpu.dma_semaphore, #tpu.memory_space<semaphore_mem>>, %arg14: memref<!tpu.dma_semaphore, #tpu.memory_space<semaphore_mem>>, %arg15: memref<!tpu.dma_semaphore, #tpu.memory_space<semaphore_mem>>) attributes {dimension_semantics = [#tpu.dimension_semantics<core_parallel>, #tpu.dimension_semantics<subcore_parallel>], iteration_bounds = array<i64: 2, 16>, scalar_prefetch = 0 : i64, scratch_operands = 11 : i64, tpu.core_type = #tpu.core_type<sc_vector_subcore>, window_params = [{transform_indices = #map}, {transform_indices = #map1}, {transform_indices = #map1}]} {
    %mul3A = arith.constant 2 : i32
    %mul3A_0 = arith.muli %arg1, %mul3A : i32
    %add3A = arith.addi %mul3A_0, %arg0 : i32
    %mul3A_1 = arith.constant 78 : i32
    %mul3A_2 = arith.muli %add3A, %mul3A_1 : i32
    %min3A = arith.constant 4 : i32
    %min3A_3 = arith.minsi %add3A, %min3A : i32
    %add3A_4 = arith.addi %mul3A_2, %min3A_3 : i32
    %lt3A = arith.constant 4 : i32
    %lt3A_5 = arith.cmpi slt, %add3A, %lt3A : i32
    %broadcast_in_dim3A = arith.constant 0.000000e+00 : f32
    %broadcast_in_dim3A_6 = vector.broadcast %broadcast_in_dim3A : f32 to vector<16xf32>
    %scan3A = arith.constant 0 : i32
    %scan3A_7 = arith.constant 0 : i32
    %scan3A_8 = arith.constant 128 : i32
    %scan3A_9 = arith.addi %scan3A_7, %scan3A_8 : i32
    %scan3A_10 = arith.constant 1 : i32
    scf.for %scan3A_236 = %scan3A_7 to %scan3A_9 step %scan3A_10  : i32 {
      %swap3A = arith.index_cast %scan3A_236 : i32 to index
      %swap3A_237 = arith.constant 0 : index
      %swap3A_238 = tpu.vector_load %arg9[%swap3A, %swap3A_237] {strides = array<i32>} : memref<128x128xf32, #tpu.memory_space<vmem>>, vector<1x16xf32>,
      %swap3A_239 = vector.shape_cast %swap3A_238 : vector<1x16xf32> to vector<16xf32>
      %swap3A_240 = vector.shape_cast %broadcast_in_dim3A_6 : vector<16xf32> to vector<1x16xf32>
      tpu.vector_store %arg9[%swap3A, %swap3A_237], %swap3A_240 {strides = array<i32>} : memref<128x128xf32, #tpu.memory_space<vmem>>, vector<1x16xf32>,
      %swap3A_241 = arith.index_cast %scan3A_236 : i32 to index
      %swap3A_242 = arith.constant 16 : index
      %swap3A_243 = tpu.vector_load %arg9[%swap3A_241, %swap3A_242] {strides = array<i32>} : memref<128x128xf32, #tpu.memory_space<vmem>>, vector<1x16xf32>,
      %swap3A_244 = vector.shape_cast %swap3A_243 : vector<1x16xf32> to vector<16xf32>
      %swap3A_245 = vector.shape_cast %broadcast_in_dim3A_6 : vector<16xf32> to vector<1x16xf32>
      tpu.vector_store %arg9[%swap3A_241, %swap3A_242], %swap3A_245 {strides = array<i32>} : memref<128x128xf32, #tpu.memory_space<vmem>>, vector<1x16xf32>,
      %swap3A_246 = arith.index_cast %scan3A_236 : i32 to index
      %swap3A_247 = arith.constant 32 : index
      %swap3A_248 = tpu.vector_load %arg9[%swap3A_246, %swap3A_247] {strides = array<i32>} : memref<128x128xf32, #tpu.memory_space<vmem>>, vector<1x16xf32>,
      %swap3A_249 = vector.shape_cast %swap3A_248 : vector<1x16xf32> to vector<16xf32>
      %swap3A_250 = vector.shape_cast %broadcast_in_dim3A_6 : vector<16xf32> to vector<1x16xf32>
      tpu.vector_store %arg9[%swap3A_246, %swap3A_247], %swap3A_250 {strides = array<i32>} : memref<128x128xf32, #tpu.memory_space<vmem>>, vector<1x16xf32>,
      %swap3A_251 = arith.index_cast %scan3A_236 : i32 to index
      %swap3A_252 = arith.constant 48 : index
      %swap3A_253 = tpu.vector_load %arg9[%swap3A_251, %swap3A_252] {strides = array<i32>} : memref<128x128xf32, #tpu.memory_space<vmem>>, vector<1x16xf32>,
      %swap3A_254 = vector.shape_cast %swap3A_253 : vector<1x16xf32> to vector<16xf32>
      %swap3A_255 = vector.shape_cast %broadcast_in_dim3A_6 : vector<16xf32> to vector<1x16xf32>
      tpu.vector_store %arg9[%swap3A_251, %swap3A_252], %swap3A_255 {strides = array<i32>} : memref<128x128xf32, #tpu.memory_space<vmem>>, vector<1x16xf32>,
      %swap3A_256 = arith.index_cast %scan3A_236 : i32 to index
      %swap3A_257 = arith.constant 64 : index
      %swap3A_258 = tpu.vector_load %arg9[%swap3A_256, %swap3A_257] {strides = array<i32>} : memref<128x128xf32, #tpu.memory_space<vmem>>, vector<1x16xf32>,
      %swap3A_259 = vector.shape_cast %swap3A_258 : vector<1x16xf32> to vector<16xf32>
      %swap3A_260 = vector.shape_cast %broadcast_in_dim3A_6 : vector<16xf32> to vector<1x16xf32>
      tpu.vector_store %arg9[%swap3A_256, %swap3A_257], %swap3A_260 {strides = array<i32>} : memref<128x128xf32, #tpu.memory_space<vmem>>, vector<1x16xf32>,
      %swap3A_261 = arith.index_cast %scan3A_236 : i32 to index
      %swap3A_262 = arith.constant 80 : index
      %swap3A_263 = tpu.vector_load %arg9[%swap3A_261, %swap3A_262] {strides = array<i32>} : memref<128x128xf32, #tpu.memory_space<vmem>>, vector<1x16xf32>,
      %swap3A_264 = vector.shape_cast %swap3A_263 : vector<1x16xf32> to vector<16xf32>
      %swap3A_265 = vector.shape_cast %broadcast_in_dim3A_6 : vector<16xf32> to vector<1x16xf32>
      tpu.vector_store %arg9[%swap3A_261, %swap3A_262], %swap3A_265 {strides = array<i32>} : memref<128x128xf32, #tpu.memory_space<vmem>>, vector<1x16xf32>,
      %swap3A_266 = arith.index_cast %scan3A_236 : i32 to index
      %swap3A_267 = arith.constant 96 : index
      %swap3A_268 = tpu.vector_load %arg9[%swap3A_266, %swap3A_267] {strides = array<i32>} : memref<128x128xf32, #tpu.memory_space<vmem>>, vector<1x16xf32>,
      %swap3A_269 = vector.shape_cast %swap3A_268 : vector<1x16xf32> to vector<16xf32>
      %swap3A_270 = vector.shape_cast %broadcast_in_dim3A_6 : vector<16xf32> to vector<1x16xf32>
      tpu.vector_store %arg9[%swap3A_266, %swap3A_267], %swap3A_270 {strides = array<i32>} : memref<128x128xf32, #tpu.memory_space<vmem>>, vector<1x16xf32>,
      %swap3A_271 = arith.index_cast %scan3A_236 : i32 to index
      %swap3A_272 = arith.constant 112 : index
      %swap3A_273 = tpu.vector_load %arg9[%swap3A_271, %swap3A_272] {strides = array<i32>} : memref<128x128xf32, #tpu.memory_space<vmem>>, vector<1x16xf32>,
      %swap3A_274 = vector.shape_cast %swap3A_273 : vector<1x16xf32> to vector<16xf32>
      %swap3A_275 = vector.shape_cast %broadcast_in_dim3A_6 : vector<16xf32> to vector<1x16xf32>
      tpu.vector_store %arg9[%swap3A_271, %swap3A_272], %swap3A_275 {strides = array<i32>} : memref<128x128xf32, #tpu.memory_space<vmem>>, vector<1x16xf32>,
    }
    %scan3A_11 = arith.constant 128 : i32
    %broadcast_in_dim3A_12 = arith.constant 0.000000e+00 : f32
    %broadcast_in_dim3A_13 = vector.broadcast %broadcast_in_dim3A_12 : f32 to vector<16xf32>
    %scan3A_14 = arith.constant 0 : i32
    %scan3A_15 = arith.constant 0 : i32
    %scan3A_16 = arith.constant 128 : i32
    %scan3A_17 = arith.addi %scan3A_15, %scan3A_16 : i32
    %scan3A_18 = arith.constant 1 : i32
    scf.for %scan3A_236 = %scan3A_15 to %scan3A_17 step %scan3A_18  : i32 {
      %swap3A = arith.index_cast %scan3A_236 : i32 to index
      %swap3A_237 = arith.constant 0 : index
      %swap3A_238 = tpu.vector_load %arg10[%swap3A, %swap3A_237] {strides = array<i32>} : memref<128x128xf32, #tpu.memory_space<vmem>>, vector<1x16xf32>,
      %swap3A_239 = vector.shape_cast %swap3A_238 : vector<1x16xf32> to vector<16xf32>
      %swap3A_240 = vector.shape_cast %broadcast_in_dim3A_13 : vector<16xf32> to vector<1x16xf32>
      tpu.vector_store %arg10[%swap3A, %swap3A_237], %swap3A_240 {strides = array<i32>} : memref<128x128xf32, #tpu.memory_space<vmem>>, vector<1x16xf32>,
      %swap3A_241 = arith.index_cast %scan3A_236 : i32 to index
      %swap3A_242 = arith.constant 16 : index
      %swap3A_243 = tpu.vector_load %arg10[%swap3A_241, %swap3A_242] {strides = array<i32>} : memref<128x128xf32, #tpu.memory_space<vmem>>, vector<1x16xf32>,
      %swap3A_244 = vector.shape_cast %swap3A_243 : vector<1x16xf32> to vector<16xf32>
      %swap3A_245 = vector.shape_cast %broadcast_in_dim3A_13 : vector<16xf32> to vector<1x16xf32>
      tpu.vector_store %arg10[%swap3A_241, %swap3A_242], %swap3A_245 {strides = array<i32>} : memref<128x128xf32, #tpu.memory_space<vmem>>, vector<1x16xf32>,
      %swap3A_246 = arith.index_cast %scan3A_236 : i32 to index
      %swap3A_247 = arith.constant 32 : index
      %swap3A_248 = tpu.vector_load %arg10[%swap3A_246, %swap3A_247] {strides = array<i32>} : memref<128x128xf32, #tpu.memory_space<vmem>>, vector<1x16xf32>,
      %swap3A_249 = vector.shape_cast %swap3A_248 : vector<1x16xf32> to vector<16xf32>
      %swap3A_250 = vector.shape_cast %broadcast_in_dim3A_13 : vector<16xf32> to vector<1x16xf32>
      tpu.vector_store %arg10[%swap3A_246, %swap3A_247], %swap3A_250 {strides = array<i32>} : memref<128x128xf32, #tpu.memory_space<vmem>>, vector<1x16xf32>,
      %swap3A_251 = arith.index_cast %scan3A_236 : i32 to index
      %swap3A_252 = arith.constant 48 : index
      %swap3A_253 = tpu.vector_load %arg10[%swap3A_251, %swap3A_252] {strides = array<i32>} : memref<128x128xf32, #tpu.memory_space<vmem>>, vector<1x16xf32>,
      %swap3A_254 = vector.shape_cast %swap3A_253 : vector<1x16xf32> to vector<16xf32>
      %swap3A_255 = vector.shape_cast %broadcast_in_dim3A_13 : vector<16xf32> to vector<1x16xf32>
      tpu.vector_store %arg10[%swap3A_251, %swap3A_252], %swap3A_255 {strides = array<i32>} : memref<128x128xf32, #tpu.memory_space<vmem>>, vector<1x16xf32>,
      %swap3A_256 = arith.index_cast %scan3A_236 : i32 to index
      %swap3A_257 = arith.constant 64 : index
      %swap3A_258 = tpu.vector_load %arg10[%swap3A_256, %swap3A_257] {strides = array<i32>} : memref<128x128xf32, #tpu.memory_space<vmem>>, vector<1x16xf32>,
      %swap3A_259 = vector.shape_cast %swap3A_258 : vector<1x16xf32> to vector<16xf32>
      %swap3A_260 = vector.shape_cast %broadcast_in_dim3A_13 : vector<16xf32> to vector<1x16xf32>
      tpu.vector_store %arg10[%swap3A_256, %swap3A_257], %swap3A_260 {strides = array<i32>} : memref<128x128xf32, #tpu.memory_space<vmem>>, vector<1x16xf32>,
      %swap3A_261 = arith.index_cast %scan3A_236 : i32 to index
      %swap3A_262 = arith.constant 80 : index
      %swap3A_263 = tpu.vector_load %arg10[%swap3A_261, %swap3A_262] {strides = array<i32>} : memref<128x128xf32, #tpu.memory_space<vmem>>, vector<1x16xf32>,
      %swap3A_264 = vector.shape_cast %swap3A_263 : vector<1x16xf32> to vector<16xf32>
      %swap3A_265 = vector.shape_cast %broadcast_in_dim3A_13 : vector<16xf32> to vector<1x16xf32>
      tpu.vector_store %arg10[%swap3A_261, %swap3A_262], %swap3A_265 {strides = array<i32>} : memref<128x128xf32, #tpu.memory_space<vmem>>, vector<1x16xf32>,
      %swap3A_266 = arith.index_cast %scan3A_236 : i32 to index
      %swap3A_267 = arith.constant 96 : index
      %swap3A_268 = tpu.vector_load %arg10[%swap3A_266, %swap3A_267] {strides = array<i32>} : memref<128x128xf32, #tpu.memory_space<vmem>>, vector<1x16xf32>,
      %swap3A_269 = vector.shape_cast %swap3A_268 : vector<1x16xf32> to vector<16xf32>
      %swap3A_270 = vector.shape_cast %broadcast_in_dim3A_13 : vector<16xf32> to vector<1x16xf32>
      tpu.vector_store %arg10[%swap3A_266, %swap3A_267], %swap3A_270 {strides = array<i32>} : memref<128x128xf32, #tpu.memory_space<vmem>>, vector<1x16xf32>,
      %swap3A_271 = arith.index_cast %scan3A_236 : i32 to index
      %swap3A_272 = arith.constant 112 : index
      %swap3A_273 = tpu.vector_load %arg10[%swap3A_271, %swap3A_272] {strides = array<i32>} : memref<128x128xf32, #tpu.memory_space<vmem>>, vector<1x16xf32>,
      %swap3A_274 = vector.shape_cast %swap3A_273 : vector<1x16xf32> to vector<16xf32>
      %swap3A_275 = vector.shape_cast %broadcast_in_dim3A_13 : vector<16xf32> to vector<1x16xf32>
      tpu.vector_store %arg10[%swap3A_271, %swap3A_272], %swap3A_275 {strides = array<i32>} : memref<128x128xf32, #tpu.memory_space<vmem>>, vector<1x16xf32>,
    }
    %scan3A_19 = arith.constant 128 : i32
    %mul3A_20 = arith.constant 624 : i32
    %mul3A_21 = arith.muli %arg1, %mul3A_20 : i32
    %add3A_22 = arith.constant 0 : i32
    %add3A_23 = arith.addi %mul3A_21, %add3A_22 : i32
    "tpu.region"() ({
      %run_scoped3A_236 = tpu.sem_alloc : memref<!tpu.dma_semaphore, #tpu.memory_space<semaphore_mem>>
      %dma_start3A_237 = arith.constant 0 : i32
      %dma_start3A_238 = tpu.memref_slice %arg11[%add3A_23, %dma_start3A_237] : memref<10000x128xf32, #tpu.memory_space<vmem_shared>> -> memref<128x128xf32, #tpu.memory_space<vmem_shared>>
      %dma_start3A_239 = arith.constant 0 : i32
      %dma_start3A_240 = tpu.memref_slice %arg11[%add3A_23, %dma_start3A_239] : memref<10000x128xf32, #tpu.memory_space<vmem_shared>> -> memref<128x128xf32, #tpu.memory_space<vmem_shared>>
      tpu.enqueue_dma source(%arg9 : memref<128x128xf32, #tpu.memory_space<vmem>>) target(%dma_start3A_240 : memref<128x128xf32, #tpu.memory_space<vmem_shared>>) target_semaphore(%run_scoped3A_236 : memref<!tpu.dma_semaphore, #tpu.memory_space<semaphore_mem>>)
      %dma_wait3A_241 = arith.constant 0 : i32
      %dma_wait3A_242 = tpu.memref_slice %arg11[%add3A_23, %dma_wait3A_241] : memref<10000x128xf32, #tpu.memory_space<vmem_shared>> -> memref<128x128xf32, #tpu.memory_space<vmem_shared>>
      %dma_wait3A_243 = arith.constant 0 : i32
      %dma_wait3A_244 = tpu.memref_slice %arg11[%add3A_23, %dma_wait3A_243] : memref<10000x128xf32, #tpu.memory_space<vmem_shared>> -> memref<128x128xf32, #tpu.memory_space<vmem_shared>>
      tpu.wait_dma2 semaphore(%run_scoped3A_236 : memref<!tpu.dma_semaphore, #tpu.memory_space<semaphore_mem>>) src(%arg9 : memref<128x128xf32, #tpu.memory_space<vmem>>) dst(%dma_wait3A_244 : memref<128x128xf32, #tpu.memory_space<vmem_shared>>)
      tpu.yield
    }) : () -> ()
    %add3A_24 = arith.constant 128 : i32
    %add3A_25 = arith.addi %mul3A_21, %add3A_24 : i32
    "tpu.region"() ({
      %run_scoped3A_236 = tpu.sem_alloc : memref<!tpu.dma_semaphore, #tpu.memory_space<semaphore_mem>>
      %dma_start3A_237 = arith.constant 0 : i32
      %dma_start3A_238 = tpu.memref_slice %arg11[%add3A_25, %dma_start3A_237] : memref<10000x128xf32, #tpu.memory_space<vmem_shared>> -> memref<128x128xf32, #tpu.memory_space<vmem_shared>>
      %dma_start3A_239 = arith.constant 0 : i32
      %dma_start3A_240 = tpu.memref_slice %arg11[%add3A_25, %dma_start3A_239] : memref<10000x128xf32, #tpu.memory_space<vmem_shared>> -> memref<128x128xf32, #tpu.memory_space<vmem_shared>>
      tpu.enqueue_dma source(%arg9 : memref<128x128xf32, #tpu.memory_space<vmem>>) target(%dma_start3A_240 : memref<128x128xf32, #tpu.memory_space<vmem_shared>>) target_semaphore(%run_scoped3A_236 : memref<!tpu.dma_semaphore, #tpu.memory_space<semaphore_mem>>)
      %dma_wait3A_241 = arith.constant 0 : i32
      %dma_wait3A_242 = tpu.memref_slice %arg11[%add3A_25, %dma_wait3A_241] : memref<10000x128xf32, #tpu.memory_space<vmem_shared>> -> memref<128x128xf32, #tpu.memory_space<vmem_shared>>
      %dma_wait3A_243 = arith.constant 0 : i32
      %dma_wait3A_244 = tpu.memref_slice %arg11[%add3A_25, %dma_wait3A_243] : memref<10000x128xf32, #tpu.memory_space<vmem_shared>> -> memref<128x128xf32, #tpu.memory_space<vmem_shared>>
      tpu.wait_dma2 semaphore(%run_scoped3A_236 : memref<!tpu.dma_semaphore, #tpu.memory_space<semaphore_mem>>) src(%arg9 : memref<128x128xf32, #tpu.memory_space<vmem>>) dst(%dma_wait3A_244 : memref<128x128xf32, #tpu.memory_space<vmem_shared>>)
      tpu.yield
    }) : () -> ()
    %add3A_26 = arith.constant 256 : i32
    %add3A_27 = arith.addi %mul3A_21, %add3A_26 : i32
    "tpu.region"() ({
      %run_scoped3A_236 = tpu.sem_alloc : memref<!tpu.dma_semaphore, #tpu.memory_space<semaphore_mem>>
      %dma_start3A_237 = arith.constant 0 : i32
      %dma_start3A_238 = tpu.memref_slice %arg11[%add3A_27, %dma_start3A_237] : memref<10000x128xf32, #tpu.memory_space<vmem_shared>> -> memref<128x128xf32, #tpu.memory_space<vmem_shared>>
      %dma_start3A_239 = arith.constant 0 : i32
      %dma_start3A_240 = tpu.memref_slice %arg11[%add3A_27, %dma_start3A_239] : memref<10000x128xf32, #tpu.memory_space<vmem_shared>> -> memref<128x128xf32, #tpu.memory_space<vmem_shared>>
      tpu.enqueue_dma source(%arg9 : memref<128x128xf32, #tpu.memory_space<vmem>>) target(%dma_start3A_240 : memref<128x128xf32, #tpu.memory_space<vmem_shared>>) target_semaphore(%run_scoped3A_236 : memref<!tpu.dma_semaphore, #tpu.memory_space<semaphore_mem>>)
      %dma_wait3A_241 = arith.constant 0 : i32
      %dma_wait3A_242 = tpu.memref_slice %arg11[%add3A_27, %dma_wait3A_241] : memref<10000x128xf32, #tpu.memory_space<vmem_shared>> -> memref<128x128xf32, #tpu.memory_space<vmem_shared>>
      %dma_wait3A_243 = arith.constant 0 : i32
      %dma_wait3A_244 = tpu.memref_slice %arg11[%add3A_27, %dma_wait3A_243] : memref<10000x128xf32, #tpu.memory_space<vmem_shared>> -> memref<128x128xf32, #tpu.memory_space<vmem_shared>>
      tpu.wait_dma2 semaphore(%run_scoped3A_236 : memref<!tpu.dma_semaphore, #tpu.memory_space<semaphore_mem>>) src(%arg9 : memref<128x128xf32, #tpu.memory_space<vmem>>) dst(%dma_wait3A_244 : memref<128x128xf32, #tpu.memory_space<vmem_shared>>)
      tpu.yield
    }) : () -> ()
    %add3A_28 = arith.constant 384 : i32
    %add3A_29 = arith.addi %mul3A_21, %add3A_28 : i32
    "tpu.region"() ({
      %run_scoped3A_236 = tpu.sem_alloc : memref<!tpu.dma_semaphore, #tpu.memory_space<semaphore_mem>>
      %dma_start3A_237 = arith.constant 0 : i32
      %dma_start3A_238 = tpu.memref_slice %arg11[%add3A_29, %dma_start3A_237] : memref<10000x128xf32, #tpu.memory_space<vmem_shared>> -> memref<128x128xf32, #tpu.memory_space<vmem_shared>>
      %dma_start3A_239 = arith.constant 0 : i32
      %dma_start3A_240 = tpu.memref_slice %arg11[%add3A_29, %dma_start3A_239] : memref<10000x128xf32, #tpu.memory_space<vmem_shared>> -> memref<128x128xf32, #tpu.memory_space<vmem_shared>>
      tpu.enqueue_dma source(%arg9 : memref<128x128xf32, #tpu.memory_space<vmem>>) target(%dma_start3A_240 : memref<128x128xf32, #tpu.memory_space<vmem_shared>>) target_semaphore(%run_scoped3A_236 : memref<!tpu.dma_semaphore, #tpu.memory_space<semaphore_mem>>)
      %dma_wait3A_241 = arith.constant 0 : i32
      %dma_wait3A_242 = tpu.memref_slice %arg11[%add3A_29, %dma_wait3A_241] : memref<10000x128xf32, #tpu.memory_space<vmem_shared>> -> memref<128x128xf32, #tpu.memory_space<vmem_shared>>
      %dma_wait3A_243 = arith.constant 0 : i32
      %dma_wait3A_244 = tpu.memref_slice %arg11[%add3A_29, %dma_wait3A_243] : memref<10000x128xf32, #tpu.memory_space<vmem_shared>> -> memref<128x128xf32, #tpu.memory_space<vmem_shared>>
      tpu.wait_dma2 semaphore(%run_scoped3A_236 : memref<!tpu.dma_semaphore, #tpu.memory_space<semaphore_mem>>) src(%arg9 : memref<128x128xf32, #tpu.memory_space<vmem>>) dst(%dma_wait3A_244 : memref<128x128xf32, #tpu.memory_space<vmem_shared>>)
      tpu.yield
    }) : () -> ()
    %add3A_30 = arith.constant 512 : i32
    %add3A_31 = arith.addi %mul3A_21, %add3A_30 : i32
    "tpu.region"() ({
      %run_scoped3A_236 = tpu.sem_alloc : memref<!tpu.dma_semaphore, #tpu.memory_space<semaphore_mem>>
      %dma_start3A_237 = arith.constant 0 : i32
      %dma_start3A_238 = arith.constant 0 : i32
      %dma_start3A_239 = tpu.memref_slice %arg9[%dma_start3A_237, %dma_start3A_238] : memref<128x128xf32, #tpu.memory_space<vmem>> -> memref<112x128xf32, #tpu.memory_space<vmem>>
      %dma_start3A_240 = arith.constant 0 : i32
      %dma_start3A_241 = tpu.memref_slice %arg11[%add3A_31, %dma_start3A_240] : memref<10000x128xf32, #tpu.memory_space<vmem_shared>> -> memref<112x128xf32, #tpu.memory_space<vmem_shared>>
      %dma_start3A_242 = arith.constant 0 : i32
      %dma_start3A_243 = tpu.memref_slice %arg11[%add3A_31, %dma_start3A_242] : memref<10000x128xf32, #tpu.memory_space<vmem_shared>> -> memref<112x128xf32, #tpu.memory_space<vmem_shared>>
      %dma_start3A_244 = arith.constant 0 : i32
      %dma_start3A_245 = arith.constant 0 : i32
      %dma_start3A_246 = tpu.memref_slice %arg9[%dma_start3A_244, %dma_start3A_245] : memref<128x128xf32, #tpu.memory_space<vmem>> -> memref<112x128xf32, #tpu.memory_space<vmem>>
      tpu.enqueue_dma source(%dma_start3A_246 : memref<112x128xf32, #tpu.memory_space<vmem>>) target(%dma_start3A_243 : memref<112x128xf32, #tpu.memory_space<vmem_shared>>) target_semaphore(%run_scoped3A_236 : memref<!tpu.dma_semaphore, #tpu.memory_space<semaphore_mem>>)
      %dma_wait3A_247 = arith.constant 0 : i32
      %dma_wait3A_248 = arith.constant 0 : i32
      %dma_wait3A_249 = tpu.memref_slice %arg9[%dma_wait3A_247, %dma_wait3A_248] : memref<128x128xf32, #tpu.memory_space<vmem>> -> memref<112x128xf32, #tpu.memory_space<vmem>>
      %dma_wait3A_250 = arith.constant 0 : i32
      %dma_wait3A_251 = tpu.memref_slice %arg11[%add3A_31, %dma_wait3A_250] : memref<10000x128xf32, #tpu.memory_space<vmem_shared>> -> memref<112x128xf32, #tpu.memory_space<vmem_shared>>
      %dma_wait3A_252 = arith.constant 0 : i32
      %dma_wait3A_253 = tpu.memref_slice %arg11[%add3A_31, %dma_wait3A_252] : memref<10000x128xf32, #tpu.memory_space<vmem_shared>> -> memref<112x128xf32, #tpu.memory_space<vmem_shared>>
      %dma_wait3A_254 = arith.constant 0 : i32
      %dma_wait3A_255 = arith.constant 0 : i32
      %dma_wait3A_256 = tpu.memref_slice %arg9[%dma_wait3A_254, %dma_wait3A_255] : memref<128x128xf32, #tpu.memory_space<vmem>> -> memref<112x128xf32, #tpu.memory_space<vmem>>
      tpu.wait_dma2 semaphore(%run_scoped3A_236 : memref<!tpu.dma_semaphore, #tpu.memory_space<semaphore_mem>>) src(%dma_wait3A_256 : memref<112x128xf32, #tpu.memory_space<vmem>>) dst(%dma_wait3A_253 : memref<112x128xf32, #tpu.memory_space<vmem_shared>>)
      tpu.yield
    }) : () -> ()
    %eq3A = arith.constant 15 : i32
    %eq3A_32 = arith.cmpi eq, %arg1, %eq3A : i32
    %convert_element_type3A = arith.extui %eq3A_32 : i1 to i32
    %cond3A = arith.constant 0 : i32
    %cond3A_33 = arith.cmpi ne, %convert_element_type3A, %cond3A : i32
    scf.if %cond3A_33 {
      "tpu.region"() ({
        %run_scoped3A_236 = tpu.sem_alloc : memref<!tpu.dma_semaphore, #tpu.memory_space<semaphore_mem>>
        %dma_start3A_237 = arith.constant 0 : i32
        %dma_start3A_238 = arith.constant 0 : i32
        %dma_start3A_239 = tpu.memref_slice %arg9[%dma_start3A_237, %dma_start3A_238] : memref<128x128xf32, #tpu.memory_space<vmem>> -> memref<16x128xf32, #tpu.memory_space<vmem>>
        %dma_start3A_240 = arith.constant 9984 : i32
        %dma_start3A_241 = arith.constant 0 : i32
        %dma_start3A_242 = tpu.memref_slice %arg11[%dma_start3A_240, %dma_start3A_241] : memref<10000x128xf32, #tpu.memory_space<vmem_shared>> -> memref<16x128xf32, #tpu.memory_space<vmem_shared>>
        %dma_start3A_243 = arith.constant 9984 : i32
        %dma_start3A_244 = arith.constant 0 : i32
        %dma_start3A_245 = tpu.memref_slice %arg11[%dma_start3A_243, %dma_start3A_244] : memref<10000x128xf32, #tpu.memory_space<vmem_shared>> -> memref<16x128xf32, #tpu.memory_space<vmem_shared>>
        %dma_start3A_246 = arith.constant 0 : i32
        %dma_start3A_247 = arith.constant 0 : i32
        %dma_start3A_248 = tpu.memref_slice %arg9[%dma_start3A_246, %dma_start3A_247] : memref<128x128xf32, #tpu.memory_space<vmem>> -> memref<16x128xf32, #tpu.memory_space<vmem>>
        tpu.enqueue_dma source(%dma_start3A_248 : memref<16x128xf32, #tpu.memory_space<vmem>>) target(%dma_start3A_245 : memref<16x128xf32, #tpu.memory_space<vmem_shared>>) target_semaphore(%run_scoped3A_236 : memref<!tpu.dma_semaphore, #tpu.memory_space<semaphore_mem>>)
        %dma_wait3A_249 = arith.constant 0 : i32
        %dma_wait3A_250 = arith.constant 0 : i32
        %dma_wait3A_251 = tpu.memref_slice %arg9[%dma_wait3A_249, %dma_wait3A_250] : memref<128x128xf32, #tpu.memory_space<vmem>> -> memref<16x128xf32, #tpu.memory_space<vmem>>
        %dma_wait3A_252 = arith.constant 9984 : i32
        %dma_wait3A_253 = arith.constant 0 : i32
        %dma_wait3A_254 = tpu.memref_slice %arg11[%dma_wait3A_252, %dma_wait3A_253] : memref<10000x128xf32, #tpu.memory_space<vmem_shared>> -> memref<16x128xf32, #tpu.memory_space<vmem_shared>>
        %dma_wait3A_255 = arith.constant 9984 : i32
        %dma_wait3A_256 = arith.constant 0 : i32
        %dma_wait3A_257 = tpu.memref_slice %arg11[%dma_wait3A_255, %dma_wait3A_256] : memref<10000x128xf32, #tpu.memory_space<vmem_shared>> -> memref<16x128xf32, #tpu.memory_space<vmem_shared>>
        %dma_wait3A_258 = arith.constant 0 : i32
        %dma_wait3A_259 = arith.constant 0 : i32
        %dma_wait3A_260 = tpu.memref_slice %arg9[%dma_wait3A_258, %dma_wait3A_259] : memref<128x128xf32, #tpu.memory_space<vmem>> -> memref<16x128xf32, #tpu.memory_space<vmem>>
        tpu.wait_dma2 semaphore(%run_scoped3A_236 : memref<!tpu.dma_semaphore, #tpu.memory_space<semaphore_mem>>) src(%dma_wait3A_260 : memref<16x128xf32, #tpu.memory_space<vmem>>) dst(%dma_wait3A_257 : memref<16x128xf32, #tpu.memory_space<vmem_shared>>)
        tpu.yield
      }) : () -> ()
    } else {
    }
    %barrier3A = arith.constant 0 : index
    tpu.barrier barrier_id(%barrier3A)
    %add3A_34 = arith.constant 0 : i32
    %add3A_35 = arith.addi %add3A_4, %add3A_34 : i32
    %run_scoped3A = arith.constant 0 : i32
    "tpu.region"() ({
      %run_scoped3A_236 = tpu.sem_alloc : memref<!tpu.dma_semaphore, #tpu.memory_space<semaphore_mem>>
      %dma_start3A_237 = arith.constant 0 : i32
      %dma_start3A_238 = arith.constant 0 : i32
      %dma_start3A_239 = tpu.memref_slice %arg3[%run_scoped3A, %dma_start3A_237, %dma_start3A_238] : memref<2x2500x128xi32, #tpu.memory_space<hbm>> -> memref<1x2500x128xi32, #tpu.memory_space<hbm>>
      %dma_start3A_240 = tpu.memref_squeeze %dma_start3A_239 : memref<1x2500x128xi32, #tpu.memory_space<hbm>> -> memref<2500x128xi32, #tpu.memory_space<hbm>>
      %dma_start3A_241 = arith.constant 0 : i32
      %dma_start3A_242 = tpu.memref_slice %dma_start3A_240[%add3A_35, %dma_start3A_241] : memref<2500x128xi32, #tpu.memory_space<hbm>> -> memref<6x128xi32, #tpu.memory_space<hbm>>
      %dma_start3A_243 = arith.constant 0 : i32
      %dma_start3A_244 = arith.constant 0 : i32
      %dma_start3A_245 = tpu.memref_slice %arg3[%run_scoped3A, %dma_start3A_243, %dma_start3A_244] : memref<2x2500x128xi32, #tpu.memory_space<hbm>> -> memref<1x2500x128xi32, #tpu.memory_space<hbm>>
      %dma_start3A_246 = tpu.memref_squeeze %dma_start3A_245 : memref<1x2500x128xi32, #tpu.memory_space<hbm>> -> memref<2500x128xi32, #tpu.memory_space<hbm>>
      %dma_start3A_247 = arith.constant 0 : i32
      %dma_start3A_248 = tpu.memref_slice %dma_start3A_246[%add3A_35, %dma_start3A_247] : memref<2500x128xi32, #tpu.memory_space<hbm>> -> memref<6x128xi32, #tpu.memory_space<hbm>>
      tpu.enqueue_dma source(%dma_start3A_248 : memref<6x128xi32, #tpu.memory_space<hbm>>) target(%arg5 : memref<6x128xi32, #tpu.memory_space<vmem>>) target_semaphore(%run_scoped3A_236 : memref<!tpu.dma_semaphore, #tpu.memory_space<semaphore_mem>>)
      %dma_wait3A_249 = arith.constant 0 : i32
      %dma_wait3A_250 = arith.constant 0 : i32
      %dma_wait3A_251 = tpu.memref_slice %arg3[%run_scoped3A, %dma_wait3A_249, %dma_wait3A_250] : memref<2x2500x128xi32, #tpu.memory_space<hbm>> -> memref<1x2500x128xi32, #tpu.memory_space<hbm>>
      %dma_wait3A_252 = tpu.memref_squeeze %dma_wait3A_251 : memref<1x2500x128xi32, #tpu.memory_space<hbm>> -> memref<2500x128xi32, #tpu.memory_space<hbm>>
      %dma_wait3A_253 = arith.constant 0 : i32
      %dma_wait3A_254 = tpu.memref_slice %dma_wait3A_252[%add3A_35, %dma_wait3A_253] : memref<2500x128xi32, #tpu.memory_space<hbm>> -> memref<6x128xi32, #tpu.memory_space<hbm>>
      %dma_wait3A_255 = arith.constant 0 : i32
      %dma_wait3A_256 = arith.constant 0 : i32
      %dma_wait3A_257 = tpu.memref_slice %arg3[%run_scoped3A, %dma_wait3A_255, %dma_wait3A_256] : memref<2x2500x128xi32, #tpu.memory_space<hbm>> -> memref<1x2500x128xi32, #tpu.memory_space<hbm>>
      %dma_wait3A_258 = tpu.memref_squeeze %dma_wait3A_257 : memref<1x2500x128xi32, #tpu.memory_space<hbm>> -> memref<2500x128xi32, #tpu.memory_space<hbm>>
      %dma_wait3A_259 = arith.constant 0 : i32
      %dma_wait3A_260 = tpu.memref_slice %dma_wait3A_258[%add3A_35, %dma_wait3A_259] : memref<2500x128xi32, #tpu.memory_space<hbm>> -> memref<6x128xi32, #tpu.memory_space<hbm>>
      tpu.wait_dma2 semaphore(%run_scoped3A_236 : memref<!tpu.dma_semaphore, #tpu.memory_space<semaphore_mem>>) src(%dma_wait3A_260 : memref<6x128xi32, #tpu.memory_space<hbm>>) dst(%arg5 : memref<6x128xi32, #tpu.memory_space<vmem>>)
      tpu.yield
    }) : () -> ()
    %add3A_36 = arith.constant 0 : i32
    %add3A_37 = arith.addi %add3A_4, %add3A_36 : i32
    %run_scoped3A_38 = arith.constant 1 : i32
    "tpu.region"() ({
      %run_scoped3A_236 = tpu.sem_alloc : memref<!tpu.dma_semaphore, #tpu.memory_space<semaphore_mem>>
      %dma_start3A_237 = arith.constant 0 : i32
      %dma_start3A_238 = arith.constant 0 : i32
      %dma_start3A_239 = tpu.memref_slice %arg3[%run_scoped3A_38, %dma_start3A_237, %dma_start3A_238] : memref<2x2500x128xi32, #tpu.memory_space<hbm>> -> memref<1x2500x128xi32, #tpu.memory_space<hbm>>
      %dma_start3A_240 = tpu.memref_squeeze %dma_start3A_239 : memref<1x2500x128xi32, #tpu.memory_space<hbm>> -> memref<2500x128xi32, #tpu.memory_space<hbm>>
      %dma_start3A_241 = arith.constant 0 : i32
      %dma_start3A_242 = tpu.memref_slice %dma_start3A_240[%add3A_37, %dma_start3A_241] : memref<2500x128xi32, #tpu.memory_space<hbm>> -> memref<6x128xi32, #tpu.memory_space<hbm>>
      %dma_start3A_243 = arith.constant 0 : i32
      %dma_start3A_244 = arith.constant 0 : i32
      %dma_start3A_245 = tpu.memref_slice %arg3[%run_scoped3A_38, %dma_start3A_243, %dma_start3A_244] : memref<2x2500x128xi32, #tpu.memory_space<hbm>> -> memref<1x2500x128xi32, #tpu.memory_space<hbm>>
      %dma_start3A_246 = tpu.memref_squeeze %dma_start3A_245 : memref<1x2500x128xi32, #tpu.memory_space<hbm>> -> memref<2500x128xi32, #tpu.memory_space<hbm>>
      %dma_start3A_247 = arith.constant 0 : i32
      %dma_start3A_248 = tpu.memref_slice %dma_start3A_246[%add3A_37, %dma_start3A_247] : memref<2500x128xi32, #tpu.memory_space<hbm>> -> memref<6x128xi32, #tpu.memory_space<hbm>>
      tpu.enqueue_dma source(%dma_start3A_248 : memref<6x128xi32, #tpu.memory_space<hbm>>) target(%arg7 : memref<6x128xi32, #tpu.memory_space<vmem>>) target_semaphore(%run_scoped3A_236 : memref<!tpu.dma_semaphore, #tpu.memory_space<semaphore_mem>>)
      %dma_wait3A_249 = arith.constant 0 : i32
      %dma_wait3A_250 = arith.constant 0 : i32
      %dma_wait3A_251 = tpu.memref_slice %arg3[%run_scoped3A_38, %dma_wait3A_249, %dma_wait3A_250] : memref<2x2500x128xi32, #tpu.memory_space<hbm>> -> memref<1x2500x128xi32, #tpu.memory_space<hbm>>
      %dma_wait3A_252 = tpu.memref_squeeze %dma_wait3A_251 : memref<1x2500x128xi32, #tpu.memory_space<hbm>> -> memref<2500x128xi32, #tpu.memory_space<hbm>>
      %dma_wait3A_253 = arith.constant 0 : i32
      %dma_wait3A_254 = tpu.memref_slice %dma_wait3A_252[%add3A_37, %dma_wait3A_253] : memref<2500x128xi32, #tpu.memory_space<hbm>> -> memref<6x128xi32, #tpu.memory_space<hbm>>
      %dma_wait3A_255 = arith.constant 0 : i32
      %dma_wait3A_256 = arith.constant 0 : i32
      %dma_wait3A_257 = tpu.memref_slice %arg3[%run_scoped3A_38, %dma_wait3A_255, %dma_wait3A_256] : memref<2x2500x128xi32, #tpu.memory_space<hbm>> -> memref<1x2500x128xi32, #tpu.memory_space<hbm>>
      %dma_wait3A_258 = tpu.memref_squeeze %dma_wait3A_257 : memref<1x2500x128xi32, #tpu.memory_space<hbm>> -> memref<2500x128xi32, #tpu.memory_space<hbm>>
      %dma_wait3A_259 = arith.constant 0 : i32
      %dma_wait3A_260 = tpu.memref_slice %dma_wait3A_258[%add3A_37, %dma_wait3A_259] : memref<2500x128xi32, #tpu.memory_space<hbm>> -> memref<6x128xi32, #tpu.memory_space<hbm>>
      tpu.wait_dma2 semaphore(%run_scoped3A_236 : memref<!tpu.dma_semaphore, #tpu.memory_space<semaphore_mem>>) src(%dma_wait3A_260 : memref<6x128xi32, #tpu.memory_space<hbm>>) dst(%arg7 : memref<6x128xi32, #tpu.memory_space<vmem>>)
      tpu.yield
    }) : () -> ()
    %dma_start3A = arith.constant 0 : i32
    %dma_start3A_39 = arith.constant 0 : i32
    %dma_start3A_40 = tpu.memref_slice %arg7[%dma_start3A, %dma_start3A_39] : memref<6x128xi32, #tpu.memory_space<vmem>> -> memref<1x128xi32, #tpu.memory_space<vmem>>
    %dma_start3A_41 = tpu.memref_squeeze %dma_start3A_40 : memref<1x128xi32, #tpu.memory_space<vmem>> -> memref<128xi32, #tpu.memory_space<vmem>>
    %dma_start3A_42 = arith.constant 0 : i32
    %dma_start3A_43 = arith.constant 0 : i32
    %dma_start3A_44 = tpu.memref_slice %arg11[%dma_start3A_42, %dma_start3A_43] : memref<10000x128xf32, #tpu.memory_space<vmem_shared>> -> memref<10000x128xf32, #tpu.memory_space<vmem_shared>>
    tpu.enqueue_indirect_dma source(%arg10 : memref<128x128xf32, #tpu.memory_space<vmem>>) target(%dma_start3A_44 : memref<10000x128xf32, #tpu.memory_space<vmem_shared>>) offsets(%dma_start3A_41 : memref<128xi32, #tpu.memory_space<vmem>>) semaphore(%arg15 : memref<!tpu.dma_semaphore, #tpu.memory_space<semaphore_mem>>) {add = true}
    %dma_start3A_45 = arith.constant 0 : i32
    %dma_start3A_46 = arith.constant 0 : i32
    %dma_start3A_47 = tpu.memref_slice %arg5[%dma_start3A_45, %dma_start3A_46] : memref<6x128xi32, #tpu.memory_space<vmem>> -> memref<1x128xi32, #tpu.memory_space<vmem>>
    %dma_start3A_48 = tpu.memref_squeeze %dma_start3A_47 : memref<1x128xi32, #tpu.memory_space<vmem>> -> memref<128xi32, #tpu.memory_space<vmem>>
    %dma_start3A_49 = arith.constant 0 : i32
    %dma_start3A_50 = arith.constant 0 : i32
    %dma_start3A_51 = tpu.memref_slice %arg2[%dma_start3A_49, %dma_start3A_50] : memref<10000x128xf32, #tpu.memory_space<hbm>> -> memref<10000x128xf32, #tpu.memory_space<hbm>>
    tpu.enqueue_indirect_dma source(%dma_start3A_51 : memref<10000x128xf32, #tpu.memory_space<hbm>>) target(%arg9 : memref<128x128xf32, #tpu.memory_space<vmem>>) offsets(%dma_start3A_48 : memref<128xi32, #tpu.memory_space<vmem>>) semaphore(%arg12 : memref<!tpu.dma_semaphore, #tpu.memory_space<semaphore_mem>>)
    %scan3A_52 = arith.constant 0 : i32
    %scan3A_53 = arith.constant 0 : i32
    %scan3A_54 = arith.constant 6 : i32
    %scan3A_55 = arith.addi %scan3A_53, %scan3A_54 : i32
    %scan3A_56 = arith.constant 1 : i32
    scf.for %scan3A_236 = %scan3A_53 to %scan3A_55 step %scan3A_56  : i32 {
      %dma_wait3A_237 = arith.constant 0 : i32
      %dma_wait3A_238 = arith.constant 0 : i32
      %dma_wait3A_239 = tpu.memref_slice %arg7[%dma_wait3A_237, %dma_wait3A_238] : memref<6x128xi32, #tpu.memory_space<vmem>> -> memref<1x128xi32, #tpu.memory_space<vmem>>
      %dma_wait3A_240 = tpu.memref_squeeze %dma_wait3A_239 : memref<1x128xi32, #tpu.memory_space<vmem>> -> memref<128xi32, #tpu.memory_space<vmem>>
      %dma_wait3A_241 = arith.constant 0 : i32
      %dma_wait3A_242 = arith.constant 0 : i32
      %dma_wait3A_243 = tpu.memref_slice %arg11[%dma_wait3A_241, %dma_wait3A_242] : memref<10000x128xf32, #tpu.memory_space<vmem_shared>> -> memref<10000x128xf32, #tpu.memory_space<vmem_shared>>
      tpu.wait_indirect_dma semaphore(%arg15 : memref<!tpu.dma_semaphore, #tpu.memory_space<semaphore_mem>>) src(%arg10 : memref<128x128xf32, #tpu.memory_space<vmem>>) dst(%dma_wait3A_243 : memref<10000x128xf32, #tpu.memory_space<vmem_shared>>)
      %dma_start3A_244 = arith.constant 1 : i32
      %dma_start3A_245 = arith.constant 0 : i32
      %dma_start3A_246 = tpu.memref_slice %arg5[%dma_start3A_244, %dma_start3A_245] : memref<6x128xi32, #tpu.memory_space<vmem>> -> memref<1x128xi32, #tpu.memory_space<vmem>>
      %dma_start3A_247 = tpu.memref_squeeze %dma_start3A_246 : memref<1x128xi32, #tpu.memory_space<vmem>> -> memref<128xi32, #tpu.memory_space<vmem>>
      %dma_start3A_248 = arith.constant 0 : i32
      %dma_start3A_249 = arith.constant 0 : i32
      %dma_start3A_250 = tpu.memref_slice %arg2[%dma_start3A_248, %dma_start3A_249] : memref<10000x128xf32, #tpu.memory_space<hbm>> -> memref<10000x128xf32, #tpu.memory_space<hbm>>
      tpu.enqueue_indirect_dma source(%dma_start3A_250 : memref<10000x128xf32, #tpu.memory_space<hbm>>) target(%arg10 : memref<128x128xf32, #tpu.memory_space<vmem>>) offsets(%dma_start3A_247 : memref<128xi32, #tpu.memory_space<vmem>>) semaphore(%arg13 : memref<!tpu.dma_semaphore, #tpu.memory_space<semaphore_mem>>)
      %dma_wait3A_251 = arith.constant 0 : i32
      %dma_wait3A_252 = arith.constant 0 : i32
      %dma_wait3A_253 = tpu.memref_slice %arg5[%dma_wait3A_251, %dma_wait3A_252] : memref<6x128xi32, #tpu.memory_space<vmem>> -> memref<1x128xi32, #tpu.memory_space<vmem>>
      %dma_wait3A_254 = tpu.memref_squeeze %dma_wait3A_253 : memref<1x128xi32, #tpu.memory_space<vmem>> -> memref<128xi32, #tpu.memory_space<vmem>>
      %dma_wait3A_255 = arith.constant 0 : i32
      %dma_wait3A_256 = arith.constant 0 : i32
      %dma_wait3A_257 = tpu.memref_slice %arg2[%dma_wait3A_255, %dma_wait3A_256] : memref<10000x128xf32, #tpu.memory_space<hbm>> -> memref<10000x128xf32, #tpu.memory_space<hbm>>
      tpu.wait_indirect_dma semaphore(%arg12 : memref<!tpu.dma_semaphore, #tpu.memory_space<semaphore_mem>>) src(%dma_wait3A_257 : memref<10000x128xf32, #tpu.memory_space<hbm>>) dst(%arg9 : memref<128x128xf32, #tpu.memory_space<vmem>>)
      %dma_start3A_258 = arith.constant 0 : i32
      %dma_start3A_259 = arith.constant 0 : i32
      %dma_start3A_260 = tpu.memref_slice %arg7[%dma_start3A_258, %dma_start3A_259] : memref<6x128xi32, #tpu.memory_space<vmem>> -> memref<1x128xi32, #tpu.memory_space<vmem>>
      %dma_start3A_261 = tpu.memref_squeeze %dma_start3A_260 : memref<1x128xi32, #tpu.memory_space<vmem>> -> memref<128xi32, #tpu.memory_space<vmem>>
      %dma_start3A_262 = arith.constant 0 : i32
      %dma_start3A_263 = arith.constant 0 : i32
      %dma_start3A_264 = tpu.memref_slice %arg11[%dma_start3A_262, %dma_start3A_263] : memref<10000x128xf32, #tpu.memory_space<vmem_shared>> -> memref<10000x128xf32, #tpu.memory_space<vmem_shared>>
      tpu.enqueue_indirect_dma source(%arg9 : memref<128x128xf32, #tpu.memory_space<vmem>>) target(%dma_start3A_264 : memref<10000x128xf32, #tpu.memory_space<vmem_shared>>) offsets(%dma_start3A_261 : memref<128xi32, #tpu.memory_space<vmem>>) semaphore(%arg14 : memref<!tpu.dma_semaphore, #tpu.memory_space<semaphore_mem>>) {add = true}
      %dma_wait3A_265 = arith.constant 0 : i32
      %dma_wait3A_266 = arith.constant 0 : i32
      %dma_wait3A_267 = tpu.memref_slice %arg7[%dma_wait3A_265, %dma_wait3A_266] : memref<6x128xi32, #tpu.memory_space<vmem>> -> memref<1x128xi32, #tpu.memory_space<vmem>>
      %dma_wait3A_268 = tpu.memref_squeeze %dma_wait3A_267 : memref<1x128xi32, #tpu.memory_space<vmem>> -> memref<128xi32, #tpu.memory_space<vmem>>
      %dma_wait3A_269 = arith.constant 0 : i32
      %dma_wait3A_270 = arith.constant 0 : i32
      %dma_wait3A_271 = tpu.memref_slice %arg11[%dma_wait3A_269, %dma_wait3A_270] : memref<10000x128xf32, #tpu.memory_space<vmem_shared>> -> memref<10000x128xf32, #tpu.memory_space<vmem_shared>>
      tpu.wait_indirect_dma semaphore(%arg14 : memref<!tpu.dma_semaphore, #tpu.memory_space<semaphore_mem>>) src(%arg9 : memref<128x128xf32, #tpu.memory_space<vmem>>) dst(%dma_wait3A_271 : memref<10000x128xf32, #tpu.memory_space<vmem_shared>>)
      %dma_start3A_272 = arith.constant 2 : i32
      %dma_start3A_273 = arith.constant 0 : i32
      %dma_start3A_274 = tpu.memref_slice %arg5[%dma_start3A_272, %dma_start3A_273] : memref<6x128xi32, #tpu.memory_space<vmem>> -> memref<1x128xi32, #tpu.memory_space<vmem>>
      %dma_start3A_275 = tpu.memref_squeeze %dma_start3A_274 : memref<1x128xi32, #tpu.memory_space<vmem>> -> memref<128xi32, #tpu.memory_space<vmem>>
      %dma_start3A_276 = arith.constant 0 : i32
      %dma_start3A_277 = arith.constant 0 : i32
      %dma_start3A_278 = tpu.memref_slice %arg2[%dma_start3A_276, %dma_start3A_277] : memref<10000x128xf32, #tpu.memory_space<hbm>> -> memref<10000x128xf32, #tpu.memory_space<hbm>>
      tpu.enqueue_indirect_dma source(%dma_start3A_278 : memref<10000x128xf32, #tpu.memory_space<hbm>>) target(%arg9 : memref<128x128xf32, #tpu.memory_space<vmem>>) offsets(%dma_start3A_275 : memref<128xi32, #tpu.memory_space<vmem>>) semaphore(%arg12 : memref<!tpu.dma_semaphore, #tpu.memory_space<semaphore_mem>>)
      %dma_wait3A_279 = arith.constant 0 : i32
      %dma_wait3A_280 = arith.constant 0 : i32
      %dma_wait3A_281 = tpu.memref_slice %arg5[%dma_wait3A_279, %dma_wait3A_280] : memref<6x128xi32, #tpu.memory_space<vmem>> -> memref<1x128xi32, #tpu.memory_space<vmem>>
      %dma_wait3A_282 = tpu.memref_squeeze %dma_wait3A_281 : memref<1x128xi32, #tpu.memory_space<vmem>> -> memref<128xi32, #tpu.memory_space<vmem>>
      %dma_wait3A_283 = arith.constant 0 : i32
      %dma_wait3A_284 = arith.constant 0 : i32
      %dma_wait3A_285 = tpu.memref_slice %arg2[%dma_wait3A_283, %dma_wait3A_284] : memref<10000x128xf32, #tpu.memory_space<hbm>> -> memref<10000x128xf32, #tpu.memory_space<hbm>>
      tpu.wait_indirect_dma semaphore(%arg13 : memref<!tpu.dma_semaphore, #tpu.memory_space<semaphore_mem>>) src(%dma_wait3A_285 : memref<10000x128xf32, #tpu.memory_space<hbm>>) dst(%arg10 : memref<128x128xf32, #tpu.memory_space<vmem>>)
      %dma_start3A_286 = arith.constant 1 : i32
      %dma_start3A_287 = arith.constant 0 : i32
      %dma_start3A_288 = tpu.memref_slice %arg7[%dma_start3A_286, %dma_start3A_287] : memref<6x128xi32, #tpu.memory_space<vmem>> -> memref<1x128xi32, #tpu.memory_space<vmem>>
      %dma_start3A_289 = tpu.memref_squeeze %dma_start3A_288 : memref<1x128xi32, #tpu.memory_space<vmem>> -> memref<128xi32, #tpu.memory_space<vmem>>
      %dma_start3A_290 = arith.constant 0 : i32
      %dma_start3A_291 = arith.constant 0 : i32
      %dma_start3A_292 = tpu.memref_slice %arg11[%dma_start3A_290, %dma_start3A_291] : memref<10000x128xf32, #tpu.memory_space<vmem_shared>> -> memref<10000x128xf32, #tpu.memory_space<vmem_shared>>
      tpu.enqueue_indirect_dma source(%arg10 : memref<128x128xf32, #tpu.memory_space<vmem>>) target(%dma_start3A_292 : memref<10000x128xf32, #tpu.memory_space<vmem_shared>>) offsets(%dma_start3A_289 : memref<128xi32, #tpu.memory_space<vmem>>) semaphore(%arg15 : memref<!tpu.dma_semaphore, #tpu.memory_space<semaphore_mem>>) {add = true}
      %dma_wait3A_293 = arith.constant 0 : i32
      %dma_wait3A_294 = arith.constant 0 : i32
      %dma_wait3A_295 = tpu.memref_slice %arg7[%dma_wait3A_293, %dma_wait3A_294] : memref<6x128xi32, #tpu.memory_space<vmem>> -> memref<1x128xi32, #tpu.memory_space<vmem>>
      %dma_wait3A_296 = tpu.memref_squeeze %dma_wait3A_295 : memref<1x128xi32, #tpu.memory_space<vmem>> -> memref<128xi32, #tpu.memory_space<vmem>>
      %dma_wait3A_297 = arith.constant 0 : i32
      %dma_wait3A_298 = arith.constant 0 : i32
      %dma_wait3A_299 = tpu.memref_slice %arg11[%dma_wait3A_297, %dma_wait3A_298] : memref<10000x128xf32, #tpu.memory_space<vmem_shared>> -> memref<10000x128xf32, #tpu.memory_space<vmem_shared>>
      tpu.wait_indirect_dma semaphore(%arg15 : memref<!tpu.dma_semaphore, #tpu.memory_space<semaphore_mem>>) src(%arg10 : memref<128x128xf32, #tpu.memory_space<vmem>>) dst(%dma_wait3A_299 : memref<10000x128xf32, #tpu.memory_space<vmem_shared>>)
      %dma_start3A_300 = arith.constant 3 : i32
      %dma_start3A_301 = arith.constant 0 : i32
      %dma_start3A_302 = tpu.memref_slice %arg5[%dma_start3A_300, %dma_start3A_301] : memref<6x128xi32, #tpu.memory_space<vmem>> -> memref<1x128xi32, #tpu.memory_space<vmem>>
      %dma_start3A_303 = tpu.memref_squeeze %dma_start3A_302 : memref<1x128xi32, #tpu.memory_space<vmem>> -> memref<128xi32, #tpu.memory_space<vmem>>
      %dma_start3A_304 = arith.constant 0 : i32
      %dma_start3A_305 = arith.constant 0 : i32
      %dma_start3A_306 = tpu.memref_slice %arg2[%dma_start3A_304, %dma_start3A_305] : memref<10000x128xf32, #tpu.memory_space<hbm>> -> memref<10000x128xf32, #tpu.memory_space<hbm>>
      tpu.enqueue_indirect_dma source(%dma_start3A_306 : memref<10000x128xf32, #tpu.memory_space<hbm>>) target(%arg10 : memref<128x128xf32, #tpu.memory_space<vmem>>) offsets(%dma_start3A_303 : memref<128xi32, #tpu.memory_space<vmem>>) semaphore(%arg13 : memref<!tpu.dma_semaphore, #tpu.memory_space<semaphore_mem>>)
      %dma_wait3A_307 = arith.constant 0 : i32
      %dma_wait3A_308 = arith.constant 0 : i32
      %dma_wait3A_309 = tpu.memref_slice %arg5[%dma_wait3A_307, %dma_wait3A_308] : memref<6x128xi32, #tpu.memory_space<vmem>> -> memref<1x128xi32, #tpu.memory_space<vmem>>
      %dma_wait3A_310 = tpu.memref_squeeze %dma_wait3A_309 : memref<1x128xi32, #tpu.memory_space<vmem>> -> memref<128xi32, #tpu.memory_space<vmem>>
      %dma_wait3A_311 = arith.constant 0 : i32
      %dma_wait3A_312 = arith.constant 0 : i32
      %dma_wait3A_313 = tpu.memref_slice %arg2[%dma_wait3A_311, %dma_wait3A_312] : memref<10000x128xf32, #tpu.memory_space<hbm>> -> memref<10000x128xf32, #tpu.memory_space<hbm>>
      tpu.wait_indirect_dma semaphore(%arg12 : memref<!tpu.dma_semaphore, #tpu.memory_space<semaphore_mem>>) src(%dma_wait3A_313 : memref<10000x128xf32, #tpu.memory_space<hbm>>) dst(%arg9 : memref<128x128xf32, #tpu.memory_space<vmem>>)
      %dma_start3A_314 = arith.constant 2 : i32
      %dma_start3A_315 = arith.constant 0 : i32
      %dma_start3A_316 = tpu.memref_slice %arg7[%dma_start3A_314, %dma_start3A_315] : memref<6x128xi32, #tpu.memory_space<vmem>> -> memref<1x128xi32, #tpu.memory_space<vmem>>
      %dma_start3A_317 = tpu.memref_squeeze %dma_start3A_316 : memref<1x128xi32, #tpu.memory_space<vmem>> -> memref<128xi32, #tpu.memory_space<vmem>>
      %dma_start3A_318 = arith.constant 0 : i32
      %dma_start3A_319 = arith.constant 0 : i32
      %dma_start3A_320 = tpu.memref_slice %arg11[%dma_start3A_318, %dma_start3A_319] : memref<10000x128xf32, #tpu.memory_space<vmem_shared>> -> memref<10000x128xf32, #tpu.memory_space<vmem_shared>>
      tpu.enqueue_indirect_dma source(%arg9 : memref<128x128xf32, #tpu.memory_space<vmem>>) target(%dma_start3A_320 : memref<10000x128xf32, #tpu.memory_space<vmem_shared>>) offsets(%dma_start3A_317 : memref<128xi32, #tpu.memory_space<vmem>>) semaphore(%arg14 : memref<!tpu.dma_semaphore, #tpu.memory_space<semaphore_mem>>) {add = true}
      %mul3A_321 = arith.constant 2 : i32
      %mul3A_322 = arith.muli %mul3A_321, %scan3A_236 : i32
      %add3A_323 = arith.constant 1 : i32
      %add3A_324 = arith.addi %mul3A_322, %add3A_323 : i32
      %mul3A_325 = arith.constant 6 : i32
      %mul3A_326 = arith.muli %add3A_324, %mul3A_325 : i32
      %add3A_327 = arith.addi %add3A_4, %mul3A_326 : i32
      %run_scoped3A_328 = arith.constant 0 : i32
      "tpu.region"() ({
        %run_scoped3A_597 = tpu.sem_alloc : memref<!tpu.dma_semaphore, #tpu.memory_space<semaphore_mem>>
        %dma_start3A_598 = arith.constant 0 : i32
        %dma_start3A_599 = arith.constant 0 : i32
        %dma_start3A_600 = tpu.memref_slice %arg3[%run_scoped3A_328, %dma_start3A_598, %dma_start3A_599] : memref<2x2500x128xi32, #tpu.memory_space<hbm>> -> memref<1x2500x128xi32, #tpu.memory_space<hbm>>
        %dma_start3A_601 = tpu.memref_squeeze %dma_start3A_600 : memref<1x2500x128xi32, #tpu.memory_space<hbm>> -> memref<2500x128xi32, #tpu.memory_space<hbm>>
        %dma_start3A_602 = arith.constant 0 : i32
        %dma_start3A_603 = tpu.memref_slice %dma_start3A_601[%add3A_327, %dma_start3A_602] : memref<2500x128xi32, #tpu.memory_space<hbm>> -> memref<6x128xi32, #tpu.memory_space<hbm>>
        %dma_start3A_604 = arith.constant 0 : i32
        %dma_start3A_605 = arith.constant 0 : i32
        %dma_start3A_606 = tpu.memref_slice %arg3[%run_scoped3A_328, %dma_start3A_604, %dma_start3A_605] : memref<2x2500x128xi32, #tpu.memory_space<hbm>> -> memref<1x2500x128xi32, #tpu.memory_space<hbm>>
        %dma_start3A_607 = tpu.memref_squeeze %dma_start3A_606 : memref<1x2500x128xi32, #tpu.memory_space<hbm>> -> memref<2500x128xi32, #tpu.memory_space<hbm>>
        %dma_start3A_608 = arith.constant 0 : i32
        %dma_start3A_609 = tpu.memref_slice %dma_start3A_607[%add3A_327, %dma_start3A_608] : memref<2500x128xi32, #tpu.memory_space<hbm>> -> memref<6x128xi32, #tpu.memory_space<hbm>>
        tpu.enqueue_dma source(%dma_start3A_609 : memref<6x128xi32, #tpu.memory_space<hbm>>) target(%arg6 : memref<6x128xi32, #tpu.memory_space<vmem>>) target_semaphore(%run_scoped3A_597 : memref<!tpu.dma_semaphore, #tpu.memory_space<semaphore_mem>>)
        %dma_wait3A_610 = arith.constant 0 : i32
        %dma_wait3A_611 = arith.constant 0 : i32
        %dma_wait3A_612 = tpu.memref_slice %arg3[%run_scoped3A_328, %dma_wait3A_610, %dma_wait3A_611] : memref<2x2500x128xi32, #tpu.memory_space<hbm>> -> memref<1x2500x128xi32, #tpu.memory_space<hbm>>
        %dma_wait3A_613 = tpu.memref_squeeze %dma_wait3A_612 : memref<1x2500x128xi32, #tpu.memory_space<hbm>> -> memref<2500x128xi32, #tpu.memory_space<hbm>>
        %dma_wait3A_614 = arith.constant 0 : i32
        %dma_wait3A_615 = tpu.memref_slice %dma_wait3A_613[%add3A_327, %dma_wait3A_614] : memref<2500x128xi32, #tpu.memory_space<hbm>> -> memref<6x128xi32, #tpu.memory_space<hbm>>
        %dma_wait3A_616 = arith.constant 0 : i32
        %dma_wait3A_617 = arith.constant 0 : i32
        %dma_wait3A_618 = tpu.memref_slice %arg3[%run_scoped3A_328, %dma_wait3A_616, %dma_wait3A_617] : memref<2x2500x128xi32, #tpu.memory_space<hbm>> -> memref<1x2500x128xi32, #tpu.memory_space<hbm>>
        %dma_wait3A_619 = tpu.memref_squeeze %dma_wait3A_618 : memref<1x2500x128xi32, #tpu.memory_space<hbm>> -> memref<2500x128xi32, #tpu.memory_space<hbm>>
        %dma_wait3A_620 = arith.constant 0 : i32
        %dma_wait3A_621 = tpu.memref_slice %dma_wait3A_619[%add3A_327, %dma_wait3A_620] : memref<2500x128xi32, #tpu.memory_space<hbm>> -> memref<6x128xi32, #tpu.memory_space<hbm>>
        tpu.wait_dma2 semaphore(%run_scoped3A_597 : memref<!tpu.dma_semaphore, #tpu.memory_space<semaphore_mem>>) src(%dma_wait3A_621 : memref<6x128xi32, #tpu.memory_space<hbm>>) dst(%arg6 : memref<6x128xi32, #tpu.memory_space<vmem>>)
        tpu.yield
      }) : () -> ()
      %mul3A_329 = arith.constant 6 : i32
      %mul3A_330 = arith.muli %add3A_324, %mul3A_329 : i32
      %add3A_331 = arith.addi %add3A_4, %mul3A_330 : i32
      %run_scoped3A_332 = arith.constant 1 : i32
      "tpu.region"() ({
        %run_scoped3A_597 = tpu.sem_alloc : memref<!tpu.dma_semaphore, #tpu.memory_space<semaphore_mem>>
        %dma_start3A_598 = arith.constant 0 : i32
        %dma_start3A_599 = arith.constant 0 : i32
        %dma_start3A_600 = tpu.memref_slice %arg3[%run_scoped3A_332, %dma_start3A_598, %dma_start3A_599] : memref<2x2500x128xi32, #tpu.memory_space<hbm>> -> memref<1x2500x128xi32, #tpu.memory_space<hbm>>
        %dma_start3A_601 = tpu.memref_squeeze %dma_start3A_600 : memref<1x2500x128xi32, #tpu.memory_space<hbm>> -> memref<2500x128xi32, #tpu.memory_space<hbm>>
        %dma_start3A_602 = arith.constant 0 : i32
        %dma_start3A_603 = tpu.memref_slice %dma_start3A_601[%add3A_331, %dma_start3A_602] : memref<2500x128xi32, #tpu.memory_space<hbm>> -> memref<6x128xi32, #tpu.memory_space<hbm>>
        %dma_start3A_604 = arith.constant 0 : i32
        %dma_start3A_605 = arith.constant 0 : i32
        %dma_start3A_606 = tpu.memref_slice %arg3[%run_scoped3A_332, %dma_start3A_604, %dma_start3A_605] : memref<2x2500x128xi32, #tpu.memory_space<hbm>> -> memref<1x2500x128xi32, #tpu.memory_space<hbm>>
        %dma_start3A_607 = tpu.memref_squeeze %dma_start3A_606 : memref<1x2500x128xi32, #tpu.memory_space<hbm>> -> memref<2500x128xi32, #tpu.memory_space<hbm>>
        %dma_start3A_608 = arith.constant 0 : i32
        %dma_start3A_609 = tpu.memref_slice %dma_start3A_607[%add3A_331, %dma_start3A_608] : memref<2500x128xi32, #tpu.memory_space<hbm>> -> memref<6x128xi32, #tpu.memory_space<hbm>>
        tpu.enqueue_dma source(%dma_start3A_609 : memref<6x128xi32, #tpu.memory_space<hbm>>) target(%arg8 : memref<6x128xi32, #tpu.memory_space<vmem>>) target_semaphore(%run_scoped3A_597 : memref<!tpu.dma_semaphore, #tpu.memory_space<semaphore_mem>>)
        %dma_wait3A_610 = arith.constant 0 : i32
        %dma_wait3A_611 = arith.constant 0 : i32
        %dma_wait3A_612 = tpu.memref_slice %arg3[%run_scoped3A_332, %dma_wait3A_610, %dma_wait3A_611] : memref<2x2500x128xi32, #tpu.memory_space<hbm>> -> memref<1x2500x128xi32, #tpu.memory_space<hbm>>
        %dma_wait3A_613 = tpu.memref_squeeze %dma_wait3A_612 : memref<1x2500x128xi32, #tpu.memory_space<hbm>> -> memref<2500x128xi32, #tpu.memory_space<hbm>>
        %dma_wait3A_614 = arith.constant 0 : i32
        %dma_wait3A_615 = tpu.memref_slice %dma_wait3A_613[%add3A_331, %dma_wait3A_614] : memref<2500x128xi32, #tpu.memory_space<hbm>> -> memref<6x128xi32, #tpu.memory_space<hbm>>
        %dma_wait3A_616 = arith.constant 0 : i32
        %dma_wait3A_617 = arith.constant 0 : i32
        %dma_wait3A_618 = tpu.memref_slice %arg3[%run_scoped3A_332, %dma_wait3A_616, %dma_wait3A_617] : memref<2x2500x128xi32, #tpu.memory_space<hbm>> -> memref<1x2500x128xi32, #tpu.memory_space<hbm>>
        %dma_wait3A_619 = tpu.memref_squeeze %dma_wait3A_618 : memref<1x2500x128xi32, #tpu.memory_space<hbm>> -> memref<2500x128xi32, #tpu.memory_space<hbm>>
        %dma_wait3A_620 = arith.constant 0 : i32
        %dma_wait3A_621 = tpu.memref_slice %dma_wait3A_619[%add3A_331, %dma_wait3A_620] : memref<2500x128xi32, #tpu.memory_space<hbm>> -> memref<6x128xi32, #tpu.memory_space<hbm>>
        tpu.wait_dma2 semaphore(%run_scoped3A_597 : memref<!tpu.dma_semaphore, #tpu.memory_space<semaphore_mem>>) src(%dma_wait3A_621 : memref<6x128xi32, #tpu.memory_space<hbm>>) dst(%arg8 : memref<6x128xi32, #tpu.memory_space<vmem>>)
        tpu.yield
      }) : () -> ()
      %dma_wait3A_333 = arith.constant 0 : i32
      %dma_wait3A_334 = arith.constant 0 : i32
      %dma_wait3A_335 = tpu.memref_slice %arg7[%dma_wait3A_333, %dma_wait3A_334] : memref<6x128xi32, #tpu.memory_space<vmem>> -> memref<1x128xi32, #tpu.memory_space<vmem>>
      %dma_wait3A_336 = tpu.memref_squeeze %dma_wait3A_335 : memref<1x128xi32, #tpu.memory_space<vmem>> -> memref<128xi32, #tpu.memory_space<vmem>>
      %dma_wait3A_337 = arith.constant 0 : i32
      %dma_wait3A_338 = arith.constant 0 : i32
      %dma_wait3A_339 = tpu.memref_slice %arg11[%dma_wait3A_337, %dma_wait3A_338] : memref<10000x128xf32, #tpu.memory_space<vmem_shared>> -> memref<10000x128xf32, #tpu.memory_space<vmem_shared>>
      tpu.wait_indirect_dma semaphore(%arg14 : memref<!tpu.dma_semaphore, #tpu.memory_space<semaphore_mem>>) src(%arg9 : memref<128x128xf32, #tpu.memory_space<vmem>>) dst(%dma_wait3A_339 : memref<10000x128xf32, #tpu.memory_space<vmem_shared>>)
      %dma_start3A_340 = arith.constant 4 : i32
      %dma_start3A_341 = arith.constant 0 : i32
      %dma_start3A_342 = tpu.memref_slice %arg5[%dma_start3A_340, %dma_start3A_341] : memref<6x128xi32, #tpu.memory_space<vmem>> -> memref<1x128xi32, #tpu.memory_space<vmem>>
      %dma_start3A_343 = tpu.memref_squeeze %dma_start3A_342 : memref<1x128xi32, #tpu.memory_space<vmem>> -> memref<128xi32, #tpu.memory_space<vmem>>
      %dma_start3A_344 = arith.constant 0 : i32
      %dma_start3A_345 = arith.constant 0 : i32
      %dma_start3A_346 = tpu.memref_slice %arg2[%dma_start3A_344, %dma_start3A_345] : memref<10000x128xf32, #tpu.memory_space<hbm>> -> memref<10000x128xf32, #tpu.memory_space<hbm>>
      tpu.enqueue_indirect_dma source(%dma_start3A_346 : memref<10000x128xf32, #tpu.memory_space<hbm>>) target(%arg9 : memref<128x128xf32, #tpu.memory_space<vmem>>) offsets(%dma_start3A_343 : memref<128xi32, #tpu.memory_space<vmem>>) semaphore(%arg12 : memref<!tpu.dma_semaphore, #tpu.memory_space<semaphore_mem>>)
      %dma_wait3A_347 = arith.constant 0 : i32
      %dma_wait3A_348 = arith.constant 0 : i32
      %dma_wait3A_349 = tpu.memref_slice %arg5[%dma_wait3A_347, %dma_wait3A_348] : memref<6x128xi32, #tpu.memory_space<vmem>> -> memref<1x128xi32, #tpu.memory_space<vmem>>
      %dma_wait3A_350 = tpu.memref_squeeze %dma_wait3A_349 : memref<1x128xi32, #tpu.memory_space<vmem>> -> memref<128xi32, #tpu.memory_space<vmem>>
      %dma_wait3A_351 = arith.constant 0 : i32
      %dma_wait3A_352 = arith.constant 0 : i32
      %dma_wait3A_353 = tpu.memref_slice %arg2[%dma_wait3A_351, %dma_wait3A_352] : memref<10000x128xf32, #tpu.memory_space<hbm>> -> memref<10000x128xf32, #tpu.memory_space<hbm>>
      tpu.wait_indirect_dma semaphore(%arg13 : memref<!tpu.dma_semaphore, #tpu.memory_space<semaphore_mem>>) src(%dma_wait3A_353 : memref<10000x128xf32, #tpu.memory_space<hbm>>) dst(%arg10 : memref<128x128xf32, #tpu.memory_space<vmem>>)
      %dma_start3A_354 = arith.constant 3 : i32
      %dma_start3A_355 = arith.constant 0 : i32
      %dma_start3A_356 = tpu.memref_slice %arg7[%dma_start3A_354, %dma_start3A_355] : memref<6x128xi32, #tpu.memory_space<vmem>> -> memref<1x128xi32, #tpu.memory_space<vmem>>
      %dma_start3A_357 = tpu.memref_squeeze %dma_start3A_356 : memref<1x128xi32, #tpu.memory_space<vmem>> -> memref<128xi32, #tpu.memory_space<vmem>>
      %dma_start3A_358 = arith.constant 0 : i32
      %dma_start3A_359 = arith.constant 0 : i32
      %dma_start3A_360 = tpu.memref_slice %arg11[%dma_start3A_358, %dma_start3A_359] : memref<10000x128xf32, #tpu.memory_space<vmem_shared>> -> memref<10000x128xf32, #tpu.memory_space<vmem_shared>>
      tpu.enqueue_indirect_dma source(%arg10 : memref<128x128xf32, #tpu.memory_space<vmem>>) target(%dma_start3A_360 : memref<10000x128xf32, #tpu.memory_space<vmem_shared>>) offsets(%dma_start3A_357 : memref<128xi32, #tpu.memory_space<vmem>>) semaphore(%arg15 : memref<!tpu.dma_semaphore, #tpu.memory_space<semaphore_mem>>) {add = true}
      %dma_wait3A_361 = arith.constant 0 : i32
      %dma_wait3A_362 = arith.constant 0 : i32
      %dma_wait3A_363 = tpu.memref_slice %arg7[%dma_wait3A_361, %dma_wait3A_362] : memref<6x128xi32, #tpu.memory_space<vmem>> -> memref<1x128xi32, #tpu.memory_space<vmem>>
      %dma_wait3A_364 = tpu.memref_squeeze %dma_wait3A_363 : memref<1x128xi32, #tpu.memory_space<vmem>> -> memref<128xi32, #tpu.memory_space<vmem>>
      %dma_wait3A_365 = arith.constant 0 : i32
      %dma_wait3A_366 = arith.constant 0 : i32
      %dma_wait3A_367 = tpu.memref_slice %arg11[%dma_wait3A_365, %dma_wait3A_366] : memref<10000x128xf32, #tpu.memory_space<vmem_shared>> -> memref<10000x128xf32, #tpu.memory_space<vmem_shared>>
      tpu.wait_indirect_dma semaphore(%arg15 : memref<!tpu.dma_semaphore, #tpu.memory_space<semaphore_mem>>) src(%arg10 : memref<128x128xf32, #tpu.memory_space<vmem>>) dst(%dma_wait3A_367 : memref<10000x128xf32, #tpu.memory_space<vmem_shared>>)
      %dma_start3A_368 = arith.constant 5 : i32
      %dma_start3A_369 = arith.constant 0 : i32
      %dma_start3A_370 = tpu.memref_slice %arg5[%dma_start3A_368, %dma_start3A_369] : memref<6x128xi32, #tpu.memory_space<vmem>> -> memref<1x128xi32, #tpu.memory_space<vmem>>
      %dma_start3A_371 = tpu.memref_squeeze %dma_start3A_370 : memref<1x128xi32, #tpu.memory_space<vmem>> -> memref<128xi32, #tpu.memory_space<vmem>>
      %dma_start3A_372 = arith.constant 0 : i32
      %dma_start3A_373 = arith.constant 0 : i32
      %dma_start3A_374 = tpu.memref_slice %arg2[%dma_start3A_372, %dma_start3A_373] : memref<10000x128xf32, #tpu.memory_space<hbm>> -> memref<10000x128xf32, #tpu.memory_space<hbm>>
      tpu.enqueue_indirect_dma source(%dma_start3A_374 : memref<10000x128xf32, #tpu.memory_space<hbm>>) target(%arg10 : memref<128x128xf32, #tpu.memory_space<vmem>>) offsets(%dma_start3A_371 : memref<128xi32, #tpu.memory_space<vmem>>) semaphore(%arg13 : memref<!tpu.dma_semaphore, #tpu.memory_space<semaphore_mem>>)
      %dma_wait3A_375 = arith.constant 0 : i32
      %dma_wait3A_376 = arith.constant 0 : i32
      %dma_wait3A_377 = tpu.memref_slice %arg5[%dma_wait3A_375, %dma_wait3A_376] : memref<6x128xi32, #tpu.memory_space<vmem>> -> memref<1x128xi32, #tpu.memory_space<vmem>>
      %dma_wait3A_378 = tpu.memref_squeeze %dma_wait3A_377 : memref<1x128xi32, #tpu.memory_space<vmem>> -> memref<128xi32, #tpu.memory_space<vmem>>
      %dma_wait3A_379 = arith.constant 0 : i32
      %dma_wait3A_380 = arith.constant 0 : i32
      %dma_wait3A_381 = tpu.memref_slice %arg2[%dma_wait3A_379, %dma_wait3A_380] : memref<10000x128xf32, #tpu.memory_space<hbm>> -> memref<10000x128xf32, #tpu.memory_space<hbm>>
      tpu.wait_indirect_dma semaphore(%arg12 : memref<!tpu.dma_semaphore, #tpu.memory_space<semaphore_mem>>) src(%dma_wait3A_381 : memref<10000x128xf32, #tpu.memory_space<hbm>>) dst(%arg9 : memref<128x128xf32, #tpu.memory_space<vmem>>)
      %dma_start3A_382 = arith.constant 4 : i32
      %dma_start3A_383 = arith.constant 0 : i32
      %dma_start3A_384 = tpu.memref_slice %arg7[%dma_start3A_382, %dma_start3A_383] : memref<6x128xi32, #tpu.memory_space<vmem>> -> memref<1x128xi32, #tpu.memory_space<vmem>>
      %dma_start3A_385 = tpu.memref_squeeze %dma_start3A_384 : memref<1x128xi32, #tpu.memory_space<vmem>> -> memref<128xi32, #tpu.memory_space<vmem>>
      %dma_start3A_386 = arith.constant 0 : i32
      %dma_start3A_387 = arith.constant 0 : i32
      %dma_start3A_388 = tpu.memref_slice %arg11[%dma_start3A_386, %dma_start3A_387] : memref<10000x128xf32, #tpu.memory_space<vmem_shared>> -> memref<10000x128xf32, #tpu.memory_space<vmem_shared>>
      tpu.enqueue_indirect_dma source(%arg9 : memref<128x128xf32, #tpu.memory_space<vmem>>) target(%dma_start3A_388 : memref<10000x128xf32, #tpu.memory_space<vmem_shared>>) offsets(%dma_start3A_385 : memref<128xi32, #tpu.memory_space<vmem>>) semaphore(%arg14 : memref<!tpu.dma_semaphore, #tpu.memory_space<semaphore_mem>>) {add = true}
      %dma_wait3A_389 = arith.constant 0 : i32
      %dma_wait3A_390 = arith.constant 0 : i32
      %dma_wait3A_391 = tpu.memref_slice %arg7[%dma_wait3A_389, %dma_wait3A_390] : memref<6x128xi32, #tpu.memory_space<vmem>> -> memref<1x128xi32, #tpu.memory_space<vmem>>
      %dma_wait3A_392 = tpu.memref_squeeze %dma_wait3A_391 : memref<1x128xi32, #tpu.memory_space<vmem>> -> memref<128xi32, #tpu.memory_space<vmem>>
      %dma_wait3A_393 = arith.constant 0 : i32
      %dma_wait3A_394 = arith.constant 0 : i32
      %dma_wait3A_395 = tpu.memref_slice %arg11[%dma_wait3A_393, %dma_wait3A_394] : memref<10000x128xf32, #tpu.memory_space<vmem_shared>> -> memref<10000x128xf32, #tpu.memory_space<vmem_shared>>
      tpu.wait_indirect_dma semaphore(%arg14 : memref<!tpu.dma_semaphore, #tpu.memory_space<semaphore_mem>>) src(%arg9 : memref<128x128xf32, #tpu.memory_space<vmem>>) dst(%dma_wait3A_395 : memref<10000x128xf32, #tpu.memory_space<vmem_shared>>)
      %dma_start3A_396 = arith.constant 0 : i32
      %dma_start3A_397 = arith.constant 0 : i32
      %dma_start3A_398 = tpu.memref_slice %arg6[%dma_start3A_396, %dma_start3A_397] : memref<6x128xi32, #tpu.memory_space<vmem>> -> memref<1x128xi32, #tpu.memory_space<vmem>>
      %dma_start3A_399 = tpu.memref_squeeze %dma_start3A_398 : memref<1x128xi32, #tpu.memory_space<vmem>> -> memref<128xi32, #tpu.memory_space<vmem>>
      %dma_start3A_400 = arith.constant 0 : i32
      %dma_start3A_401 = arith.constant 0 : i32
      %dma_start3A_402 = tpu.memref_slice %arg2[%dma_start3A_400, %dma_start3A_401] : memref<10000x128xf32, #tpu.memory_space<hbm>> -> memref<10000x128xf32, #tpu.memory_space<hbm>>
      tpu.enqueue_indirect_dma source(%dma_start3A_402 : memref<10000x128xf32, #tpu.memory_space<hbm>>) target(%arg9 : memref<128x128xf32, #tpu.memory_space<vmem>>) offsets(%dma_start3A_399 : memref<128xi32, #tpu.memory_space<vmem>>) semaphore(%arg12 : memref<!tpu.dma_semaphore, #tpu.memory_space<semaphore_mem>>)
      %dma_wait3A_403 = arith.constant 0 : i32
      %dma_wait3A_404 = arith.constant 0 : i32
      %dma_wait3A_405 = tpu.memref_slice %arg5[%dma_wait3A_403, %dma_wait3A_404] : memref<6x128xi32, #tpu.memory_space<vmem>> -> memref<1x128xi32, #tpu.memory_space<vmem>>
      %dma_wait3A_406 = tpu.memref_squeeze %dma_wait3A_405 : memref<1x128xi32, #tpu.memory_space<vmem>> -> memref<128xi32, #tpu.memory_space<vmem>>
      %dma_wait3A_407 = arith.constant 0 : i32
      %dma_wait3A_408 = arith.constant 0 : i32
      %dma_wait3A_409 = tpu.memref_slice %arg2[%dma_wait3A_407, %dma_wait3A_408] : memref<10000x128xf32, #tpu.memory_space<hbm>> -> memref<10000x128xf32, #tpu.memory_space<hbm>>
      tpu.wait_indirect_dma semaphore(%arg13 : memref<!tpu.dma_semaphore, #tpu.memory_space<semaphore_mem>>) src(%dma_wait3A_409 : memref<10000x128xf32, #tpu.memory_space<hbm>>) dst(%arg10 : memref<128x128xf32, #tpu.memory_space<vmem>>)
      %dma_start3A_410 = arith.constant 5 : i32
      %dma_start3A_411 = arith.constant 0 : i32
      %dma_start3A_412 = tpu.memref_slice %arg7[%dma_start3A_410, %dma_start3A_411] : memref<6x128xi32, #tpu.memory_space<vmem>> -> memref<1x128xi32, #tpu.memory_space<vmem>>
      %dma_start3A_413 = tpu.memref_squeeze %dma_start3A_412 : memref<1x128xi32, #tpu.memory_space<vmem>> -> memref<128xi32, #tpu.memory_space<vmem>>
      %dma_start3A_414 = arith.constant 0 : i32
      %dma_start3A_415 = arith.constant 0 : i32
      %dma_start3A_416 = tpu.memref_slice %arg11[%dma_start3A_414, %dma_start3A_415] : memref<10000x128xf32, #tpu.memory_space<vmem_shared>> -> memref<10000x128xf32, #tpu.memory_space<vmem_shared>>
      tpu.enqueue_indirect_dma source(%arg10 : memref<128x128xf32, #tpu.memory_space<vmem>>) target(%dma_start3A_416 : memref<10000x128xf32, #tpu.memory_space<vmem_shared>>) offsets(%dma_start3A_413 : memref<128xi32, #tpu.memory_space<vmem>>) semaphore(%arg15 : memref<!tpu.dma_semaphore, #tpu.memory_space<semaphore_mem>>) {add = true}
      %dma_wait3A_417 = arith.constant 0 : i32
      %dma_wait3A_418 = arith.constant 0 : i32
      %dma_wait3A_419 = tpu.memref_slice %arg7[%dma_wait3A_417, %dma_wait3A_418] : memref<6x128xi32, #tpu.memory_space<vmem>> -> memref<1x128xi32, #tpu.memory_space<vmem>>
      %dma_wait3A_420 = tpu.memref_squeeze %dma_wait3A_419 : memref<1x128xi32, #tpu.memory_space<vmem>> -> memref<128xi32, #tpu.memory_space<vmem>>
      %dma_wait3A_421 = arith.constant 0 : i32
      %dma_wait3A_422 = arith.constant 0 : i32
      %dma_wait3A_423 = tpu.memref_slice %arg11[%dma_wait3A_421, %dma_wait3A_422] : memref<10000x128xf32, #tpu.memory_space<vmem_shared>> -> memref<10000x128xf32, #tpu.memory_space<vmem_shared>>
      tpu.wait_indirect_dma semaphore(%arg15 : memref<!tpu.dma_semaphore, #tpu.memory_space<semaphore_mem>>) src(%arg10 : memref<128x128xf32, #tpu.memory_space<vmem>>) dst(%dma_wait3A_423 : memref<10000x128xf32, #tpu.memory_space<vmem_shared>>)
      %dma_start3A_424 = arith.constant 1 : i32
      %dma_start3A_425 = arith.constant 0 : i32
      %dma_start3A_426 = tpu.memref_slice %arg6[%dma_start3A_424, %dma_start3A_425] : memref<6x128xi32, #tpu.memory_space<vmem>> -> memref<1x128xi32, #tpu.memory_space<vmem>>
      %dma_start3A_427 = tpu.memref_squeeze %dma_start3A_426 : memref<1x128xi32, #tpu.memory_space<vmem>> -> memref<128xi32, #tpu.memory_space<vmem>>
      %dma_start3A_428 = arith.constant 0 : i32
      %dma_start3A_429 = arith.constant 0 : i32
      %dma_start3A_430 = tpu.memref_slice %arg2[%dma_start3A_428, %dma_start3A_429] : memref<10000x128xf32, #tpu.memory_space<hbm>> -> memref<10000x128xf32, #tpu.memory_space<hbm>>
      tpu.enqueue_indirect_dma source(%dma_start3A_430 : memref<10000x128xf32, #tpu.memory_space<hbm>>) target(%arg10 : memref<128x128xf32, #tpu.memory_space<vmem>>) offsets(%dma_start3A_427 : memref<128xi32, #tpu.memory_space<vmem>>) semaphore(%arg13 : memref<!tpu.dma_semaphore, #tpu.memory_space<semaphore_mem>>)
      %dma_wait3A_431 = arith.constant 0 : i32
      %dma_wait3A_432 = arith.constant 0 : i32
      %dma_wait3A_433 = tpu.memref_slice %arg5[%dma_wait3A_431, %dma_wait3A_432] : memref<6x128xi32, #tpu.memory_space<vmem>> -> memref<1x128xi32, #tpu.memory_space<vmem>>
      %dma_wait3A_434 = tpu.memref_squeeze %dma_wait3A_433 : memref<1x128xi32, #tpu.memory_space<vmem>> -> memref<128xi32, #tpu.memory_space<vmem>>
      %dma_wait3A_435 = arith.constant 0 : i32
      %dma_wait3A_436 = arith.constant 0 : i32
      %dma_wait3A_437 = tpu.memref_slice %arg2[%dma_wait3A_435, %dma_wait3A_436] : memref<10000x128xf32, #tpu.memory_space<hbm>> -> memref<10000x128xf32, #tpu.memory_space<hbm>>
      tpu.wait_indirect_dma semaphore(%arg12 : memref<!tpu.dma_semaphore, #tpu.memory_space<semaphore_mem>>) src(%dma_wait3A_437 : memref<10000x128xf32, #tpu.memory_space<hbm>>) dst(%arg9 : memref<128x128xf32, #tpu.memory_space<vmem>>)
      %dma_start3A_438 = arith.constant 0 : i32
      %dma_start3A_439 = arith.constant 0 : i32
      %dma_start3A_440 = tpu.memref_slice %arg8[%dma_start3A_438, %dma_start3A_439] : memref<6x128xi32, #tpu.memory_space<vmem>> -> memref<1x128xi32, #tpu.memory_space<vmem>>
      %dma_start3A_441 = tpu.memref_squeeze %dma_start3A_440 : memref<1x128xi32, #tpu.memory_space<vmem>> -> memref<128xi32, #tpu.memory_space<vmem>>
      %dma_start3A_442 = arith.constant 0 : i32
      %dma_start3A_443 = arith.constant 0 : i32
      %dma_start3A_444 = tpu.memref_slice %arg11[%dma_start3A_442, %dma_start3A_443] : memref<10000x128xf32, #tpu.memory_space<vmem_shared>> -> memref<10000x128xf32, #tpu.memory_space<vmem_shared>>
      tpu.enqueue_indirect_dma source(%arg9 : memref<128x128xf32, #tpu.memory_space<vmem>>) target(%dma_start3A_444 : memref<10000x128xf32, #tpu.memory_space<vmem_shared>>) offsets(%dma_start3A_441 : memref<128xi32, #tpu.memory_space<vmem>>) semaphore(%arg14 : memref<!tpu.dma_semaphore, #tpu.memory_space<semaphore_mem>>) {add = true}
      %dma_wait3A_445 = arith.constant 0 : i32
      %dma_wait3A_446 = arith.constant 0 : i32
      %dma_wait3A_447 = tpu.memref_slice %arg7[%dma_wait3A_445, %dma_wait3A_446] : memref<6x128xi32, #tpu.memory_space<vmem>> -> memref<1x128xi32, #tpu.memory_space<vmem>>
      %dma_wait3A_448 = tpu.memref_squeeze %dma_wait3A_447 : memref<1x128xi32, #tpu.memory_space<vmem>> -> memref<128xi32, #tpu.memory_space<vmem>>
      %dma_wait3A_449 = arith.constant 0 : i32
      %dma_wait3A_450 = arith.constant 0 : i32
      %dma_wait3A_451 = tpu.memref_slice %arg11[%dma_wait3A_449, %dma_wait3A_450] : memref<10000x128xf32, #tpu.memory_space<vmem_shared>> -> memref<10000x128xf32, #tpu.memory_space<vmem_shared>>
      tpu.wait_indirect_dma semaphore(%arg14 : memref<!tpu.dma_semaphore, #tpu.memory_space<semaphore_mem>>) src(%arg9 : memref<128x128xf32, #tpu.memory_space<vmem>>) dst(%dma_wait3A_451 : memref<10000x128xf32, #tpu.memory_space<vmem_shared>>)
      %dma_start3A_452 = arith.constant 2 : i32
      %dma_start3A_453 = arith.constant 0 : i32
      %dma_start3A_454 = tpu.memref_slice %arg6[%dma_start3A_452, %dma_start3A_453] : memref<6x128xi32, #tpu.memory_space<vmem>> -> memref<1x128xi32, #tpu.memory_space<vmem>>
      %dma_start3A_455 = tpu.memref_squeeze %dma_start3A_454 : memref<1x128xi32, #tpu.memory_space<vmem>> -> memref<128xi32, #tpu.memory_space<vmem>>
      %dma_start3A_456 = arith.constant 0 : i32
      %dma_start3A_457 = arith.constant 0 : i32
      %dma_start3A_458 = tpu.memref_slice %arg2[%dma_start3A_456, %dma_start3A_457] : memref<10000x128xf32, #tpu.memory_space<hbm>> -> memref<10000x128xf32, #tpu.memory_space<hbm>>
      tpu.enqueue_indirect_dma source(%dma_start3A_458 : memref<10000x128xf32, #tpu.memory_space<hbm>>) target(%arg9 : memref<128x128xf32, #tpu.memory_space<vmem>>) offsets(%dma_start3A_455 : memref<128xi32, #tpu.memory_space<vmem>>) semaphore(%arg12 : memref<!tpu.dma_semaphore, #tpu.memory_space<semaphore_mem>>)
      %dma_wait3A_459 = arith.constant 0 : i32
      %dma_wait3A_460 = arith.constant 0 : i32
      %dma_wait3A_461 = tpu.memref_slice %arg5[%dma_wait3A_459, %dma_wait3A_460] : memref<6x128xi32, #tpu.memory_space<vmem>> -> memref<1x128xi32, #tpu.memory_space<vmem>>
      %dma_wait3A_462 = tpu.memref_squeeze %dma_wait3A_461 : memref<1x128xi32, #tpu.memory_space<vmem>> -> memref<128xi32, #tpu.memory_space<vmem>>
      %dma_wait3A_463 = arith.constant 0 : i32
      %dma_wait3A_464 = arith.constant 0 : i32
      %dma_wait3A_465 = tpu.memref_slice %arg2[%dma_wait3A_463, %dma_wait3A_464] : memref<10000x128xf32, #tpu.memory_space<hbm>> -> memref<10000x128xf32, #tpu.memory_space<hbm>>
      tpu.wait_indirect_dma semaphore(%arg13 : memref<!tpu.dma_semaphore, #tpu.memory_space<semaphore_mem>>) src(%dma_wait3A_465 : memref<10000x128xf32, #tpu.memory_space<hbm>>) dst(%arg10 : memref<128x128xf32, #tpu.memory_space<vmem>>)
      %dma_start3A_466 = arith.constant 1 : i32
      %dma_start3A_467 = arith.constant 0 : i32
      %dma_start3A_468 = tpu.memref_slice %arg8[%dma_start3A_466, %dma_start3A_467] : memref<6x128xi32, #tpu.memory_space<vmem>> -> memref<1x128xi32, #tpu.memory_space<vmem>>
      %dma_start3A_469 = tpu.memref_squeeze %dma_start3A_468 : memref<1x128xi32, #tpu.memory_space<vmem>> -> memref<128xi32, #tpu.memory_space<vmem>>
      %dma_start3A_470 = arith.constant 0 : i32
      %dma_start3A_471 = arith.constant 0 : i32
      %dma_start3A_472 = tpu.memref_slice %arg11[%dma_start3A_470, %dma_start3A_471] : memref<10000x128xf32, #tpu.memory_space<vmem_shared>> -> memref<10000x128xf32, #tpu.memory_space<vmem_shared>>
      tpu.enqueue_indirect_dma source(%arg10 : memref<128x128xf32, #tpu.memory_space<vmem>>) target(%dma_start3A_472 : memref<10000x128xf32, #tpu.memory_space<vmem_shared>>) offsets(%dma_start3A_469 : memref<128xi32, #tpu.memory_space<vmem>>) semaphore(%arg15 : memref<!tpu.dma_semaphore, #tpu.memory_space<semaphore_mem>>) {add = true}
      %dma_wait3A_473 = arith.constant 0 : i32
      %dma_wait3A_474 = arith.constant 0 : i32
      %dma_wait3A_475 = tpu.memref_slice %arg7[%dma_wait3A_473, %dma_wait3A_474] : memref<6x128xi32, #tpu.memory_space<vmem>> -> memref<1x128xi32, #tpu.memory_space<vmem>>
      %dma_wait3A_476 = tpu.memref_squeeze %dma_wait3A_475 : memref<1x128xi32, #tpu.memory_space<vmem>> -> memref<128xi32, #tpu.memory_space<vmem>>
      %dma_wait3A_477 = arith.constant 0 : i32
      %dma_wait3A_478 = arith.constant 0 : i32
      %dma_wait3A_479 = tpu.memref_slice %arg11[%dma_wait3A_477, %dma_wait3A_478] : memref<10000x128xf32, #tpu.memory_space<vmem_shared>> -> memref<10000x128xf32, #tpu.memory_space<vmem_shared>>
      tpu.wait_indirect_dma semaphore(%arg15 : memref<!tpu.dma_semaphore, #tpu.memory_space<semaphore_mem>>) src(%arg10 : memref<128x128xf32, #tpu.memory_space<vmem>>) dst(%dma_wait3A_479 : memref<10000x128xf32, #tpu.memory_space<vmem_shared>>)
      %dma_start3A_480 = arith.constant 3 : i32
      %dma_start3A_481 = arith.constant 0 : i32
      %dma_start3A_482 = tpu.memref_slice %arg6[%dma_start3A_480, %dma_start3A_481] : memref<6x128xi32, #tpu.memory_space<vmem>> -> memref<1x128xi32, #tpu.memory_space<vmem>>
      %dma_start3A_483 = tpu.memref_squeeze %dma_start3A_482 : memref<1x128xi32, #tpu.memory_space<vmem>> -> memref<128xi32, #tpu.memory_space<vmem>>
      %dma_start3A_484 = arith.constant 0 : i32
      %dma_start3A_485 = arith.constant 0 : i32
      %dma_start3A_486 = tpu.memref_slice %arg2[%dma_start3A_484, %dma_start3A_485] : memref<10000x128xf32, #tpu.memory_space<hbm>> -> memref<10000x128xf32, #tpu.memory_space<hbm>>
      tpu.enqueue_indirect_dma source(%dma_start3A_486 : memref<10000x128xf32, #tpu.memory_space<hbm>>) target(%arg10 : memref<128x128xf32, #tpu.memory_space<vmem>>) offsets(%dma_start3A_483 : memref<128xi32, #tpu.memory_space<vmem>>) semaphore(%arg13 : memref<!tpu.dma_semaphore, #tpu.memory_space<semaphore_mem>>)
      %dma_wait3A_487 = arith.constant 0 : i32
      %dma_wait3A_488 = arith.constant 0 : i32
      %dma_wait3A_489 = tpu.memref_slice %arg5[%dma_wait3A_487, %dma_wait3A_488] : memref<6x128xi32, #tpu.memory_space<vmem>> -> memref<1x128xi32, #tpu.memory_space<vmem>>
      %dma_wait3A_490 = tpu.memref_squeeze %dma_wait3A_489 : memref<1x128xi32, #tpu.memory_space<vmem>> -> memref<128xi32, #tpu.memory_space<vmem>>
      %dma_wait3A_491 = arith.constant 0 : i32
      %dma_wait3A_492 = arith.constant 0 : i32
      %dma_wait3A_493 = tpu.memref_slice %arg2[%dma_wait3A_491, %dma_wait3A_492] : memref<10000x128xf32, #tpu.memory_space<hbm>> -> memref<10000x128xf32, #tpu.memory_space<hbm>>
      tpu.wait_indirect_dma semaphore(%arg12 : memref<!tpu.dma_semaphore, #tpu.memory_space<semaphore_mem>>) src(%dma_wait3A_493 : memref<10000x128xf32, #tpu.memory_space<hbm>>) dst(%arg9 : memref<128x128xf32, #tpu.memory_space<vmem>>)
      %dma_start3A_494 = arith.constant 2 : i32
      %dma_start3A_495 = arith.constant 0 : i32
      %dma_start3A_496 = tpu.memref_slice %arg8[%dma_start3A_494, %dma_start3A_495] : memref<6x128xi32, #tpu.memory_space<vmem>> -> memref<1x128xi32, #tpu.memory_space<vmem>>
      %dma_start3A_497 = tpu.memref_squeeze %dma_start3A_496 : memref<1x128xi32, #tpu.memory_space<vmem>> -> memref<128xi32, #tpu.memory_space<vmem>>
      %dma_start3A_498 = arith.constant 0 : i32
      %dma_start3A_499 = arith.constant 0 : i32
      %dma_start3A_500 = tpu.memref_slice %arg11[%dma_start3A_498, %dma_start3A_499] : memref<10000x128xf32, #tpu.memory_space<vmem_shared>> -> memref<10000x128xf32, #tpu.memory_space<vmem_shared>>
      tpu.enqueue_indirect_dma source(%arg9 : memref<128x128xf32, #tpu.memory_space<vmem>>) target(%dma_start3A_500 : memref<10000x128xf32, #tpu.memory_space<vmem_shared>>) offsets(%dma_start3A_497 : memref<128xi32, #tpu.memory_space<vmem>>) semaphore(%arg14 : memref<!tpu.dma_semaphore, #tpu.memory_space<semaphore_mem>>) {add = true}
      %mul3A_501 = arith.constant 2 : i32
      %mul3A_502 = arith.muli %mul3A_501, %scan3A_236 : i32
      %add3A_503 = arith.constant 2 : i32
      %add3A_504 = arith.addi %mul3A_502, %add3A_503 : i32
      %mul3A_505 = arith.constant 6 : i32
      %mul3A_506 = arith.muli %add3A_504, %mul3A_505 : i32
      %add3A_507 = arith.addi %add3A_4, %mul3A_506 : i32
      %run_scoped3A_508 = arith.constant 0 : i32
      "tpu.region"() ({
        %run_scoped3A_597 = tpu.sem_alloc : memref<!tpu.dma_semaphore, #tpu.memory_space<semaphore_mem>>
        %dma_start3A_598 = arith.constant 0 : i32
        %dma_start3A_599 = arith.constant 0 : i32
        %dma_start3A_600 = tpu.memref_slice %arg3[%run_scoped3A_508, %dma_start3A_598, %dma_start3A_599] : memref<2x2500x128xi32, #tpu.memory_space<hbm>> -> memref<1x2500x128xi32, #tpu.memory_space<hbm>>
        %dma_start3A_601 = tpu.memref_squeeze %dma_start3A_600 : memref<1x2500x128xi32, #tpu.memory_space<hbm>> -> memref<2500x128xi32, #tpu.memory_space<hbm>>
        %dma_start3A_602 = arith.constant 0 : i32
        %dma_start3A_603 = tpu.memref_slice %dma_start3A_601[%add3A_507, %dma_start3A_602] : memref<2500x128xi32, #tpu.memory_space<hbm>> -> memref<6x128xi32, #tpu.memory_space<hbm>>
        %dma_start3A_604 = arith.constant 0 : i32
        %dma_start3A_605 = arith.constant 0 : i32
        %dma_start3A_606 = tpu.memref_slice %arg3[%run_scoped3A_508, %dma_start3A_604, %dma_start3A_605] : memref<2x2500x128xi32, #tpu.memory_space<hbm>> -> memref<1x2500x128xi32, #tpu.memory_space<hbm>>
        %dma_start3A_607 = tpu.memref_squeeze %dma_start3A_606 : memref<1x2500x128xi32, #tpu.memory_space<hbm>> -> memref<2500x128xi32, #tpu.memory_space<hbm>>
        %dma_start3A_608 = arith.constant 0 : i32
        %dma_start3A_609 = tpu.memref_slice %dma_start3A_607[%add3A_507, %dma_start3A_608] : memref<2500x128xi32, #tpu.memory_space<hbm>> -> memref<6x128xi32, #tpu.memory_space<hbm>>
        tpu.enqueue_dma source(%dma_start3A_609 : memref<6x128xi32, #tpu.memory_space<hbm>>) target(%arg5 : memref<6x128xi32, #tpu.memory_space<vmem>>) target_semaphore(%run_scoped3A_597 : memref<!tpu.dma_semaphore, #tpu.memory_space<semaphore_mem>>)
        %dma_wait3A_610 = arith.constant 0 : i32
        %dma_wait3A_611 = arith.constant 0 : i32
        %dma_wait3A_612 = tpu.memref_slice %arg3[%run_scoped3A_508, %dma_wait3A_610, %dma_wait3A_611] : memref<2x2500x128xi32, #tpu.memory_space<hbm>> -> memref<1x2500x128xi32, #tpu.memory_space<hbm>>
        %dma_wait3A_613 = tpu.memref_squeeze %dma_wait3A_612 : memref<1x2500x128xi32, #tpu.memory_space<hbm>> -> memref<2500x128xi32, #tpu.memory_space<hbm>>
        %dma_wait3A_614 = arith.constant 0 : i32
        %dma_wait3A_615 = tpu.memref_slice %dma_wait3A_613[%add3A_507, %dma_wait3A_614] : memref<2500x128xi32, #tpu.memory_space<hbm>> -> memref<6x128xi32, #tpu.memory_space<hbm>>
        %dma_wait3A_616 = arith.constant 0 : i32
        %dma_wait3A_617 = arith.constant 0 : i32
        %dma_wait3A_618 = tpu.memref_slice %arg3[%run_scoped3A_508, %dma_wait3A_616, %dma_wait3A_617] : memref<2x2500x128xi32, #tpu.memory_space<hbm>> -> memref<1x2500x128xi32, #tpu.memory_space<hbm>>
        %dma_wait3A_619 = tpu.memref_squeeze %dma_wait3A_618 : memref<1x2500x128xi32, #tpu.memory_space<hbm>> -> memref<2500x128xi32, #tpu.memory_space<hbm>>
        %dma_wait3A_620 = arith.constant 0 : i32
        %dma_wait3A_621 = tpu.memref_slice %dma_wait3A_619[%add3A_507, %dma_wait3A_620] : memref<2500x128xi32, #tpu.memory_space<hbm>> -> memref<6x128xi32, #tpu.memory_space<hbm>>
        tpu.wait_dma2 semaphore(%run_scoped3A_597 : memref<!tpu.dma_semaphore, #tpu.memory_space<semaphore_mem>>) src(%dma_wait3A_621 : memref<6x128xi32, #tpu.memory_space<hbm>>) dst(%arg5 : memref<6x128xi32, #tpu.memory_space<vmem>>)
        tpu.yield
      }) : () -> ()
      %mul3A_509 = arith.constant 6 : i32
      %mul3A_510 = arith.muli %add3A_504, %mul3A_509 : i32
      %add3A_511 = arith.addi %add3A_4, %mul3A_510 : i32
      %run_scoped3A_512 = arith.constant 1 : i32
      "tpu.region"() ({
        %run_scoped3A_597 = tpu.sem_alloc : memref<!tpu.dma_semaphore, #tpu.memory_space<semaphore_mem>>
        %dma_start3A_598 = arith.constant 0 : i32
        %dma_start3A_599 = arith.constant 0 : i32
        %dma_start3A_600 = tpu.memref_slice %arg3[%run_scoped3A_512, %dma_start3A_598, %dma_start3A_599] : memref<2x2500x128xi32, #tpu.memory_space<hbm>> -> memref<1x2500x128xi32, #tpu.memory_space<hbm>>
        %dma_start3A_601 = tpu.memref_squeeze %dma_start3A_600 : memref<1x2500x128xi32, #tpu.memory_space<hbm>> -> memref<2500x128xi32, #tpu.memory_space<hbm>>
        %dma_start3A_602 = arith.constant 0 : i32
        %dma_start3A_603 = tpu.memref_slice %dma_start3A_601[%add3A_511, %dma_start3A_602] : memref<2500x128xi32, #tpu.memory_space<hbm>> -> memref<6x128xi32, #tpu.memory_space<hbm>>
        %dma_start3A_604 = arith.constant 0 : i32
        %dma_start3A_605 = arith.constant 0 : i32
        %dma_start3A_606 = tpu.memref_slice %arg3[%run_scoped3A_512, %dma_start3A_604, %dma_start3A_605] : memref<2x2500x128xi32, #tpu.memory_space<hbm>> -> memref<1x2500x128xi32, #tpu.memory_space<hbm>>
        %dma_start3A_607 = tpu.memref_squeeze %dma_start3A_606 : memref<1x2500x128xi32, #tpu.memory_space<hbm>> -> memref<2500x128xi32, #tpu.memory_space<hbm>>
        %dma_start3A_608 = arith.constant 0 : i32
        %dma_start3A_609 = tpu.memref_slice %dma_start3A_607[%add3A_511, %dma_start3A_608] : memref<2500x128xi32, #tpu.memory_space<hbm>> -> memref<6x128xi32, #tpu.memory_space<hbm>>
        tpu.enqueue_dma source(%dma_start3A_609 : memref<6x128xi32, #tpu.memory_space<hbm>>) target(%arg7 : memref<6x128xi32, #tpu.memory_space<vmem>>) target_semaphore(%run_scoped3A_597 : memref<!tpu.dma_semaphore, #tpu.memory_space<semaphore_mem>>)
        %dma_wait3A_610 = arith.constant 0 : i32
        %dma_wait3A_611 = arith.constant 0 : i32
        %dma_wait3A_612 = tpu.memref_slice %arg3[%run_scoped3A_512, %dma_wait3A_610, %dma_wait3A_611] : memref<2x2500x128xi32, #tpu.memory_space<hbm>> -> memref<1x2500x128xi32, #tpu.memory_space<hbm>>
        %dma_wait3A_613 = tpu.memref_squeeze %dma_wait3A_612 : memref<1x2500x128xi32, #tpu.memory_space<hbm>> -> memref<2500x128xi32, #tpu.memory_space<hbm>>
        %dma_wait3A_614 = arith.constant 0 : i32
        %dma_wait3A_615 = tpu.memref_slice %dma_wait3A_613[%add3A_511, %dma_wait3A_614] : memref<2500x128xi32, #tpu.memory_space<hbm>> -> memref<6x128xi32, #tpu.memory_space<hbm>>
        %dma_wait3A_616 = arith.constant 0 : i32
        %dma_wait3A_617 = arith.constant 0 : i32
        %dma_wait3A_618 = tpu.memref_slice %arg3[%run_scoped3A_512, %dma_wait3A_616, %dma_wait3A_617] : memref<2x2500x128xi32, #tpu.memory_space<hbm>> -> memref<1x2500x128xi32, #tpu.memory_space<hbm>>
        %dma_wait3A_619 = tpu.memref_squeeze %dma_wait3A_618 : memref<1x2500x128xi32, #tpu.memory_space<hbm>> -> memref<2500x128xi32, #tpu.memory_space<hbm>>
        %dma_wait3A_620 = arith.constant 0 : i32
        %dma_wait3A_621 = tpu.memref_slice %dma_wait3A_619[%add3A_511, %dma_wait3A_620] : memref<2500x128xi32, #tpu.memory_space<hbm>> -> memref<6x128xi32, #tpu.memory_space<hbm>>
        tpu.wait_dma2 semaphore(%run_scoped3A_597 : memref<!tpu.dma_semaphore, #tpu.memory_space<semaphore_mem>>) src(%dma_wait3A_621 : memref<6x128xi32, #tpu.memory_space<hbm>>) dst(%arg7 : memref<6x128xi32, #tpu.memory_space<vmem>>)
        tpu.yield
      }) : () -> ()
      %dma_wait3A_513 = arith.constant 0 : i32
      %dma_wait3A_514 = arith.constant 0 : i32
      %dma_wait3A_515 = tpu.memref_slice %arg7[%dma_wait3A_513, %dma_wait3A_514] : memref<6x128xi32, #tpu.memory_space<vmem>> -> memref<1x128xi32, #tpu.memory_space<vmem>>
      %dma_wait3A_516 = tpu.memref_squeeze %dma_wait3A_515 : memref<1x128xi32, #tpu.memory_space<vmem>> -> memref<128xi32, #tpu.memory_space<vmem>>
      %dma_wait3A_517 = arith.constant 0 : i32
      %dma_wait3A_518 = arith.constant 0 : i32
      %dma_wait3A_519 = tpu.memref_slice %arg11[%dma_wait3A_517, %dma_wait3A_518] : memref<10000x128xf32, #tpu.memory_space<vmem_shared>> -> memref<10000x128xf32, #tpu.memory_space<vmem_shared>>
      tpu.wait_indirect_dma semaphore(%arg14 : memref<!tpu.dma_semaphore, #tpu.memory_space<semaphore_mem>>) src(%arg9 : memref<128x128xf32, #tpu.memory_space<vmem>>) dst(%dma_wait3A_519 : memref<10000x128xf32, #tpu.memory_space<vmem_shared>>)
      %dma_start3A_520 = arith.constant 4 : i32
      %dma_start3A_521 = arith.constant 0 : i32
      %dma_start3A_522 = tpu.memref_slice %arg6[%dma_start3A_520, %dma_start3A_521] : memref<6x128xi32, #tpu.memory_space<vmem>> -> memref<1x128xi32, #tpu.memory_space<vmem>>
      %dma_start3A_523 = tpu.memref_squeeze %dma_start3A_522 : memref<1x128xi32, #tpu.memory_space<vmem>> -> memref<128xi32, #tpu.memory_space<vmem>>
      %dma_start3A_524 = arith.constant 0 : i32
      %dma_start3A_525 = arith.constant 0 : i32
      %dma_start3A_526 = tpu.memref_slice %arg2[%dma_start3A_524, %dma_start3A_525] : memref<10000x128xf32, #tpu.memory_space<hbm>> -> memref<10000x128xf32, #tpu.memory_space<hbm>>
      tpu.enqueue_indirect_dma source(%dma_start3A_526 : memref<10000x128xf32, #tpu.memory_space<hbm>>) target(%arg9 : memref<128x128xf32, #tpu.memory_space<vmem>>) offsets(%dma_start3A_523 : memref<128xi32, #tpu.memory_space<vmem>>) semaphore(%arg12 : memref<!tpu.dma_semaphore, #tpu.memory_space<semaphore_mem>>)
      %dma_wait3A_527 = arith.constant 0 : i32
      %dma_wait3A_528 = arith.constant 0 : i32
      %dma_wait3A_529 = tpu.memref_slice %arg5[%dma_wait3A_527, %dma_wait3A_528] : memref<6x128xi32, #tpu.memory_space<vmem>> -> memref<1x128xi32, #tpu.memory_space<vmem>>
      %dma_wait3A_530 = tpu.memref_squeeze %dma_wait3A_529 : memref<1x128xi32, #tpu.memory_space<vmem>> -> memref<128xi32, #tpu.memory_space<vmem>>
      %dma_wait3A_531 = arith.constant 0 : i32
      %dma_wait3A_532 = arith.constant 0 : i32
      %dma_wait3A_533 = tpu.memref_slice %arg2[%dma_wait3A_531, %dma_wait3A_532] : memref<10000x128xf32, #tpu.memory_space<hbm>> -> memref<10000x128xf32, #tpu.memory_space<hbm>>
      tpu.wait_indirect_dma semaphore(%arg13 : memref<!tpu.dma_semaphore, #tpu.memory_space<semaphore_mem>>) src(%dma_wait3A_533 : memref<10000x128xf32, #tpu.memory_space<hbm>>) dst(%arg10 : memref<128x128xf32, #tpu.memory_space<vmem>>)
      %dma_start3A_534 = arith.constant 3 : i32
      %dma_start3A_535 = arith.constant 0 : i32
      %dma_start3A_536 = tpu.memref_slice %arg8[%dma_start3A_534, %dma_start3A_535] : memref<6x128xi32, #tpu.memory_space<vmem>> -> memref<1x128xi32, #tpu.memory_space<vmem>>
      %dma_start3A_537 = tpu.memref_squeeze %dma_start3A_536 : memref<1x128xi32, #tpu.memory_space<vmem>> -> memref<128xi32, #tpu.memory_space<vmem>>
      %dma_start3A_538 = arith.constant 0 : i32
      %dma_start3A_539 = arith.constant 0 : i32
      %dma_start3A_540 = tpu.memref_slice %arg11[%dma_start3A_538, %dma_start3A_539] : memref<10000x128xf32, #tpu.memory_space<vmem_shared>> -> memref<10000x128xf32, #tpu.memory_space<vmem_shared>>
      tpu.enqueue_indirect_dma source(%arg10 : memref<128x128xf32, #tpu.memory_space<vmem>>) target(%dma_start3A_540 : memref<10000x128xf32, #tpu.memory_space<vmem_shared>>) offsets(%dma_start3A_537 : memref<128xi32, #tpu.memory_space<vmem>>) semaphore(%arg15 : memref<!tpu.dma_semaphore, #tpu.memory_space<semaphore_mem>>) {add = true}
      %dma_wait3A_541 = arith.constant 0 : i32
      %dma_wait3A_542 = arith.constant 0 : i32
      %dma_wait3A_543 = tpu.memref_slice %arg7[%dma_wait3A_541, %dma_wait3A_542] : memref<6x128xi32, #tpu.memory_space<vmem>> -> memref<1x128xi32, #tpu.memory_space<vmem>>
      %dma_wait3A_544 = tpu.memref_squeeze %dma_wait3A_543 : memref<1x128xi32, #tpu.memory_space<vmem>> -> memref<128xi32, #tpu.memory_space<vmem>>
      %dma_wait3A_545 = arith.constant 0 : i32
      %dma_wait3A_546 = arith.constant 0 : i32
      %dma_wait3A_547 = tpu.memref_slice %arg11[%dma_wait3A_545, %dma_wait3A_546] : memref<10000x128xf32, #tpu.memory_space<vmem_shared>> -> memref<10000x128xf32, #tpu.memory_space<vmem_shared>>
      tpu.wait_indirect_dma semaphore(%arg15 : memref<!tpu.dma_semaphore, #tpu.memory_space<semaphore_mem>>) src(%arg10 : memref<128x128xf32, #tpu.memory_space<vmem>>) dst(%dma_wait3A_547 : memref<10000x128xf32, #tpu.memory_space<vmem_shared>>)
      %dma_start3A_548 = arith.constant 5 : i32
      %dma_start3A_549 = arith.constant 0 : i32
      %dma_start3A_550 = tpu.memref_slice %arg6[%dma_start3A_548, %dma_start3A_549] : memref<6x128xi32, #tpu.memory_space<vmem>> -> memref<1x128xi32, #tpu.memory_space<vmem>>
      %dma_start3A_551 = tpu.memref_squeeze %dma_start3A_550 : memref<1x128xi32, #tpu.memory_space<vmem>> -> memref<128xi32, #tpu.memory_space<vmem>>
      %dma_start3A_552 = arith.constant 0 : i32
      %dma_start3A_553 = arith.constant 0 : i32
      %dma_start3A_554 = tpu.memref_slice %arg2[%dma_start3A_552, %dma_start3A_553] : memref<10000x128xf32, #tpu.memory_space<hbm>> -> memref<10000x128xf32, #tpu.memory_space<hbm>>
      tpu.enqueue_indirect_dma source(%dma_start3A_554 : memref<10000x128xf32, #tpu.memory_space<hbm>>) target(%arg10 : memref<128x128xf32, #tpu.memory_space<vmem>>) offsets(%dma_start3A_551 : memref<128xi32, #tpu.memory_space<vmem>>) semaphore(%arg13 : memref<!tpu.dma_semaphore, #tpu.memory_space<semaphore_mem>>)
      %dma_wait3A_555 = arith.constant 0 : i32
      %dma_wait3A_556 = arith.constant 0 : i32
      %dma_wait3A_557 = tpu.memref_slice %arg5[%dma_wait3A_555, %dma_wait3A_556] : memref<6x128xi32, #tpu.memory_space<vmem>> -> memref<1x128xi32, #tpu.memory_space<vmem>>
      %dma_wait3A_558 = tpu.memref_squeeze %dma_wait3A_557 : memref<1x128xi32, #tpu.memory_space<vmem>> -> memref<128xi32, #tpu.memory_space<vmem>>
      %dma_wait3A_559 = arith.constant 0 : i32
      %dma_wait3A_560 = arith.constant 0 : i32
      %dma_wait3A_561 = tpu.memref_slice %arg2[%dma_wait3A_559, %dma_wait3A_560] : memref<10000x128xf32, #tpu.memory_space<hbm>> -> memref<10000x128xf32, #tpu.memory_space<hbm>>
      tpu.wait_indirect_dma semaphore(%arg12 : memref<!tpu.dma_semaphore, #tpu.memory_space<semaphore_mem>>) src(%dma_wait3A_561 : memref<10000x128xf32, #tpu.memory_space<hbm>>) dst(%arg9 : memref<128x128xf32, #tpu.memory_space<vmem>>)
      %dma_start3A_562 = arith.constant 4 : i32
      %dma_start3A_563 = arith.constant 0 : i32
      %dma_start3A_564 = tpu.memref_slice %arg8[%dma_start3A_562, %dma_start3A_563] : memref<6x128xi32, #tpu.memory_space<vmem>> -> memref<1x128xi32, #tpu.memory_space<vmem>>
      %dma_start3A_565 = tpu.memref_squeeze %dma_start3A_564 : memref<1x128xi32, #tpu.memory_space<vmem>> -> memref<128xi32, #tpu.memory_space<vmem>>
      %dma_start3A_566 = arith.constant 0 : i32
      %dma_start3A_567 = arith.constant 0 : i32
      %dma_start3A_568 = tpu.memref_slice %arg11[%dma_start3A_566, %dma_start3A_567] : memref<10000x128xf32, #tpu.memory_space<vmem_shared>> -> memref<10000x128xf32, #tpu.memory_space<vmem_shared>>
      tpu.enqueue_indirect_dma source(%arg9 : memref<128x128xf32, #tpu.memory_space<vmem>>) target(%dma_start3A_568 : memref<10000x128xf32, #tpu.memory_space<vmem_shared>>) offsets(%dma_start3A_565 : memref<128xi32, #tpu.memory_space<vmem>>) semaphore(%arg14 : memref<!tpu.dma_semaphore, #tpu.memory_space<semaphore_mem>>) {add = true}
      %dma_wait3A_569 = arith.constant 0 : i32
      %dma_wait3A_570 = arith.constant 0 : i32
      %dma_wait3A_571 = tpu.memref_slice %arg7[%dma_wait3A_569, %dma_wait3A_570] : memref<6x128xi32, #tpu.memory_space<vmem>> -> memref<1x128xi32, #tpu.memory_space<vmem>>
      %dma_wait3A_572 = tpu.memref_squeeze %dma_wait3A_571 : memref<1x128xi32, #tpu.memory_space<vmem>> -> memref<128xi32, #tpu.memory_space<vmem>>
      %dma_wait3A_573 = arith.constant 0 : i32
      %dma_wait3A_574 = arith.constant 0 : i32
      %dma_wait3A_575 = tpu.memref_slice %arg11[%dma_wait3A_573, %dma_wait3A_574] : memref<10000x128xf32, #tpu.memory_space<vmem_shared>> -> memref<10000x128xf32, #tpu.memory_space<vmem_shared>>
      tpu.wait_indirect_dma semaphore(%arg14 : memref<!tpu.dma_semaphore, #tpu.memory_space<semaphore_mem>>) src(%arg9 : memref<128x128xf32, #tpu.memory_space<vmem>>) dst(%dma_wait3A_575 : memref<10000x128xf32, #tpu.memory_space<vmem_shared>>)
      %dma_start3A_576 = arith.constant 0 : i32
      %dma_start3A_577 = arith.constant 0 : i32
      %dma_start3A_578 = tpu.memref_slice %arg5[%dma_start3A_576, %dma_start3A_577] : memref<6x128xi32, #tpu.memory_space<vmem>> -> memref<1x128xi32, #tpu.memory_space<vmem>>
      %dma_start3A_579 = tpu.memref_squeeze %dma_start3A_578 : memref<1x128xi32, #tpu.memory_space<vmem>> -> memref<128xi32, #tpu.memory_space<vmem>>
      %dma_start3A_580 = arith.constant 0 : i32
      %dma_start3A_581 = arith.constant 0 : i32
      %dma_start3A_582 = tpu.memref_slice %arg2[%dma_start3A_580, %dma_start3A_581] : memref<10000x128xf32, #tpu.memory_space<hbm>> -> memref<10000x128xf32, #tpu.memory_space<hbm>>
      tpu.enqueue_indirect_dma source(%dma_start3A_582 : memref<10000x128xf32, #tpu.memory_space<hbm>>) target(%arg9 : memref<128x128xf32, #tpu.memory_space<vmem>>) offsets(%dma_start3A_579 : memref<128xi32, #tpu.memory_space<vmem>>) semaphore(%arg12 : memref<!tpu.dma_semaphore, #tpu.memory_space<semaphore_mem>>)
      %dma_wait3A_583 = arith.constant 0 : i32
      %dma_wait3A_584 = arith.constant 0 : i32
      %dma_wait3A_585 = tpu.memref_slice %arg5[%dma_wait3A_583, %dma_wait3A_584] : memref<6x128xi32, #tpu.memory_space<vmem>> -> memref<1x128xi32, #tpu.memory_space<vmem>>
      %dma_wait3A_586 = tpu.memref_squeeze %dma_wait3A_585 : memref<1x128xi32, #tpu.memory_space<vmem>> -> memref<128xi32, #tpu.memory_space<vmem>>
      %dma_wait3A_587 = arith.constant 0 : i32
      %dma_wait3A_588 = arith.constant 0 : i32
      %dma_wait3A_589 = tpu.memref_slice %arg2[%dma_wait3A_587, %dma_wait3A_588] : memref<10000x128xf32, #tpu.memory_space<hbm>> -> memref<10000x128xf32, #tpu.memory_space<hbm>>
      tpu.wait_indirect_dma semaphore(%arg13 : memref<!tpu.dma_semaphore, #tpu.memory_space<semaphore_mem>>) src(%dma_wait3A_589 : memref<10000x128xf32, #tpu.memory_space<hbm>>) dst(%arg10 : memref<128x128xf32, #tpu.memory_space<vmem>>)
      %dma_start3A_590 = arith.constant 5 : i32
      %dma_start3A_591 = arith.constant 0 : i32
      %dma_start3A_592 = tpu.memref_slice %arg8[%dma_start3A_590, %dma_start3A_591] : memref<6x128xi32, #tpu.memory_space<vmem>> -> memref<1x128xi32, #tpu.memory_space<vmem>>
      %dma_start3A_593 = tpu.memref_squeeze %dma_start3A_592 : memref<1x128xi32, #tpu.memory_space<vmem>> -> memref<128xi32, #tpu.memory_space<vmem>>
      %dma_start3A_594 = arith.constant 0 : i32
      %dma_start3A_595 = arith.constant 0 : i32
      %dma_start3A_596 = tpu.memref_slice %arg11[%dma_start3A_594, %dma_start3A_595] : memref<10000x128xf32, #tpu.memory_space<vmem_shared>> -> memref<10000x128xf32, #tpu.memory_space<vmem_shared>>
      tpu.enqueue_indirect_dma source(%arg10 : memref<128x128xf32, #tpu.memory_space<vmem>>) target(%dma_start3A_596 : memref<10000x128xf32, #tpu.memory_space<vmem_shared>>) offsets(%dma_start3A_593 : memref<128xi32, #tpu.memory_space<vmem>>) semaphore(%arg15 : memref<!tpu.dma_semaphore, #tpu.memory_space<semaphore_mem>>) {add = true}
    }
    %scan3A_57 = arith.constant 6 : i32
    %dma_wait3A = arith.constant 0 : i32
    %dma_wait3A_58 = arith.constant 0 : i32
    %dma_wait3A_59 = tpu.memref_slice %arg7[%dma_wait3A, %dma_wait3A_58] : memref<6x128xi32, #tpu.memory_space<vmem>> -> memref<1x128xi32, #tpu.memory_space<vmem>>
    %dma_wait3A_60 = tpu.memref_squeeze %dma_wait3A_59 : memref<1x128xi32, #tpu.memory_space<vmem>> -> memref<128xi32, #tpu.memory_space<vmem>>
    %dma_wait3A_61 = arith.constant 0 : i32
    %dma_wait3A_62 = arith.constant 0 : i32
    %dma_wait3A_63 = tpu.memref_slice %arg11[%dma_wait3A_61, %dma_wait3A_62] : memref<10000x128xf32, #tpu.memory_space<vmem_shared>> -> memref<10000x128xf32, #tpu.memory_space<vmem_shared>>
    tpu.wait_indirect_dma semaphore(%arg15 : memref<!tpu.dma_semaphore, #tpu.memory_space<semaphore_mem>>) src(%arg10 : memref<128x128xf32, #tpu.memory_space<vmem>>) dst(%dma_wait3A_63 : memref<10000x128xf32, #tpu.memory_space<vmem_shared>>)
    %dma_start3A_64 = arith.constant 1 : i32
    %dma_start3A_65 = arith.constant 0 : i32
    %dma_start3A_66 = tpu.memref_slice %arg5[%dma_start3A_64, %dma_start3A_65] : memref<6x128xi32, #tpu.memory_space<vmem>> -> memref<1x128xi32, #tpu.memory_space<vmem>>
    %dma_start3A_67 = tpu.memref_squeeze %dma_start3A_66 : memref<1x128xi32, #tpu.memory_space<vmem>> -> memref<128xi32, #tpu.memory_space<vmem>>
    %dma_start3A_68 = arith.constant 0 : i32
    %dma_start3A_69 = arith.constant 0 : i32
    %dma_start3A_70 = tpu.memref_slice %arg2[%dma_start3A_68, %dma_start3A_69] : memref<10000x128xf32, #tpu.memory_space<hbm>> -> memref<10000x128xf32, #tpu.memory_space<hbm>>
    tpu.enqueue_indirect_dma source(%dma_start3A_70 : memref<10000x128xf32, #tpu.memory_space<hbm>>) target(%arg10 : memref<128x128xf32, #tpu.memory_space<vmem>>) offsets(%dma_start3A_67 : memref<128xi32, #tpu.memory_space<vmem>>) semaphore(%arg13 : memref<!tpu.dma_semaphore, #tpu.memory_space<semaphore_mem>>)
    %dma_wait3A_71 = arith.constant 0 : i32
    %dma_wait3A_72 = arith.constant 0 : i32
    %dma_wait3A_73 = tpu.memref_slice %arg5[%dma_wait3A_71, %dma_wait3A_72] : memref<6x128xi32, #tpu.memory_space<vmem>> -> memref<1x128xi32, #tpu.memory_space<vmem>>
    %dma_wait3A_74 = tpu.memref_squeeze %dma_wait3A_73 : memref<1x128xi32, #tpu.memory_space<vmem>> -> memref<128xi32, #tpu.memory_space<vmem>>
    %dma_wait3A_75 = arith.constant 0 : i32
    %dma_wait3A_76 = arith.constant 0 : i32
    %dma_wait3A_77 = tpu.memref_slice %arg2[%dma_wait3A_75, %dma_wait3A_76] : memref<10000x128xf32, #tpu.memory_space<hbm>> -> memref<10000x128xf32, #tpu.memory_space<hbm>>
    tpu.wait_indirect_dma semaphore(%arg12 : memref<!tpu.dma_semaphore, #tpu.memory_space<semaphore_mem>>) src(%dma_wait3A_77 : memref<10000x128xf32, #tpu.memory_space<hbm>>) dst(%arg9 : memref<128x128xf32, #tpu.memory_space<vmem>>)
    %dma_start3A_78 = arith.constant 0 : i32
    %dma_start3A_79 = arith.constant 0 : i32
    %dma_start3A_80 = tpu.memref_slice %arg7[%dma_start3A_78, %dma_start3A_79] : memref<6x128xi32, #tpu.memory_space<vmem>> -> memref<1x128xi32, #tpu.memory_space<vmem>>
    %dma_start3A_81 = tpu.memref_squeeze %dma_start3A_80 : memref<1x128xi32, #tpu.memory_space<vmem>> -> memref<128xi32, #tpu.memory_space<vmem>>
    %dma_start3A_82 = arith.constant 0 : i32
    %dma_start3A_83 = arith.constant 0 : i32
    %dma_start3A_84 = tpu.memref_slice %arg11[%dma_start3A_82, %dma_start3A_83] : memref<10000x128xf32, #tpu.memory_space<vmem_shared>> -> memref<10000x128xf32, #tpu.memory_space<vmem_shared>>
    tpu.enqueue_indirect_dma source(%arg9 : memref<128x128xf32, #tpu.memory_space<vmem>>) target(%dma_start3A_84 : memref<10000x128xf32, #tpu.memory_space<vmem_shared>>) offsets(%dma_start3A_81 : memref<128xi32, #tpu.memory_space<vmem>>) semaphore(%arg14 : memref<!tpu.dma_semaphore, #tpu.memory_space<semaphore_mem>>) {add = true}
    %dma_wait3A_85 = arith.constant 0 : i32
    %dma_wait3A_86 = arith.constant 0 : i32
    %dma_wait3A_87 = tpu.memref_slice %arg7[%dma_wait3A_85, %dma_wait3A_86] : memref<6x128xi32, #tpu.memory_space<vmem>> -> memref<1x128xi32, #tpu.memory_space<vmem>>
    %dma_wait3A_88 = tpu.memref_squeeze %dma_wait3A_87 : memref<1x128xi32, #tpu.memory_space<vmem>> -> memref<128xi32, #tpu.memory_space<vmem>>
    %dma_wait3A_89 = arith.constant 0 : i32
    %dma_wait3A_90 = arith.constant 0 : i32
    %dma_wait3A_91 = tpu.memref_slice %arg11[%dma_wait3A_89, %dma_wait3A_90] : memref<10000x128xf32, #tpu.memory_space<vmem_shared>> -> memref<10000x128xf32, #tpu.memory_space<vmem_shared>>
    tpu.wait_indirect_dma semaphore(%arg14 : memref<!tpu.dma_semaphore, #tpu.memory_space<semaphore_mem>>) src(%arg9 : memref<128x128xf32, #tpu.memory_space<vmem>>) dst(%dma_wait3A_91 : memref<10000x128xf32, #tpu.memory_space<vmem_shared>>)
    %dma_start3A_92 = arith.constant 2 : i32
    %dma_start3A_93 = arith.constant 0 : i32
    %dma_start3A_94 = tpu.memref_slice %arg5[%dma_start3A_92, %dma_start3A_93] : memref<6x128xi32, #tpu.memory_space<vmem>> -> memref<1x128xi32, #tpu.memory_space<vmem>>
    %dma_start3A_95 = tpu.memref_squeeze %dma_start3A_94 : memref<1x128xi32, #tpu.memory_space<vmem>> -> memref<128xi32, #tpu.memory_space<vmem>>
    %dma_start3A_96 = arith.constant 0 : i32
    %dma_start3A_97 = arith.constant 0 : i32
    %dma_start3A_98 = tpu.memref_slice %arg2[%dma_start3A_96, %dma_start3A_97] : memref<10000x128xf32, #tpu.memory_space<hbm>> -> memref<10000x128xf32, #tpu.memory_space<hbm>>
    tpu.enqueue_indirect_dma source(%dma_start3A_98 : memref<10000x128xf32, #tpu.memory_space<hbm>>) target(%arg9 : memref<128x128xf32, #tpu.memory_space<vmem>>) offsets(%dma_start3A_95 : memref<128xi32, #tpu.memory_space<vmem>>) semaphore(%arg12 : memref<!tpu.dma_semaphore, #tpu.memory_space<semaphore_mem>>)
    %dma_wait3A_99 = arith.constant 0 : i32
    %dma_wait3A_100 = arith.constant 0 : i32
    %dma_wait3A_101 = tpu.memref_slice %arg5[%dma_wait3A_99, %dma_wait3A_100] : memref<6x128xi32, #tpu.memory_space<vmem>> -> memref<1x128xi32, #tpu.memory_space<vmem>>
    %dma_wait3A_102 = tpu.memref_squeeze %dma_wait3A_101 : memref<1x128xi32, #tpu.memory_space<vmem>> -> memref<128xi32, #tpu.memory_space<vmem>>
    %dma_wait3A_103 = arith.constant 0 : i32
    %dma_wait3A_104 = arith.constant 0 : i32
    %dma_wait3A_105 = tpu.memref_slice %arg2[%dma_wait3A_103, %dma_wait3A_104] : memref<10000x128xf32, #tpu.memory_space<hbm>> -> memref<10000x128xf32, #tpu.memory_space<hbm>>
    tpu.wait_indirect_dma semaphore(%arg13 : memref<!tpu.dma_semaphore, #tpu.memory_space<semaphore_mem>>) src(%dma_wait3A_105 : memref<10000x128xf32, #tpu.memory_space<hbm>>) dst(%arg10 : memref<128x128xf32, #tpu.memory_space<vmem>>)
    %dma_start3A_106 = arith.constant 1 : i32
    %dma_start3A_107 = arith.constant 0 : i32
    %dma_start3A_108 = tpu.memref_slice %arg7[%dma_start3A_106, %dma_start3A_107] : memref<6x128xi32, #tpu.memory_space<vmem>> -> memref<1x128xi32, #tpu.memory_space<vmem>>
    %dma_start3A_109 = tpu.memref_squeeze %dma_start3A_108 : memref<1x128xi32, #tpu.memory_space<vmem>> -> memref<128xi32, #tpu.memory_space<vmem>>
    %dma_start3A_110 = arith.constant 0 : i32
    %dma_start3A_111 = arith.constant 0 : i32
    %dma_start3A_112 = tpu.memref_slice %arg11[%dma_start3A_110, %dma_start3A_111] : memref<10000x128xf32, #tpu.memory_space<vmem_shared>> -> memref<10000x128xf32, #tpu.memory_space<vmem_shared>>
    tpu.enqueue_indirect_dma source(%arg10 : memref<128x128xf32, #tpu.memory_space<vmem>>) target(%dma_start3A_112 : memref<10000x128xf32, #tpu.memory_space<vmem_shared>>) offsets(%dma_start3A_109 : memref<128xi32, #tpu.memory_space<vmem>>) semaphore(%arg15 : memref<!tpu.dma_semaphore, #tpu.memory_space<semaphore_mem>>) {add = true}
    %dma_wait3A_113 = arith.constant 0 : i32
    %dma_wait3A_114 = arith.constant 0 : i32
    %dma_wait3A_115 = tpu.memref_slice %arg7[%dma_wait3A_113, %dma_wait3A_114] : memref<6x128xi32, #tpu.memory_space<vmem>> -> memref<1x128xi32, #tpu.memory_space<vmem>>
    %dma_wait3A_116 = tpu.memref_squeeze %dma_wait3A_115 : memref<1x128xi32, #tpu.memory_space<vmem>> -> memref<128xi32, #tpu.memory_space<vmem>>
    %dma_wait3A_117 = arith.constant 0 : i32
    %dma_wait3A_118 = arith.constant 0 : i32
    %dma_wait3A_119 = tpu.memref_slice %arg11[%dma_wait3A_117, %dma_wait3A_118] : memref<10000x128xf32, #tpu.memory_space<vmem_shared>> -> memref<10000x128xf32, #tpu.memory_space<vmem_shared>>
    tpu.wait_indirect_dma semaphore(%arg15 : memref<!tpu.dma_semaphore, #tpu.memory_space<semaphore_mem>>) src(%arg10 : memref<128x128xf32, #tpu.memory_space<vmem>>) dst(%dma_wait3A_119 : memref<10000x128xf32, #tpu.memory_space<vmem_shared>>)
    %dma_start3A_120 = arith.constant 3 : i32
    %dma_start3A_121 = arith.constant 0 : i32
    %dma_start3A_122 = tpu.memref_slice %arg5[%dma_start3A_120, %dma_start3A_121] : memref<6x128xi32, #tpu.memory_space<vmem>> -> memref<1x128xi32, #tpu.memory_space<vmem>>
    %dma_start3A_123 = tpu.memref_squeeze %dma_start3A_122 : memref<1x128xi32, #tpu.memory_space<vmem>> -> memref<128xi32, #tpu.memory_space<vmem>>
    %dma_start3A_124 = arith.constant 0 : i32
    %dma_start3A_125 = arith.constant 0 : i32
    %dma_start3A_126 = tpu.memref_slice %arg2[%dma_start3A_124, %dma_start3A_125] : memref<10000x128xf32, #tpu.memory_space<hbm>> -> memref<10000x128xf32, #tpu.memory_space<hbm>>
    tpu.enqueue_indirect_dma source(%dma_start3A_126 : memref<10000x128xf32, #tpu.memory_space<hbm>>) target(%arg10 : memref<128x128xf32, #tpu.memory_space<vmem>>) offsets(%dma_start3A_123 : memref<128xi32, #tpu.memory_space<vmem>>) semaphore(%arg13 : memref<!tpu.dma_semaphore, #tpu.memory_space<semaphore_mem>>)
    %dma_wait3A_127 = arith.constant 0 : i32
    %dma_wait3A_128 = arith.constant 0 : i32
    %dma_wait3A_129 = tpu.memref_slice %arg5[%dma_wait3A_127, %dma_wait3A_128] : memref<6x128xi32, #tpu.memory_space<vmem>> -> memref<1x128xi32, #tpu.memory_space<vmem>>
    %dma_wait3A_130 = tpu.memref_squeeze %dma_wait3A_129 : memref<1x128xi32, #tpu.memory_space<vmem>> -> memref<128xi32, #tpu.memory_space<vmem>>
    %dma_wait3A_131 = arith.constant 0 : i32
    %dma_wait3A_132 = arith.constant 0 : i32
    %dma_wait3A_133 = tpu.memref_slice %arg2[%dma_wait3A_131, %dma_wait3A_132] : memref<10000x128xf32, #tpu.memory_space<hbm>> -> memref<10000x128xf32, #tpu.memory_space<hbm>>
    tpu.wait_indirect_dma semaphore(%arg12 : memref<!tpu.dma_semaphore, #tpu.memory_space<semaphore_mem>>) src(%dma_wait3A_133 : memref<10000x128xf32, #tpu.memory_space<hbm>>) dst(%arg9 : memref<128x128xf32, #tpu.memory_space<vmem>>)
    %dma_start3A_134 = arith.constant 2 : i32
    %dma_start3A_135 = arith.constant 0 : i32
    %dma_start3A_136 = tpu.memref_slice %arg7[%dma_start3A_134, %dma_start3A_135] : memref<6x128xi32, #tpu.memory_space<vmem>> -> memref<1x128xi32, #tpu.memory_space<vmem>>
    %dma_start3A_137 = tpu.memref_squeeze %dma_start3A_136 : memref<1x128xi32, #tpu.memory_space<vmem>> -> memref<128xi32, #tpu.memory_space<vmem>>
    %dma_start3A_138 = arith.constant 0 : i32
    %dma_start3A_139 = arith.constant 0 : i32
    %dma_start3A_140 = tpu.memref_slice %arg11[%dma_start3A_138, %dma_start3A_139] : memref<10000x128xf32, #tpu.memory_space<vmem_shared>> -> memref<10000x128xf32, #tpu.memory_space<vmem_shared>>
    tpu.enqueue_indirect_dma source(%arg9 : memref<128x128xf32, #tpu.memory_space<vmem>>) target(%dma_start3A_140 : memref<10000x128xf32, #tpu.memory_space<vmem_shared>>) offsets(%dma_start3A_137 : memref<128xi32, #tpu.memory_space<vmem>>) semaphore(%arg14 : memref<!tpu.dma_semaphore, #tpu.memory_space<semaphore_mem>>) {add = true}
    %dma_wait3A_141 = arith.constant 0 : i32
    %dma_wait3A_142 = arith.constant 0 : i32
    %dma_wait3A_143 = tpu.memref_slice %arg7[%dma_wait3A_141, %dma_wait3A_142] : memref<6x128xi32, #tpu.memory_space<vmem>> -> memref<1x128xi32, #tpu.memory_space<vmem>>
    %dma_wait3A_144 = tpu.memref_squeeze %dma_wait3A_143 : memref<1x128xi32, #tpu.memory_space<vmem>> -> memref<128xi32, #tpu.memory_space<vmem>>
    %dma_wait3A_145 = arith.constant 0 : i32
    %dma_wait3A_146 = arith.constant 0 : i32
    %dma_wait3A_147 = tpu.memref_slice %arg11[%dma_wait3A_145, %dma_wait3A_146] : memref<10000x128xf32, #tpu.memory_space<vmem_shared>> -> memref<10000x128xf32, #tpu.memory_space<vmem_shared>>
    tpu.wait_indirect_dma semaphore(%arg14 : memref<!tpu.dma_semaphore, #tpu.memory_space<semaphore_mem>>) src(%arg9 : memref<128x128xf32, #tpu.memory_space<vmem>>) dst(%dma_wait3A_147 : memref<10000x128xf32, #tpu.memory_space<vmem_shared>>)
    %dma_start3A_148 = arith.constant 4 : i32
    %dma_start3A_149 = arith.constant 0 : i32
    %dma_start3A_150 = tpu.memref_slice %arg5[%dma_start3A_148, %dma_start3A_149] : memref<6x128xi32, #tpu.memory_space<vmem>> -> memref<1x128xi32, #tpu.memory_space<vmem>>
    %dma_start3A_151 = tpu.memref_squeeze %dma_start3A_150 : memref<1x128xi32, #tpu.memory_space<vmem>> -> memref<128xi32, #tpu.memory_space<vmem>>
    %dma_start3A_152 = arith.constant 0 : i32
    %dma_start3A_153 = arith.constant 0 : i32
    %dma_start3A_154 = tpu.memref_slice %arg2[%dma_start3A_152, %dma_start3A_153] : memref<10000x128xf32, #tpu.memory_space<hbm>> -> memref<10000x128xf32, #tpu.memory_space<hbm>>
    tpu.enqueue_indirect_dma source(%dma_start3A_154 : memref<10000x128xf32, #tpu.memory_space<hbm>>) target(%arg9 : memref<128x128xf32, #tpu.memory_space<vmem>>) offsets(%dma_start3A_151 : memref<128xi32, #tpu.memory_space<vmem>>) semaphore(%arg12 : memref<!tpu.dma_semaphore, #tpu.memory_space<semaphore_mem>>)
    %dma_wait3A_155 = arith.constant 0 : i32
    %dma_wait3A_156 = arith.constant 0 : i32
    %dma_wait3A_157 = tpu.memref_slice %arg5[%dma_wait3A_155, %dma_wait3A_156] : memref<6x128xi32, #tpu.memory_space<vmem>> -> memref<1x128xi32, #tpu.memory_space<vmem>>
    %dma_wait3A_158 = tpu.memref_squeeze %dma_wait3A_157 : memref<1x128xi32, #tpu.memory_space<vmem>> -> memref<128xi32, #tpu.memory_space<vmem>>
    %dma_wait3A_159 = arith.constant 0 : i32
    %dma_wait3A_160 = arith.constant 0 : i32
    %dma_wait3A_161 = tpu.memref_slice %arg2[%dma_wait3A_159, %dma_wait3A_160] : memref<10000x128xf32, #tpu.memory_space<hbm>> -> memref<10000x128xf32, #tpu.memory_space<hbm>>
    tpu.wait_indirect_dma semaphore(%arg13 : memref<!tpu.dma_semaphore, #tpu.memory_space<semaphore_mem>>) src(%dma_wait3A_161 : memref<10000x128xf32, #tpu.memory_space<hbm>>) dst(%arg10 : memref<128x128xf32, #tpu.memory_space<vmem>>)
    %dma_start3A_162 = arith.constant 3 : i32
    %dma_start3A_163 = arith.constant 0 : i32
    %dma_start3A_164 = tpu.memref_slice %arg7[%dma_start3A_162, %dma_start3A_163] : memref<6x128xi32, #tpu.memory_space<vmem>> -> memref<1x128xi32, #tpu.memory_space<vmem>>
    %dma_start3A_165 = tpu.memref_squeeze %dma_start3A_164 : memref<1x128xi32, #tpu.memory_space<vmem>> -> memref<128xi32, #tpu.memory_space<vmem>>
    %dma_start3A_166 = arith.constant 0 : i32
    %dma_start3A_167 = arith.constant 0 : i32
    %dma_start3A_168 = tpu.memref_slice %arg11[%dma_start3A_166, %dma_start3A_167] : memref<10000x128xf32, #tpu.memory_space<vmem_shared>> -> memref<10000x128xf32, #tpu.memory_space<vmem_shared>>
    tpu.enqueue_indirect_dma source(%arg10 : memref<128x128xf32, #tpu.memory_space<vmem>>) target(%dma_start3A_168 : memref<10000x128xf32, #tpu.memory_space<vmem_shared>>) offsets(%dma_start3A_165 : memref<128xi32, #tpu.memory_space<vmem>>) semaphore(%arg15 : memref<!tpu.dma_semaphore, #tpu.memory_space<semaphore_mem>>) {add = true}
    %dma_wait3A_169 = arith.constant 0 : i32
    %dma_wait3A_170 = arith.constant 0 : i32
    %dma_wait3A_171 = tpu.memref_slice %arg7[%dma_wait3A_169, %dma_wait3A_170] : memref<6x128xi32, #tpu.memory_space<vmem>> -> memref<1x128xi32, #tpu.memory_space<vmem>>
    %dma_wait3A_172 = tpu.memref_squeeze %dma_wait3A_171 : memref<1x128xi32, #tpu.memory_space<vmem>> -> memref<128xi32, #tpu.memory_space<vmem>>
    %dma_wait3A_173 = arith.constant 0 : i32
    %dma_wait3A_174 = arith.constant 0 : i32
    %dma_wait3A_175 = tpu.memref_slice %arg11[%dma_wait3A_173, %dma_wait3A_174] : memref<10000x128xf32, #tpu.memory_space<vmem_shared>> -> memref<10000x128xf32, #tpu.memory_space<vmem_shared>>
    tpu.wait_indirect_dma semaphore(%arg15 : memref<!tpu.dma_semaphore, #tpu.memory_space<semaphore_mem>>) src(%arg10 : memref<128x128xf32, #tpu.memory_space<vmem>>) dst(%dma_wait3A_175 : memref<10000x128xf32, #tpu.memory_space<vmem_shared>>)
    %dma_start3A_176 = arith.constant 5 : i32
    %dma_start3A_177 = arith.constant 0 : i32
    %dma_start3A_178 = tpu.memref_slice %arg5[%dma_start3A_176, %dma_start3A_177] : memref<6x128xi32, #tpu.memory_space<vmem>> -> memref<1x128xi32, #tpu.memory_space<vmem>>
    %dma_start3A_179 = tpu.memref_squeeze %dma_start3A_178 : memref<1x128xi32, #tpu.memory_space<vmem>> -> memref<128xi32, #tpu.memory_space<vmem>>
    %dma_start3A_180 = arith.constant 0 : i32
    %dma_start3A_181 = arith.constant 0 : i32
    %dma_start3A_182 = tpu.memref_slice %arg2[%dma_start3A_180, %dma_start3A_181] : memref<10000x128xf32, #tpu.memory_space<hbm>> -> memref<10000x128xf32, #tpu.memory_space<hbm>>
    tpu.enqueue_indirect_dma source(%dma_start3A_182 : memref<10000x128xf32, #tpu.memory_space<hbm>>) target(%arg10 : memref<128x128xf32, #tpu.memory_space<vmem>>) offsets(%dma_start3A_179 : memref<128xi32, #tpu.memory_space<vmem>>) semaphore(%arg13 : memref<!tpu.dma_semaphore, #tpu.memory_space<semaphore_mem>>)
    %dma_wait3A_183 = arith.constant 0 : i32
    %dma_wait3A_184 = arith.constant 0 : i32
    %dma_wait3A_185 = tpu.memref_slice %arg5[%dma_wait3A_183, %dma_wait3A_184] : memref<6x128xi32, #tpu.memory_space<vmem>> -> memref<1x128xi32, #tpu.memory_space<vmem>>
    %dma_wait3A_186 = tpu.memref_squeeze %dma_wait3A_185 : memref<1x128xi32, #tpu.memory_space<vmem>> -> memref<128xi32, #tpu.memory_space<vmem>>
    %dma_wait3A_187 = arith.constant 0 : i32
    %dma_wait3A_188 = arith.constant 0 : i32
    %dma_wait3A_189 = tpu.memref_slice %arg2[%dma_wait3A_187, %dma_wait3A_188] : memref<10000x128xf32, #tpu.memory_space<hbm>> -> memref<10000x128xf32, #tpu.memory_space<hbm>>
    tpu.wait_indirect_dma semaphore(%arg12 : memref<!tpu.dma_semaphore, #tpu.memory_space<semaphore_mem>>) src(%dma_wait3A_189 : memref<10000x128xf32, #tpu.memory_space<hbm>>) dst(%arg9 : memref<128x128xf32, #tpu.memory_space<vmem>>)
    %dma_start3A_190 = arith.constant 4 : i32
    %dma_start3A_191 = arith.constant 0 : i32
    %dma_start3A_192 = tpu.memref_slice %arg7[%dma_start3A_190, %dma_start3A_191] : memref<6x128xi32, #tpu.memory_space<vmem>> -> memref<1x128xi32, #tpu.memory_space<vmem>>
    %dma_start3A_193 = tpu.memref_squeeze %dma_start3A_192 : memref<1x128xi32, #tpu.memory_space<vmem>> -> memref<128xi32, #tpu.memory_space<vmem>>
    %dma_start3A_194 = arith.constant 0 : i32
    %dma_start3A_195 = arith.constant 0 : i32
    %dma_start3A_196 = tpu.memref_slice %arg11[%dma_start3A_194, %dma_start3A_195] : memref<10000x128xf32, #tpu.memory_space<vmem_shared>> -> memref<10000x128xf32, #tpu.memory_space<vmem_shared>>
    tpu.enqueue_indirect_dma source(%arg9 : memref<128x128xf32, #tpu.memory_space<vmem>>) target(%dma_start3A_196 : memref<10000x128xf32, #tpu.memory_space<vmem_shared>>) offsets(%dma_start3A_193 : memref<128xi32, #tpu.memory_space<vmem>>) semaphore(%arg14 : memref<!tpu.dma_semaphore, #tpu.memory_space<semaphore_mem>>) {add = true}
    %dma_wait3A_197 = arith.constant 0 : i32
    %dma_wait3A_198 = arith.constant 0 : i32
    %dma_wait3A_199 = tpu.memref_slice %arg7[%dma_wait3A_197, %dma_wait3A_198] : memref<6x128xi32, #tpu.memory_space<vmem>> -> memref<1x128xi32, #tpu.memory_space<vmem>>
    %dma_wait3A_200 = tpu.memref_squeeze %dma_wait3A_199 : memref<1x128xi32, #tpu.memory_space<vmem>> -> memref<128xi32, #tpu.memory_space<vmem>>
    %dma_wait3A_201 = arith.constant 0 : i32
    %dma_wait3A_202 = arith.constant 0 : i32
    %dma_wait3A_203 = tpu.memref_slice %arg11[%dma_wait3A_201, %dma_wait3A_202] : memref<10000x128xf32, #tpu.memory_space<vmem_shared>> -> memref<10000x128xf32, #tpu.memory_space<vmem_shared>>
    tpu.wait_indirect_dma semaphore(%arg14 : memref<!tpu.dma_semaphore, #tpu.memory_space<semaphore_mem>>) src(%arg9 : memref<128x128xf32, #tpu.memory_space<vmem>>) dst(%dma_wait3A_203 : memref<10000x128xf32, #tpu.memory_space<vmem_shared>>)
    %dma_wait3A_204 = arith.constant 0 : i32
    %dma_wait3A_205 = arith.constant 0 : i32
    %dma_wait3A_206 = tpu.memref_slice %arg5[%dma_wait3A_204, %dma_wait3A_205] : memref<6x128xi32, #tpu.memory_space<vmem>> -> memref<1x128xi32, #tpu.memory_space<vmem>>
    %dma_wait3A_207 = tpu.memref_squeeze %dma_wait3A_206 : memref<1x128xi32, #tpu.memory_space<vmem>> -> memref<128xi32, #tpu.memory_space<vmem>>
    %dma_wait3A_208 = arith.constant 0 : i32
    %dma_wait3A_209 = arith.constant 0 : i32
    %dma_wait3A_210 = tpu.memref_slice %arg2[%dma_wait3A_208, %dma_wait3A_209] : memref<10000x128xf32, #tpu.memory_space<hbm>> -> memref<10000x128xf32, #tpu.memory_space<hbm>>
    tpu.wait_indirect_dma semaphore(%arg13 : memref<!tpu.dma_semaphore, #tpu.memory_space<semaphore_mem>>) src(%dma_wait3A_210 : memref<10000x128xf32, #tpu.memory_space<hbm>>) dst(%arg10 : memref<128x128xf32, #tpu.memory_space<vmem>>)
    %dma_start3A_211 = arith.constant 5 : i32
    %dma_start3A_212 = arith.constant 0 : i32
    %dma_start3A_213 = tpu.memref_slice %arg7[%dma_start3A_211, %dma_start3A_212] : memref<6x128xi32, #tpu.memory_space<vmem>> -> memref<1x128xi32, #tpu.memory_space<vmem>>
    %dma_start3A_214 = tpu.memref_squeeze %dma_start3A_213 : memref<1x128xi32, #tpu.memory_space<vmem>> -> memref<128xi32, #tpu.memory_space<vmem>>
    %dma_start3A_215 = arith.constant 0 : i32
    %dma_start3A_216 = arith.constant 0 : i32
    %dma_start3A_217 = tpu.memref_slice %arg11[%dma_start3A_215, %dma_start3A_216] : memref<10000x128xf32, #tpu.memory_space<vmem_shared>> -> memref<10000x128xf32, #tpu.memory_space<vmem_shared>>
    tpu.enqueue_indirect_dma source(%arg10 : memref<128x128xf32, #tpu.memory_space<vmem>>) target(%dma_start3A_217 : memref<10000x128xf32, #tpu.memory_space<vmem_shared>>) offsets(%dma_start3A_214 : memref<128xi32, #tpu.memory_space<vmem>>) semaphore(%arg15 : memref<!tpu.dma_semaphore, #tpu.memory_space<semaphore_mem>>) {add = true}
    %dma_wait3A_218 = arith.constant 0 : i32
    %dma_wait3A_219 = arith.constant 0 : i32
    %dma_wait3A_220 = tpu.memref_slice %arg7[%dma_wait3A_218, %dma_wait3A_219] : memref<6x128xi32, #tpu.memory_space<vmem>> -> memref<1x128xi32, #tpu.memory_space<vmem>>
    %dma_wait3A_221 = tpu.memref_squeeze %dma_wait3A_220 : memref<1x128xi32, #tpu.memory_space<vmem>> -> memref<128xi32, #tpu.memory_space<vmem>>
    %dma_wait3A_222 = arith.constant 0 : i32
    %dma_wait3A_223 = arith.constant 0 : i32
    %dma_wait3A_224 = tpu.memref_slice %arg11[%dma_wait3A_222, %dma_wait3A_223] : memref<10000x128xf32, #tpu.memory_space<vmem_shared>> -> memref<10000x128xf32, #tpu.memory_space<vmem_shared>>
    tpu.wait_indirect_dma semaphore(%arg15 : memref<!tpu.dma_semaphore, #tpu.memory_space<semaphore_mem>>) src(%arg10 : memref<128x128xf32, #tpu.memory_space<vmem>>) dst(%dma_wait3A_224 : memref<10000x128xf32, #tpu.memory_space<vmem_shared>>)
    %convert_element_type3A_225 = arith.extui %lt3A_5 : i1 to i32
    %cond3A_226 = arith.constant 0 : i32
    %cond3A_227 = arith.cmpi ne, %convert_element_type3A_225, %cond3A_226 : i32
    scf.if %cond3A_227 {
      %add3A_236 = arith.constant 78 : i32
      %add3A_237 = arith.addi %add3A_4, %add3A_236 : i32
      %run_scoped3A_238 = arith.constant 0 : i32
      "tpu.region"() ({
        %run_scoped3A_257 = tpu.sem_alloc : memref<!tpu.dma_semaphore, #tpu.memory_space<semaphore_mem>>
        %dma_start3A_258 = arith.constant 0 : i32
        %dma_start3A_259 = arith.constant 0 : i32
        %dma_start3A_260 = tpu.memref_slice %arg6[%dma_start3A_258, %dma_start3A_259] : memref<6x128xi32, #tpu.memory_space<vmem>> -> memref<1x128xi32, #tpu.memory_space<vmem>>
        %dma_start3A_261 = arith.constant 0 : i32
        %dma_start3A_262 = arith.constant 0 : i32
        %dma_start3A_263 = tpu.memref_slice %arg3[%run_scoped3A_238, %dma_start3A_261, %dma_start3A_262] : memref<2x2500x128xi32, #tpu.memory_space<hbm>> -> memref<1x2500x128xi32, #tpu.memory_space<hbm>>
        %dma_start3A_264 = tpu.memref_squeeze %dma_start3A_263 : memref<1x2500x128xi32, #tpu.memory_space<hbm>> -> memref<2500x128xi32, #tpu.memory_space<hbm>>
        %dma_start3A_265 = arith.constant 0 : i32
        %dma_start3A_266 = tpu.memref_slice %dma_start3A_264[%add3A_237, %dma_start3A_265] : memref<2500x128xi32, #tpu.memory_space<hbm>> -> memref<1x128xi32, #tpu.memory_space<hbm>>
        %dma_start3A_267 = arith.constant 0 : i32
        %dma_start3A_268 = arith.constant 0 : i32
        %dma_start3A_269 = tpu.memref_slice %arg6[%dma_start3A_267, %dma_start3A_268] : memref<6x128xi32, #tpu.memory_space<vmem>> -> memref<1x128xi32, #tpu.memory_space<vmem>>
        %dma_start3A_270 = arith.constant 0 : i32
        %dma_start3A_271 = arith.constant 0 : i32
        %dma_start3A_272 = tpu.memref_slice %arg3[%run_scoped3A_238, %dma_start3A_270, %dma_start3A_271] : memref<2x2500x128xi32, #tpu.memory_space<hbm>> -> memref<1x2500x128xi32, #tpu.memory_space<hbm>>
        %dma_start3A_273 = tpu.memref_squeeze %dma_start3A_272 : memref<1x2500x128xi32, #tpu.memory_space<hbm>> -> memref<2500x128xi32, #tpu.memory_space<hbm>>
        %dma_start3A_274 = arith.constant 0 : i32
        %dma_start3A_275 = tpu.memref_slice %dma_start3A_273[%add3A_237, %dma_start3A_274] : memref<2500x128xi32, #tpu.memory_space<hbm>> -> memref<1x128xi32, #tpu.memory_space<hbm>>
        tpu.enqueue_dma source(%dma_start3A_275 : memref<1x128xi32, #tpu.memory_space<hbm>>) target(%dma_start3A_269 : memref<1x128xi32, #tpu.memory_space<vmem>>) target_semaphore(%run_scoped3A_257 : memref<!tpu.dma_semaphore, #tpu.memory_space<semaphore_mem>>)
        %dma_wait3A_276 = arith.constant 0 : i32
        %dma_wait3A_277 = arith.constant 0 : i32
        %dma_wait3A_278 = tpu.memref_slice %arg6[%dma_wait3A_276, %dma_wait3A_277] : memref<6x128xi32, #tpu.memory_space<vmem>> -> memref<1x128xi32, #tpu.memory_space<vmem>>
        %dma_wait3A_279 = arith.constant 0 : i32
        %dma_wait3A_280 = arith.constant 0 : i32
        %dma_wait3A_281 = tpu.memref_slice %arg3[%run_scoped3A_238, %dma_wait3A_279, %dma_wait3A_280] : memref<2x2500x128xi32, #tpu.memory_space<hbm>> -> memref<1x2500x128xi32, #tpu.memory_space<hbm>>
        %dma_wait3A_282 = tpu.memref_squeeze %dma_wait3A_281 : memref<1x2500x128xi32, #tpu.memory_space<hbm>> -> memref<2500x128xi32, #tpu.memory_space<hbm>>
        %dma_wait3A_283 = arith.constant 0 : i32
        %dma_wait3A_284 = tpu.memref_slice %dma_wait3A_282[%add3A_237, %dma_wait3A_283] : memref<2500x128xi32, #tpu.memory_space<hbm>> -> memref<1x128xi32, #tpu.memory_space<hbm>>
        %dma_wait3A_285 = arith.constant 0 : i32
        %dma_wait3A_286 = arith.constant 0 : i32
        %dma_wait3A_287 = tpu.memref_slice %arg6[%dma_wait3A_285, %dma_wait3A_286] : memref<6x128xi32, #tpu.memory_space<vmem>> -> memref<1x128xi32, #tpu.memory_space<vmem>>
        %dma_wait3A_288 = arith.constant 0 : i32
        %dma_wait3A_289 = arith.constant 0 : i32
        %dma_wait3A_290 = tpu.memref_slice %arg3[%run_scoped3A_238, %dma_wait3A_288, %dma_wait3A_289] : memref<2x2500x128xi32, #tpu.memory_space<hbm>> -> memref<1x2500x128xi32, #tpu.memory_space<hbm>>
        %dma_wait3A_291 = tpu.memref_squeeze %dma_wait3A_290 : memref<1x2500x128xi32, #tpu.memory_space<hbm>> -> memref<2500x128xi32, #tpu.memory_space<hbm>>
        %dma_wait3A_292 = arith.constant 0 : i32
        %dma_wait3A_293 = tpu.memref_slice %dma_wait3A_291[%add3A_237, %dma_wait3A_292] : memref<2500x128xi32, #tpu.memory_space<hbm>> -> memref<1x128xi32, #tpu.memory_space<hbm>>
        tpu.wait_dma2 semaphore(%run_scoped3A_257 : memref<!tpu.dma_semaphore, #tpu.memory_space<semaphore_mem>>) src(%dma_wait3A_293 : memref<1x128xi32, #tpu.memory_space<hbm>>) dst(%dma_wait3A_287 : memref<1x128xi32, #tpu.memory_space<vmem>>)
        tpu.yield
      }) : () -> ()
      %add3A_239 = arith.constant 78 : i32
      %add3A_240 = arith.addi %add3A_4, %add3A_239 : i32
      %run_scoped3A_241 = arith.constant 1 : i32
      "tpu.region"() ({
        %run_scoped3A_257 = tpu.sem_alloc : memref<!tpu.dma_semaphore, #tpu.memory_space<semaphore_mem>>
        %dma_start3A_258 = arith.constant 0 : i32
        %dma_start3A_259 = arith.constant 0 : i32
        %dma_start3A_260 = tpu.memref_slice %arg8[%dma_start3A_258, %dma_start3A_259] : memref<6x128xi32, #tpu.memory_space<vmem>> -> memref<1x128xi32, #tpu.memory_space<vmem>>
        %dma_start3A_261 = arith.constant 0 : i32
        %dma_start3A_262 = arith.constant 0 : i32
        %dma_start3A_263 = tpu.memref_slice %arg3[%run_scoped3A_241, %dma_start3A_261, %dma_start3A_262] : memref<2x2500x128xi32, #tpu.memory_space<hbm>> -> memref<1x2500x128xi32, #tpu.memory_space<hbm>>
        %dma_start3A_264 = tpu.memref_squeeze %dma_start3A_263 : memref<1x2500x128xi32, #tpu.memory_space<hbm>> -> memref<2500x128xi32, #tpu.memory_space<hbm>>
        %dma_start3A_265 = arith.constant 0 : i32
        %dma_start3A_266 = tpu.memref_slice %dma_start3A_264[%add3A_240, %dma_start3A_265] : memref<2500x128xi32, #tpu.memory_space<hbm>> -> memref<1x128xi32, #tpu.memory_space<hbm>>
        %dma_start3A_267 = arith.constant 0 : i32
        %dma_start3A_268 = arith.constant 0 : i32
        %dma_start3A_269 = tpu.memref_slice %arg8[%dma_start3A_267, %dma_start3A_268] : memref<6x128xi32, #tpu.memory_space<vmem>> -> memref<1x128xi32, #tpu.memory_space<vmem>>
        %dma_start3A_270 = arith.constant 0 : i32
        %dma_start3A_271 = arith.constant 0 : i32
        %dma_start3A_272 = tpu.memref_slice %arg3[%run_scoped3A_241, %dma_start3A_270, %dma_start3A_271] : memref<2x2500x128xi32, #tpu.memory_space<hbm>> -> memref<1x2500x128xi32, #tpu.memory_space<hbm>>
        %dma_start3A_273 = tpu.memref_squeeze %dma_start3A_272 : memref<1x2500x128xi32, #tpu.memory_space<hbm>> -> memref<2500x128xi32, #tpu.memory_space<hbm>>
        %dma_start3A_274 = arith.constant 0 : i32
        %dma_start3A_275 = tpu.memref_slice %dma_start3A_273[%add3A_240, %dma_start3A_274] : memref<2500x128xi32, #tpu.memory_space<hbm>> -> memref<1x128xi32, #tpu.memory_space<hbm>>
        tpu.enqueue_dma source(%dma_start3A_275 : memref<1x128xi32, #tpu.memory_space<hbm>>) target(%dma_start3A_269 : memref<1x128xi32, #tpu.memory_space<vmem>>) target_semaphore(%run_scoped3A_257 : memref<!tpu.dma_semaphore, #tpu.memory_space<semaphore_mem>>)
        %dma_wait3A_276 = arith.constant 0 : i32
        %dma_wait3A_277 = arith.constant 0 : i32
        %dma_wait3A_278 = tpu.memref_slice %arg8[%dma_wait3A_276, %dma_wait3A_277] : memref<6x128xi32, #tpu.memory_space<vmem>> -> memref<1x128xi32, #tpu.memory_space<vmem>>
        %dma_wait3A_279 = arith.constant 0 : i32
        %dma_wait3A_280 = arith.constant 0 : i32
        %dma_wait3A_281 = tpu.memref_slice %arg3[%run_scoped3A_241, %dma_wait3A_279, %dma_wait3A_280] : memref<2x2500x128xi32, #tpu.memory_space<hbm>> -> memref<1x2500x128xi32, #tpu.memory_space<hbm>>
        %dma_wait3A_282 = tpu.memref_squeeze %dma_wait3A_281 : memref<1x2500x128xi32, #tpu.memory_space<hbm>> -> memref<2500x128xi32, #tpu.memory_space<hbm>>
        %dma_wait3A_283 = arith.constant 0 : i32
        %dma_wait3A_284 = tpu.memref_slice %dma_wait3A_282[%add3A_240, %dma_wait3A_283] : memref<2500x128xi32, #tpu.memory_space<hbm>> -> memref<1x128xi32, #tpu.memory_space<hbm>>
        %dma_wait3A_285 = arith.constant 0 : i32
        %dma_wait3A_286 = arith.constant 0 : i32
        %dma_wait3A_287 = tpu.memref_slice %arg8[%dma_wait3A_285, %dma_wait3A_286] : memref<6x128xi32, #tpu.memory_space<vmem>> -> memref<1x128xi32, #tpu.memory_space<vmem>>
        %dma_wait3A_288 = arith.constant 0 : i32
        %dma_wait3A_289 = arith.constant 0 : i32
        %dma_wait3A_290 = tpu.memref_slice %arg3[%run_scoped3A_241, %dma_wait3A_288, %dma_wait3A_289] : memref<2x2500x128xi32, #tpu.memory_space<hbm>> -> memref<1x2500x128xi32, #tpu.memory_space<hbm>>
        %dma_wait3A_291 = tpu.memref_squeeze %dma_wait3A_290 : memref<1x2500x128xi32, #tpu.memory_space<hbm>> -> memref<2500x128xi32, #tpu.memory_space<hbm>>
        %dma_wait3A_292 = arith.constant 0 : i32
        %dma_wait3A_293 = tpu.memref_slice %dma_wait3A_291[%add3A_240, %dma_wait3A_292] : memref<2500x128xi32, #tpu.memory_space<hbm>> -> memref<1x128xi32, #tpu.memory_space<hbm>>
        tpu.wait_dma2 semaphore(%run_scoped3A_257 : memref<!tpu.dma_semaphore, #tpu.memory_space<semaphore_mem>>) src(%dma_wait3A_293 : memref<1x128xi32, #tpu.memory_space<hbm>>) dst(%dma_wait3A_287 : memref<1x128xi32, #tpu.memory_space<vmem>>)
        tpu.yield
      }) : () -> ()
      %dma_start3A_242 = arith.constant 0 : i32
      %dma_start3A_243 = arith.constant 0 : i32
      %dma_start3A_244 = tpu.memref_slice %arg6[%dma_start3A_242, %dma_start3A_243] : memref<6x128xi32, #tpu.memory_space<vmem>> -> memref<1x128xi32, #tpu.memory_space<vmem>>
      %dma_start3A_245 = tpu.memref_squeeze %dma_start3A_244 : memref<1x128xi32, #tpu.memory_space<vmem>> -> memref<128xi32, #tpu.memory_space<vmem>>
      %dma_start3A_246 = arith.constant 0 : i32
      %dma_start3A_247 = arith.constant 0 : i32
      %dma_start3A_248 = tpu.memref_slice %arg2[%dma_start3A_246, %dma_start3A_247] : memref<10000x128xf32, #tpu.memory_space<hbm>> -> memref<10000x128xf32, #tpu.memory_space<hbm>>
      tpu.enqueue_indirect_dma source(%dma_start3A_248 : memref<10000x128xf32, #tpu.memory_space<hbm>>) target(%arg9 : memref<128x128xf32, #tpu.memory_space<vmem>>) offsets(%dma_start3A_245 : memref<128xi32, #tpu.memory_space<vmem>>) semaphore(%arg12 : memref<!tpu.dma_semaphore, #tpu.memory_space<semaphore_mem>>)
      %dma_wait3A_249 = arith.constant 0 : i32
      %dma_wait3A_250 = arith.constant 0 : i32
      %dma_wait3A_251 = tpu.memref_slice %arg6[%dma_wait3A_249, %dma_wait3A_250] : memref<6x128xi32, #tpu.memory_space<vmem>> -> memref<1x128xi32, #tpu.memory_space<vmem>>
      %dma_wait3A_252 = tpu.memref_squeeze %dma_wait3A_251 : memref<1x128xi32, #tpu.memory_space<vmem>> -> memref<128xi32, #tpu.memory_space<vmem>>
      %dma_wait3A_253 = arith.constant 0 : i32
      %dma_wait3A_254 = arith.constant 0 : i32
      %dma_wait3A_255 = tpu.memref_slice %arg2[%dma_wait3A_253, %dma_wait3A_254] : memref<10000x128xf32, #tpu.memory_space<hbm>> -> memref<10000x128xf32, #tpu.memory_space<hbm>>
      tpu.wait_indirect_dma semaphore(%arg12 : memref<!tpu.dma_semaphore, #tpu.memory_space<semaphore_mem>>) src(%dma_wait3A_255 : memref<10000x128xf32, #tpu.memory_space<hbm>>) dst(%arg9 : memref<128x128xf32, #tpu.memory_space<vmem>>)
      %run_scoped3A_256 = arith.constant 0 : i32
      "tpu.region"() ({
        %run_scoped3A_257 = tpu.sem_alloc : memref<!tpu.dma_semaphore, #tpu.memory_space<semaphore_mem>>
        %dma_start3A_258 = arith.constant 0 : i32
        %dma_start3A_259 = tpu.memref_slice %arg8[%run_scoped3A_256, %dma_start3A_258] : memref<6x128xi32, #tpu.memory_space<vmem>> -> memref<1x128xi32, #tpu.memory_space<vmem>>
        %dma_start3A_260 = tpu.memref_squeeze %dma_start3A_259 : memref<1x128xi32, #tpu.memory_space<vmem>> -> memref<128xi32, #tpu.memory_space<vmem>>
        %dma_start3A_261 = arith.constant 0 : i32
        %dma_start3A_262 = arith.constant 0 : i32
        %dma_start3A_263 = tpu.memref_slice %arg11[%dma_start3A_261, %dma_start3A_262] : memref<10000x128xf32, #tpu.memory_space<vmem_shared>> -> memref<10000x128xf32, #tpu.memory_space<vmem_shared>>
        tpu.enqueue_indirect_dma source(%arg9 : memref<128x128xf32, #tpu.memory_space<vmem>>) target(%dma_start3A_263 : memref<10000x128xf32, #tpu.memory_space<vmem_shared>>) offsets(%dma_start3A_260 : memref<128xi32, #tpu.memory_space<vmem>>) semaphore(%run_scoped3A_257 : memref<!tpu.dma_semaphore, #tpu.memory_space<semaphore_mem>>) {add = true}
        %dma_wait3A_264 = arith.constant 0 : i32
        %dma_wait3A_265 = tpu.memref_slice %arg8[%run_scoped3A_256, %dma_wait3A_264] : memref<6x128xi32, #tpu.memory_space<vmem>> -> memref<1x128xi32, #tpu.memory_space<vmem>>
        %dma_wait3A_266 = tpu.memref_squeeze %dma_wait3A_265 : memref<1x128xi32, #tpu.memory_space<vmem>> -> memref<128xi32, #tpu.memory_space<vmem>>
        %dma_wait3A_267 = arith.constant 0 : i32
        %dma_wait3A_268 = arith.constant 0 : i32
        %dma_wait3A_269 = tpu.memref_slice %arg11[%dma_wait3A_267, %dma_wait3A_268] : memref<10000x128xf32, #tpu.memory_space<vmem_shared>> -> memref<10000x128xf32, #tpu.memory_space<vmem_shared>>
        tpu.wait_indirect_dma semaphore(%run_scoped3A_257 : memref<!tpu.dma_semaphore, #tpu.memory_space<semaphore_mem>>) src(%arg9 : memref<128x128xf32, #tpu.memory_space<vmem>>) dst(%dma_wait3A_269 : memref<10000x128xf32, #tpu.memory_space<vmem_shared>>)
        tpu.yield
      }) : () -> ()
    } else {
    }
    %barrier3A_228 = arith.constant 0 : index
    tpu.barrier barrier_id(%barrier3A_228)
    %mul3A_229 = arith.constant 624 : i32
    %mul3A_230 = arith.muli %arg1, %mul3A_229 : i32
    "tpu.region"() ({
      %run_scoped3A_236 = tpu.sem_alloc : memref<!tpu.dma_semaphore, #tpu.memory_space<semaphore_mem>>
      %dma_start3A_237 = arith.constant 0 : i32
      %dma_start3A_238 = arith.constant 0 : i32
      %dma_start3A_239 = tpu.memref_slice %arg4[%arg0, %dma_start3A_237, %dma_start3A_238] : memref<2x10000x128xf32, #tpu.memory_space<hbm>> -> memref<1x10000x128xf32, #tpu.memory_space<hbm>>
      %dma_start3A_240 = tpu.memref_squeeze %dma_start3A_239 : memref<1x10000x128xf32, #tpu.memory_space<hbm>> -> memref<10000x128xf32, #tpu.memory_space<hbm>>
      %dma_start3A_241 = arith.constant 0 : i32
      %dma_start3A_242 = tpu.memref_slice %dma_start3A_240[%mul3A_230, %dma_start3A_241] : memref<10000x128xf32, #tpu.memory_space<hbm>> -> memref<624x128xf32, #tpu.memory_space<hbm>>
      %dma_start3A_243 = arith.constant 0 : i32
      %dma_start3A_244 = tpu.memref_slice %arg11[%mul3A_230, %dma_start3A_243] : memref<10000x128xf32, #tpu.memory_space<vmem_shared>> -> memref<624x128xf32, #tpu.memory_space<vmem_shared>>
      tpu.enqueue_dma source(%dma_start3A_244 : memref<624x128xf32, #tpu.memory_space<vmem_shared>>) target(%dma_start3A_242 : memref<624x128xf32, #tpu.memory_space<hbm>>) target_semaphore(%run_scoped3A_236 : memref<!tpu.dma_semaphore, #tpu.memory_space<semaphore_mem>>)
      %dma_wait3A_245 = arith.constant 0 : i32
      %dma_wait3A_246 = arith.constant 0 : i32
      %dma_wait3A_247 = tpu.memref_slice %arg4[%arg0, %dma_wait3A_245, %dma_wait3A_246] : memref<2x10000x128xf32, #tpu.memory_space<hbm>> -> memref<1x10000x128xf32, #tpu.memory_space<hbm>>
      %dma_wait3A_248 = tpu.memref_squeeze %dma_wait3A_247 : memref<1x10000x128xf32, #tpu.memory_space<hbm>> -> memref<10000x128xf32, #tpu.memory_space<hbm>>
      %dma_wait3A_249 = arith.constant 0 : i32
      %dma_wait3A_250 = tpu.memref_slice %dma_wait3A_248[%mul3A_230, %dma_wait3A_249] : memref<10000x128xf32, #tpu.memory_space<hbm>> -> memref<624x128xf32, #tpu.memory_space<hbm>>
      %dma_wait3A_251 = arith.constant 0 : i32
      %dma_wait3A_252 = tpu.memref_slice %arg11[%mul3A_230, %dma_wait3A_251] : memref<10000x128xf32, #tpu.memory_space<vmem_shared>> -> memref<624x128xf32, #tpu.memory_space<vmem_shared>>
      tpu.wait_dma2 semaphore(%run_scoped3A_236 : memref<!tpu.dma_semaphore, #tpu.memory_space<semaphore_mem>>) src(%dma_wait3A_252 : memref<624x128xf32, #tpu.memory_space<vmem_shared>>) dst(%dma_wait3A_250 : memref<624x128xf32, #tpu.memory_space<hbm>>)
      tpu.yield
    }) : () -> ()
    %eq3A_231 = arith.constant 15 : i32
    %eq3A_232 = arith.cmpi eq, %arg1, %eq3A_231 : i32
    %convert_element_type3A_233 = arith.extui %eq3A_232 : i1 to i32
    %cond3A_234 = arith.constant 0 : i32
    %cond3A_235 = arith.cmpi ne, %convert_element_type3A_233, %cond3A_234 : i32
    scf.if %cond3A_235 {
      "tpu.region"() ({
        %run_scoped3A_236 = tpu.sem_alloc : memref<!tpu.dma_semaphore, #tpu.memory_space<semaphore_mem>>
        %dma_start3A_237 = arith.constant 0 : i32
        %dma_start3A_238 = arith.constant 0 : i32
        %dma_start3A_239 = tpu.memref_slice %arg4[%arg0, %dma_start3A_237, %dma_start3A_238] : memref<2x10000x128xf32, #tpu.memory_space<hbm>> -> memref<1x10000x128xf32, #tpu.memory_space<hbm>>
        %dma_start3A_240 = tpu.memref_squeeze %dma_start3A_239 : memref<1x10000x128xf32, #tpu.memory_space<hbm>> -> memref<10000x128xf32, #tpu.memory_space<hbm>>
        %dma_start3A_241 = arith.constant 9984 : i32
        %dma_start3A_242 = arith.constant 0 : i32
        %dma_start3A_243 = tpu.memref_slice %dma_start3A_240[%dma_start3A_241, %dma_start3A_242] : memref<10000x128xf32, #tpu.memory_space<hbm>> -> memref<16x128xf32, #tpu.memory_space<hbm>>
        %dma_start3A_244 = arith.constant 9984 : i32
        %dma_start3A_245 = arith.constant 0 : i32
        %dma_start3A_246 = tpu.memref_slice %arg11[%dma_start3A_244, %dma_start3A_245] : memref<10000x128xf32, #tpu.memory_space<vmem_shared>> -> memref<16x128xf32, #tpu.memory_space<vmem_shared>>
        tpu.enqueue_dma source(%dma_start3A_246 : memref<16x128xf32, #tpu.memory_space<vmem_shared>>) target(%dma_start3A_243 : memref<16x128xf32, #tpu.memory_space<hbm>>) target_semaphore(%run_scoped3A_236 : memref<!tpu.dma_semaphore, #tpu.memory_space<semaphore_mem>>)
        %dma_wait3A_247 = arith.constant 0 : i32
        %dma_wait3A_248 = arith.constant 0 : i32
        %dma_wait3A_249 = tpu.memref_slice %arg4[%arg0, %dma_wait3A_247, %dma_wait3A_248] : memref<2x10000x128xf32, #tpu.memory_space<hbm>> -> memref<1x10000x128xf32, #tpu.memory_space<hbm>>
        %dma_wait3A_250 = tpu.memref_squeeze %dma_wait3A_249 : memref<1x10000x128xf32, #tpu.memory_space<hbm>> -> memref<10000x128xf32, #tpu.memory_space<hbm>>
        %dma_wait3A_251 = arith.constant 9984 : i32
        %dma_wait3A_252 = arith.constant 0 : i32
        %dma_wait3A_253 = tpu.memref_slice %dma_wait3A_250[%dma_wait3A_251, %dma_wait3A_252] : memref<10000x128xf32, #tpu.memory_space<hbm>> -> memref<16x128xf32, #tpu.memory_space<hbm>>
        %dma_wait3A_254 = arith.constant 9984 : i32
        %dma_wait3A_255 = arith.constant 0 : i32
        %dma_wait3A_256 = tpu.memref_slice %arg11[%dma_wait3A_254, %dma_wait3A_255] : memref<10000x128xf32, #tpu.memory_space<vmem_shared>> -> memref<16x128xf32, #tpu.memory_space<vmem_shared>>
        tpu.wait_dma2 semaphore(%run_scoped3A_236 : memref<!tpu.dma_semaphore, #tpu.memory_space<semaphore_mem>>) src(%dma_wait3A_256 : memref<16x128xf32, #tpu.memory_space<vmem_shared>>) dst(%dma_wait3A_253 : memref<16x128xf32, #tpu.memory_space<hbm>>)
        tpu.yield
      }) : () -> ()
    } else {
    }
    return
  }
}

#map = affine_map<(d0, d1) -> (0, 0, 0)>
module attributes {stable_mosaic.version = 14 : i64} {
  func.func @deg(%arg0: i32, %arg1: i32, %arg2: memref<2x2500x128xi32, #tpu.memory_space<hbm>>, %arg3: memref<2x10000x16xf32, #tpu.memory_space<hbm>>, %arg4: memref<79x128xi32, #tpu.memory_space<vmem>>, %arg5: memref<128x16xf32, #tpu.memory_space<vmem>>, %arg6: memref<10000x16xf32, #tpu.memory_space<vmem_shared>>, %arg7: memref<!tpu.dma_semaphore, #tpu.memory_space<semaphore_mem>>) attributes {dimension_semantics = [#tpu.dimension_semantics<core_parallel>, #tpu.dimension_semantics<subcore_parallel>], iteration_bounds = array<i64: 2, 16>, scalar_prefetch = 0 : i64, scratch_operands = 4 : i64, tpu.core_type = #tpu.core_type<sc_vector_subcore>, window_params = [{transform_indices = #map}, {transform_indices = #map}]} {
    %mul3A = arith.constant 2 : i32
    %mul3A_0 = arith.muli %arg1, %mul3A : i32
    %add3A = arith.addi %mul3A_0, %arg0 : i32
    %mul3A_1 = arith.constant 78 : i32
    %mul3A_2 = arith.muli %add3A, %mul3A_1 : i32
    %min3A = arith.constant 4 : i32
    %min3A_3 = arith.minsi %add3A, %min3A : i32
    %add3A_4 = arith.addi %mul3A_2, %min3A_3 : i32
    %lt3A = arith.constant 4 : i32
    %lt3A_5 = arith.cmpi slt, %add3A, %lt3A : i32
    %broadcast_in_dim3A = arith.constant 0.000000e+00 : f32
    %broadcast_in_dim3A_6 = vector.broadcast %broadcast_in_dim3A : f32 to vector<16xf32>
    %scan3A = arith.constant 0 : i32
    %scan3A_7 = arith.constant 0 : i32
    %scan3A_8 = arith.constant 128 : i32
    %scan3A_9 = arith.addi %scan3A_7, %scan3A_8 : i32
    %scan3A_10 = arith.constant 1 : i32
    scf.for %scan3A_54 = %scan3A_7 to %scan3A_9 step %scan3A_10  : i32 {
      %swap3A = arith.index_cast %scan3A_54 : i32 to index
      %swap3A_55 = arith.constant 0 : index
      %swap3A_56 = tpu.vector_load %arg5[%swap3A, %swap3A_55] {strides = array<i32>} : memref<128x16xf32, #tpu.memory_space<vmem>>, vector<1x16xf32>,
      %swap3A_57 = vector.shape_cast %swap3A_56 : vector<1x16xf32> to vector<16xf32>
      %swap3A_58 = vector.shape_cast %broadcast_in_dim3A_6 : vector<16xf32> to vector<1x16xf32>
      tpu.vector_store %arg5[%swap3A, %swap3A_55], %swap3A_58 {strides = array<i32>} : memref<128x16xf32, #tpu.memory_space<vmem>>, vector<1x16xf32>,
    }
    %scan3A_11 = arith.constant 128 : i32
    %mul3A_12 = arith.constant 624 : i32
    %mul3A_13 = arith.muli %arg1, %mul3A_12 : i32
    %add3A_14 = arith.constant 0 : i32
    %add3A_15 = arith.addi %mul3A_13, %add3A_14 : i32
    "tpu.region"() ({
      %run_scoped3A_54 = tpu.sem_alloc : memref<!tpu.dma_semaphore, #tpu.memory_space<semaphore_mem>>
      %dma_start3A = arith.constant 0 : i32
      %dma_start3A_55 = tpu.memref_slice %arg6[%add3A_15, %dma_start3A] : memref<10000x16xf32, #tpu.memory_space<vmem_shared>> -> memref<128x16xf32, #tpu.memory_space<vmem_shared>>
      %dma_start3A_56 = arith.constant 0 : i32
      %dma_start3A_57 = tpu.memref_slice %arg6[%add3A_15, %dma_start3A_56] : memref<10000x16xf32, #tpu.memory_space<vmem_shared>> -> memref<128x16xf32, #tpu.memory_space<vmem_shared>>
      tpu.enqueue_dma source(%arg5 : memref<128x16xf32, #tpu.memory_space<vmem>>) target(%dma_start3A_57 : memref<128x16xf32, #tpu.memory_space<vmem_shared>>) target_semaphore(%run_scoped3A_54 : memref<!tpu.dma_semaphore, #tpu.memory_space<semaphore_mem>>)
      %dma_wait3A = arith.constant 0 : i32
      %dma_wait3A_58 = tpu.memref_slice %arg6[%add3A_15, %dma_wait3A] : memref<10000x16xf32, #tpu.memory_space<vmem_shared>> -> memref<128x16xf32, #tpu.memory_space<vmem_shared>>
      %dma_wait3A_59 = arith.constant 0 : i32
      %dma_wait3A_60 = tpu.memref_slice %arg6[%add3A_15, %dma_wait3A_59] : memref<10000x16xf32, #tpu.memory_space<vmem_shared>> -> memref<128x16xf32, #tpu.memory_space<vmem_shared>>
      tpu.wait_dma2 semaphore(%run_scoped3A_54 : memref<!tpu.dma_semaphore, #tpu.memory_space<semaphore_mem>>) src(%arg5 : memref<128x16xf32, #tpu.memory_space<vmem>>) dst(%dma_wait3A_60 : memref<128x16xf32, #tpu.memory_space<vmem_shared>>)
      tpu.yield
    }) : () -> ()
    %add3A_16 = arith.constant 128 : i32
    %add3A_17 = arith.addi %mul3A_13, %add3A_16 : i32
    "tpu.region"() ({
      %run_scoped3A_54 = tpu.sem_alloc : memref<!tpu.dma_semaphore, #tpu.memory_space<semaphore_mem>>
      %dma_start3A = arith.constant 0 : i32
      %dma_start3A_55 = tpu.memref_slice %arg6[%add3A_17, %dma_start3A] : memref<10000x16xf32, #tpu.memory_space<vmem_shared>> -> memref<128x16xf32, #tpu.memory_space<vmem_shared>>
      %dma_start3A_56 = arith.constant 0 : i32
      %dma_start3A_57 = tpu.memref_slice %arg6[%add3A_17, %dma_start3A_56] : memref<10000x16xf32, #tpu.memory_space<vmem_shared>> -> memref<128x16xf32, #tpu.memory_space<vmem_shared>>
      tpu.enqueue_dma source(%arg5 : memref<128x16xf32, #tpu.memory_space<vmem>>) target(%dma_start3A_57 : memref<128x16xf32, #tpu.memory_space<vmem_shared>>) target_semaphore(%run_scoped3A_54 : memref<!tpu.dma_semaphore, #tpu.memory_space<semaphore_mem>>)
      %dma_wait3A = arith.constant 0 : i32
      %dma_wait3A_58 = tpu.memref_slice %arg6[%add3A_17, %dma_wait3A] : memref<10000x16xf32, #tpu.memory_space<vmem_shared>> -> memref<128x16xf32, #tpu.memory_space<vmem_shared>>
      %dma_wait3A_59 = arith.constant 0 : i32
      %dma_wait3A_60 = tpu.memref_slice %arg6[%add3A_17, %dma_wait3A_59] : memref<10000x16xf32, #tpu.memory_space<vmem_shared>> -> memref<128x16xf32, #tpu.memory_space<vmem_shared>>
      tpu.wait_dma2 semaphore(%run_scoped3A_54 : memref<!tpu.dma_semaphore, #tpu.memory_space<semaphore_mem>>) src(%arg5 : memref<128x16xf32, #tpu.memory_space<vmem>>) dst(%dma_wait3A_60 : memref<128x16xf32, #tpu.memory_space<vmem_shared>>)
      tpu.yield
    }) : () -> ()
    %add3A_18 = arith.constant 256 : i32
    %add3A_19 = arith.addi %mul3A_13, %add3A_18 : i32
    "tpu.region"() ({
      %run_scoped3A_54 = tpu.sem_alloc : memref<!tpu.dma_semaphore, #tpu.memory_space<semaphore_mem>>
      %dma_start3A = arith.constant 0 : i32
      %dma_start3A_55 = tpu.memref_slice %arg6[%add3A_19, %dma_start3A] : memref<10000x16xf32, #tpu.memory_space<vmem_shared>> -> memref<128x16xf32, #tpu.memory_space<vmem_shared>>
      %dma_start3A_56 = arith.constant 0 : i32
      %dma_start3A_57 = tpu.memref_slice %arg6[%add3A_19, %dma_start3A_56] : memref<10000x16xf32, #tpu.memory_space<vmem_shared>> -> memref<128x16xf32, #tpu.memory_space<vmem_shared>>
      tpu.enqueue_dma source(%arg5 : memref<128x16xf32, #tpu.memory_space<vmem>>) target(%dma_start3A_57 : memref<128x16xf32, #tpu.memory_space<vmem_shared>>) target_semaphore(%run_scoped3A_54 : memref<!tpu.dma_semaphore, #tpu.memory_space<semaphore_mem>>)
      %dma_wait3A = arith.constant 0 : i32
      %dma_wait3A_58 = tpu.memref_slice %arg6[%add3A_19, %dma_wait3A] : memref<10000x16xf32, #tpu.memory_space<vmem_shared>> -> memref<128x16xf32, #tpu.memory_space<vmem_shared>>
      %dma_wait3A_59 = arith.constant 0 : i32
      %dma_wait3A_60 = tpu.memref_slice %arg6[%add3A_19, %dma_wait3A_59] : memref<10000x16xf32, #tpu.memory_space<vmem_shared>> -> memref<128x16xf32, #tpu.memory_space<vmem_shared>>
      tpu.wait_dma2 semaphore(%run_scoped3A_54 : memref<!tpu.dma_semaphore, #tpu.memory_space<semaphore_mem>>) src(%arg5 : memref<128x16xf32, #tpu.memory_space<vmem>>) dst(%dma_wait3A_60 : memref<128x16xf32, #tpu.memory_space<vmem_shared>>)
      tpu.yield
    }) : () -> ()
    %add3A_20 = arith.constant 384 : i32
    %add3A_21 = arith.addi %mul3A_13, %add3A_20 : i32
    "tpu.region"() ({
      %run_scoped3A_54 = tpu.sem_alloc : memref<!tpu.dma_semaphore, #tpu.memory_space<semaphore_mem>>
      %dma_start3A = arith.constant 0 : i32
      %dma_start3A_55 = tpu.memref_slice %arg6[%add3A_21, %dma_start3A] : memref<10000x16xf32, #tpu.memory_space<vmem_shared>> -> memref<128x16xf32, #tpu.memory_space<vmem_shared>>
      %dma_start3A_56 = arith.constant 0 : i32
      %dma_start3A_57 = tpu.memref_slice %arg6[%add3A_21, %dma_start3A_56] : memref<10000x16xf32, #tpu.memory_space<vmem_shared>> -> memref<128x16xf32, #tpu.memory_space<vmem_shared>>
      tpu.enqueue_dma source(%arg5 : memref<128x16xf32, #tpu.memory_space<vmem>>) target(%dma_start3A_57 : memref<128x16xf32, #tpu.memory_space<vmem_shared>>) target_semaphore(%run_scoped3A_54 : memref<!tpu.dma_semaphore, #tpu.memory_space<semaphore_mem>>)
      %dma_wait3A = arith.constant 0 : i32
      %dma_wait3A_58 = tpu.memref_slice %arg6[%add3A_21, %dma_wait3A] : memref<10000x16xf32, #tpu.memory_space<vmem_shared>> -> memref<128x16xf32, #tpu.memory_space<vmem_shared>>
      %dma_wait3A_59 = arith.constant 0 : i32
      %dma_wait3A_60 = tpu.memref_slice %arg6[%add3A_21, %dma_wait3A_59] : memref<10000x16xf32, #tpu.memory_space<vmem_shared>> -> memref<128x16xf32, #tpu.memory_space<vmem_shared>>
      tpu.wait_dma2 semaphore(%run_scoped3A_54 : memref<!tpu.dma_semaphore, #tpu.memory_space<semaphore_mem>>) src(%arg5 : memref<128x16xf32, #tpu.memory_space<vmem>>) dst(%dma_wait3A_60 : memref<128x16xf32, #tpu.memory_space<vmem_shared>>)
      tpu.yield
    }) : () -> ()
    %add3A_22 = arith.constant 512 : i32
    %add3A_23 = arith.addi %mul3A_13, %add3A_22 : i32
    "tpu.region"() ({
      %run_scoped3A_54 = tpu.sem_alloc : memref<!tpu.dma_semaphore, #tpu.memory_space<semaphore_mem>>
      %dma_start3A = arith.constant 0 : i32
      %dma_start3A_55 = arith.constant 0 : i32
      %dma_start3A_56 = tpu.memref_slice %arg5[%dma_start3A, %dma_start3A_55] : memref<128x16xf32, #tpu.memory_space<vmem>> -> memref<112x16xf32, #tpu.memory_space<vmem>>
      %dma_start3A_57 = arith.constant 0 : i32
      %dma_start3A_58 = tpu.memref_slice %arg6[%add3A_23, %dma_start3A_57] : memref<10000x16xf32, #tpu.memory_space<vmem_shared>> -> memref<112x16xf32, #tpu.memory_space<vmem_shared>>
      %dma_start3A_59 = arith.constant 0 : i32
      %dma_start3A_60 = tpu.memref_slice %arg6[%add3A_23, %dma_start3A_59] : memref<10000x16xf32, #tpu.memory_space<vmem_shared>> -> memref<112x16xf32, #tpu.memory_space<vmem_shared>>
      %dma_start3A_61 = arith.constant 0 : i32
      %dma_start3A_62 = arith.constant 0 : i32
      %dma_start3A_63 = tpu.memref_slice %arg5[%dma_start3A_61, %dma_start3A_62] : memref<128x16xf32, #tpu.memory_space<vmem>> -> memref<112x16xf32, #tpu.memory_space<vmem>>
      tpu.enqueue_dma source(%dma_start3A_63 : memref<112x16xf32, #tpu.memory_space<vmem>>) target(%dma_start3A_60 : memref<112x16xf32, #tpu.memory_space<vmem_shared>>) target_semaphore(%run_scoped3A_54 : memref<!tpu.dma_semaphore, #tpu.memory_space<semaphore_mem>>)
      %dma_wait3A = arith.constant 0 : i32
      %dma_wait3A_64 = arith.constant 0 : i32
      %dma_wait3A_65 = tpu.memref_slice %arg5[%dma_wait3A, %dma_wait3A_64] : memref<128x16xf32, #tpu.memory_space<vmem>> -> memref<112x16xf32, #tpu.memory_space<vmem>>
      %dma_wait3A_66 = arith.constant 0 : i32
      %dma_wait3A_67 = tpu.memref_slice %arg6[%add3A_23, %dma_wait3A_66] : memref<10000x16xf32, #tpu.memory_space<vmem_shared>> -> memref<112x16xf32, #tpu.memory_space<vmem_shared>>
      %dma_wait3A_68 = arith.constant 0 : i32
      %dma_wait3A_69 = tpu.memref_slice %arg6[%add3A_23, %dma_wait3A_68] : memref<10000x16xf32, #tpu.memory_space<vmem_shared>> -> memref<112x16xf32, #tpu.memory_space<vmem_shared>>
      %dma_wait3A_70 = arith.constant 0 : i32
      %dma_wait3A_71 = arith.constant 0 : i32
      %dma_wait3A_72 = tpu.memref_slice %arg5[%dma_wait3A_70, %dma_wait3A_71] : memref<128x16xf32, #tpu.memory_space<vmem>> -> memref<112x16xf32, #tpu.memory_space<vmem>>
      tpu.wait_dma2 semaphore(%run_scoped3A_54 : memref<!tpu.dma_semaphore, #tpu.memory_space<semaphore_mem>>) src(%dma_wait3A_72 : memref<112x16xf32, #tpu.memory_space<vmem>>) dst(%dma_wait3A_69 : memref<112x16xf32, #tpu.memory_space<vmem_shared>>)
      tpu.yield
    }) : () -> ()
    %eq3A = arith.constant 15 : i32
    %eq3A_24 = arith.cmpi eq, %arg1, %eq3A : i32
    %convert_element_type3A = arith.extui %eq3A_24 : i1 to i32
    %cond3A = arith.constant 0 : i32
    %cond3A_25 = arith.cmpi ne, %convert_element_type3A, %cond3A : i32
    scf.if %cond3A_25 {
      "tpu.region"() ({
        %run_scoped3A_54 = tpu.sem_alloc : memref<!tpu.dma_semaphore, #tpu.memory_space<semaphore_mem>>
        %dma_start3A = arith.constant 0 : i32
        %dma_start3A_55 = arith.constant 0 : i32
        %dma_start3A_56 = tpu.memref_slice %arg5[%dma_start3A, %dma_start3A_55] : memref<128x16xf32, #tpu.memory_space<vmem>> -> memref<16x16xf32, #tpu.memory_space<vmem>>
        %dma_start3A_57 = arith.constant 9984 : i32
        %dma_start3A_58 = arith.constant 0 : i32
        %dma_start3A_59 = tpu.memref_slice %arg6[%dma_start3A_57, %dma_start3A_58] : memref<10000x16xf32, #tpu.memory_space<vmem_shared>> -> memref<16x16xf32, #tpu.memory_space<vmem_shared>>
        %dma_start3A_60 = arith.constant 9984 : i32
        %dma_start3A_61 = arith.constant 0 : i32
        %dma_start3A_62 = tpu.memref_slice %arg6[%dma_start3A_60, %dma_start3A_61] : memref<10000x16xf32, #tpu.memory_space<vmem_shared>> -> memref<16x16xf32, #tpu.memory_space<vmem_shared>>
        %dma_start3A_63 = arith.constant 0 : i32
        %dma_start3A_64 = arith.constant 0 : i32
        %dma_start3A_65 = tpu.memref_slice %arg5[%dma_start3A_63, %dma_start3A_64] : memref<128x16xf32, #tpu.memory_space<vmem>> -> memref<16x16xf32, #tpu.memory_space<vmem>>
        tpu.enqueue_dma source(%dma_start3A_65 : memref<16x16xf32, #tpu.memory_space<vmem>>) target(%dma_start3A_62 : memref<16x16xf32, #tpu.memory_space<vmem_shared>>) target_semaphore(%run_scoped3A_54 : memref<!tpu.dma_semaphore, #tpu.memory_space<semaphore_mem>>)
        %dma_wait3A = arith.constant 0 : i32
        %dma_wait3A_66 = arith.constant 0 : i32
        %dma_wait3A_67 = tpu.memref_slice %arg5[%dma_wait3A, %dma_wait3A_66] : memref<128x16xf32, #tpu.memory_space<vmem>> -> memref<16x16xf32, #tpu.memory_space<vmem>>
        %dma_wait3A_68 = arith.constant 9984 : i32
        %dma_wait3A_69 = arith.constant 0 : i32
        %dma_wait3A_70 = tpu.memref_slice %arg6[%dma_wait3A_68, %dma_wait3A_69] : memref<10000x16xf32, #tpu.memory_space<vmem_shared>> -> memref<16x16xf32, #tpu.memory_space<vmem_shared>>
        %dma_wait3A_71 = arith.constant 9984 : i32
        %dma_wait3A_72 = arith.constant 0 : i32
        %dma_wait3A_73 = tpu.memref_slice %arg6[%dma_wait3A_71, %dma_wait3A_72] : memref<10000x16xf32, #tpu.memory_space<vmem_shared>> -> memref<16x16xf32, #tpu.memory_space<vmem_shared>>
        %dma_wait3A_74 = arith.constant 0 : i32
        %dma_wait3A_75 = arith.constant 0 : i32
        %dma_wait3A_76 = tpu.memref_slice %arg5[%dma_wait3A_74, %dma_wait3A_75] : memref<128x16xf32, #tpu.memory_space<vmem>> -> memref<16x16xf32, #tpu.memory_space<vmem>>
        tpu.wait_dma2 semaphore(%run_scoped3A_54 : memref<!tpu.dma_semaphore, #tpu.memory_space<semaphore_mem>>) src(%dma_wait3A_76 : memref<16x16xf32, #tpu.memory_space<vmem>>) dst(%dma_wait3A_73 : memref<16x16xf32, #tpu.memory_space<vmem_shared>>)
        tpu.yield
      }) : () -> ()
    } else {
    }
    %run_scoped3A = arith.constant 1 : i32
    "tpu.region"() ({
      %run_scoped3A_54 = tpu.sem_alloc : memref<!tpu.dma_semaphore, #tpu.memory_space<semaphore_mem>>
      %dma_start3A = arith.constant 0 : i32
      %dma_start3A_55 = arith.constant 0 : i32
      %dma_start3A_56 = tpu.memref_slice %arg4[%dma_start3A, %dma_start3A_55] : memref<79x128xi32, #tpu.memory_space<vmem>> -> memref<78x128xi32, #tpu.memory_space<vmem>>
      %dma_start3A_57 = arith.constant 0 : i32
      %dma_start3A_58 = arith.constant 0 : i32
      %dma_start3A_59 = tpu.memref_slice %arg2[%run_scoped3A, %dma_start3A_57, %dma_start3A_58] : memref<2x2500x128xi32, #tpu.memory_space<hbm>> -> memref<1x2500x128xi32, #tpu.memory_space<hbm>>
      %dma_start3A_60 = tpu.memref_squeeze %dma_start3A_59 : memref<1x2500x128xi32, #tpu.memory_space<hbm>> -> memref<2500x128xi32, #tpu.memory_space<hbm>>
      %dma_start3A_61 = arith.constant 0 : i32
      %dma_start3A_62 = tpu.memref_slice %dma_start3A_60[%add3A_4, %dma_start3A_61] : memref<2500x128xi32, #tpu.memory_space<hbm>> -> memref<78x128xi32, #tpu.memory_space<hbm>>
      %dma_start3A_63 = arith.constant 0 : i32
      %dma_start3A_64 = arith.constant 0 : i32
      %dma_start3A_65 = tpu.memref_slice %arg4[%dma_start3A_63, %dma_start3A_64] : memref<79x128xi32, #tpu.memory_space<vmem>> -> memref<78x128xi32, #tpu.memory_space<vmem>>
      %dma_start3A_66 = arith.constant 0 : i32
      %dma_start3A_67 = arith.constant 0 : i32
      %dma_start3A_68 = tpu.memref_slice %arg2[%run_scoped3A, %dma_start3A_66, %dma_start3A_67] : memref<2x2500x128xi32, #tpu.memory_space<hbm>> -> memref<1x2500x128xi32, #tpu.memory_space<hbm>>
      %dma_start3A_69 = tpu.memref_squeeze %dma_start3A_68 : memref<1x2500x128xi32, #tpu.memory_space<hbm>> -> memref<2500x128xi32, #tpu.memory_space<hbm>>
      %dma_start3A_70 = arith.constant 0 : i32
      %dma_start3A_71 = tpu.memref_slice %dma_start3A_69[%add3A_4, %dma_start3A_70] : memref<2500x128xi32, #tpu.memory_space<hbm>> -> memref<78x128xi32, #tpu.memory_space<hbm>>
      tpu.enqueue_dma source(%dma_start3A_71 : memref<78x128xi32, #tpu.memory_space<hbm>>) target(%dma_start3A_65 : memref<78x128xi32, #tpu.memory_space<vmem>>) target_semaphore(%run_scoped3A_54 : memref<!tpu.dma_semaphore, #tpu.memory_space<semaphore_mem>>)
      %dma_wait3A = arith.constant 0 : i32
      %dma_wait3A_72 = arith.constant 0 : i32
      %dma_wait3A_73 = tpu.memref_slice %arg4[%dma_wait3A, %dma_wait3A_72] : memref<79x128xi32, #tpu.memory_space<vmem>> -> memref<78x128xi32, #tpu.memory_space<vmem>>
      %dma_wait3A_74 = arith.constant 0 : i32
      %dma_wait3A_75 = arith.constant 0 : i32
      %dma_wait3A_76 = tpu.memref_slice %arg2[%run_scoped3A, %dma_wait3A_74, %dma_wait3A_75] : memref<2x2500x128xi32, #tpu.memory_space<hbm>> -> memref<1x2500x128xi32, #tpu.memory_space<hbm>>
      %dma_wait3A_77 = tpu.memref_squeeze %dma_wait3A_76 : memref<1x2500x128xi32, #tpu.memory_space<hbm>> -> memref<2500x128xi32, #tpu.memory_space<hbm>>
      %dma_wait3A_78 = arith.constant 0 : i32
      %dma_wait3A_79 = tpu.memref_slice %dma_wait3A_77[%add3A_4, %dma_wait3A_78] : memref<2500x128xi32, #tpu.memory_space<hbm>> -> memref<78x128xi32, #tpu.memory_space<hbm>>
      %dma_wait3A_80 = arith.constant 0 : i32
      %dma_wait3A_81 = arith.constant 0 : i32
      %dma_wait3A_82 = tpu.memref_slice %arg4[%dma_wait3A_80, %dma_wait3A_81] : memref<79x128xi32, #tpu.memory_space<vmem>> -> memref<78x128xi32, #tpu.memory_space<vmem>>
      %dma_wait3A_83 = arith.constant 0 : i32
      %dma_wait3A_84 = arith.constant 0 : i32
      %dma_wait3A_85 = tpu.memref_slice %arg2[%run_scoped3A, %dma_wait3A_83, %dma_wait3A_84] : memref<2x2500x128xi32, #tpu.memory_space<hbm>> -> memref<1x2500x128xi32, #tpu.memory_space<hbm>>
      %dma_wait3A_86 = tpu.memref_squeeze %dma_wait3A_85 : memref<1x2500x128xi32, #tpu.memory_space<hbm>> -> memref<2500x128xi32, #tpu.memory_space<hbm>>
      %dma_wait3A_87 = arith.constant 0 : i32
      %dma_wait3A_88 = tpu.memref_slice %dma_wait3A_86[%add3A_4, %dma_wait3A_87] : memref<2500x128xi32, #tpu.memory_space<hbm>> -> memref<78x128xi32, #tpu.memory_space<hbm>>
      tpu.wait_dma2 semaphore(%run_scoped3A_54 : memref<!tpu.dma_semaphore, #tpu.memory_space<semaphore_mem>>) src(%dma_wait3A_88 : memref<78x128xi32, #tpu.memory_space<hbm>>) dst(%dma_wait3A_82 : memref<78x128xi32, #tpu.memory_space<vmem>>)
      tpu.yield
    }) : () -> ()
    %convert_element_type3A_26 = arith.extui %lt3A_5 : i1 to i32
    %cond3A_27 = arith.constant 0 : i32
    %cond3A_28 = arith.cmpi ne, %convert_element_type3A_26, %cond3A_27 : i32
    scf.if %cond3A_28 {
      %add3A_54 = arith.constant 78 : i32
      %add3A_55 = arith.addi %add3A_4, %add3A_54 : i32
      %run_scoped3A_56 = arith.constant 1 : i32
      "tpu.region"() ({
        %run_scoped3A_57 = tpu.sem_alloc : memref<!tpu.dma_semaphore, #tpu.memory_space<semaphore_mem>>
        %dma_start3A = arith.constant 78 : i32
        %dma_start3A_58 = arith.constant 0 : i32
        %dma_start3A_59 = tpu.memref_slice %arg4[%dma_start3A, %dma_start3A_58] : memref<79x128xi32, #tpu.memory_space<vmem>> -> memref<1x128xi32, #tpu.memory_space<vmem>>
        %dma_start3A_60 = arith.constant 0 : i32
        %dma_start3A_61 = arith.constant 0 : i32
        %dma_start3A_62 = tpu.memref_slice %arg2[%run_scoped3A_56, %dma_start3A_60, %dma_start3A_61] : memref<2x2500x128xi32, #tpu.memory_space<hbm>> -> memref<1x2500x128xi32, #tpu.memory_space<hbm>>
        %dma_start3A_63 = tpu.memref_squeeze %dma_start3A_62 : memref<1x2500x128xi32, #tpu.memory_space<hbm>> -> memref<2500x128xi32, #tpu.memory_space<hbm>>
        %dma_start3A_64 = arith.constant 0 : i32
        %dma_start3A_65 = tpu.memref_slice %dma_start3A_63[%add3A_55, %dma_start3A_64] : memref<2500x128xi32, #tpu.memory_space<hbm>> -> memref<1x128xi32, #tpu.memory_space<hbm>>
        %dma_start3A_66 = arith.constant 78 : i32
        %dma_start3A_67 = arith.constant 0 : i32
        %dma_start3A_68 = tpu.memref_slice %arg4[%dma_start3A_66, %dma_start3A_67] : memref<79x128xi32, #tpu.memory_space<vmem>> -> memref<1x128xi32, #tpu.memory_space<vmem>>
        %dma_start3A_69 = arith.constant 0 : i32
        %dma_start3A_70 = arith.constant 0 : i32
        %dma_start3A_71 = tpu.memref_slice %arg2[%run_scoped3A_56, %dma_start3A_69, %dma_start3A_70] : memref<2x2500x128xi32, #tpu.memory_space<hbm>> -> memref<1x2500x128xi32, #tpu.memory_space<hbm>>
        %dma_start3A_72 = tpu.memref_squeeze %dma_start3A_71 : memref<1x2500x128xi32, #tpu.memory_space<hbm>> -> memref<2500x128xi32, #tpu.memory_space<hbm>>
        %dma_start3A_73 = arith.constant 0 : i32
        %dma_start3A_74 = tpu.memref_slice %dma_start3A_72[%add3A_55, %dma_start3A_73] : memref<2500x128xi32, #tpu.memory_space<hbm>> -> memref<1x128xi32, #tpu.memory_space<hbm>>
        tpu.enqueue_dma source(%dma_start3A_74 : memref<1x128xi32, #tpu.memory_space<hbm>>) target(%dma_start3A_68 : memref<1x128xi32, #tpu.memory_space<vmem>>) target_semaphore(%run_scoped3A_57 : memref<!tpu.dma_semaphore, #tpu.memory_space<semaphore_mem>>)
        %dma_wait3A = arith.constant 78 : i32
        %dma_wait3A_75 = arith.constant 0 : i32
        %dma_wait3A_76 = tpu.memref_slice %arg4[%dma_wait3A, %dma_wait3A_75] : memref<79x128xi32, #tpu.memory_space<vmem>> -> memref<1x128xi32, #tpu.memory_space<vmem>>
        %dma_wait3A_77 = arith.constant 0 : i32
        %dma_wait3A_78 = arith.constant 0 : i32
        %dma_wait3A_79 = tpu.memref_slice %arg2[%run_scoped3A_56, %dma_wait3A_77, %dma_wait3A_78] : memref<2x2500x128xi32, #tpu.memory_space<hbm>> -> memref<1x2500x128xi32, #tpu.memory_space<hbm>>
        %dma_wait3A_80 = tpu.memref_squeeze %dma_wait3A_79 : memref<1x2500x128xi32, #tpu.memory_space<hbm>> -> memref<2500x128xi32, #tpu.memory_space<hbm>>
        %dma_wait3A_81 = arith.constant 0 : i32
        %dma_wait3A_82 = tpu.memref_slice %dma_wait3A_80[%add3A_55, %dma_wait3A_81] : memref<2500x128xi32, #tpu.memory_space<hbm>> -> memref<1x128xi32, #tpu.memory_space<hbm>>
        %dma_wait3A_83 = arith.constant 78 : i32
        %dma_wait3A_84 = arith.constant 0 : i32
        %dma_wait3A_85 = tpu.memref_slice %arg4[%dma_wait3A_83, %dma_wait3A_84] : memref<79x128xi32, #tpu.memory_space<vmem>> -> memref<1x128xi32, #tpu.memory_space<vmem>>
        %dma_wait3A_86 = arith.constant 0 : i32
        %dma_wait3A_87 = arith.constant 0 : i32
        %dma_wait3A_88 = tpu.memref_slice %arg2[%run_scoped3A_56, %dma_wait3A_86, %dma_wait3A_87] : memref<2x2500x128xi32, #tpu.memory_space<hbm>> -> memref<1x2500x128xi32, #tpu.memory_space<hbm>>
        %dma_wait3A_89 = tpu.memref_squeeze %dma_wait3A_88 : memref<1x2500x128xi32, #tpu.memory_space<hbm>> -> memref<2500x128xi32, #tpu.memory_space<hbm>>
        %dma_wait3A_90 = arith.constant 0 : i32
        %dma_wait3A_91 = tpu.memref_slice %dma_wait3A_89[%add3A_55, %dma_wait3A_90] : memref<2500x128xi32, #tpu.memory_space<hbm>> -> memref<1x128xi32, #tpu.memory_space<hbm>>
        tpu.wait_dma2 semaphore(%run_scoped3A_57 : memref<!tpu.dma_semaphore, #tpu.memory_space<semaphore_mem>>) src(%dma_wait3A_91 : memref<1x128xi32, #tpu.memory_space<hbm>>) dst(%dma_wait3A_85 : memref<1x128xi32, #tpu.memory_space<vmem>>)
        tpu.yield
      }) : () -> ()
    } else {
    }
    %broadcast_in_dim3A_29 = arith.constant 1.000000e+00 : f32
    %broadcast_in_dim3A_30 = vector.broadcast %broadcast_in_dim3A_29 : f32 to vector<16xf32>
    %scan3A_31 = arith.constant 0 : i32
    %scan3A_32 = arith.constant 0 : i32
    %scan3A_33 = arith.constant 128 : i32
    %scan3A_34 = arith.addi %scan3A_32, %scan3A_33 : i32
    %scan3A_35 = arith.constant 1 : i32
    scf.for %scan3A_54 = %scan3A_32 to %scan3A_34 step %scan3A_35  : i32 {
      %swap3A = arith.index_cast %scan3A_54 : i32 to index
      %swap3A_55 = arith.constant 0 : index
      %swap3A_56 = tpu.vector_load %arg5[%swap3A, %swap3A_55] {strides = array<i32>} : memref<128x16xf32, #tpu.memory_space<vmem>>, vector<1x16xf32>,
      %swap3A_57 = vector.shape_cast %swap3A_56 : vector<1x16xf32> to vector<16xf32>
      %swap3A_58 = vector.shape_cast %broadcast_in_dim3A_30 : vector<16xf32> to vector<1x16xf32>
      tpu.vector_store %arg5[%swap3A, %swap3A_55], %swap3A_58 {strides = array<i32>} : memref<128x16xf32, #tpu.memory_space<vmem>>, vector<1x16xf32>,
    }
    %scan3A_36 = arith.constant 128 : i32
    %barrier3A = arith.constant 0 : index
    tpu.barrier barrier_id(%barrier3A)
    %scan3A_37 = arith.constant 0 : i32
    %scan3A_38 = arith.constant 0 : i32
    %scan3A_39 = arith.constant 6 : i32
    %scan3A_40 = arith.addi %scan3A_38, %scan3A_39 : i32
    %scan3A_41 = arith.constant 1 : i32
    scf.for %scan3A_54 = %scan3A_38 to %scan3A_40 step %scan3A_41  : i32 {
      %mul3A_55 = arith.constant 13 : i32
      %mul3A_56 = arith.muli %scan3A_54, %mul3A_55 : i32
      %add3A_57 = arith.constant 0 : i32
      %add3A_58 = arith.addi %mul3A_56, %add3A_57 : i32
      %dma_start3A = arith.constant 0 : i32
      %dma_start3A_59 = tpu.memref_slice %arg4[%add3A_58, %dma_start3A] : memref<79x128xi32, #tpu.memory_space<vmem>> -> memref<1x128xi32, #tpu.memory_space<vmem>>
      %dma_start3A_60 = tpu.memref_squeeze %dma_start3A_59 : memref<1x128xi32, #tpu.memory_space<vmem>> -> memref<128xi32, #tpu.memory_space<vmem>>
      %dma_start3A_61 = arith.constant 0 : i32
      %dma_start3A_62 = arith.constant 0 : i32
      %dma_start3A_63 = tpu.memref_slice %arg6[%dma_start3A_61, %dma_start3A_62] : memref<10000x16xf32, #tpu.memory_space<vmem_shared>> -> memref<10000x16xf32, #tpu.memory_space<vmem_shared>>
      tpu.enqueue_indirect_dma source(%arg5 : memref<128x16xf32, #tpu.memory_space<vmem>>) target(%dma_start3A_63 : memref<10000x16xf32, #tpu.memory_space<vmem_shared>>) offsets(%dma_start3A_60 : memref<128xi32, #tpu.memory_space<vmem>>) semaphore(%arg7 : memref<!tpu.dma_semaphore, #tpu.memory_space<semaphore_mem>>) {add = true}
      %mul3A_64 = arith.constant 13 : i32
      %mul3A_65 = arith.muli %scan3A_54, %mul3A_64 : i32
      %add3A_66 = arith.constant 1 : i32
      %add3A_67 = arith.addi %mul3A_65, %add3A_66 : i32
      %dma_start3A_68 = arith.constant 0 : i32
      %dma_start3A_69 = tpu.memref_slice %arg4[%add3A_67, %dma_start3A_68] : memref<79x128xi32, #tpu.memory_space<vmem>> -> memref<1x128xi32, #tpu.memory_space<vmem>>
      %dma_start3A_70 = tpu.memref_squeeze %dma_start3A_69 : memref<1x128xi32, #tpu.memory_space<vmem>> -> memref<128xi32, #tpu.memory_space<vmem>>
      %dma_start3A_71 = arith.constant 0 : i32
      %dma_start3A_72 = arith.constant 0 : i32
      %dma_start3A_73 = tpu.memref_slice %arg6[%dma_start3A_71, %dma_start3A_72] : memref<10000x16xf32, #tpu.memory_space<vmem_shared>> -> memref<10000x16xf32, #tpu.memory_space<vmem_shared>>
      tpu.enqueue_indirect_dma source(%arg5 : memref<128x16xf32, #tpu.memory_space<vmem>>) target(%dma_start3A_73 : memref<10000x16xf32, #tpu.memory_space<vmem_shared>>) offsets(%dma_start3A_70 : memref<128xi32, #tpu.memory_space<vmem>>) semaphore(%arg7 : memref<!tpu.dma_semaphore, #tpu.memory_space<semaphore_mem>>) {add = true}
      %mul3A_74 = arith.constant 13 : i32
      %mul3A_75 = arith.muli %scan3A_54, %mul3A_74 : i32
      %add3A_76 = arith.constant 2 : i32
      %add3A_77 = arith.addi %mul3A_75, %add3A_76 : i32
      %dma_start3A_78 = arith.constant 0 : i32
      %dma_start3A_79 = tpu.memref_slice %arg4[%add3A_77, %dma_start3A_78] : memref<79x128xi32, #tpu.memory_space<vmem>> -> memref<1x128xi32, #tpu.memory_space<vmem>>
      %dma_start3A_80 = tpu.memref_squeeze %dma_start3A_79 : memref<1x128xi32, #tpu.memory_space<vmem>> -> memref<128xi32, #tpu.memory_space<vmem>>
      %dma_start3A_81 = arith.constant 0 : i32
      %dma_start3A_82 = arith.constant 0 : i32
      %dma_start3A_83 = tpu.memref_slice %arg6[%dma_start3A_81, %dma_start3A_82] : memref<10000x16xf32, #tpu.memory_space<vmem_shared>> -> memref<10000x16xf32, #tpu.memory_space<vmem_shared>>
      tpu.enqueue_indirect_dma source(%arg5 : memref<128x16xf32, #tpu.memory_space<vmem>>) target(%dma_start3A_83 : memref<10000x16xf32, #tpu.memory_space<vmem_shared>>) offsets(%dma_start3A_80 : memref<128xi32, #tpu.memory_space<vmem>>) semaphore(%arg7 : memref<!tpu.dma_semaphore, #tpu.memory_space<semaphore_mem>>) {add = true}
      %mul3A_84 = arith.constant 13 : i32
      %mul3A_85 = arith.muli %scan3A_54, %mul3A_84 : i32
      %add3A_86 = arith.constant 3 : i32
      %add3A_87 = arith.addi %mul3A_85, %add3A_86 : i32
      %dma_start3A_88 = arith.constant 0 : i32
      %dma_start3A_89 = tpu.memref_slice %arg4[%add3A_87, %dma_start3A_88] : memref<79x128xi32, #tpu.memory_space<vmem>> -> memref<1x128xi32, #tpu.memory_space<vmem>>
      %dma_start3A_90 = tpu.memref_squeeze %dma_start3A_89 : memref<1x128xi32, #tpu.memory_space<vmem>> -> memref<128xi32, #tpu.memory_space<vmem>>
      %dma_start3A_91 = arith.constant 0 : i32
      %dma_start3A_92 = arith.constant 0 : i32
      %dma_start3A_93 = tpu.memref_slice %arg6[%dma_start3A_91, %dma_start3A_92] : memref<10000x16xf32, #tpu.memory_space<vmem_shared>> -> memref<10000x16xf32, #tpu.memory_space<vmem_shared>>
      tpu.enqueue_indirect_dma source(%arg5 : memref<128x16xf32, #tpu.memory_space<vmem>>) target(%dma_start3A_93 : memref<10000x16xf32, #tpu.memory_space<vmem_shared>>) offsets(%dma_start3A_90 : memref<128xi32, #tpu.memory_space<vmem>>) semaphore(%arg7 : memref<!tpu.dma_semaphore, #tpu.memory_space<semaphore_mem>>) {add = true}
      %mul3A_94 = arith.constant 13 : i32
      %mul3A_95 = arith.muli %scan3A_54, %mul3A_94 : i32
      %add3A_96 = arith.constant 4 : i32
      %add3A_97 = arith.addi %mul3A_95, %add3A_96 : i32
      %dma_start3A_98 = arith.constant 0 : i32
      %dma_start3A_99 = tpu.memref_slice %arg4[%add3A_97, %dma_start3A_98] : memref<79x128xi32, #tpu.memory_space<vmem>> -> memref<1x128xi32, #tpu.memory_space<vmem>>
      %dma_start3A_100 = tpu.memref_squeeze %dma_start3A_99 : memref<1x128xi32, #tpu.memory_space<vmem>> -> memref<128xi32, #tpu.memory_space<vmem>>
      %dma_start3A_101 = arith.constant 0 : i32
      %dma_start3A_102 = arith.constant 0 : i32
      %dma_start3A_103 = tpu.memref_slice %arg6[%dma_start3A_101, %dma_start3A_102] : memref<10000x16xf32, #tpu.memory_space<vmem_shared>> -> memref<10000x16xf32, #tpu.memory_space<vmem_shared>>
      tpu.enqueue_indirect_dma source(%arg5 : memref<128x16xf32, #tpu.memory_space<vmem>>) target(%dma_start3A_103 : memref<10000x16xf32, #tpu.memory_space<vmem_shared>>) offsets(%dma_start3A_100 : memref<128xi32, #tpu.memory_space<vmem>>) semaphore(%arg7 : memref<!tpu.dma_semaphore, #tpu.memory_space<semaphore_mem>>) {add = true}
      %mul3A_104 = arith.constant 13 : i32
      %mul3A_105 = arith.muli %scan3A_54, %mul3A_104 : i32
      %add3A_106 = arith.constant 5 : i32
      %add3A_107 = arith.addi %mul3A_105, %add3A_106 : i32
      %dma_start3A_108 = arith.constant 0 : i32
      %dma_start3A_109 = tpu.memref_slice %arg4[%add3A_107, %dma_start3A_108] : memref<79x128xi32, #tpu.memory_space<vmem>> -> memref<1x128xi32, #tpu.memory_space<vmem>>
      %dma_start3A_110 = tpu.memref_squeeze %dma_start3A_109 : memref<1x128xi32, #tpu.memory_space<vmem>> -> memref<128xi32, #tpu.memory_space<vmem>>
      %dma_start3A_111 = arith.constant 0 : i32
      %dma_start3A_112 = arith.constant 0 : i32
      %dma_start3A_113 = tpu.memref_slice %arg6[%dma_start3A_111, %dma_start3A_112] : memref<10000x16xf32, #tpu.memory_space<vmem_shared>> -> memref<10000x16xf32, #tpu.memory_space<vmem_shared>>
      tpu.enqueue_indirect_dma source(%arg5 : memref<128x16xf32, #tpu.memory_space<vmem>>) target(%dma_start3A_113 : memref<10000x16xf32, #tpu.memory_space<vmem_shared>>) offsets(%dma_start3A_110 : memref<128xi32, #tpu.memory_space<vmem>>) semaphore(%arg7 : memref<!tpu.dma_semaphore, #tpu.memory_space<semaphore_mem>>) {add = true}
      %mul3A_114 = arith.constant 13 : i32
      %mul3A_115 = arith.muli %scan3A_54, %mul3A_114 : i32
      %add3A_116 = arith.constant 6 : i32
      %add3A_117 = arith.addi %mul3A_115, %add3A_116 : i32
      %dma_start3A_118 = arith.constant 0 : i32
      %dma_start3A_119 = tpu.memref_slice %arg4[%add3A_117, %dma_start3A_118] : memref<79x128xi32, #tpu.memory_space<vmem>> -> memref<1x128xi32, #tpu.memory_space<vmem>>
      %dma_start3A_120 = tpu.memref_squeeze %dma_start3A_119 : memref<1x128xi32, #tpu.memory_space<vmem>> -> memref<128xi32, #tpu.memory_space<vmem>>
      %dma_start3A_121 = arith.constant 0 : i32
      %dma_start3A_122 = arith.constant 0 : i32
      %dma_start3A_123 = tpu.memref_slice %arg6[%dma_start3A_121, %dma_start3A_122] : memref<10000x16xf32, #tpu.memory_space<vmem_shared>> -> memref<10000x16xf32, #tpu.memory_space<vmem_shared>>
      tpu.enqueue_indirect_dma source(%arg5 : memref<128x16xf32, #tpu.memory_space<vmem>>) target(%dma_start3A_123 : memref<10000x16xf32, #tpu.memory_space<vmem_shared>>) offsets(%dma_start3A_120 : memref<128xi32, #tpu.memory_space<vmem>>) semaphore(%arg7 : memref<!tpu.dma_semaphore, #tpu.memory_space<semaphore_mem>>) {add = true}
      %mul3A_124 = arith.constant 13 : i32
      %mul3A_125 = arith.muli %scan3A_54, %mul3A_124 : i32
      %add3A_126 = arith.constant 7 : i32
      %add3A_127 = arith.addi %mul3A_125, %add3A_126 : i32
      %dma_start3A_128 = arith.constant 0 : i32
      %dma_start3A_129 = tpu.memref_slice %arg4[%add3A_127, %dma_start3A_128] : memref<79x128xi32, #tpu.memory_space<vmem>> -> memref<1x128xi32, #tpu.memory_space<vmem>>
      %dma_start3A_130 = tpu.memref_squeeze %dma_start3A_129 : memref<1x128xi32, #tpu.memory_space<vmem>> -> memref<128xi32, #tpu.memory_space<vmem>>
      %dma_start3A_131 = arith.constant 0 : i32
      %dma_start3A_132 = arith.constant 0 : i32
      %dma_start3A_133 = tpu.memref_slice %arg6[%dma_start3A_131, %dma_start3A_132] : memref<10000x16xf32, #tpu.memory_space<vmem_shared>> -> memref<10000x16xf32, #tpu.memory_space<vmem_shared>>
      tpu.enqueue_indirect_dma source(%arg5 : memref<128x16xf32, #tpu.memory_space<vmem>>) target(%dma_start3A_133 : memref<10000x16xf32, #tpu.memory_space<vmem_shared>>) offsets(%dma_start3A_130 : memref<128xi32, #tpu.memory_space<vmem>>) semaphore(%arg7 : memref<!tpu.dma_semaphore, #tpu.memory_space<semaphore_mem>>) {add = true}
      %mul3A_134 = arith.constant 13 : i32
      %mul3A_135 = arith.muli %scan3A_54, %mul3A_134 : i32
      %add3A_136 = arith.constant 8 : i32
      %add3A_137 = arith.addi %mul3A_135, %add3A_136 : i32
      %dma_start3A_138 = arith.constant 0 : i32
      %dma_start3A_139 = tpu.memref_slice %arg4[%add3A_137, %dma_start3A_138] : memref<79x128xi32, #tpu.memory_space<vmem>> -> memref<1x128xi32, #tpu.memory_space<vmem>>
      %dma_start3A_140 = tpu.memref_squeeze %dma_start3A_139 : memref<1x128xi32, #tpu.memory_space<vmem>> -> memref<128xi32, #tpu.memory_space<vmem>>
      %dma_start3A_141 = arith.constant 0 : i32
      %dma_start3A_142 = arith.constant 0 : i32
      %dma_start3A_143 = tpu.memref_slice %arg6[%dma_start3A_141, %dma_start3A_142] : memref<10000x16xf32, #tpu.memory_space<vmem_shared>> -> memref<10000x16xf32, #tpu.memory_space<vmem_shared>>
      tpu.enqueue_indirect_dma source(%arg5 : memref<128x16xf32, #tpu.memory_space<vmem>>) target(%dma_start3A_143 : memref<10000x16xf32, #tpu.memory_space<vmem_shared>>) offsets(%dma_start3A_140 : memref<128xi32, #tpu.memory_space<vmem>>) semaphore(%arg7 : memref<!tpu.dma_semaphore, #tpu.memory_space<semaphore_mem>>) {add = true}
      %mul3A_144 = arith.constant 13 : i32
      %mul3A_145 = arith.muli %scan3A_54, %mul3A_144 : i32
      %add3A_146 = arith.constant 9 : i32
      %add3A_147 = arith.addi %mul3A_145, %add3A_146 : i32
      %dma_start3A_148 = arith.constant 0 : i32
      %dma_start3A_149 = tpu.memref_slice %arg4[%add3A_147, %dma_start3A_148] : memref<79x128xi32, #tpu.memory_space<vmem>> -> memref<1x128xi32, #tpu.memory_space<vmem>>
      %dma_start3A_150 = tpu.memref_squeeze %dma_start3A_149 : memref<1x128xi32, #tpu.memory_space<vmem>> -> memref<128xi32, #tpu.memory_space<vmem>>
      %dma_start3A_151 = arith.constant 0 : i32
      %dma_start3A_152 = arith.constant 0 : i32
      %dma_start3A_153 = tpu.memref_slice %arg6[%dma_start3A_151, %dma_start3A_152] : memref<10000x16xf32, #tpu.memory_space<vmem_shared>> -> memref<10000x16xf32, #tpu.memory_space<vmem_shared>>
      tpu.enqueue_indirect_dma source(%arg5 : memref<128x16xf32, #tpu.memory_space<vmem>>) target(%dma_start3A_153 : memref<10000x16xf32, #tpu.memory_space<vmem_shared>>) offsets(%dma_start3A_150 : memref<128xi32, #tpu.memory_space<vmem>>) semaphore(%arg7 : memref<!tpu.dma_semaphore, #tpu.memory_space<semaphore_mem>>) {add = true}
      %mul3A_154 = arith.constant 13 : i32
      %mul3A_155 = arith.muli %scan3A_54, %mul3A_154 : i32
      %add3A_156 = arith.constant 10 : i32
      %add3A_157 = arith.addi %mul3A_155, %add3A_156 : i32
      %dma_start3A_158 = arith.constant 0 : i32
      %dma_start3A_159 = tpu.memref_slice %arg4[%add3A_157, %dma_start3A_158] : memref<79x128xi32, #tpu.memory_space<vmem>> -> memref<1x128xi32, #tpu.memory_space<vmem>>
      %dma_start3A_160 = tpu.memref_squeeze %dma_start3A_159 : memref<1x128xi32, #tpu.memory_space<vmem>> -> memref<128xi32, #tpu.memory_space<vmem>>
      %dma_start3A_161 = arith.constant 0 : i32
      %dma_start3A_162 = arith.constant 0 : i32
      %dma_start3A_163 = tpu.memref_slice %arg6[%dma_start3A_161, %dma_start3A_162] : memref<10000x16xf32, #tpu.memory_space<vmem_shared>> -> memref<10000x16xf32, #tpu.memory_space<vmem_shared>>
      tpu.enqueue_indirect_dma source(%arg5 : memref<128x16xf32, #tpu.memory_space<vmem>>) target(%dma_start3A_163 : memref<10000x16xf32, #tpu.memory_space<vmem_shared>>) offsets(%dma_start3A_160 : memref<128xi32, #tpu.memory_space<vmem>>) semaphore(%arg7 : memref<!tpu.dma_semaphore, #tpu.memory_space<semaphore_mem>>) {add = true}
      %mul3A_164 = arith.constant 13 : i32
      %mul3A_165 = arith.muli %scan3A_54, %mul3A_164 : i32
      %add3A_166 = arith.constant 11 : i32
      %add3A_167 = arith.addi %mul3A_165, %add3A_166 : i32
      %dma_start3A_168 = arith.constant 0 : i32
      %dma_start3A_169 = tpu.memref_slice %arg4[%add3A_167, %dma_start3A_168] : memref<79x128xi32, #tpu.memory_space<vmem>> -> memref<1x128xi32, #tpu.memory_space<vmem>>
      %dma_start3A_170 = tpu.memref_squeeze %dma_start3A_169 : memref<1x128xi32, #tpu.memory_space<vmem>> -> memref<128xi32, #tpu.memory_space<vmem>>
      %dma_start3A_171 = arith.constant 0 : i32
      %dma_start3A_172 = arith.constant 0 : i32
      %dma_start3A_173 = tpu.memref_slice %arg6[%dma_start3A_171, %dma_start3A_172] : memref<10000x16xf32, #tpu.memory_space<vmem_shared>> -> memref<10000x16xf32, #tpu.memory_space<vmem_shared>>
      tpu.enqueue_indirect_dma source(%arg5 : memref<128x16xf32, #tpu.memory_space<vmem>>) target(%dma_start3A_173 : memref<10000x16xf32, #tpu.memory_space<vmem_shared>>) offsets(%dma_start3A_170 : memref<128xi32, #tpu.memory_space<vmem>>) semaphore(%arg7 : memref<!tpu.dma_semaphore, #tpu.memory_space<semaphore_mem>>) {add = true}
      %mul3A_174 = arith.constant 13 : i32
      %mul3A_175 = arith.muli %scan3A_54, %mul3A_174 : i32
      %add3A_176 = arith.constant 12 : i32
      %add3A_177 = arith.addi %mul3A_175, %add3A_176 : i32
      %dma_start3A_178 = arith.constant 0 : i32
      %dma_start3A_179 = tpu.memref_slice %arg4[%add3A_177, %dma_start3A_178] : memref<79x128xi32, #tpu.memory_space<vmem>> -> memref<1x128xi32, #tpu.memory_space<vmem>>
      %dma_start3A_180 = tpu.memref_squeeze %dma_start3A_179 : memref<1x128xi32, #tpu.memory_space<vmem>> -> memref<128xi32, #tpu.memory_space<vmem>>
      %dma_start3A_181 = arith.constant 0 : i32
      %dma_start3A_182 = arith.constant 0 : i32
      %dma_start3A_183 = tpu.memref_slice %arg6[%dma_start3A_181, %dma_start3A_182] : memref<10000x16xf32, #tpu.memory_space<vmem_shared>> -> memref<10000x16xf32, #tpu.memory_space<vmem_shared>>
      tpu.enqueue_indirect_dma source(%arg5 : memref<128x16xf32, #tpu.memory_space<vmem>>) target(%dma_start3A_183 : memref<10000x16xf32, #tpu.memory_space<vmem_shared>>) offsets(%dma_start3A_180 : memref<128xi32, #tpu.memory_space<vmem>>) semaphore(%arg7 : memref<!tpu.dma_semaphore, #tpu.memory_space<semaphore_mem>>) {add = true}
      %mul3A_184 = arith.constant 13 : i32
      %mul3A_185 = arith.muli %scan3A_54, %mul3A_184 : i32
      %add3A_186 = arith.constant 0 : i32
      %add3A_187 = arith.addi %mul3A_185, %add3A_186 : i32
      %dma_wait3A = arith.constant 0 : i32
      %dma_wait3A_188 = tpu.memref_slice %arg4[%add3A_187, %dma_wait3A] : memref<79x128xi32, #tpu.memory_space<vmem>> -> memref<1x128xi32, #tpu.memory_space<vmem>>
      %dma_wait3A_189 = tpu.memref_squeeze %dma_wait3A_188 : memref<1x128xi32, #tpu.memory_space<vmem>> -> memref<128xi32, #tpu.memory_space<vmem>>
      %dma_wait3A_190 = arith.constant 0 : i32
      %dma_wait3A_191 = arith.constant 0 : i32
      %dma_wait3A_192 = tpu.memref_slice %arg6[%dma_wait3A_190, %dma_wait3A_191] : memref<10000x16xf32, #tpu.memory_space<vmem_shared>> -> memref<10000x16xf32, #tpu.memory_space<vmem_shared>>
      tpu.wait_indirect_dma semaphore(%arg7 : memref<!tpu.dma_semaphore, #tpu.memory_space<semaphore_mem>>) src(%arg5 : memref<128x16xf32, #tpu.memory_space<vmem>>) dst(%dma_wait3A_192 : memref<10000x16xf32, #tpu.memory_space<vmem_shared>>)
      %mul3A_193 = arith.constant 13 : i32
      %mul3A_194 = arith.muli %scan3A_54, %mul3A_193 : i32
      %add3A_195 = arith.constant 1 : i32
      %add3A_196 = arith.addi %mul3A_194, %add3A_195 : i32
      %dma_wait3A_197 = arith.constant 0 : i32
      %dma_wait3A_198 = tpu.memref_slice %arg4[%add3A_196, %dma_wait3A_197] : memref<79x128xi32, #tpu.memory_space<vmem>> -> memref<1x128xi32, #tpu.memory_space<vmem>>
      %dma_wait3A_199 = tpu.memref_squeeze %dma_wait3A_198 : memref<1x128xi32, #tpu.memory_space<vmem>> -> memref<128xi32, #tpu.memory_space<vmem>>
      %dma_wait3A_200 = arith.constant 0 : i32
      %dma_wait3A_201 = arith.constant 0 : i32
      %dma_wait3A_202 = tpu.memref_slice %arg6[%dma_wait3A_200, %dma_wait3A_201] : memref<10000x16xf32, #tpu.memory_space<vmem_shared>> -> memref<10000x16xf32, #tpu.memory_space<vmem_shared>>
      tpu.wait_indirect_dma semaphore(%arg7 : memref<!tpu.dma_semaphore, #tpu.memory_space<semaphore_mem>>) src(%arg5 : memref<128x16xf32, #tpu.memory_space<vmem>>) dst(%dma_wait3A_202 : memref<10000x16xf32, #tpu.memory_space<vmem_shared>>)
      %mul3A_203 = arith.constant 13 : i32
      %mul3A_204 = arith.muli %scan3A_54, %mul3A_203 : i32
      %add3A_205 = arith.constant 2 : i32
      %add3A_206 = arith.addi %mul3A_204, %add3A_205 : i32
      %dma_wait3A_207 = arith.constant 0 : i32
      %dma_wait3A_208 = tpu.memref_slice %arg4[%add3A_206, %dma_wait3A_207] : memref<79x128xi32, #tpu.memory_space<vmem>> -> memref<1x128xi32, #tpu.memory_space<vmem>>
      %dma_wait3A_209 = tpu.memref_squeeze %dma_wait3A_208 : memref<1x128xi32, #tpu.memory_space<vmem>> -> memref<128xi32, #tpu.memory_space<vmem>>
      %dma_wait3A_210 = arith.constant 0 : i32
      %dma_wait3A_211 = arith.constant 0 : i32
      %dma_wait3A_212 = tpu.memref_slice %arg6[%dma_wait3A_210, %dma_wait3A_211] : memref<10000x16xf32, #tpu.memory_space<vmem_shared>> -> memref<10000x16xf32, #tpu.memory_space<vmem_shared>>
      tpu.wait_indirect_dma semaphore(%arg7 : memref<!tpu.dma_semaphore, #tpu.memory_space<semaphore_mem>>) src(%arg5 : memref<128x16xf32, #tpu.memory_space<vmem>>) dst(%dma_wait3A_212 : memref<10000x16xf32, #tpu.memory_space<vmem_shared>>)
      %mul3A_213 = arith.constant 13 : i32
      %mul3A_214 = arith.muli %scan3A_54, %mul3A_213 : i32
      %add3A_215 = arith.constant 3 : i32
      %add3A_216 = arith.addi %mul3A_214, %add3A_215 : i32
      %dma_wait3A_217 = arith.constant 0 : i32
      %dma_wait3A_218 = tpu.memref_slice %arg4[%add3A_216, %dma_wait3A_217] : memref<79x128xi32, #tpu.memory_space<vmem>> -> memref<1x128xi32, #tpu.memory_space<vmem>>
      %dma_wait3A_219 = tpu.memref_squeeze %dma_wait3A_218 : memref<1x128xi32, #tpu.memory_space<vmem>> -> memref<128xi32, #tpu.memory_space<vmem>>
      %dma_wait3A_220 = arith.constant 0 : i32
      %dma_wait3A_221 = arith.constant 0 : i32
      %dma_wait3A_222 = tpu.memref_slice %arg6[%dma_wait3A_220, %dma_wait3A_221] : memref<10000x16xf32, #tpu.memory_space<vmem_shared>> -> memref<10000x16xf32, #tpu.memory_space<vmem_shared>>
      tpu.wait_indirect_dma semaphore(%arg7 : memref<!tpu.dma_semaphore, #tpu.memory_space<semaphore_mem>>) src(%arg5 : memref<128x16xf32, #tpu.memory_space<vmem>>) dst(%dma_wait3A_222 : memref<10000x16xf32, #tpu.memory_space<vmem_shared>>)
      %mul3A_223 = arith.constant 13 : i32
      %mul3A_224 = arith.muli %scan3A_54, %mul3A_223 : i32
      %add3A_225 = arith.constant 4 : i32
      %add3A_226 = arith.addi %mul3A_224, %add3A_225 : i32
      %dma_wait3A_227 = arith.constant 0 : i32
      %dma_wait3A_228 = tpu.memref_slice %arg4[%add3A_226, %dma_wait3A_227] : memref<79x128xi32, #tpu.memory_space<vmem>> -> memref<1x128xi32, #tpu.memory_space<vmem>>
      %dma_wait3A_229 = tpu.memref_squeeze %dma_wait3A_228 : memref<1x128xi32, #tpu.memory_space<vmem>> -> memref<128xi32, #tpu.memory_space<vmem>>
      %dma_wait3A_230 = arith.constant 0 : i32
      %dma_wait3A_231 = arith.constant 0 : i32
      %dma_wait3A_232 = tpu.memref_slice %arg6[%dma_wait3A_230, %dma_wait3A_231] : memref<10000x16xf32, #tpu.memory_space<vmem_shared>> -> memref<10000x16xf32, #tpu.memory_space<vmem_shared>>
      tpu.wait_indirect_dma semaphore(%arg7 : memref<!tpu.dma_semaphore, #tpu.memory_space<semaphore_mem>>) src(%arg5 : memref<128x16xf32, #tpu.memory_space<vmem>>) dst(%dma_wait3A_232 : memref<10000x16xf32, #tpu.memory_space<vmem_shared>>)
      %mul3A_233 = arith.constant 13 : i32
      %mul3A_234 = arith.muli %scan3A_54, %mul3A_233 : i32
      %add3A_235 = arith.constant 5 : i32
      %add3A_236 = arith.addi %mul3A_234, %add3A_235 : i32
      %dma_wait3A_237 = arith.constant 0 : i32
      %dma_wait3A_238 = tpu.memref_slice %arg4[%add3A_236, %dma_wait3A_237] : memref<79x128xi32, #tpu.memory_space<vmem>> -> memref<1x128xi32, #tpu.memory_space<vmem>>
      %dma_wait3A_239 = tpu.memref_squeeze %dma_wait3A_238 : memref<1x128xi32, #tpu.memory_space<vmem>> -> memref<128xi32, #tpu.memory_space<vmem>>
      %dma_wait3A_240 = arith.constant 0 : i32
      %dma_wait3A_241 = arith.constant 0 : i32
      %dma_wait3A_242 = tpu.memref_slice %arg6[%dma_wait3A_240, %dma_wait3A_241] : memref<10000x16xf32, #tpu.memory_space<vmem_shared>> -> memref<10000x16xf32, #tpu.memory_space<vmem_shared>>
      tpu.wait_indirect_dma semaphore(%arg7 : memref<!tpu.dma_semaphore, #tpu.memory_space<semaphore_mem>>) src(%arg5 : memref<128x16xf32, #tpu.memory_space<vmem>>) dst(%dma_wait3A_242 : memref<10000x16xf32, #tpu.memory_space<vmem_shared>>)
      %mul3A_243 = arith.constant 13 : i32
      %mul3A_244 = arith.muli %scan3A_54, %mul3A_243 : i32
      %add3A_245 = arith.constant 6 : i32
      %add3A_246 = arith.addi %mul3A_244, %add3A_245 : i32
      %dma_wait3A_247 = arith.constant 0 : i32
      %dma_wait3A_248 = tpu.memref_slice %arg4[%add3A_246, %dma_wait3A_247] : memref<79x128xi32, #tpu.memory_space<vmem>> -> memref<1x128xi32, #tpu.memory_space<vmem>>
      %dma_wait3A_249 = tpu.memref_squeeze %dma_wait3A_248 : memref<1x128xi32, #tpu.memory_space<vmem>> -> memref<128xi32, #tpu.memory_space<vmem>>
      %dma_wait3A_250 = arith.constant 0 : i32
      %dma_wait3A_251 = arith.constant 0 : i32
      %dma_wait3A_252 = tpu.memref_slice %arg6[%dma_wait3A_250, %dma_wait3A_251] : memref<10000x16xf32, #tpu.memory_space<vmem_shared>> -> memref<10000x16xf32, #tpu.memory_space<vmem_shared>>
      tpu.wait_indirect_dma semaphore(%arg7 : memref<!tpu.dma_semaphore, #tpu.memory_space<semaphore_mem>>) src(%arg5 : memref<128x16xf32, #tpu.memory_space<vmem>>) dst(%dma_wait3A_252 : memref<10000x16xf32, #tpu.memory_space<vmem_shared>>)
      %mul3A_253 = arith.constant 13 : i32
      %mul3A_254 = arith.muli %scan3A_54, %mul3A_253 : i32
      %add3A_255 = arith.constant 7 : i32
      %add3A_256 = arith.addi %mul3A_254, %add3A_255 : i32
      %dma_wait3A_257 = arith.constant 0 : i32
      %dma_wait3A_258 = tpu.memref_slice %arg4[%add3A_256, %dma_wait3A_257] : memref<79x128xi32, #tpu.memory_space<vmem>> -> memref<1x128xi32, #tpu.memory_space<vmem>>
      %dma_wait3A_259 = tpu.memref_squeeze %dma_wait3A_258 : memref<1x128xi32, #tpu.memory_space<vmem>> -> memref<128xi32, #tpu.memory_space<vmem>>
      %dma_wait3A_260 = arith.constant 0 : i32
      %dma_wait3A_261 = arith.constant 0 : i32
      %dma_wait3A_262 = tpu.memref_slice %arg6[%dma_wait3A_260, %dma_wait3A_261] : memref<10000x16xf32, #tpu.memory_space<vmem_shared>> -> memref<10000x16xf32, #tpu.memory_space<vmem_shared>>
      tpu.wait_indirect_dma semaphore(%arg7 : memref<!tpu.dma_semaphore, #tpu.memory_space<semaphore_mem>>) src(%arg5 : memref<128x16xf32, #tpu.memory_space<vmem>>) dst(%dma_wait3A_262 : memref<10000x16xf32, #tpu.memory_space<vmem_shared>>)
      %mul3A_263 = arith.constant 13 : i32
      %mul3A_264 = arith.muli %scan3A_54, %mul3A_263 : i32
      %add3A_265 = arith.constant 8 : i32
      %add3A_266 = arith.addi %mul3A_264, %add3A_265 : i32
      %dma_wait3A_267 = arith.constant 0 : i32
      %dma_wait3A_268 = tpu.memref_slice %arg4[%add3A_266, %dma_wait3A_267] : memref<79x128xi32, #tpu.memory_space<vmem>> -> memref<1x128xi32, #tpu.memory_space<vmem>>
      %dma_wait3A_269 = tpu.memref_squeeze %dma_wait3A_268 : memref<1x128xi32, #tpu.memory_space<vmem>> -> memref<128xi32, #tpu.memory_space<vmem>>
      %dma_wait3A_270 = arith.constant 0 : i32
      %dma_wait3A_271 = arith.constant 0 : i32
      %dma_wait3A_272 = tpu.memref_slice %arg6[%dma_wait3A_270, %dma_wait3A_271] : memref<10000x16xf32, #tpu.memory_space<vmem_shared>> -> memref<10000x16xf32, #tpu.memory_space<vmem_shared>>
      tpu.wait_indirect_dma semaphore(%arg7 : memref<!tpu.dma_semaphore, #tpu.memory_space<semaphore_mem>>) src(%arg5 : memref<128x16xf32, #tpu.memory_space<vmem>>) dst(%dma_wait3A_272 : memref<10000x16xf32, #tpu.memory_space<vmem_shared>>)
      %mul3A_273 = arith.constant 13 : i32
      %mul3A_274 = arith.muli %scan3A_54, %mul3A_273 : i32
      %add3A_275 = arith.constant 9 : i32
      %add3A_276 = arith.addi %mul3A_274, %add3A_275 : i32
      %dma_wait3A_277 = arith.constant 0 : i32
      %dma_wait3A_278 = tpu.memref_slice %arg4[%add3A_276, %dma_wait3A_277] : memref<79x128xi32, #tpu.memory_space<vmem>> -> memref<1x128xi32, #tpu.memory_space<vmem>>
      %dma_wait3A_279 = tpu.memref_squeeze %dma_wait3A_278 : memref<1x128xi32, #tpu.memory_space<vmem>> -> memref<128xi32, #tpu.memory_space<vmem>>
      %dma_wait3A_280 = arith.constant 0 : i32
      %dma_wait3A_281 = arith.constant 0 : i32
      %dma_wait3A_282 = tpu.memref_slice %arg6[%dma_wait3A_280, %dma_wait3A_281] : memref<10000x16xf32, #tpu.memory_space<vmem_shared>> -> memref<10000x16xf32, #tpu.memory_space<vmem_shared>>
      tpu.wait_indirect_dma semaphore(%arg7 : memref<!tpu.dma_semaphore, #tpu.memory_space<semaphore_mem>>) src(%arg5 : memref<128x16xf32, #tpu.memory_space<vmem>>) dst(%dma_wait3A_282 : memref<10000x16xf32, #tpu.memory_space<vmem_shared>>)
      %mul3A_283 = arith.constant 13 : i32
      %mul3A_284 = arith.muli %scan3A_54, %mul3A_283 : i32
      %add3A_285 = arith.constant 10 : i32
      %add3A_286 = arith.addi %mul3A_284, %add3A_285 : i32
      %dma_wait3A_287 = arith.constant 0 : i32
      %dma_wait3A_288 = tpu.memref_slice %arg4[%add3A_286, %dma_wait3A_287] : memref<79x128xi32, #tpu.memory_space<vmem>> -> memref<1x128xi32, #tpu.memory_space<vmem>>
      %dma_wait3A_289 = tpu.memref_squeeze %dma_wait3A_288 : memref<1x128xi32, #tpu.memory_space<vmem>> -> memref<128xi32, #tpu.memory_space<vmem>>
      %dma_wait3A_290 = arith.constant 0 : i32
      %dma_wait3A_291 = arith.constant 0 : i32
      %dma_wait3A_292 = tpu.memref_slice %arg6[%dma_wait3A_290, %dma_wait3A_291] : memref<10000x16xf32, #tpu.memory_space<vmem_shared>> -> memref<10000x16xf32, #tpu.memory_space<vmem_shared>>
      tpu.wait_indirect_dma semaphore(%arg7 : memref<!tpu.dma_semaphore, #tpu.memory_space<semaphore_mem>>) src(%arg5 : memref<128x16xf32, #tpu.memory_space<vmem>>) dst(%dma_wait3A_292 : memref<10000x16xf32, #tpu.memory_space<vmem_shared>>)
      %mul3A_293 = arith.constant 13 : i32
      %mul3A_294 = arith.muli %scan3A_54, %mul3A_293 : i32
      %add3A_295 = arith.constant 11 : i32
      %add3A_296 = arith.addi %mul3A_294, %add3A_295 : i32
      %dma_wait3A_297 = arith.constant 0 : i32
      %dma_wait3A_298 = tpu.memref_slice %arg4[%add3A_296, %dma_wait3A_297] : memref<79x128xi32, #tpu.memory_space<vmem>> -> memref<1x128xi32, #tpu.memory_space<vmem>>
      %dma_wait3A_299 = tpu.memref_squeeze %dma_wait3A_298 : memref<1x128xi32, #tpu.memory_space<vmem>> -> memref<128xi32, #tpu.memory_space<vmem>>
      %dma_wait3A_300 = arith.constant 0 : i32
      %dma_wait3A_301 = arith.constant 0 : i32
      %dma_wait3A_302 = tpu.memref_slice %arg6[%dma_wait3A_300, %dma_wait3A_301] : memref<10000x16xf32, #tpu.memory_space<vmem_shared>> -> memref<10000x16xf32, #tpu.memory_space<vmem_shared>>
      tpu.wait_indirect_dma semaphore(%arg7 : memref<!tpu.dma_semaphore, #tpu.memory_space<semaphore_mem>>) src(%arg5 : memref<128x16xf32, #tpu.memory_space<vmem>>) dst(%dma_wait3A_302 : memref<10000x16xf32, #tpu.memory_space<vmem_shared>>)
      %mul3A_303 = arith.constant 13 : i32
      %mul3A_304 = arith.muli %scan3A_54, %mul3A_303 : i32
      %add3A_305 = arith.constant 12 : i32
      %add3A_306 = arith.addi %mul3A_304, %add3A_305 : i32
      %dma_wait3A_307 = arith.constant 0 : i32
      %dma_wait3A_308 = tpu.memref_slice %arg4[%add3A_306, %dma_wait3A_307] : memref<79x128xi32, #tpu.memory_space<vmem>> -> memref<1x128xi32, #tpu.memory_space<vmem>>
      %dma_wait3A_309 = tpu.memref_squeeze %dma_wait3A_308 : memref<1x128xi32, #tpu.memory_space<vmem>> -> memref<128xi32, #tpu.memory_space<vmem>>
      %dma_wait3A_310 = arith.constant 0 : i32
      %dma_wait3A_311 = arith.constant 0 : i32
      %dma_wait3A_312 = tpu.memref_slice %arg6[%dma_wait3A_310, %dma_wait3A_311] : memref<10000x16xf32, #tpu.memory_space<vmem_shared>> -> memref<10000x16xf32, #tpu.memory_space<vmem_shared>>
      tpu.wait_indirect_dma semaphore(%arg7 : memref<!tpu.dma_semaphore, #tpu.memory_space<semaphore_mem>>) src(%arg5 : memref<128x16xf32, #tpu.memory_space<vmem>>) dst(%dma_wait3A_312 : memref<10000x16xf32, #tpu.memory_space<vmem_shared>>)
    }
    %scan3A_42 = arith.constant 6 : i32
    %convert_element_type3A_43 = arith.extui %lt3A_5 : i1 to i32
    %cond3A_44 = arith.constant 0 : i32
    %cond3A_45 = arith.cmpi ne, %convert_element_type3A_43, %cond3A_44 : i32
    scf.if %cond3A_45 {
      %run_scoped3A_54 = arith.constant 78 : i32
      "tpu.region"() ({
        %run_scoped3A_55 = tpu.sem_alloc : memref<!tpu.dma_semaphore, #tpu.memory_space<semaphore_mem>>
        %dma_start3A = arith.constant 0 : i32
        %dma_start3A_56 = tpu.memref_slice %arg4[%run_scoped3A_54, %dma_start3A] : memref<79x128xi32, #tpu.memory_space<vmem>> -> memref<1x128xi32, #tpu.memory_space<vmem>>
        %dma_start3A_57 = tpu.memref_squeeze %dma_start3A_56 : memref<1x128xi32, #tpu.memory_space<vmem>> -> memref<128xi32, #tpu.memory_space<vmem>>
        %dma_start3A_58 = arith.constant 0 : i32
        %dma_start3A_59 = arith.constant 0 : i32
        %dma_start3A_60 = tpu.memref_slice %arg6[%dma_start3A_58, %dma_start3A_59] : memref<10000x16xf32, #tpu.memory_space<vmem_shared>> -> memref<10000x16xf32, #tpu.memory_space<vmem_shared>>
        tpu.enqueue_indirect_dma source(%arg5 : memref<128x16xf32, #tpu.memory_space<vmem>>) target(%dma_start3A_60 : memref<10000x16xf32, #tpu.memory_space<vmem_shared>>) offsets(%dma_start3A_57 : memref<128xi32, #tpu.memory_space<vmem>>) semaphore(%run_scoped3A_55 : memref<!tpu.dma_semaphore, #tpu.memory_space<semaphore_mem>>) {add = true}
        %dma_wait3A = arith.constant 0 : i32
        %dma_wait3A_61 = tpu.memref_slice %arg4[%run_scoped3A_54, %dma_wait3A] : memref<79x128xi32, #tpu.memory_space<vmem>> -> memref<1x128xi32, #tpu.memory_space<vmem>>
        %dma_wait3A_62 = tpu.memref_squeeze %dma_wait3A_61 : memref<1x128xi32, #tpu.memory_space<vmem>> -> memref<128xi32, #tpu.memory_space<vmem>>
        %dma_wait3A_63 = arith.constant 0 : i32
        %dma_wait3A_64 = arith.constant 0 : i32
        %dma_wait3A_65 = tpu.memref_slice %arg6[%dma_wait3A_63, %dma_wait3A_64] : memref<10000x16xf32, #tpu.memory_space<vmem_shared>> -> memref<10000x16xf32, #tpu.memory_space<vmem_shared>>
        tpu.wait_indirect_dma semaphore(%run_scoped3A_55 : memref<!tpu.dma_semaphore, #tpu.memory_space<semaphore_mem>>) src(%arg5 : memref<128x16xf32, #tpu.memory_space<vmem>>) dst(%dma_wait3A_65 : memref<10000x16xf32, #tpu.memory_space<vmem_shared>>)
        tpu.yield
      }) : () -> ()
    } else {
    }
    %barrier3A_46 = arith.constant 0 : index
    tpu.barrier barrier_id(%barrier3A_46)
    %mul3A_47 = arith.constant 624 : i32
    %mul3A_48 = arith.muli %arg1, %mul3A_47 : i32
    "tpu.region"() ({
      %run_scoped3A_54 = tpu.sem_alloc : memref<!tpu.dma_semaphore, #tpu.memory_space<semaphore_mem>>
      %dma_start3A = arith.constant 0 : i32
      %dma_start3A_55 = arith.constant 0 : i32
      %dma_start3A_56 = tpu.memref_slice %arg3[%arg0, %dma_start3A, %dma_start3A_55] : memref<2x10000x16xf32, #tpu.memory_space<hbm>> -> memref<1x10000x16xf32, #tpu.memory_space<hbm>>
      %dma_start3A_57 = tpu.memref_squeeze %dma_start3A_56 : memref<1x10000x16xf32, #tpu.memory_space<hbm>> -> memref<10000x16xf32, #tpu.memory_space<hbm>>
      %dma_start3A_58 = arith.constant 0 : i32
      %dma_start3A_59 = tpu.memref_slice %dma_start3A_57[%mul3A_48, %dma_start3A_58] : memref<10000x16xf32, #tpu.memory_space<hbm>> -> memref<624x16xf32, #tpu.memory_space<hbm>>
      %dma_start3A_60 = arith.constant 0 : i32
      %dma_start3A_61 = tpu.memref_slice %arg6[%mul3A_48, %dma_start3A_60] : memref<10000x16xf32, #tpu.memory_space<vmem_shared>> -> memref<624x16xf32, #tpu.memory_space<vmem_shared>>
      tpu.enqueue_dma source(%dma_start3A_61 : memref<624x16xf32, #tpu.memory_space<vmem_shared>>) target(%dma_start3A_59 : memref<624x16xf32, #tpu.memory_space<hbm>>) target_semaphore(%run_scoped3A_54 : memref<!tpu.dma_semaphore, #tpu.memory_space<semaphore_mem>>)
      %dma_wait3A = arith.constant 0 : i32
      %dma_wait3A_62 = arith.constant 0 : i32
      %dma_wait3A_63 = tpu.memref_slice %arg3[%arg0, %dma_wait3A, %dma_wait3A_62] : memref<2x10000x16xf32, #tpu.memory_space<hbm>> -> memref<1x10000x16xf32, #tpu.memory_space<hbm>>
      %dma_wait3A_64 = tpu.memref_squeeze %dma_wait3A_63 : memref<1x10000x16xf32, #tpu.memory_space<hbm>> -> memref<10000x16xf32, #tpu.memory_space<hbm>>
      %dma_wait3A_65 = arith.constant 0 : i32
      %dma_wait3A_66 = tpu.memref_slice %dma_wait3A_64[%mul3A_48, %dma_wait3A_65] : memref<10000x16xf32, #tpu.memory_space<hbm>> -> memref<624x16xf32, #tpu.memory_space<hbm>>
      %dma_wait3A_67 = arith.constant 0 : i32
      %dma_wait3A_68 = tpu.memref_slice %arg6[%mul3A_48, %dma_wait3A_67] : memref<10000x16xf32, #tpu.memory_space<vmem_shared>> -> memref<624x16xf32, #tpu.memory_space<vmem_shared>>
      tpu.wait_dma2 semaphore(%run_scoped3A_54 : memref<!tpu.dma_semaphore, #tpu.memory_space<semaphore_mem>>) src(%dma_wait3A_68 : memref<624x16xf32, #tpu.memory_space<vmem_shared>>) dst(%dma_wait3A_66 : memref<624x16xf32, #tpu.memory_space<hbm>>)
      tpu.yield
    }) : () -> ()
    %eq3A_49 = arith.constant 15 : i32
    %eq3A_50 = arith.cmpi eq, %arg1, %eq3A_49 : i32
    %convert_element_type3A_51 = arith.extui %eq3A_50 : i1 to i32
    %cond3A_52 = arith.constant 0 : i32
    %cond3A_53 = arith.cmpi ne, %convert_element_type3A_51, %cond3A_52 : i32
    scf.if %cond3A_53 {
      "tpu.region"() ({
        %run_scoped3A_54 = tpu.sem_alloc : memref<!tpu.dma_semaphore, #tpu.memory_space<semaphore_mem>>
        %dma_start3A = arith.constant 0 : i32
        %dma_start3A_55 = arith.constant 0 : i32
        %dma_start3A_56 = tpu.memref_slice %arg3[%arg0, %dma_start3A, %dma_start3A_55] : memref<2x10000x16xf32, #tpu.memory_space<hbm>> -> memref<1x10000x16xf32, #tpu.memory_space<hbm>>
        %dma_start3A_57 = tpu.memref_squeeze %dma_start3A_56 : memref<1x10000x16xf32, #tpu.memory_space<hbm>> -> memref<10000x16xf32, #tpu.memory_space<hbm>>
        %dma_start3A_58 = arith.constant 9984 : i32
        %dma_start3A_59 = arith.constant 0 : i32
        %dma_start3A_60 = tpu.memref_slice %dma_start3A_57[%dma_start3A_58, %dma_start3A_59] : memref<10000x16xf32, #tpu.memory_space<hbm>> -> memref<16x16xf32, #tpu.memory_space<hbm>>
        %dma_start3A_61 = arith.constant 9984 : i32
        %dma_start3A_62 = arith.constant 0 : i32
        %dma_start3A_63 = tpu.memref_slice %arg6[%dma_start3A_61, %dma_start3A_62] : memref<10000x16xf32, #tpu.memory_space<vmem_shared>> -> memref<16x16xf32, #tpu.memory_space<vmem_shared>>
        tpu.enqueue_dma source(%dma_start3A_63 : memref<16x16xf32, #tpu.memory_space<vmem_shared>>) target(%dma_start3A_60 : memref<16x16xf32, #tpu.memory_space<hbm>>) target_semaphore(%run_scoped3A_54 : memref<!tpu.dma_semaphore, #tpu.memory_space<semaphore_mem>>)
        %dma_wait3A = arith.constant 0 : i32
        %dma_wait3A_64 = arith.constant 0 : i32
        %dma_wait3A_65 = tpu.memref_slice %arg3[%arg0, %dma_wait3A, %dma_wait3A_64] : memref<2x10000x16xf32, #tpu.memory_space<hbm>> -> memref<1x10000x16xf32, #tpu.memory_space<hbm>>
        %dma_wait3A_66 = tpu.memref_squeeze %dma_wait3A_65 : memref<1x10000x16xf32, #tpu.memory_space<hbm>> -> memref<10000x16xf32, #tpu.memory_space<hbm>>
        %dma_wait3A_67 = arith.constant 9984 : i32
        %dma_wait3A_68 = arith.constant 0 : i32
        %dma_wait3A_69 = tpu.memref_slice %dma_wait3A_66[%dma_wait3A_67, %dma_wait3A_68] : memref<10000x16xf32, #tpu.memory_space<hbm>> -> memref<16x16xf32, #tpu.memory_space<hbm>>
        %dma_wait3A_70 = arith.constant 9984 : i32
        %dma_wait3A_71 = arith.constant 0 : i32
        %dma_wait3A_72 = tpu.memref_slice %arg6[%dma_wait3A_70, %dma_wait3A_71] : memref<10000x16xf32, #tpu.memory_space<vmem_shared>> -> memref<16x16xf32, #tpu.memory_space<vmem_shared>>
        tpu.wait_dma2 semaphore(%run_scoped3A_54 : memref<!tpu.dma_semaphore, #tpu.memory_space<semaphore_mem>>) src(%dma_wait3A_72 : memref<16x16xf32, #tpu.memory_space<vmem_shared>>) dst(%dma_wait3A_69 : memref<16x16xf32, #tpu.memory_space<hbm>>)
        tpu.yield
      }) : () -> ()
    } else {
    }
    return
  }
}

module attributes {stable_mosaic.version = 14 : i64} {
  func.func @_tc1_body(%arg0: i32, %arg1: memref<2x1250x128xf32, #tpu.memory_space<vmem>>, %arg2: memref<2000x128xf32, #tpu.memory_space<vmem>>, %arg3: memref<128x128xf32, #tpu.memory_space<vmem>>, %arg4: memref<2000x128xf32, #tpu.memory_space<vmem>>, %arg5: memref<1250x128xf32, #tpu.memory_space<vmem>>) attributes {dimension_semantics = [#tpu.dimension_semantics<arbitrary>], iteration_bounds = array<i64: 5>, scalar_prefetch = 0 : i64, scratch_operands = 0 : i64, tpu.core_type = #tpu.core_type<tc>, window_params = [{pipeline_mode = #tpu.pipeline_mode<synchronous>, transform_indices = @transform_0, window_bounds = array<i64: 2, 1250, 128>}, {transform_indices = @transform_1, window_bounds = array<i64: 2000, 128>}, {pipeline_mode = #tpu.pipeline_mode<synchronous>, transform_indices = @transform_2, window_bounds = array<i64: 128, 128>}, {transform_indices = @transform_3, window_bounds = array<i64: 2000, 128>}, {pipeline_mode = #tpu.pipeline_mode<synchronous>, transform_indices = @transform_4, window_bounds = array<i64: 1250, 128>}]} {
    %mul3A = arith.constant 250 : i32
    %mul3A_0 = arith.muli %arg0, %mul3A : i32
    %get3A = arith.constant 0 : index
    %get3A_1 = arith.index_cast %mul3A_0 : i32 to index
    %get3A_2 = arith.constant 0 : index
    %get3A_3 = vector.load %arg1[%get3A, %get3A_1, %get3A_2] : memref<2x1250x128xf32, #tpu.memory_space<vmem>>, vector<1x250x128xf32>
    %get3A_4 = vector.shape_cast %get3A_3 : vector<1x250x128xf32> to vector<250x128xf32>
    %get3A_5 = arith.constant 1 : index
    %get3A_6 = arith.index_cast %mul3A_0 : i32 to index
    %get3A_7 = arith.constant 0 : index
    %get3A_8 = vector.load %arg1[%get3A_5, %get3A_6, %get3A_7] : memref<2x1250x128xf32, #tpu.memory_space<vmem>>, vector<1x250x128xf32>
    %get3A_9 = vector.shape_cast %get3A_8 : vector<1x250x128xf32> to vector<250x128xf32>
    %add3A = arith.addf %get3A_4, %get3A_9 : vector<250x128xf32>
    %add3A_10 = arith.constant 1.000000e+00 : f32
    %add3A_11 = vector.broadcast %add3A_10 : f32 to vector<250x128xf32>
    %add3A_12 = arith.addf %add3A, %add3A_11 : vector<250x128xf32>
    %rsqrt3A = math.rsqrt %add3A_12 : vector<250x128xf32>
    %swap3A = arith.index_cast %mul3A_0 : i32 to index
    %swap3A_13 = arith.constant 0 : index
    %swap3A_14 = vector.load %arg5[%swap3A, %swap3A_13] : memref<1250x128xf32, #tpu.memory_space<vmem>>, vector<250x128xf32>
    tpu.vector_store %arg5[%swap3A, %swap3A_13], %rsqrt3A {strides = array<i32>} : memref<1250x128xf32, #tpu.memory_space<vmem>>, vector<250x128xf32>,
    %get3A_15 = arith.constant 0 : index
    %get3A_16 = arith.constant 0 : index
    %get3A_17 = vector.load %arg2[%get3A_15, %get3A_16] : memref<2000x128xf32, #tpu.memory_space<vmem>>, vector<2000x128xf32>
    %get3A_18 = arith.constant 0 : index
    %get3A_19 = arith.constant 0 : index
    %get3A_20 = vector.load %arg3[%get3A_18, %get3A_19] : memref<128x128xf32, #tpu.memory_space<vmem>>, vector<128x128xf32>
    %dot_general3A = arith.constant dense<0.000000e+00> : vector<2000x128xf32>
    %dot_general3A_21 = tpu.matmul %get3A_17, %get3A_20, %dot_general3A {dimension_numbers = #tpu.dot_dimension_numbers<[1], [0], [0], [1], [0, 0, 1, 1], [], []>, transpose_lhs_hint = false} : vector<2000x128xf32>, vector<128x128xf32>, vector<2000x128xf32> -> vector<2000x128xf32>
    %iota3A = tpu.iota {dimensions = array<i32: 0>} : vector<128x8xi32>
    %iota3A_22 = tpu.iota {dimensions = array<i32: 1>} : vector<128x8xi32>
    %mul3A_23 = arith.constant 16 : i32
    %mul3A_24 = vector.broadcast %mul3A_23 : i32 to vector<128x8xi32>
    %mul3A_25 = arith.muli %mul3A_24, %iota3A_22 : vector<128x8xi32>
    %eq3A = arith.cmpi eq, %iota3A, %mul3A_25 : vector<128x8xi32>
    %jit3A = arith.constant 1.000000e+00 : f32
    %jit3A_26 = arith.constant 0.000000e+00 : f32
    %broadcast_in_dim3A = vector.broadcast %jit3A : f32 to vector<128x8xf32>
    %broadcast_in_dim3A_27 = vector.broadcast %jit3A_26 : f32 to vector<128x8xf32>
    %select_n3A = arith.select %eq3A, %broadcast_in_dim3A, %broadcast_in_dim3A_27 : vector<128x8xi1>, vector<128x8xf32>
    %dot_general3A_28 = arith.constant dense<0.000000e+00> : vector<250x8xf32>
    %dot_general3A_29 = tpu.matmul %rsqrt3A, %select_n3A, %dot_general3A_28 {dimension_numbers = #tpu.dot_dimension_numbers<[1], [0], [0], [1], [0, 0, 1, 1], [], []>, precision = #tpu.contract_precision<fp32>, transpose_lhs_hint = false} : vector<250x128xf32>, vector<128x8xf32>, vector<250x8xf32> -> vector<250x8xf32>
    %reshape3A = vector.shape_cast %dot_general3A_21 : vector<2000x128xf32> to vector<250x8x128xf32>
    %broadcast_in_dim3A_30 = vector.shape_cast %dot_general3A_29 : vector<250x8xf32> to vector<250x8x1xf32>
    %mul3A_31 = vector.broadcast %broadcast_in_dim3A_30 : vector<250x8x1xf32> to vector<250x8x128xf32>
    %mul3A_32 = arith.mulf %mul3A_31, %reshape3A : vector<250x8x128xf32>
    %reshape3A_33 = vector.shape_cast %mul3A_32 : vector<250x8x128xf32> to vector<2000x128xf32>
    %swap3A_34 = arith.constant 0 : index
    %swap3A_35 = arith.constant 0 : index
    %swap3A_36 = vector.load %arg4[%swap3A_34, %swap3A_35] : memref<2000x128xf32, #tpu.memory_space<vmem>>, vector<2000x128xf32>
    tpu.vector_store %arg4[%swap3A_34, %swap3A_35], %reshape3A_33 {strides = array<i32>} : memref<2000x128xf32, #tpu.memory_space<vmem>>, vector<2000x128xf32>,
    return
  }
  func.func @transform_0(%arg0: i32) -> (i32, i32, i32) {
    %c0_i32 = arith.constant 0 : i32
    %c0_i32_0 = arith.constant 0 : i32
    %c0_i32_1 = arith.constant 0 : i32
    %c0_i32_2 = arith.constant 0 : i32
    return %c0_i32, %c0_i32_0, %c0_i32_1 : i32, i32, i32
  }
  func.func @transform_1(%arg0: i32) -> (i32, i32) {
    %c0_i32 = arith.constant 0 : i32
    %c0_i32_0 = arith.constant 0 : i32
    return %arg0, %c0_i32 : i32, i32
  }
  func.func @transform_2(%arg0: i32) -> (i32, i32) {
    %c0_i32 = arith.constant 0 : i32
    %c0_i32_0 = arith.constant 0 : i32
    %c0_i32_1 = arith.constant 0 : i32
    return %c0_i32, %c0_i32_0 : i32, i32
  }
  func.func @transform_3(%arg0: i32) -> (i32, i32) {
    %c0_i32 = arith.constant 0 : i32
    %c0_i32_0 = arith.constant 0 : i32
    return %arg0, %c0_i32 : i32, i32
  }
  func.func @transform_4(%arg0: i32) -> (i32, i32) {
    %c0_i32 = arith.constant 0 : i32
    %c0_i32_0 = arith.constant 0 : i32
    %c0_i32_1 = arith.constant 0 : i32
    return %c0_i32, %c0_i32_0 : i32, i32
  }
}

module attributes {stable_mosaic.version = 14 : i64} {
  func.func @_tc2_body(%arg0: i32, %arg1: memref<2x2000x128xf32, #tpu.memory_space<vmem>>, %arg2: memref<2000x128xf32, #tpu.memory_space<vmem>>, %arg3: memref<1250x128xf32, #tpu.memory_space<vmem>>, %arg4: memref<1x128xf32, #tpu.memory_space<vmem>>, %arg5: memref<128x64xf32, #tpu.memory_space<vmem>>, %arg6: memref<2000x64xf32, #tpu.memory_space<vmem>>) attributes {dimension_semantics = [#tpu.dimension_semantics<arbitrary>], iteration_bounds = array<i64: 5>, scalar_prefetch = 0 : i64, scratch_operands = 0 : i64, tpu.core_type = #tpu.core_type<tc>, window_params = [{transform_indices = @transform_0, window_bounds = array<i64: 2, 2000, 128>}, {transform_indices = @transform_1, window_bounds = array<i64: 2000, 128>}, {pipeline_mode = #tpu.pipeline_mode<synchronous>, transform_indices = @transform_2, window_bounds = array<i64: 1250, 128>}, {pipeline_mode = #tpu.pipeline_mode<synchronous>, transform_indices = @transform_3, window_bounds = array<i64: 1, 128>}, {pipeline_mode = #tpu.pipeline_mode<synchronous>, transform_indices = @transform_4, window_bounds = array<i64: 128, 64>}, {transform_indices = @transform_5, window_bounds = array<i64: 2000, 64>}]} {
    %mul3A = arith.constant 250 : i32
    %mul3A_0 = arith.muli %arg0, %mul3A : i32
    %get3A = arith.index_cast %mul3A_0 : i32 to index
    %get3A_1 = arith.constant 0 : index
    %get3A_2 = vector.load %arg3[%get3A, %get3A_1] : memref<1250x128xf32, #tpu.memory_space<vmem>>, vector<250x128xf32>
    %iota3A = tpu.iota {dimensions = array<i32: 0>} : vector<128x8xi32>
    %iota3A_3 = tpu.iota {dimensions = array<i32: 1>} : vector<128x8xi32>
    %mul3A_4 = arith.constant 16 : i32
    %mul3A_5 = vector.broadcast %mul3A_4 : i32 to vector<128x8xi32>
    %mul3A_6 = arith.muli %mul3A_5, %iota3A_3 : vector<128x8xi32>
    %eq3A = arith.cmpi eq, %iota3A, %mul3A_6 : vector<128x8xi32>
    %jit3A = arith.constant 1.000000e+00 : f32
    %jit3A_7 = arith.constant 0.000000e+00 : f32
    %broadcast_in_dim3A = vector.broadcast %jit3A : f32 to vector<128x8xf32>
    %broadcast_in_dim3A_8 = vector.broadcast %jit3A_7 : f32 to vector<128x8xf32>
    %select_n3A = arith.select %eq3A, %broadcast_in_dim3A, %broadcast_in_dim3A_8 : vector<128x8xi1>, vector<128x8xf32>
    %dot_general3A = arith.constant dense<0.000000e+00> : vector<250x8xf32>
    %dot_general3A_9 = tpu.matmul %get3A_2, %select_n3A, %dot_general3A {dimension_numbers = #tpu.dot_dimension_numbers<[1], [0], [0], [1], [0, 0, 1, 1], [], []>, precision = #tpu.contract_precision<fp32>, transpose_lhs_hint = false} : vector<250x128xf32>, vector<128x8xf32>, vector<250x8xf32> -> vector<250x8xf32>
    %get3A_10 = arith.constant 0 : index
    %get3A_11 = arith.constant 0 : index
    %get3A_12 = arith.constant 0 : index
    %get3A_13 = vector.load %arg1[%get3A_10, %get3A_11, %get3A_12] : memref<2x2000x128xf32, #tpu.memory_space<vmem>>, vector<1x2000x128xf32>
    %get3A_14 = vector.shape_cast %get3A_13 : vector<1x2000x128xf32> to vector<2000x128xf32>
    %get3A_15 = arith.constant 1 : index
    %get3A_16 = arith.constant 0 : index
    %get3A_17 = arith.constant 0 : index
    %get3A_18 = vector.load %arg1[%get3A_15, %get3A_16, %get3A_17] : memref<2x2000x128xf32, #tpu.memory_space<vmem>>, vector<1x2000x128xf32>
    %get3A_19 = vector.shape_cast %get3A_18 : vector<1x2000x128xf32> to vector<2000x128xf32>
    %add3A = arith.addf %get3A_14, %get3A_19 : vector<2000x128xf32>
    %get3A_20 = arith.constant 0 : index
    %get3A_21 = arith.constant 0 : index
    %get3A_22 = vector.load %arg2[%get3A_20, %get3A_21] : memref<2000x128xf32, #tpu.memory_space<vmem>>, vector<2000x128xf32>
    %add3A_23 = arith.addf %add3A, %get3A_22 : vector<2000x128xf32>
    %reshape3A = vector.shape_cast %add3A_23 : vector<2000x128xf32> to vector<250x8x128xf32>
    %broadcast_in_dim3A_24 = vector.shape_cast %dot_general3A_9 : vector<250x8xf32> to vector<250x8x1xf32>
    %mul3A_25 = vector.broadcast %broadcast_in_dim3A_24 : vector<250x8x1xf32> to vector<250x8x128xf32>
    %mul3A_26 = arith.mulf %mul3A_25, %reshape3A : vector<250x8x128xf32>
    %reshape3A_27 = vector.shape_cast %mul3A_26 : vector<250x8x128xf32> to vector<2000x128xf32>
    %get3A_28 = arith.constant 0 : index
    %get3A_29 = arith.constant 0 : index
    %get3A_30 = vector.load %arg4[%get3A_28, %get3A_29] : memref<1x128xf32, #tpu.memory_space<vmem>>, vector<1x128xf32>
    %add3A_31 = vector.broadcast %get3A_30 : vector<1x128xf32> to vector<2000x128xf32>
    %add3A_32 = arith.addf %reshape3A_27, %add3A_31 : vector<2000x128xf32>
    %max3A = arith.constant 0.000000e+00 : f32
    %max3A_33 = vector.broadcast %max3A : f32 to vector<2000x128xf32>
    %max3A_34 = arith.maximumf %add3A_32, %max3A_33 : vector<2000x128xf32>
    %get3A_35 = arith.constant 0 : index
    %get3A_36 = arith.constant 0 : index
    %get3A_37 = vector.load %arg5[%get3A_35, %get3A_36] : memref<128x64xf32, #tpu.memory_space<vmem>>, vector<128x64xf32>
    %dot_general3A_38 = arith.constant dense<0.000000e+00> : vector<2000x64xf32>
    %dot_general3A_39 = tpu.matmul %max3A_34, %get3A_37, %dot_general3A_38 {dimension_numbers = #tpu.dot_dimension_numbers<[1], [0], [0], [1], [0, 0, 1, 1], [], []>, transpose_lhs_hint = false} : vector<2000x128xf32>, vector<128x64xf32>, vector<2000x64xf32> -> vector<2000x64xf32>
    %reshape3A_40 = vector.shape_cast %dot_general3A_39 : vector<2000x64xf32> to vector<250x8x64xf32>
    %broadcast_in_dim3A_41 = vector.shape_cast %dot_general3A_9 : vector<250x8xf32> to vector<250x8x1xf32>
    %mul3A_42 = vector.broadcast %broadcast_in_dim3A_41 : vector<250x8x1xf32> to vector<250x8x64xf32>
    %mul3A_43 = arith.mulf %mul3A_42, %reshape3A_40 : vector<250x8x64xf32>
    %reshape3A_44 = vector.shape_cast %mul3A_43 : vector<250x8x64xf32> to vector<2000x64xf32>
    %swap3A = arith.constant 0 : index
    %swap3A_45 = arith.constant 0 : index
    %swap3A_46 = vector.load %arg6[%swap3A, %swap3A_45] : memref<2000x64xf32, #tpu.memory_space<vmem>>, vector<2000x64xf32>
    tpu.vector_store %arg6[%swap3A, %swap3A_45], %reshape3A_44 {strides = array<i32>} : memref<2000x64xf32, #tpu.memory_space<vmem>>, vector<2000x64xf32>,
    return
  }
  func.func @transform_0(%arg0: i32) -> (i32, i32, i32) {
    %c0_i32 = arith.constant 0 : i32
    %c0_i32_0 = arith.constant 0 : i32
    %c0_i32_1 = arith.constant 0 : i32
    return %c0_i32, %arg0, %c0_i32_0 : i32, i32, i32
  }
  func.func @transform_1(%arg0: i32) -> (i32, i32) {
    %c0_i32 = arith.constant 0 : i32
    %c0_i32_0 = arith.constant 0 : i32
    return %arg0, %c0_i32 : i32, i32
  }
  func.func @transform_2(%arg0: i32) -> (i32, i32) {
    %c0_i32 = arith.constant 0 : i32
    %c0_i32_0 = arith.constant 0 : i32
    %c0_i32_1 = arith.constant 0 : i32
    return %c0_i32, %c0_i32_0 : i32, i32
  }
  func.func @transform_3(%arg0: i32) -> (i32, i32) {
    %c0_i32 = arith.constant 0 : i32
    %c0_i32_0 = arith.constant 0 : i32
    %c0_i32_1 = arith.constant 0 : i32
    return %c0_i32, %c0_i32_0 : i32, i32
  }
  func.func @transform_4(%arg0: i32) -> (i32, i32) {
    %c0_i32 = arith.constant 0 : i32
    %c0_i32_0 = arith.constant 0 : i32
    %c0_i32_1 = arith.constant 0 : i32
    return %c0_i32, %c0_i32_0 : i32, i32
  }
  func.func @transform_5(%arg0: i32) -> (i32, i32) {
    %c0_i32 = arith.constant 0 : i32
    %c0_i32_0 = arith.constant 0 : i32
    return %arg0, %c0_i32 : i32, i32
  }
}

module attributes {stable_mosaic.version = 14 : i64} {
  func.func @_tc3_body(%arg0: i32, %arg1: memref<2x2000x64xf32, #tpu.memory_space<vmem>>, %arg2: memref<2000x64xf32, #tpu.memory_space<vmem>>, %arg3: memref<1250x128xf32, #tpu.memory_space<vmem>>, %arg4: memref<1x64xf32, #tpu.memory_space<vmem>>, %arg5: memref<2000x64xf32, #tpu.memory_space<vmem>>) attributes {dimension_semantics = [#tpu.dimension_semantics<arbitrary>], iteration_bounds = array<i64: 5>, scalar_prefetch = 0 : i64, scratch_operands = 0 : i64, tpu.core_type = #tpu.core_type<tc>, window_params = [{transform_indices = @transform_0, window_bounds = array<i64: 2, 2000, 64>}, {transform_indices = @transform_1, window_bounds = array<i64: 2000, 64>}, {pipeline_mode = #tpu.pipeline_mode<synchronous>, transform_indices = @transform_2, window_bounds = array<i64: 1250, 128>}, {pipeline_mode = #tpu.pipeline_mode<synchronous>, transform_indices = @transform_3, window_bounds = array<i64: 1, 64>}, {transform_indices = @transform_4, window_bounds = array<i64: 2000, 64>}]} {
    %mul3A = arith.constant 250 : i32
    %mul3A_0 = arith.muli %arg0, %mul3A : i32
    %get3A = arith.index_cast %mul3A_0 : i32 to index
    %get3A_1 = arith.constant 0 : index
    %get3A_2 = vector.load %arg3[%get3A, %get3A_1] : memref<1250x128xf32, #tpu.memory_space<vmem>>, vector<250x128xf32>
    %iota3A = tpu.iota {dimensions = array<i32: 0>} : vector<128x8xi32>
    %iota3A_3 = tpu.iota {dimensions = array<i32: 1>} : vector<128x8xi32>
    %mul3A_4 = arith.constant 16 : i32
    %mul3A_5 = vector.broadcast %mul3A_4 : i32 to vector<128x8xi32>
    %mul3A_6 = arith.muli %mul3A_5, %iota3A_3 : vector<128x8xi32>
    %eq3A = arith.cmpi eq, %iota3A, %mul3A_6 : vector<128x8xi32>
    %jit3A = arith.constant 1.000000e+00 : f32
    %jit3A_7 = arith.constant 0.000000e+00 : f32
    %broadcast_in_dim3A = vector.broadcast %jit3A : f32 to vector<128x8xf32>
    %broadcast_in_dim3A_8 = vector.broadcast %jit3A_7 : f32 to vector<128x8xf32>
    %select_n3A = arith.select %eq3A, %broadcast_in_dim3A, %broadcast_in_dim3A_8 : vector<128x8xi1>, vector<128x8xf32>
    %dot_general3A = arith.constant dense<0.000000e+00> : vector<250x8xf32>
    %dot_general3A_9 = tpu.matmul %get3A_2, %select_n3A, %dot_general3A {dimension_numbers = #tpu.dot_dimension_numbers<[1], [0], [0], [1], [0, 0, 1, 1], [], []>, precision = #tpu.contract_precision<fp32>, transpose_lhs_hint = false} : vector<250x128xf32>, vector<128x8xf32>, vector<250x8xf32> -> vector<250x8xf32>
    %get3A_10 = arith.constant 0 : index
    %get3A_11 = arith.constant 0 : index
    %get3A_12 = arith.constant 0 : index
    %get3A_13 = vector.load %arg1[%get3A_10, %get3A_11, %get3A_12] : memref<2x2000x64xf32, #tpu.memory_space<vmem>>, vector<1x2000x64xf32>
    %get3A_14 = vector.shape_cast %get3A_13 : vector<1x2000x64xf32> to vector<2000x64xf32>
    %get3A_15 = arith.constant 1 : index
    %get3A_16 = arith.constant 0 : index
    %get3A_17 = arith.constant 0 : index
    %get3A_18 = vector.load %arg1[%get3A_15, %get3A_16, %get3A_17] : memref<2x2000x64xf32, #tpu.memory_space<vmem>>, vector<1x2000x64xf32>
    %get3A_19 = vector.shape_cast %get3A_18 : vector<1x2000x64xf32> to vector<2000x64xf32>
    %add3A = arith.addf %get3A_14, %get3A_19 : vector<2000x64xf32>
    %get3A_20 = arith.constant 0 : index
    %get3A_21 = arith.constant 0 : index
    %get3A_22 = vector.load %arg2[%get3A_20, %get3A_21] : memref<2000x64xf32, #tpu.memory_space<vmem>>, vector<2000x64xf32>
    %add3A_23 = arith.addf %add3A, %get3A_22 : vector<2000x64xf32>
    %reshape3A = vector.shape_cast %add3A_23 : vector<2000x64xf32> to vector<250x8x64xf32>
    %broadcast_in_dim3A_24 = vector.shape_cast %dot_general3A_9 : vector<250x8xf32> to vector<250x8x1xf32>
    %mul3A_25 = vector.broadcast %broadcast_in_dim3A_24 : vector<250x8x1xf32> to vector<250x8x64xf32>
    %mul3A_26 = arith.mulf %mul3A_25, %reshape3A : vector<250x8x64xf32>
    %reshape3A_27 = vector.shape_cast %mul3A_26 : vector<250x8x64xf32> to vector<2000x64xf32>
    %get3A_28 = arith.constant 0 : index
    %get3A_29 = arith.constant 0 : index
    %get3A_30 = vector.load %arg4[%get3A_28, %get3A_29] : memref<1x64xf32, #tpu.memory_space<vmem>>, vector<1x64xf32>
    %add3A_31 = vector.broadcast %get3A_30 : vector<1x64xf32> to vector<2000x64xf32>
    %add3A_32 = arith.addf %reshape3A_27, %add3A_31 : vector<2000x64xf32>
    %reduce_max3A = arith.constant dense<0xFF800000> : vector<2000xf32>
    %reduce_max3A_33 = vector.multi_reduction <maximumf>, %add3A_32, %reduce_max3A [1] : vector<2000x64xf32> to vector<2000xf32>
    %broadcast_in_dim3A_34 = vector.shape_cast %reduce_max3A_33 : vector<2000xf32> to vector<2000x1xf32>
    %sub3A = vector.broadcast %broadcast_in_dim3A_34 : vector<2000x1xf32> to vector<2000x64xf32>
    %sub3A_35 = arith.subf %add3A_32, %sub3A : vector<2000x64xf32>
    %exp3A = math.exp %sub3A_35 : vector<2000x64xf32>
    %reduce_sum3A = arith.constant dense<0.000000e+00> : vector<2000xf32>
    %reduce_sum3A_36 = vector.multi_reduction <add>, %exp3A, %reduce_sum3A [1] : vector<2000x64xf32> to vector<2000xf32>
    %broadcast_in_dim3A_37 = vector.shape_cast %reduce_sum3A_36 : vector<2000xf32> to vector<2000x1xf32>
    %log3A = math.log %broadcast_in_dim3A_37 : vector<2000x1xf32>
    %sub3A_38 = vector.broadcast %log3A : vector<2000x1xf32> to vector<2000x64xf32>
    %sub3A_39 = arith.subf %sub3A_35, %sub3A_38 : vector<2000x64xf32>
    %swap3A = arith.constant 0 : index
    %swap3A_40 = arith.constant 0 : index
    %swap3A_41 = vector.load %arg5[%swap3A, %swap3A_40] : memref<2000x64xf32, #tpu.memory_space<vmem>>, vector<2000x64xf32>
    tpu.vector_store %arg5[%swap3A, %swap3A_40], %sub3A_39 {strides = array<i32>} : memref<2000x64xf32, #tpu.memory_space<vmem>>, vector<2000x64xf32>,
    return
  }
  func.func @transform_0(%arg0: i32) -> (i32, i32, i32) {
    %c0_i32 = arith.constant 0 : i32
    %c0_i32_0 = arith.constant 0 : i32
    %c0_i32_1 = arith.constant 0 : i32
    return %c0_i32, %arg0, %c0_i32_0 : i32, i32, i32
  }
  func.func @transform_1(%arg0: i32) -> (i32, i32) {
    %c0_i32 = arith.constant 0 : i32
    %c0_i32_0 = arith.constant 0 : i32
    return %arg0, %c0_i32 : i32, i32
  }
  func.func @transform_2(%arg0: i32) -> (i32, i32) {
    %c0_i32 = arith.constant 0 : i32
    %c0_i32_0 = arith.constant 0 : i32
    %c0_i32_1 = arith.constant 0 : i32
    return %c0_i32, %c0_i32_0 : i32, i32
  }
  func.func @transform_3(%arg0: i32) -> (i32, i32) {
    %c0_i32 = arith.constant 0 : i32
    %c0_i32_0 = arith.constant 0 : i32
    %c0_i32_1 = arith.constant 0 : i32
    return %c0_i32, %c0_i32_0 : i32, i32
  }
  func.func @transform_4(%arg0: i32) -> (i32, i32) {
    %c0_i32 = arith.constant 0 : i32
    %c0_i32_0 = arith.constant 0 : i32
    return %arg0, %c0_i32 : i32, i32
  }
}

</mosaic_0001>

<sc_bundles>
// kernel: kernel.11.cloned.1.call-start
scs
__scs_entry_jumppad:
0x0: {  	(pc) =	sbr.rel $0x88, $3  }
0x1: {  	(tag) =	ssettag $0x0;
	lr =	simm.s32 $0x1  }
0x2: {  	[smem:$0x3F9B] =	sst lr;
	_ =	strace $0xD0000000  }
0x3: {  	_ = 	snop  }
0x4: {  	_ = 	snop  }
0x5: {  	_ = 	snop  }
0x6: {  	_ = 	snop  }
0x7: {  	_ = 	snop  }
__scs_overlays_trampoline_lowered:
0x8: {  	[smem:$0x3FAA] =	sst s0  }
0x9: {  	[smem:$0x3FAB] =	sst s1  }
0xa: {  	[smem:$0x3FAC] =	sst s2  }
0xb: {  	[smem:$0x3FAD] =	sst s3  }
0xc: {  	[smem:$0x3FAE] =	sst s4  }
0xd: {  	[smem:$0x3FAF] =	sst s5  }
0xe: {  	[smem:$0x3FB0] =	sst s6  }
0xf: {  	[smem:$0x3FB1] =	sst s7  }
0x10: {  	[smem:$0x3FB2] =	sst s8  }
0x11: {  	[smem:$0x3FB3] =	sst s9;
	s0 =	simm.s32 @!p0 $0x0  }
0x12: {  	s1 =	sld [smem:$0x3F99];
	s0 =	simm.s32 @p0 $0x1  }
0x13: {  	[smem:$0x3FB4] =	sst s0;
	s0 =	simm.s32 @!p1 $0x0  }
0x14: {  	s2 =	sld [smem:$0x3F98];
	s0 =	simm.s32 @p1 $0x1  }
0x15: {  	[smem:$0x3FB5] =	sst s0;
	s0 =	simm.s32 @!p2 $0x0  }
0x16: {  	s3 =	sld [smem:$0x3FDB];
	s0 =	simm.s32 @p2 $0x1  }
0x17: {  	s4 =	simm.s32 $0x1BF5;
	[smem:$0x3FB7] =	sst s0  }
0x18: {  	s0 =	sld [smem:$0x3F9A];
	_ =	swait.ge [sflag:s4], $0x0  }
0x19: {  	s7 =	sld [smem:$0x3F9B]  }
0x1a: {  	s8 =	sadd.s32 $0xFFFFE003, lr  }
0x1b: {  	s9 =	sadd.s32 $0xFFFFFEF7, lr;
	s5 =	simm.s32 $0xFFFFFFFF;
	p2 =	slt.u32 s8, $0xFFFFF086  }
0x1c: {  	p1 =	slt.u32 s9, $0xF7A;
	s5 =	simm.s32 @!p2 $0x0  }
0x1d: {  	s5 =	simm.s32 @p1 $0x1;
	p0 =	seq.s32 s7, s2  }
0x1e: {  	s7 =	smul.u32 @!p0 $0xF7A, s2;
	p2 =	seq.s32 @!p0 s5, $0x0  }
0x1f: {  	s9 =	smul.u32 $0xF7A, s1;
	s8 =	simm.s32 @!p0 $0x1BF5;
	p2 =	por !p2, p0  }
0x20: {  	[sflag:s8] =	ssyncset.s32 @!p0 $0xFFFFF086;
	s6 =	sadd.s32 @!p0 s3, s7;
	s7 =	simm.s32 @!p0 $0x108  }
0x21: {  	s3 =	sadd.s32 s3, s9;
	s6 =	sadd.s32 @!p0 $0x88, s6;
	s7 =	simm.s32 @p2 $0x1082  }
0x22: {  	[simem:s7], [sflag:s8] =	dma.local @!p0 [hbm:s6], $0xF7A  }
0x23: {  	s9 =	sor.u32 $0xD0000000, s2;
	s6 =	simm.s32 $0x108;
	_ =	swait.ge @!p0 [sflag:s8], $0x0  }
0x24: {  	s3 =	sadd.s32 $0x88, s3;
	s6 =	simm.s32 @!p1 $0x1082;
	[sflag:s4] =	ssyncset.s32 $0xFFFFF086  }
0x25: {  	[simem:s6], [sflag:s4] =	dma.local [hbm:s3], $0xF7A  }
0x26: {  	[smem:$0x3F9B] =	sst s1;
	(tag) =	ssettag s2;
	_ =	strace s9  }
0x27: {  	s1 =	sld [smem:$0x3FAB]  }
0x28: {  	s2 =	sld [smem:$0x3FAC]  }
0x29: {  	s4 =	sld [smem:$0x3FAE]  }
0x2a: {  	p0 =	seq.s32 s5, $0x0;
	s5 =	sld [smem:$0x3FAF]  }
0x2b: {  	s6 =	sld [smem:$0x3FB0]  }
0x2c: {  	s7 =	sld [smem:$0x3FB1]  }
0x2d: {  	s3 =	simm.s32 $0x108;
	s8 =	sld [smem:$0x3FB2]  }
0x2e: {  	s3 =	simm.s32 @!p0 $0x1082;
	s9 =	sld [smem:$0x3FB3]  }
0x2f: {  	lr =	sadd.s32 s0, s3;
	s0 =	sld [smem:$0x3FAA]  }
0x30: {  	s3 =	sld [smem:$0x3FAD]  }
0x31: {  	[smem:$0x3FB6] =	sst s10  }
0x32: {  	s10 =	sld [smem:$0x3FB4];
	_ =	sdelay $0x3  }
0x33: {  	p0 =	seq.s32 s10, $0x1;
	s10 =	sld [smem:$0x3FB6];
	_ =	sdelay $0x3  }
0x34: {  	[smem:$0x3FB6] =	sst s10  }
0x35: {  	s10 =	sld [smem:$0x3FB5];
	_ =	sdelay $0x3  }
0x36: {  	p1 =	seq.s32 s10, $0x1;
	s10 =	sld [smem:$0x3FB6];
	_ =	sdelay $0x3  }
0x37: {  	[smem:$0x3FB6] =	sst s10  }
0x38: {  	s10 =	sld [smem:$0x3FB7]  }
0x39: {  	_ = 	snop;
	(pc) =	sbr.ind lr, $3  }
0x3a: {  	_ = 	snop  }
0x3b: {  	_ = 	snop  }
0x3c: {  	p2 =	seq.s32 s10, $0x1;
	s10 =	sld [smem:$0x3FB6]  }
0x3d: {  	_ =	shalt  }
0x3e: {  	_ =	shalt  }
0x3f: {  	_ =	shalt  }
0x40: {  	_ =	shalt  }
0x41: {  	_ =	shalt  }
0x42: {  	_ =	shalt  }
0x43: {  	_ =	shalt  }
0x44: {  	_ =	shalt  }
0x45: {  	_ =	shalt  }
0x46: {  	_ =	shalt  }
0x47: {  	_ =	shalt  }
0x48: {  	_ =	shalt  }
0x49: {  	_ =	shalt  }
0x4a: {  	_ =	shalt  }
0x4b: {  	_ =	shalt  }
0x4c: {  	_ =	shalt  }
0x4d: {  	_ =	shalt  }
0x4e: {  	_ =	shalt  }
0x4f: {  	_ =	shalt  }
0x50: {  	_ =	shalt  }
0x51: {  	_ =	shalt  }
0x52: {  	_ =	shalt  }
0x53: {  	_ =	shalt  }
0x54: {  	_ =	shalt  }
0x55: {  	_ =	shalt  }
0x56: {  	_ =	shalt  }
0x57: {  	_ =	shalt  }
0x58: {  	_ =	shalt  }
0x59: {  	_ =	shalt  }
0x5a: {  	_ =	shalt  }
0x5b: {  	_ =	shalt  }
0x5c: {  	_ =	shalt  }
0x5d: {  	_ =	shalt  }
0x5e: {  	_ =	shalt  }
0x5f: {  	_ =	shalt  }
0x60: {  	_ =	shalt  }
0x61: {  	_ =	shalt  }
0x62: {  	_ =	shalt  }
0x63: {  	_ =	shalt  }
0x64: {  	_ =	shalt  }
0x65: {  	_ =	shalt  }
0x66: {  	_ =	shalt  }
0x67: {  	_ =	shalt  }
0x68: {  	_ =	shalt  }
0x69: {  	_ =	shalt  }
0x6a: {  	_ =	shalt  }
0x6b: {  	_ =	shalt  }
0x6c: {  	_ =	shalt  }
0x6d: {  	_ =	shalt  }
0x6e: {  	_ =	shalt  }
0x6f: {  	_ =	shalt  }
0x70: {  	_ =	shalt  }
0x71: {  	_ =	shalt  }
0x72: {  	_ =	shalt  }
0x73: {  	_ =	shalt  }
0x74: {  	_ =	shalt  }
0x75: {  	_ =	shalt  }
0x76: {  	_ =	shalt  }
0x77: {  	_ =	shalt  }
0x78: {  	_ =	shalt  }
0x79: {  	_ =	shalt  }
0x7a: {  	_ =	shalt  }
0x7b: {  	_ =	shalt  }
0x7c: {  	_ =	shalt  }
0x7d: {  	_ =	shalt  }
0x7e: {  	_ =	shalt  }
0x7f: {  	_ =	shalt  }
0x80: {  	_ =	shalt  }
0x81: {  	_ =	shalt  }
0x82: {  	_ =	shalt  }
0x83: {  	_ =	shalt  }
0x84: {  	_ =	shalt  }
0x85: {  	_ =	shalt  }
0x86: {  	_ =	shalt  }
0x87: {  	_ =	shalt  }
.Lfunc_end0:
.L_simem_size_0:
called_computation.1_lowered:
.L_overlay_start_0:
0x88: {  	s2 =	sld [smem:$0x3FD9]  }
0x89: {  	s3 =	sld [smem:$0x3FFE];
	_ =	sdelay $0x1  }
0x8a: {  	s1 =	srdreg.scid  }
0x8b: {  	s0 =	sand.u32 $0x1, s1  }
0x8c: {  	s17 =	sshll.u32 s0, $0xA;
	s2 =	sadd.s32 s3, s2  }
0x8d: {  	s2 =	sadd.s32 s2, s17  }
0x8e: {  	[smem:$0x3FC2] =	sst s2  }
0x8f: {  	_ = 	snop  }
0x90: {  	s2 =	sld [smem:$0x3FD0];
	(tm) =	ssettm $0x1  }
0x91: {  	s18 =	sld [smem:$0x3FFB];
	_ =	sdelay $0x3  }
0x92: {  	_ =	strace s18  }
0x93: {  	s3 =	sld [smem:$0x3FFC];
	_ =	sdelay $0x3  }
0x94: {  	_ =	strace s3  }
0x95: {  	s3 =	sld [smem:$0x3FFD];
	_ =	sdelay $0x3  }
0x96: {  	_ =	strace s3  }
0x97: {  	_ =	strace $0x8FFFFFFF  }
0x98: {  	s19 =	sld [smem:$0x3FDB];
	_ =	sdelay $0x1  }
0x99: {  	s4 =	simm.s32 $_scs_section_size  }
0x9a: {  	s5 =	simm.s32 $_size__tile_overlayer_lowered;
	s6 =	simm.s32 $_tile_overlayer_lowered  }
0x9b: {  	s22 =	simm.s32 $0x1BFF;
	s21 =	sshll.u32 s6, $0x1;
	s3 =	sadd.s32 s4, s19  }
0x9c: {  	s7 =	simm.s32 $0x0;
	s20 =	sshll.u32 s5, $0x1;
	s5 =	sadd.s32 s21, s3  }
0x9d: {  	[timem:s7], [sflag:s22] =	dma.local [hbm:s5], s20  }
0x9e: {  	_ =	swait.ge [sflag:s22], s20  }
0x9f: {  	s4 =	ssub.s32 $0x0, s20;
	[sflag:s22] =	ssyncset.done $0x0  }
0xa0: {  	[sflag:s22] =	ssyncadd.s32 s4;
	_ =	sdelay $0x1  }
0xa1: {  	s23 =	simm.s32 $0x1B8B  }
0xa2: {  	_ =	swait.ge [sflag:s23], $0x1  }
0xa3: {  	[sflag:s23] =	ssyncset.done $0x0  }
0xa4: {  	s25 =	simm.s32 $0x1B8E;
	s24 =	sld [smem:$0x3FFE];
	[sflag:s23] =	ssyncadd.s32 $0xFFFFFFFF  }
0xa5: {  	s26 =	simm.s32 $execute0_lowered;
	[smem:$0x3FD2] =	sst s25  }
0xa6: {  	s5 =	sshll.u32 s26, $0x1;
	_ =	strace $0x80000049;
	[dreg:$0x1] =	wrdreg $0xFFFFFFFF  }
0xa7: {  	s28 =	simm.s32 $_size_execute0_lowered;
	s3 =	sadd.s32 s3, s5;
	[dreg:$0x0] =	wrdreg $0x0  }
0xa8: {  	s5 =	sshll.u32 s28, $0x1;
	[dreg:$0x2] =	wrdreg s3  }
0xa9: {  	[dreg:$0x3] =	wrdreg s5  }
0xaa: {  	[dreg:$0x4] =	wrdreg $0xC0  }
0xab: {  	_ =	task [dreg:s7], $0x5FFFF  }
0xac: {  	[dreg:$0x1] =	wrdreg $0xFFFFFFFF  }
0xad: {  	[dreg:$0x0] =	wrdreg $0x60  }
0xae: {  	[dreg:$0x2] =	wrdreg s24  }
0xaf: {  	[dreg:$0x3] =	wrdreg s2  }
0xb0: {  	[dreg:$0x4] =	wrdreg $0x8C000  }
0xb1: {  	[dreg:$0x5] =	wrdreg $0x9  }
0xb2: {  	_ =	task.clear_ibuf [dreg:s7], $0x6FFFF;
	_ =	strace $0x90000049  }
0xb3: {  	s29 =	simm.s32 $0x9;
	_ =	strace $0x8000004B  }
0xb4: {  	_ =	swait.ge [sflag:s29], $0x1  }
0xb5: {  	[sflag:s29] =	ssyncadd.s32 $0xFFFFFFFF  }
0xb6: {  	_ =	strace $0x9000004B  }
0xb7: {  	_ =	sfence  }
0xb8: {  	s30 =	sld [smem:$0x0];
	_ =	sdelay $0x2  }
0xb9: {  	s31 =	sshll.u32 s1, $0xD;
	s1 =	sshrl.u32 s1, $0x2  }
0xba: {  	s3 =	sand.u32 $0x4000, s31;
	s1 =	sadd.s32 s1, s30  }
0xbb: {  	s0 =	sor.u32 s3, s0;
	s1 =	sshll.u32 s1, $0x11  }
0xbc: {  	s0 =	sor.u32 s1, s0  }
0xbd: {  	s0 =	sadd.s32 $0x8F2B, s0  }
0xbe: {  	[sflag:s0] =	ssyncadd.remote.s32 $0x1  }
0xbf: {  	_ =	sfence.sel $0xFFFF  }
0xc0: {  	[dreg:$0x0] =	wrdreg $0xFFFFFFFF;
	(pc) =	sbr.abs _section_cstart, $3  }
0xc1: {  	[dreg:$0x1] =	wrdreg $0xFFFFFFFF  }
0xc2: {  	_ =	task.clear_ibuf [dreg:s7], $0x2FFFF;
	_ =	strace $0x9FFFFFFF  }
0xc3: {  	(tm) =	ssettm $0x7FFFFFFF  }
tec
execute0_lowered:
.L_overlay_start_1:
0x0: {  	(tag) =	ssettag $0x1  }
0x1: {  	s0 =	rddreg [dreg:$0x0]  }
0x2: {  	s1 =	srdreg.scid;
	s6 =	rddreg [dreg:$0x1]  }
0x3: {  	s13 =	stileid.u32;
	s2 =	rddreg [dreg:$0x2]  }
0x4: {  	s14 =	simm.s32 $0x380;
	s16 =	simm.s32 $0x400;
	s18 =	simm.s32 $0x980  }
0x5: {  	s28 =	simm.s32 $0x1;
	s29 =	simm.s32 $0x3;
	s30 =	simm.s32 $0x100  }
0x6: {  	s31 =	simm.s32 $0x2;
	s1 =	sand.u32 $0x1, s1;
	s9 =	smul.u32 $0x13800, s13  }
0x7: {  	s3 =	sshll.u32 s13, $0x1;
	s4 =	sadd.s32 $0x2400, s0;
	s10 =	smul.u32 $0x4E000, s13  }
0x8: {  	s11 =	smul.u32 $0x9C, s13;
	s25 =	sadd.s32 $0x138000, s2;
	p0 =	sne.s32 s13, $0xF  }
0x9: {  	p1 =	sgt.u32 s13, $0x1;
	s5 =	smul.u32 $0x27100, s1;
	s7 =	sor.u32 s1, s3  }
0xa: {  	s3 =	simm.s32 $0x0;
	s20 =	ssub.s32 $0x2, s1;
	s1 =	smul.u32 $0x4E, s1  }
0xb: {  	s13 =	simm.s32 $0x780;
	s8 =	smul.u32 $0x4E, s7;
	[smem:$0x7FF] =	sst s3  }
0xc: {  	s12 =	sshrl.u32 s20, $0x1;
	_ =	strace $0x8000004A;
	[dreg:$0x15] =	wrdreg s25  }
0xd: {  	s7 =	smin.u32 s7, $0x4;
	s10 =	sshrl.u32 s10, $0x2;
	[dreg:$0x8] =	wrdreg s14  }
0xe: {  	s15 =	sadd.s32 s9, s2;
	s19 =	sshrl.u32 s9, $0x3;
	[dreg:$0x9] =	wrdreg s16  }
0xf: {  	s9 =	simm.s32 $0x200;
	s0 =	sadd.s32 s5, s0;
	[dreg:$0xa] =	wrdreg s18  }
0x10: {  	s1 =	sadd.s32 s1, s11;
	s11 =	sadd.s32 $0x9C40, s6;
	[dreg:$0x10] =	wrdreg s15  }
0x11: {  	s12 =	ssub.s32 s20, s12;
	s20 =	simm.s32 $0x480;
	[dreg:$0x1a] =	wrdreg s11  }
0x12: {  	s10 =	sadd.s32 s10, s2;
	s25 =	simm.s32 $0x580;
	[dreg:$0xb] =	wrdreg s20  }
0x13: {  	s14 =	simm.s32 $0xB00;
	s21 =	sadd.s32 $0x4000, s10;
	[dreg:$0xf] =	wrdreg s25  }
0x14: {  	s16 =	simm.s32 $0xB80;
	s22 =	sadd.s32 $0x8000, s10;
	[dreg:$0x11] =	wrdreg s21  }
0x15: {  	s18 =	simm.s32 $0x0;
	s23 =	sadd.s32 $0xC000, s10;
	[dreg:$0x12] =	wrdreg s22  }
0x16: {  	s8 =	sadd.s32 s7, s8;
	s24 =	sadd.s32 $0x10000, s10;
	[dreg:$0x13] =	wrdreg s23  }
0x17: {  	s1 =	sadd.s32 s7, s1;
	s17 =	sadd.s32 $0x29600, s0;
	[dreg:$0x14] =	wrdreg s24  }
0x18: {  	s20 =	simm.s32 $0xC00;
	s26 =	sshll.u32 s8, $0x4;
	[dreg:$0x1d] =	wrdreg s17  }
0x19: {  	s0 =	simm.s32 $0x180;
	s21 =	smax.u32 s12, $0x1;
	[dreg:$0x16] =	wrdreg s26  }
0x1a: {  	s1 =	sshll.u32 s1, $0x4;
	s22 =	simm.s32 $0xA00;
	[dreg:$0x1e] =	wrdreg s21  }
0x1b: {  	s23 =	simm.s32 $0x500;
	s24 =	simm.s32 $0xA80;
	[dreg:$0xc] =	wrdreg s22  }
0x1c: {  	s12 =	simm.s32 $0x880;
	s10 =	sadd.s32 $0xC0, s1;
	[dreg:$0xd] =	wrdreg s23  }
0x1d: {  	s8 =	sadd.s32 s6, s26;
	s1 =	sadd.s32 $0x60, s1;
	[dreg:$0xe] =	wrdreg s24  }
0x1e: {  	s5 =	sadd.s32 $0x4E0, s26;
	s21 =	simm.s32 $0x5;
	[dreg:$0x18] =	wrdreg s8  }
0x1f: {  	s22 =	simm.s32 $0x600;
	s23 =	simm.s32 $0x80;
	[dreg:$0x17] =	wrdreg s10  }
0x20: {  	s24 =	simm.s32 $0x4C00;
	s26 =	sadd.s32 s19, s17;
	[dreg:$0x19] =	wrdreg s1  }
0x21: {  	s17 =	simm.s32 $0x280;
	s19 =	simm.s32 $0x800;
	[dreg:$0x1b] =	wrdreg s5  }
0x22: {  	s7 =	sadd.s32 s6, s10;
	s1 =	sadd.s32 s1, s6;
	[dreg:$0x1f] =	wrdreg s26  }
0x23: {  	s5 =	sadd.s32 s6, s5;
	s26 =	simm.s32 $0x4;
	[dreg:$0x4] =	wrdreg s7  }
0x24: {  	s6 =	simm.s32 $0x700;
	s8 =	simm.s32 $0x900;
	[dreg:$0x5] =	wrdreg s1  }
0x25: {  	v0 =	vimm.f32 $0.0e+00;
	[dreg:$0x1c] =	wrdreg s5;
	s1 =	simm.s32 $0x680;
	s7 =	simm.s32 $0x300  }
.LBB2_1:
0x26: {  	s11 =	simm.s32 $0x0;
	s25 =	simm.s32 $0x200  }
.LBB2_2:
0x27: {  	p2 =	sne.s32 s25, $0xFE00;
	[tilespmem:s11+$0xC70] =	vst v0  }
0x28: {  	[tilespmem:s11+$0xC00] =	vst v0  }
0x29: {  	[tilespmem:s11+$0xC10] =	vst v0  }
.Ltmp0:
0x2a: {  	[tilespmem:s11+$0xC20] =	vst v0;
	(pc) =	sbr.rel @p2 .LBB2_2-.Ltmp0, $4  }
0x2b: {  	[tilespmem:s11+$0xC30] =	vst v0  }
0x2c: {  	[tilespmem:s11+$0xC40] =	vst v0  }
0x2d: {  	[tilespmem:s11+$0xC50] =	vst v0  }
0x2e: {  	[tilespmem:s11+$0xC60] =	vst v0;
	s11 =	sshra.s32 s25, $0x2;
	s25 =	sadd.s32 $0x200, s25  }
0x2f: {  	[tilespmem:s11+$0xC70] =	vst v0  }
0x30: {  	[tilespmem:s11+$0xC00] =	vst v0  }
0x31: {  	[tilespmem:s11+$0xC10] =	vst v0  }
0x32: {  	[tilespmem:s11+$0xC20] =	vst v0  }
0x33: {  	[tilespmem:s11+$0xC30] =	vst v0  }
0x34: {  	[tilespmem:s11+$0xC40] =	vst v0  }
0x35: {  	[tilespmem:s11+$0xC50] =	vst v0  }
0x36: {  	[tilespmem:s11+$0xC60] =	vst v0;
	s11 =	simm.s32 $0x0;
	s25 =	simm.s32 $0x200  }
.LBB2_4:
0x37: {  	p2 =	sne.s32 s25, $0xFE00;
	[tilespmem:s11+$0x4C70] =	vst v0  }
0x38: {  	[tilespmem:s11+$0x4C00] =	vst v0  }
0x39: {  	[tilespmem:s11+$0x4C10] =	vst v0  }
.Ltmp1:
0x3a: {  	[tilespmem:s11+$0x4C20] =	vst v0;
	(pc) =	sbr.rel @p2 .LBB2_4-.Ltmp1, $4  }
0x3b: {  	[tilespmem:s11+$0x4C30] =	vst v0  }
0x3c: {  	[tilespmem:s11+$0x4C40] =	vst v0  }
0x3d: {  	[tilespmem:s11+$0x4C50] =	vst v0  }
0x3e: {  	[tilespmem:s11+$0x4C60] =	vst v0;
	s11 =	sshra.s32 s25, $0x2;
	s25 =	sadd.s32 $0x200, s25  }
0x3f: {  	[tilespmem:s11+$0x4C70] =	vst v0  }
0x40: {  	[tilespmem:s11+$0x4C00] =	vst v0  }
0x41: {  	[tilespmem:s11+$0x4C10] =	vst v0  }
0x42: {  	[tilespmem:s11+$0x4C20] =	vst v0  }
0x43: {  	[tilespmem:s11+$0x4C30] =	vst v0  }
0x44: {  	[tilespmem:s11+$0x4C40] =	vst v0  }
0x45: {  	[tilespmem:s11+$0x4C50] =	vst v0  }
0x46: {  	[tilespmem:s11+$0x4C60] =	vst v0  }
0x47: {  	[spmem:s15] =	stream.linear.scatter [tilespmem:s20], [sflag:$0x5], $0x4000, $0x38;
	[tilespmem:$0x1C480] =	vst v63  }
0x48: {  	_ =	swait.ge [sflag:s21], $0x4000  }
0x49: {  	[sflag:s21] =	ssyncset.done $0x0  }
0x4a: {  	s5 =	rddreg [dreg:$0x11];
	[sflag:s21] =	ssyncadd.s32 $0xFFFFC000  }
0x4b: {  	[spmem:s5] =	stream.linear.scatter [tilespmem:s20], [sflag:$0x5], $0x4000, $0x38;
	[tilespmem:$0x1C480] =	vst v63  }
0x4c: {  	_ =	swait.ge [sflag:s21], $0x4000  }
0x4d: {  	[sflag:s21] =	ssyncset.done $0x0  }
0x4e: {  	s11 =	rddreg [dreg:$0x12];
	[sflag:s21] =	ssyncadd.s32 $0xFFFFC000  }
0x4f: {  	[spmem:s11] =	stream.linear.scatter [tilespmem:s20], [sflag:$0x5], $0x4000, $0x38;
	[tilespmem:$0x1C480] =	vst v63  }
0x50: {  	_ =	swait.ge [sflag:s21], $0x4000  }
0x51: {  	[sflag:s21] =	ssyncset.done $0x0  }
0x52: {  	s15 =	rddreg [dreg:$0x13];
	[sflag:s21] =	ssyncadd.s32 $0xFFFFC000  }
0x53: {  	[spmem:s15] =	stream.linear.scatter [tilespmem:s20], [sflag:$0x5], $0x4000, $0x38;
	[tilespmem:$0x1C480] =	vst v63  }
0x54: {  	_ =	swait.ge [sflag:s21], $0x4000  }
0x55: {  	[sflag:s21] =	ssyncset.done $0x0  }
0x56: {  	s25 =	rddreg [dreg:$0x14];
	[sflag:s21] =	ssyncadd.s32 $0xFFFFC000  }
0x57: {  	[spmem:s25] =	stream.linear.scatter [tilespmem:s20], [sflag:$0x5], $0x3800, $0x38;
	[tilespmem:$0x1C480] =	vst v63  }
0x58: {  	_ =	swait.ge [sflag:s21], $0x3800  }
0x59: {  	[sflag:s21] =	ssyncset.done $0x0  }
0x5a: {  	s11 =	simm.s32 @!p0 $0xC00;
	s5 =	rddreg [dreg:$0x15];
	[sflag:s21] =	ssyncadd.s32 $0xFFFFC800  }
0x5b: {  	[spmem:s5] =	stream.linear.scatter @!p0 [tilespmem:s11], [sflag:$0x5], $0x800, $0x38;
	[tilespmem:$0x1C480] =	vst v63  }
0x5c: {  	s11 =	simm.s32 @!p0 $0x5  }
0x5d: {  	_ =	swait.ge @!p0 [sflag:s11], $0x800  }
0x5e: {  	[sflag:s11] =	ssyncset.done @!p0 $0x0  }
0x5f: {  	[sflag:s11] =	ssyncadd.s32 @!p0 $0xFFFFF800  }
0x60: {  	[bflag:$0x0] =	sbarrier.arrive $0xFFFF  }
0x61: {  	s11 =	simm.s32 $0x0;
	s10 =	rddreg [dreg:$0x18]  }
0x62: {  	[tilespmem:s11], [sflag:$0x5] =	stream.linear.gather [hbm4b:s10+s11], $0x300, $0x38;
	[tilespmem:$0x1C480] =	vst v63  }
0x63: {  	_ =	swait.ge [sflag:s21], $0x300  }
0x64: {  	s15 =	rddreg [dreg:$0x16]  }
0x65: {  	[sflag:s21] =	ssyncset.done $0x0;
	s10 =	rddreg [dreg:$0x1a]  }
0x66: {  	[sflag:s21] =	ssyncadd.s32 $0xFFFFFD00;
	s25 =	sadd.s32 s15, s10  }
0x67: {  	[tilespmem:s22], [sflag:$0x5] =	stream.linear.gather [hbm4b:s25+s11], $0x300, $0x38;
	[tilespmem:$0x1C480] =	vst v63  }
0x68: {  	_ =	swait.ge [sflag:s21], $0x300  }
0x69: {  	[sflag:s21] =	ssyncset.done $0x0  }
0x6a: {  	[sflag:s21] =	ssyncadd.s32 $0xFFFFFD00  }
0x6b: {  	[spmem:s2] =	stream.indirect.scatter.add.f32 [tilespmem:s24], [sflag:$0x4], $0x80, s22, s23, $0xb8;
	[tilespmem:$0x1C480] =	vst v63  }
0x6c: {  	s25 =	rddreg [dreg:$0x17]  }
0x6d: {  	[tilespmem:s20], [sflag:$0x1] =	stream.indirect.gather [hbm4b:s4+s23], $0x80, s11, s23, $0xb8;
	[tilespmem:$0x1C480] =	vst v63  }
0x6e: {  	s5 =	sadd.s32 s10, s25;
	s11 =	rddreg [dreg:$0x19]  }
0x6f: {  	[dreg:$0x6] =	wrdreg s5;
	s15 =	sadd.s32 s10, s11  }
0x70: {  	[dreg:$0x7] =	wrdreg s15  }
0x71: {  	_ =	swait.ge [sflag:s26], $0x4000  }
0x72: {  	[sflag:s26] =	ssyncset.done $0x0  }
0x73: {  	[sflag:s26] =	ssyncadd.s32 $0xFFFFC000  }
0x74: {  	[tilespmem:s24], [sflag:$0x2] =	stream.indirect.gather [hbm4b:s4+s23], $0x80, s23, s23, $0xb8;
	[tilespmem:$0x1C480] =	vst v63  }
0x75: {  	_ =	swait.ge [sflag:s28], $0x4000  }
0x76: {  	[sflag:s28] =	ssyncset.done $0x0  }
0x77: {  	[sflag:s28] =	ssyncadd.s32 $0xFFFFC000  }
0x78: {  	[spmem:s2] =	stream.indirect.scatter.add.f32 [tilespmem:s20], [sflag:$0x3], $0x80, s22, s23, $0xb8;
	[tilespmem:$0x1C480] =	vst v63  }
0x79: {  	_ =	swait.ge [sflag:s29], $0x4000  }
0x7a: {  	[sflag:s29] =	ssyncset.done $0x0  }
0x7b: {  	[sflag:s29] =	ssyncadd.s32 $0xFFFFC000  }
0x7c: {  	[tilespmem:s20], [sflag:$0x1] =	stream.indirect.gather [hbm4b:s4+s23], $0x80, s30, s23, $0xb8;
	[tilespmem:$0x1C480] =	vst v63  }
0x7d: {  	_ =	swait.ge [sflag:s31], $0x4000  }
0x7e: {  	[sflag:s31] =	ssyncset.done $0x0  }
0x7f: {  	[sflag:s31] =	ssyncadd.s32 $0xFFFFC000  }
0x80: {  	[spmem:s2] =	stream.indirect.scatter.add.f32 [tilespmem:s24], [sflag:$0x4], $0x80, s1, s23, $0xb8;
	[tilespmem:$0x1C480] =	vst v63  }
0x81: {  	_ =	swait.ge [sflag:s26], $0x4000  }
0x82: {  	[sflag:s26] =	ssyncset.done $0x0  }
0x83: {  	[sflag:s26] =	ssyncadd.s32 $0xFFFFC000  }
0x84: {  	[tilespmem:s24], [sflag:$0x2] =	stream.indirect.gather [hbm4b:s4+s23], $0x80, s0, s23, $0xb8;
	[tilespmem:$0x1C480] =	vst v63  }
0x85: {  	_ =	swait.ge [sflag:s28], $0x4000  }
0x86: {  	[sflag:s28] =	ssyncset.done $0x0  }
0x87: {  	s25 =	rddreg [dreg:$0x5];
	[sflag:s28] =	ssyncadd.s32 $0xFFFFC000  }
0x88: {  	[spmem:s2] =	stream.indirect.scatter.add.f32 [tilespmem:s20], [sflag:$0x3], $0x80, s6, s23, $0xb8;
	[tilespmem:$0x1C480] =	vst v63  }
0x89: {  	s11 =	sadd.s32 $0x0, s25  }
0x8a: {  	[tilespmem:s7], [sflag:$0x5] =	stream.linear.gather [hbm4b:s11+s3], $0x300, $0x38;
	[tilespmem:$0x1C480] =	vst v63  }
0x8b: {  	_ =	swait.ge [sflag:s21], $0x300  }
0x8c: {  	s5 =	rddreg [dreg:$0x7];
	[sflag:s21] =	ssyncset.done $0x0  }
0x8d: {  	[sflag:s21] =	ssyncadd.s32 $0xFFFFFD00;
	s11 =	sadd.s32 $0x0, s5  }
0x8e: {  	[tilespmem:s8], [sflag:$0x5] =	stream.linear.gather [hbm4b:s11+s3], $0x300, $0x38;
	[tilespmem:$0x1C480] =	vst v63  }
0x8f: {  	_ =	swait.ge [sflag:s21], $0x300  }
0x90: {  	[sflag:s21] =	ssyncset.done $0x0  }
0x91: {  	[sflag:s21] =	ssyncadd.s32 $0xFFFFFD00  }
0x92: {  	_ =	swait.ge [sflag:s29], $0x4000  }
0x93: {  	[sflag:s29] =	ssyncset.done $0x0  }
0x94: {  	[sflag:s29] =	ssyncadd.s32 $0xFFFFC000  }
0x95: {  	[tilespmem:s20], [sflag:$0x1] =	stream.indirect.gather [hbm4b:s4+s23], $0x80, s9, s23, $0xb8;
	[tilespmem:$0x1C480] =	vst v63  }
0x96: {  	_ =	swait.ge [sflag:s31], $0x4000  }
0x97: {  	[sflag:s31] =	ssyncset.done $0x0  }
0x98: {  	[sflag:s31] =	ssyncadd.s32 $0xFFFFC000  }
0x99: {  	[spmem:s2] =	stream.indirect.scatter.add.f32 [tilespmem:s24], [sflag:$0x4], $0x80, s13, s23, $0xb8;
	[tilespmem:$0x1C480] =	vst v63  }
0x9a: {  	_ =	swait.ge [sflag:s26], $0x4000  }
0x9b: {  	[sflag:s26] =	ssyncset.done $0x0  }
0x9c: {  	[sflag:s26] =	ssyncadd.s32 $0xFFFFC000  }
0x9d: {  	[tilespmem:s24], [sflag:$0x2] =	stream.indirect.gather [hbm4b:s4+s23], $0x80, s17, s23, $0xb8;
	[tilespmem:$0x1C480] =	vst v63  }
0x9e: {  	_ =	swait.ge [sflag:s28], $0x4000  }
0x9f: {  	[sflag:s28] =	ssyncset.done $0x0  }
0xa0: {  	[sflag:s28] =	ssyncadd.s32 $0xFFFFC000  }
0xa1: {  	[spmem:s2] =	stream.indirect.scatter.add.f32 [tilespmem:s20], [sflag:$0x3], $0x80, s19, s23, $0xb8;
	[tilespmem:$0x1C480] =	vst v63  }
0xa2: {  	_ =	swait.ge [sflag:s29], $0x4000  }
0xa3: {  	[sflag:s29] =	ssyncset.done $0x0  }
0xa4: {  	[sflag:s29] =	ssyncadd.s32 $0xFFFFC000  }
0xa5: {  	[tilespmem:s20], [sflag:$0x1] =	stream.indirect.gather [hbm4b:s4+s23], $0x80, s7, s23, $0xb8;
	[tilespmem:$0x1C480] =	vst v63  }
0xa6: {  	_ =	swait.ge [sflag:s31], $0x4000  }
0xa7: {  	[sflag:s31] =	ssyncset.done $0x0  }
0xa8: {  	[sflag:s31] =	ssyncadd.s32 $0xFFFFC000  }
0xa9: {  	[spmem:s2] =	stream.indirect.scatter.add.f32 [tilespmem:s24], [sflag:$0x4], $0x80, s12, s23, $0xb8;
	[tilespmem:$0x1C480] =	vst v63  }
0xaa: {  	_ =	swait.ge [sflag:s26], $0x4000  }
0xab: {  	[sflag:s26] =	ssyncset.done $0x0  }
0xac: {  	s10 =	rddreg [dreg:$0x8];
	[sflag:s26] =	ssyncadd.s32 $0xFFFFC000  }
0xad: {  	[tilespmem:s24], [sflag:$0x2] =	stream.indirect.gather [hbm4b:s4+s23], $0x80, s10, s23, $0xb8;
	[tilespmem:$0x1C480] =	vst v63  }
0xae: {  	_ =	swait.ge [sflag:s28], $0x4000  }
0xaf: {  	[sflag:s28] =	ssyncset.done $0x0  }
0xb0: {  	[sflag:s28] =	ssyncadd.s32 $0xFFFFC000  }
0xb1: {  	[spmem:s2] =	stream.indirect.scatter.add.f32 [tilespmem:s20], [sflag:$0x3], $0x80, s8, s23, $0xb8;
	[tilespmem:$0x1C480] =	vst v63  }
0xb2: {  	_ =	swait.ge [sflag:s29], $0x4000  }
0xb3: {  	[sflag:s29] =	ssyncset.done $0x0  }
0xb4: {  	s15 =	rddreg [dreg:$0x9];
	[sflag:s29] =	ssyncadd.s32 $0xFFFFC000  }
0xb5: {  	[tilespmem:s20], [sflag:$0x1] =	stream.indirect.gather [hbm4b:s4+s23], $0x80, s15, s23, $0xb8;
	[tilespmem:$0x1C480] =	vst v63  }
0xb6: {  	_ =	swait.ge [sflag:s31], $0x4000  }
0xb7: {  	[sflag:s31] =	ssyncset.done $0x0  }
0xb8: {  	s25 =	rddreg [dreg:$0xa];
	[sflag:s31] =	ssyncadd.s32 $0xFFFFC000  }
0xb9: {  	[spmem:s2] =	stream.indirect.scatter.add.f32 [tilespmem:s24], [sflag:$0x4], $0x80, s25, s23, $0xb8;
	[tilespmem:$0x1C480] =	vst v63  }
0xba: {  	_ =	swait.ge [sflag:s26], $0x4000  }
0xbb: {  	[sflag:s26] =	ssyncset.done $0x0  }
0xbc: {  	s5 =	rddreg [dreg:$0xb];
	[sflag:s26] =	ssyncadd.s32 $0xFFFFC000  }
0xbd: {  	[tilespmem:s24], [sflag:$0x2] =	stream.indirect.gather [hbm4b:s4+s23], $0x80, s5, s23, $0xb8;
	[tilespmem:$0x1C480] =	vst v63  }
0xbe: {  	_ =	swait.ge [sflag:s28], $0x4000  }
0xbf: {  	s10 =	rddreg [dreg:$0xc];
	[sflag:s28] =	ssyncset.done $0x0  }
0xc0: {  	s15 =	rddreg [dreg:$0x4];
	[sflag:s28] =	ssyncadd.s32 $0xFFFFC000  }
0xc1: {  	[spmem:s2] =	stream.indirect.scatter.add.f32 [tilespmem:s20], [sflag:$0x3], $0x80, s10, s23, $0xb8;
	[tilespmem:$0x1C480] =	vst v63  }
0xc2: {  	s25 =	sadd.s32 $0x0, s15  }
0xc3: {  	[tilespmem:s3], [sflag:$0x5] =	stream.linear.gather [hbm4b:s25+s3], $0x300, $0x38;
	[tilespmem:$0x1C480] =	vst v63  }
0xc4: {  	_ =	swait.ge [sflag:s21], $0x300  }
0xc5: {  	s5 =	rddreg [dreg:$0x6];
	[sflag:s21] =	ssyncset.done $0x0  }
0xc6: {  	[sflag:s21] =	ssyncadd.s32 $0xFFFFFD00;
	s11 =	sadd.s32 $0x0, s5  }
0xc7: {  	[tilespmem:s22], [sflag:$0x5] =	stream.linear.gather [hbm4b:s11+s3], $0x300, $0x38;
	[tilespmem:$0x1C480] =	vst v63  }
0xc8: {  	_ =	swait.ge [sflag:s21], $0x300  }
0xc9: {  	[sflag:s21] =	ssyncset.done $0x0  }
0xca: {  	[sflag:s21] =	ssyncadd.s32 $0xFFFFFD00  }
0xcb: {  	_ =	swait.ge [sflag:s29], $0x4000  }
0xcc: {  	[sflag:s29] =	ssyncset.done $0x0  }
0xcd: {  	s10 =	rddreg [dreg:$0xd];
	[sflag:s29] =	ssyncadd.s32 $0xFFFFC000  }
0xce: {  	[tilespmem:s20], [sflag:$0x1] =	stream.indirect.gather [hbm4b:s4+s23], $0x80, s10, s23, $0xb8;
	[tilespmem:$0x1C480] =	vst v63  }
0xcf: {  	_ =	swait.ge [sflag:s31], $0x4000  }
0xd0: {  	[sflag:s31] =	ssyncset.done $0x0  }
0xd1: {  	s15 =	rddreg [dreg:$0xe];
	[sflag:s31] =	ssyncadd.s32 $0xFFFFC000  }
0xd2: {  	[spmem:s2] =	stream.indirect.scatter.add.f32 [tilespmem:s24], [sflag:$0x4], $0x80, s15, s23, $0xb8;
	[tilespmem:$0x1C480] =	vst v63  }
0xd3: {  	_ =	swait.ge [sflag:s26], $0x4000  }
0xd4: {  	[sflag:s26] =	ssyncset.done $0x0  }
0xd5: {  	s25 =	rddreg [dreg:$0xf];
	[sflag:s26] =	ssyncadd.s32 $0xFFFFC000  }
0xd6: {  	[tilespmem:s24], [sflag:$0x2] =	stream.indirect.gather [hbm4b:s4+s23], $0x80, s25, s23, $0xb8;
	[tilespmem:$0x1C480] =	vst v63  }
0xd7: {  	_ =	swait.ge [sflag:s28], $0x4000  }
0xd8: {  	[sflag:s28] =	ssyncset.done $0x0  }
0xd9: {  	[sflag:s28] =	ssyncadd.s32 $0xFFFFC000  }
0xda: {  	[spmem:s2] =	stream.indirect.scatter.add.f32 [tilespmem:s20], [sflag:$0x3], $0x80, s14, s23, $0xb8;
	[tilespmem:$0x1C480] =	vst v63  }
0xdb: {  	_ =	swait.ge [sflag:s29], $0x4000  }
0xdc: {  	[sflag:s29] =	ssyncset.done $0x0  }
0xdd: {  	[sflag:s29] =	ssyncadd.s32 $0xFFFFC000  }
0xde: {  	[tilespmem:s20], [sflag:$0x1] =	stream.indirect.gather [hbm4b:s4+s23], $0x80, s3, s23, $0xb8;
	[tilespmem:$0x1C480] =	vst v63  }
0xdf: {  	_ =	swait.ge [sflag:s31], $0x4000  }
0xe0: {  	[sflag:s31] =	ssyncset.done $0x0  }
0xe1: {  	s25 =	simm.s32 $0xC0;
	[sflag:s31] =	ssyncadd.s32 $0xFFFFC000  }
.LBB2_6:
0xe2: {  	[spmem:s2] =	stream.indirect.scatter.add.f32 [tilespmem:s24], [sflag:$0x4], $0x80, s16, s23, $0xb8;
	[tilespmem:$0x1C480] =	vst v63  }
0xe3: {  	_ =	swait.ge [sflag:s26], $0x4000  }
0xe4: {  	[sflag:s26] =	ssyncset.done $0x0  }
0xe5: {  	[sflag:s26] =	ssyncadd.s32 $0xFFFFC000  }
0xe6: {  	[tilespmem:s24], [sflag:$0x2] =	stream.indirect.gather [hbm4b:s4+s23], $0x80, s23, s23, $0xb8;
	[tilespmem:$0x1C480] =	vst v63  }
0xe7: {  	_ =	swait.ge [sflag:s28], $0x4000  }
0xe8: {  	[sflag:s28] =	ssyncset.done $0x0  }
0xe9: {  	[sflag:s28] =	ssyncadd.s32 $0xFFFFC000  }
0xea: {  	[spmem:s2] =	stream.indirect.scatter.add.f32 [tilespmem:s20], [sflag:$0x3], $0x80, s22, s23, $0xb8;
	[tilespmem:$0x1C480] =	vst v63  }
0xeb: {  	_ =	swait.ge [sflag:s29], $0x4000  }
0xec: {  	[sflag:s29] =	ssyncset.done $0x0  }
0xed: {  	[sflag:s29] =	ssyncadd.s32 $0xFFFFC000  }
0xee: {  	[tilespmem:s20], [sflag:$0x1] =	stream.indirect.gather [hbm4b:s4+s23], $0x80, s30, s23, $0xb8;
	[tilespmem:$0x1C480] =	vst v63  }
0xef: {  	_ =	swait.ge [sflag:s31], $0x4000  }
0xf0: {  	[sflag:s31] =	ssyncset.done $0x0  }
0xf1: {  	[sflag:s31] =	ssyncadd.s32 $0xFFFFC000  }
0xf2: {  	[spmem:s2] =	stream.indirect.scatter.add.f32 [tilespmem:s24], [sflag:$0x4], $0x80, s1, s23, $0xb8;
	[tilespmem:$0x1C480] =	vst v63  }
0xf3: {  	_ =	swait.ge [sflag:s26], $0x4000  }
0xf4: {  	[sflag:s26] =	ssyncset.done $0x0  }
0xf5: {  	[sflag:s26] =	ssyncadd.s32 $0xFFFFC000  }
0xf6: {  	[tilespmem:s24], [sflag:$0x2] =	stream.indirect.gather [hbm4b:s4+s23], $0x80, s0, s23, $0xb8;
	[tilespmem:$0x1C480] =	vst v63  }
0xf7: {  	_ =	swait.ge [sflag:s28], $0x4000  }
0xf8: {  	[sflag:s28] =	ssyncset.done $0x0  }
0xf9: {  	s11 =	smov.u32 s25;
	s5 =	rddreg [dreg:$0x5];
	[sflag:s28] =	ssyncadd.s32 $0xFFFFC000  }
0xfa: {  	[spmem:s2] =	stream.indirect.scatter.add.f32 [tilespmem:s20], [sflag:$0x3], $0x80, s6, s23, $0xb8;
	[tilespmem:$0x1C480] =	vst v63  }
0xfb: {  	s5 =	sadd.s32 s11, s5  }
0xfc: {  	[tilespmem:s7], [sflag:$0x5] =	stream.linear.gather [hbm4b:s5+s3], $0x300, $0x38;
	[tilespmem:$0x1C480] =	vst v63  }
0xfd: {  	_ =	swait.ge [sflag:s21], $0x300  }
0xfe: {  	s10 =	rddreg [dreg:$0x7];
	[sflag:s21] =	ssyncset.done $0x0  }
0xff: {  	[sflag:s21] =	ssyncadd.s32 $0xFFFFFD00;
	s5 =	sadd.s32 s11, s10  }
0x100: {  	[tilespmem:s8], [sflag:$0x5] =	stream.linear.gather [hbm4b:s5+s3], $0x300, $0x38;
	[tilespmem:$0x1C480] =	vst v63  }
0x101: {  	_ =	swait.ge [sflag:s21], $0x300  }
0x102: {  	[sflag:s21] =	ssyncset.done $0x0  }
0x103: {  	[sflag:s21] =	ssyncadd.s32 $0xFFFFFD00  }
0x104: {  	_ =	swait.ge [sflag:s29], $0x4000  }
0x105: {  	[sflag:s29] =	ssyncset.done $0x0  }
0x106: {  	[sflag:s29] =	ssyncadd.s32 $0xFFFFC000  }
0x107: {  	[tilespmem:s20], [sflag:$0x1] =	stream.indirect.gather [hbm4b:s4+s23], $0x80, s9, s23, $0xb8;
	[tilespmem:$0x1C480] =	vst v63  }
0x108: {  	_ =	swait.ge [sflag:s31], $0x4000  }
0x109: {  	[sflag:s31] =	ssyncset.done $0x0  }
0x10a: {  	[sflag:s31] =	ssyncadd.s32 $0xFFFFC000  }
0x10b: {  	[spmem:s2] =	stream.indirect.scatter.add.f32 [tilespmem:s24], [sflag:$0x4], $0x80, s13, s23, $0xb8;
	[tilespmem:$0x1C480] =	vst v63  }
0x10c: {  	_ =	swait.ge [sflag:s26], $0x4000  }
0x10d: {  	[sflag:s26] =	ssyncset.done $0x0  }
0x10e: {  	[sflag:s26] =	ssyncadd.s32 $0xFFFFC000  }
0x10f: {  	[tilespmem:s24], [sflag:$0x2] =	stream.indirect.gather [hbm4b:s4+s23], $0x80, s17, s23, $0xb8;
	[tilespmem:$0x1C480] =	vst v63  }
0x110: {  	_ =	swait.ge [sflag:s28], $0x4000  }
0x111: {  	[sflag:s28] =	ssyncset.done $0x0  }
0x112: {  	[sflag:s28] =	ssyncadd.s32 $0xFFFFC000  }
0x113: {  	[spmem:s2] =	stream.indirect.scatter.add.f32 [tilespmem:s20], [sflag:$0x3], $0x80, s19, s23, $0xb8;
	[tilespmem:$0x1C480] =	vst v63  }
0x114: {  	_ =	swait.ge [sflag:s29], $0x4000  }
0x115: {  	[sflag:s29] =	ssyncset.done $0x0  }
0x116: {  	[sflag:s29] =	ssyncadd.s32 $0xFFFFC000  }
0x117: {  	[tilespmem:s20], [sflag:$0x1] =	stream.indirect.gather [hbm4b:s4+s23], $0x80, s7, s23, $0xb8;
	[tilespmem:$0x1C480] =	vst v63  }
0x118: {  	_ =	swait.ge [sflag:s31], $0x4000  }
0x119: {  	[sflag:s31] =	ssyncset.done $0x0  }
0x11a: {  	[sflag:s31] =	ssyncadd.s32 $0xFFFFC000  }
0x11b: {  	[spmem:s2] =	stream.indirect.scatter.add.f32 [tilespmem:s24], [sflag:$0x4], $0x80, s12, s23, $0xb8;
	[tilespmem:$0x1C480] =	vst v63  }
0x11c: {  	_ =	swait.ge [sflag:s26], $0x4000  }
0x11d: {  	[sflag:s26] =	ssyncset.done $0x0  }
0x11e: {  	s15 =	rddreg [dreg:$0x8];
	[sflag:s26] =	ssyncadd.s32 $0xFFFFC000  }
0x11f: {  	[tilespmem:s24], [sflag:$0x2] =	stream.indirect.gather [hbm4b:s4+s23], $0x80, s15, s23, $0xb8;
	[tilespmem:$0x1C480] =	vst v63  }
0x120: {  	_ =	swait.ge [sflag:s28], $0x4000  }
0x121: {  	[sflag:s28] =	ssyncset.done $0x0  }
0x122: {  	[sflag:s28] =	ssyncadd.s32 $0xFFFFC000  }
0x123: {  	[spmem:s2] =	stream.indirect.scatter.add.f32 [tilespmem:s20], [sflag:$0x3], $0x80, s8, s23, $0xb8;
	[tilespmem:$0x1C480] =	vst v63  }
0x124: {  	_ =	swait.ge [sflag:s29], $0x4000  }
0x125: {  	[sflag:s29] =	ssyncset.done $0x0  }
0x126: {  	s10 =	rddreg [dreg:$0x9];
	[sflag:s29] =	ssyncadd.s32 $0xFFFFC000  }
0x127: {  	[tilespmem:s20], [sflag:$0x1] =	stream.indirect.gather [hbm4b:s4+s23], $0x80, s10, s23, $0xb8;
	[tilespmem:$0x1C480] =	vst v63  }
0x128: {  	_ =	swait.ge [sflag:s31], $0x4000  }
0x129: {  	[sflag:s31] =	ssyncset.done $0x0  }
0x12a: {  	s15 =	rddreg [dreg:$0xa];
	[sflag:s31] =	ssyncadd.s32 $0xFFFFC000  }
0x12b: {  	[spmem:s2] =	stream.indirect.scatter.add.f32 [tilespmem:s24], [sflag:$0x4], $0x80, s15, s23, $0xb8;
	[tilespmem:$0x1C480] =	vst v63  }
0x12c: {  	_ =	swait.ge [sflag:s26], $0x4000  }
0x12d: {  	[sflag:s26] =	ssyncset.done $0x0  }
0x12e: {  	s10 =	rddreg [dreg:$0xb];
	[sflag:s26] =	ssyncadd.s32 $0xFFFFC000  }
0x12f: {  	[tilespmem:s24], [sflag:$0x2] =	stream.indirect.gather [hbm4b:s4+s23], $0x80, s10, s23, $0xb8;
	[tilespmem:$0x1C480] =	vst v63  }
0x130: {  	_ =	swait.ge [sflag:s28], $0x4000  }
0x131: {  	s15 =	rddreg [dreg:$0xc];
	[sflag:s28] =	ssyncset.done $0x0  }
0x132: {  	s10 =	rddreg [dreg:$0x4];
	[sflag:s28] =	ssyncadd.s32 $0xFFFFC000  }
0x133: {  	[spmem:s2] =	stream.indirect.scatter.add.f32 [tilespmem:s20], [sflag:$0x3], $0x80, s15, s23, $0xb8;
	[tilespmem:$0x1C480] =	vst v63  }
0x134: {  	s10 =	sadd.s32 s11, s10  }
0x135: {  	[tilespmem:s3], [sflag:$0x5] =	stream.linear.gather [hbm4b:s10+s3], $0x300, $0x38;
	[tilespmem:$0x1C480] =	vst v63  }
0x136: {  	_ =	swait.ge [sflag:s21], $0x300  }
0x137: {  	s15 =	rddreg [dreg:$0x6];
	[sflag:s21] =	ssyncset.done $0x0  }
0x138: {  	[sflag:s21] =	ssyncadd.s32 $0xFFFFFD00;
	s5 =	sadd.s32 s11, s15  }
0x139: {  	[tilespmem:s22], [sflag:$0x5] =	stream.linear.gather [hbm4b:s5+s3], $0x300, $0x38;
	[tilespmem:$0x1C480] =	vst v63  }
0x13a: {  	_ =	swait.ge [sflag:s21], $0x300  }
0x13b: {  	[sflag:s21] =	ssyncset.done $0x0  }
0x13c: {  	[sflag:s21] =	ssyncadd.s32 $0xFFFFFD00  }
0x13d: {  	_ =	swait.ge [sflag:s29], $0x4000  }
0x13e: {  	[sflag:s29] =	ssyncset.done $0x0  }
0x13f: {  	s10 =	rddreg [dreg:$0xd];
	[sflag:s29] =	ssyncadd.s32 $0xFFFFC000  }
0x140: {  	[tilespmem:s20], [sflag:$0x1] =	stream.indirect.gather [hbm4b:s4+s23], $0x80, s10, s23, $0xb8;
	[tilespmem:$0x1C480] =	vst v63  }
0x141: {  	_ =	swait.ge [sflag:s31], $0x4000  }
0x142: {  	[sflag:s31] =	ssyncset.done $0x0  }
0x143: {  	s11 =	rddreg [dreg:$0xe];
	[sflag:s31] =	ssyncadd.s32 $0xFFFFC000  }
0x144: {  	[spmem:s2] =	stream.indirect.scatter.add.f32 [tilespmem:s24], [sflag:$0x4], $0x80, s11, s23, $0xb8;
	[tilespmem:$0x1C480] =	vst v63  }
0x145: {  	_ =	swait.ge [sflag:s26], $0x4000  }
0x146: {  	[sflag:s26] =	ssyncset.done $0x0  }
0x147: {  	s15 =	rddreg [dreg:$0xf];
	[sflag:s26] =	ssyncadd.s32 $0xFFFFC000  }
0x148: {  	[tilespmem:s24], [sflag:$0x2] =	stream.indirect.gather [hbm4b:s4+s23], $0x80, s15, s23, $0xb8;
	[tilespmem:$0x1C480] =	vst v63  }
0x149: {  	_ =	swait.ge [sflag:s28], $0x4000  }
0x14a: {  	[sflag:s28] =	ssyncset.done $0x0  }
0x14b: {  	[sflag:s28] =	ssyncadd.s32 $0xFFFFC000  }
0x14c: {  	[spmem:s2] =	stream.indirect.scatter.add.f32 [tilespmem:s20], [sflag:$0x3], $0x80, s14, s23, $0xb8;
	[tilespmem:$0x1C480] =	vst v63  }
0x14d: {  	_ =	swait.ge [sflag:s29], $0x4000  }
0x14e: {  	p2 =	sne.s32 s25, $0x3C0;
	[sflag:s29] =	ssyncset.done $0x0  }
.Ltmp2:
0x14f: {  	[sflag:s29] =	ssyncadd.s32 $0xFFFFC000;
	(pc) =	sbr.rel @p2 .LBB2_6-.Ltmp2, $4  }
0x150: {  	[tilespmem:s20], [sflag:$0x1] =	stream.indirect.gather [hbm4b:s4+s23], $0x80, s3, s23, $0xb8;
	[tilespmem:$0x1C480] =	vst v63  }
0x151: {  	_ =	swait.ge [sflag:s31], $0x4000  }
0x152: {  	[sflag:s31] =	ssyncset.done $0x0  }
0x153: {  	s25 =	sadd.s32 $0xC0, s25;
	[sflag:s31] =	ssyncadd.s32 $0xFFFFC000  }
0x154: {  	[spmem:s2] =	stream.indirect.scatter.add.f32 [tilespmem:s24], [sflag:$0x4], $0x80, s16, s23, $0xb8;
	[tilespmem:$0x1C480] =	vst v63  }
0x155: {  	_ =	swait.ge [sflag:s26], $0x4000  }
0x156: {  	[sflag:s26] =	ssyncset.done $0x0  }
0x157: {  	[sflag:s26] =	ssyncadd.s32 $0xFFFFC000  }
0x158: {  	[tilespmem:s24], [sflag:$0x2] =	stream.indirect.gather [hbm4b:s4+s23], $0x80, s23, s23, $0xb8;
	[tilespmem:$0x1C480] =	vst v63  }
0x159: {  	_ =	swait.ge [sflag:s28], $0x4000  }
0x15a: {  	[sflag:s28] =	ssyncset.done $0x0  }
0x15b: {  	[sflag:s28] =	ssyncadd.s32 $0xFFFFC000  }
0x15c: {  	[spmem:s2] =	stream.indirect.scatter.add.f32 [tilespmem:s20], [sflag:$0x3], $0x80, s22, s23, $0xb8;
	[tilespmem:$0x1C480] =	vst v63  }
0x15d: {  	_ =	swait.ge [sflag:s29], $0x4000  }
0x15e: {  	[sflag:s29] =	ssyncset.done $0x0  }
0x15f: {  	[sflag:s29] =	ssyncadd.s32 $0xFFFFC000  }
0x160: {  	[tilespmem:s20], [sflag:$0x1] =	stream.indirect.gather [hbm4b:s4+s23], $0x80, s30, s23, $0xb8;
	[tilespmem:$0x1C480] =	vst v63  }
0x161: {  	_ =	swait.ge [sflag:s31], $0x4000  }
0x162: {  	[sflag:s31] =	ssyncset.done $0x0  }
0x163: {  	[sflag:s31] =	ssyncadd.s32 $0xFFFFC000  }
0x164: {  	[spmem:s2] =	stream.indirect.scatter.add.f32 [tilespmem:s24], [sflag:$0x4], $0x80, s1, s23, $0xb8;
	[tilespmem:$0x1C480] =	vst v63  }
0x165: {  	_ =	swait.ge [sflag:s26], $0x4000  }
0x166: {  	[sflag:s26] =	ssyncset.done $0x0  }
0x167: {  	[sflag:s26] =	ssyncadd.s32 $0xFFFFC000  }
0x168: {  	[tilespmem:s24], [sflag:$0x2] =	stream.indirect.gather [hbm4b:s4+s23], $0x80, s0, s23, $0xb8;
	[tilespmem:$0x1C480] =	vst v63  }
0x169: {  	_ =	swait.ge [sflag:s28], $0x4000  }
0x16a: {  	[sflag:s28] =	ssyncset.done $0x0  }
0x16b: {  	[sflag:s28] =	ssyncadd.s32 $0xFFFFC000  }
0x16c: {  	[spmem:s2] =	stream.indirect.scatter.add.f32 [tilespmem:s20], [sflag:$0x3], $0x80, s6, s23, $0xb8;
	[tilespmem:$0x1C480] =	vst v63  }
0x16d: {  	_ =	swait.ge [sflag:s29], $0x4000  }
0x16e: {  	[sflag:s29] =	ssyncset.done $0x0  }
0x16f: {  	[sflag:s29] =	ssyncadd.s32 $0xFFFFC000  }
0x170: {  	[tilespmem:s20], [sflag:$0x1] =	stream.indirect.gather [hbm4b:s4+s23], $0x80, s9, s23, $0xb8;
	[tilespmem:$0x1C480] =	vst v63  }
0x171: {  	_ =	swait.ge [sflag:s31], $0x4000  }
0x172: {  	[sflag:s31] =	ssyncset.done $0x0  }
0x173: {  	[sflag:s31] =	ssyncadd.s32 $0xFFFFC000  }
0x174: {  	[spmem:s2] =	stream.indirect.scatter.add.f32 [tilespmem:s24], [sflag:$0x4], $0x80, s13, s23, $0xb8;
	[tilespmem:$0x1C480] =	vst v63  }
0x175: {  	_ =	swait.ge [sflag:s26], $0x4000  }
0x176: {  	[sflag:s26] =	ssyncset.done $0x0  }
0x177: {  	[sflag:s26] =	ssyncadd.s32 $0xFFFFC000  }
0x178: {  	[tilespmem:s24], [sflag:$0x2] =	stream.indirect.gather [hbm4b:s4+s23], $0x80, s17, s23, $0xb8;
	[tilespmem:$0x1C480] =	vst v63  }
0x179: {  	_ =	swait.ge [sflag:s28], $0x4000  }
0x17a: {  	[sflag:s28] =	ssyncset.done $0x0  }
0x17b: {  	[sflag:s28] =	ssyncadd.s32 $0xFFFFC000  }
0x17c: {  	[spmem:s2] =	stream.indirect.scatter.add.f32 [tilespmem:s20], [sflag:$0x3], $0x80, s19, s23, $0xb8;
	[tilespmem:$0x1C480] =	vst v63  }
0x17d: {  	_ =	swait.ge [sflag:s29], $0x4000  }
0x17e: {  	[sflag:s29] =	ssyncset.done $0x0  }
0x17f: {  	[sflag:s29] =	ssyncadd.s32 $0xFFFFC000  }
0x180: {  	_ =	swait.ge [sflag:s31], $0x4000  }
0x181: {  	[sflag:s31] =	ssyncset.done $0x0  }
0x182: {  	[sflag:s31] =	ssyncadd.s32 $0xFFFFC000  }
0x183: {  	[spmem:s2] =	stream.indirect.scatter.add.f32 [tilespmem:s24], [sflag:$0x4], $0x80, s12, s23, $0xb8;
	[tilespmem:$0x1C480] =	vst v63  }
0x184: {  	_ =	swait.ge [sflag:s26], $0x4000  }
0x185: {  	s5 =	simm.s32 @!p1 $0x0;
	[sflag:s26] =	ssyncset.done $0x0  }
0x186: {  	s10 =	simm.s32 @!p1 $0x300;
	s11 =	rddreg [dreg:$0x1c];
	[sflag:s26] =	ssyncadd.s32 $0xFFFFC000  }
0x187: {  	[tilespmem:s10], [sflag:$0x5] =	stream.linear.gather @!p1 [hbm4b:s11+s5], $0x80, $0x38;
	[tilespmem:$0x1C480] =	vst v63  }
0x188: {  	s11 =	simm.s32 @!p1 $0x5  }
0x189: {  	_ =	swait.ge @!p1 [sflag:s11], $0x80  }
0x18a: {  	s15 =	rddreg [dreg:$0x1a]  }
0x18b: {  	[sflag:s11] =	ssyncset.done @!p1 $0x0;
	s25 =	rddreg [dreg:$0x1b]  }
0x18c: {  	[sflag:s11] =	ssyncadd.s32 @!p1 $0xFFFFFF80;
	s25 =	sadd.s32 @!p1 s25, s15;
	s15 =	simm.s32 @!p1 $0x900  }
0x18d: {  	[tilespmem:s15], [sflag:$0x5] =	stream.linear.gather @!p1 [hbm4b:s25+s5], $0x80, $0x38;
	[tilespmem:$0x1C480] =	vst v63  }
0x18e: {  	_ =	swait.ge @!p1 [sflag:s11], $0x80  }
0x18f: {  	[sflag:s11] =	ssyncset.done @!p1 $0x0  }
0x190: {  	s5 =	simm.s32 @!p1 $0x80;
	s25 =	simm.s32 @!p1 $0xC00;
	[sflag:s11] =	ssyncadd.s32 @!p1 $0xFFFFFF80  }
0x191: {  	[tilespmem:s25], [sflag:$0x1] =	stream.indirect.gather @!p1 [hbm4b:s4+s5], $0x80, s10, s5, $0xb8;
	[tilespmem:$0x1C480] =	vst v63  }
0x192: {  	s10 =	simm.s32 @!p1 $0x1  }
0x193: {  	_ =	swait.ge @!p1 [sflag:s10], $0x4000  }
0x194: {  	[sflag:s10] =	ssyncset.done @!p1 $0x0  }
0x195: {  	[sflag:s10] =	ssyncadd.s32 @!p1 $0xFFFFC000  }
0x196: {  	[spmem:s2] =	stream.indirect.scatter.add.f32 @!p1 [tilespmem:s25], [sflag:$0x5], $0x80, s15, s5, $0xb8;
	[tilespmem:$0x1C480] =	vst v63  }
0x197: {  	_ =	swait.ge @!p1 [sflag:s11], $0x4000  }
0x198: {  	[sflag:s11] =	ssyncset.done @!p1 $0x0  }
0x199: {  	[sflag:s11] =	ssyncadd.s32 @!p1 $0xFFFFC000  }
0x19a: {  	s10 =	stileid.u32;
	[bflag:$0x0] =	sbarrier.arrive $0xFFFF  }
0x19b: {  	s5 =	sshll.u32 s10, $0x6;
	s15 =	rddreg [dreg:$0x10]  }
0x19c: {  	s5 =	sor.u32 $0x1C05, s5;
	s25 =	rddreg [dreg:$0x1f];
	s11 =	sshrl.u32 s15, $0x3  }
0x19d: {  	[hbm:s25], [sflag:s5] =	dma.local [spmem:s11], $0x2700  }
0x19e: {  	_ =	swait.ge [sflag:s21], $0x2700  }
0x19f: {  	s10 =	rddreg [dreg:$0x1d]  }
0x1a0: {  	[sflag:s21] =	ssyncset.done $0x0;
	s11 =	rddreg [dreg:$0x15]  }
0x1a1: {  	[sflag:s21] =	ssyncadd.s32 $0xFFFFD900;
	s10 =	sadd.s32 @!p0 $0x27000, s10;
	s11 =	sshrl.u32 @!p0 s11, $0x3  }
0x1a2: {  	[hbm:s10], [sflag:s5] =	dma.local @!p0 [spmem:s11], $0x100  }
0x1a3: {  	s5 =	simm.s32 @!p0 $0x5  }
0x1a4: {  	_ =	swait.ge @!p0 [sflag:s5], $0x100  }
0x1a5: {  	s18 =	sadd.s32 $0x1, s18;
	s25 =	rddreg [dreg:$0x1e]  }
0x1a6: {  	p2 =	sne.s32 s18, s25  }
.Ltmp3:
0x1a7: {  	_ = 	snop;
	(pc) =	sbr.rel @p2 .LBB2_1-.Ltmp3, $3  }
0x1a8: {  	_ =	sdelay $0x1  }
0x1a9: {  	[sflag:s5] =	ssyncset.done @!p0 $0x0  }
0x1aa: {  	[sflag:s5] =	ssyncadd.s32 @!p0 $0xFFFFFF00  }
0x1ab: {  	_ =	sfence.sel $0x180000  }
0x1ac: {  	[bflag:$0x0] =	sbarrier.arrive $0xFFFF  }
0x1ad: {  	_ =	strace $0x9000004A  }
0x1ae: {  	s0 =	stileid.u32;
	[bflag:$0x2] =	sbarrier.arrive $0xFFFF  }
0x1af: {  	p0 =	sne.s32 s0, $0x0;
	s0 =	rddreg [dreg:$0x3]  }
0x1b0: {  	s0 =	sadd.s32 @!p0 $0x100000, s0  }
0x1b1: {  	[sflag:s0] =	ssyncadd.tile.s32 @!p0 $0x1;
	_ =	shalt  }
.Lfunc_end2:
_tile_overlayer_lowered:
.L_overlay_start_2:
0x1b2: {  	(tag) =	ssettag $0x2  }
0x1b3: {  	s0 =	rddreg [dreg:$0x0];
	s2 =	stileid.u32  }
0x1b4: {  	s1 =	rddreg [dreg:$0x1];
	p0 =	sne.s32 s2, $0x0  }
0x1b5: {  	s3 =	rddreg [dreg:$0x2];
	[bflag:$0x3] =	sbarrier.arrive $0xFFFF;
	s2 =	simm.s32 @!p0 $0x1C05  }
0x1b6: {  	[timem:s3], [sflag:s2] =	dma.local @!p0 [hbm:s0], s1  }
0x1b7: {  	s0 =	simm.s32 @!p0 $0x5  }
0x1b8: {  	_ =	swait.ge @!p0 [sflag:s0], s1  }
0x1b9: {  	s1 =	ssub.s32 @!p0 $0x0, s1;
	[sflag:s0] =	ssyncset.done @!p0 $0x0  }
0x1ba: {  	[sflag:s0] =	ssyncadd.s32 @!p0 s1  }
0x1bb: {  	[bflag:$0x3] =	sbarrier.arrive $0xFFFF  }
0x1bc: {  	_ =	shalt  }

// kernel: kernel.14.cloned.1.call-start
scs
__scs_entry_jumppad:
0x0: {  	(pc) =	sbr.rel $0x88, $3  }
0x1: {  	(tag) =	ssettag $0x0;
	lr =	simm.s32 $0x1  }
0x2: {  	[smem:$0x3F9B] =	sst lr;
	_ =	strace $0xD0000000  }
0x3: {  	_ = 	snop  }
0x4: {  	_ = 	snop  }
0x5: {  	_ = 	snop  }
0x6: {  	_ = 	snop  }
0x7: {  	_ = 	snop  }
__scs_overlays_trampoline_lowered:
0x8: {  	[smem:$0x3FAA] =	sst s0  }
0x9: {  	[smem:$0x3FAB] =	sst s1  }
0xa: {  	[smem:$0x3FAC] =	sst s2  }
0xb: {  	[smem:$0x3FAD] =	sst s3  }
0xc: {  	[smem:$0x3FAE] =	sst s4  }
0xd: {  	[smem:$0x3FAF] =	sst s5  }
0xe: {  	[smem:$0x3FB0] =	sst s6  }
0xf: {  	[smem:$0x3FB1] =	sst s7  }
0x10: {  	[smem:$0x3FB2] =	sst s8  }
0x11: {  	[smem:$0x3FB3] =	sst s9;
	s0 =	simm.s32 @!p0 $0x0  }
0x12: {  	s1 =	sld [smem:$0x3F99];
	s0 =	simm.s32 @p0 $0x1  }
0x13: {  	[smem:$0x3FB4] =	sst s0;
	s0 =	simm.s32 @!p1 $0x0  }
0x14: {  	s2 =	sld [smem:$0x3F98];
	s0 =	simm.s32 @p1 $0x1  }
0x15: {  	[smem:$0x3FB5] =	sst s0;
	s0 =	simm.s32 @!p2 $0x0  }
0x16: {  	s3 =	sld [smem:$0x3FDB];
	s0 =	simm.s32 @p2 $0x1  }
0x17: {  	s4 =	simm.s32 $0x1BF5;
	[smem:$0x3FB7] =	sst s0  }
0x18: {  	s0 =	sld [smem:$0x3F9A];
	_ =	swait.ge [sflag:s4], $0x0  }
0x19: {  	s7 =	sld [smem:$0x3F9B]  }
0x1a: {  	s8 =	sadd.s32 $0xFFFFE003, lr  }
0x1b: {  	s9 =	sadd.s32 $0xFFFFFEF7, lr;
	s5 =	simm.s32 $0xFFFFFFFF;
	p2 =	slt.u32 s8, $0xFFFFF086  }
0x1c: {  	p1 =	slt.u32 s9, $0xF7A;
	s5 =	simm.s32 @!p2 $0x0  }
0x1d: {  	s5 =	simm.s32 @p1 $0x1;
	p0 =	seq.s32 s7, s2  }
0x1e: {  	s7 =	smul.u32 @!p0 $0xF7A, s2;
	p2 =	seq.s32 @!p0 s5, $0x0  }
0x1f: {  	s9 =	smul.u32 $0xF7A, s1;
	s8 =	simm.s32 @!p0 $0x1BF5;
	p2 =	por !p2, p0  }
0x20: {  	[sflag:s8] =	ssyncset.s32 @!p0 $0xFFFFF086;
	s6 =	sadd.s32 @!p0 s3, s7;
	s7 =	simm.s32 @!p0 $0x108  }
0x21: {  	s3 =	sadd.s32 s3, s9;
	s6 =	sadd.s32 @!p0 $0x88, s6;
	s7 =	simm.s32 @p2 $0x1082  }
0x22: {  	[simem:s7], [sflag:s8] =	dma.local @!p0 [hbm:s6], $0xF7A  }
0x23: {  	s9 =	sor.u32 $0xD0000000, s2;
	s6 =	simm.s32 $0x108;
	_ =	swait.ge @!p0 [sflag:s8], $0x0  }
0x24: {  	s3 =	sadd.s32 $0x88, s3;
	s6 =	simm.s32 @!p1 $0x1082;
	[sflag:s4] =	ssyncset.s32 $0xFFFFF086  }
0x25: {  	[simem:s6], [sflag:s4] =	dma.local [hbm:s3], $0xF7A  }
0x26: {  	[smem:$0x3F9B] =	sst s1;
	(tag) =	ssettag s2;
	_ =	strace s9  }
0x27: {  	s1 =	sld [smem:$0x3FAB]  }
0x28: {  	s2 =	sld [smem:$0x3FAC]  }
0x29: {  	s4 =	sld [smem:$0x3FAE]  }
0x2a: {  	p0 =	seq.s32 s5, $0x0;
	s5 =	sld [smem:$0x3FAF]  }
0x2b: {  	s6 =	sld [smem:$0x3FB0]  }
0x2c: {  	s7 =	sld [smem:$0x3FB1]  }
0x2d: {  	s3 =	simm.s32 $0x108;
	s8 =	sld [smem:$0x3FB2]  }
0x2e: {  	s3 =	simm.s32 @!p0 $0x1082;
	s9 =	sld [smem:$0x3FB3]  }
0x2f: {  	lr =	sadd.s32 s0, s3;
	s0 =	sld [smem:$0x3FAA]  }
0x30: {  	s3 =	sld [smem:$0x3FAD]  }
0x31: {  	[smem:$0x3FB6] =	sst s10  }
0x32: {  	s10 =	sld [smem:$0x3FB4];
	_ =	sdelay $0x3  }
0x33: {  	p0 =	seq.s32 s10, $0x1;
	s10 =	sld [smem:$0x3FB6];
	_ =	sdelay $0x3  }
0x34: {  	[smem:$0x3FB6] =	sst s10  }
0x35: {  	s10 =	sld [smem:$0x3FB5];
	_ =	sdelay $0x3  }
0x36: {  	p1 =	seq.s32 s10, $0x1;
	s10 =	sld [smem:$0x3FB6];
	_ =	sdelay $0x3  }
0x37: {  	[smem:$0x3FB6] =	sst s10  }
0x38: {  	s10 =	sld [smem:$0x3FB7]  }
0x39: {  	_ = 	snop;
	(pc) =	sbr.ind lr, $3  }
0x3a: {  	_ = 	snop  }
0x3b: {  	_ = 	snop  }
0x3c: {  	p2 =	seq.s32 s10, $0x1;
	s10 =	sld [smem:$0x3FB6]  }
0x3d: {  	_ =	shalt  }
0x3e: {  	_ =	shalt  }
0x3f: {  	_ =	shalt  }
0x40: {  	_ =	shalt  }
0x41: {  	_ =	shalt  }
0x42: {  	_ =	shalt  }
0x43: {  	_ =	shalt  }
0x44: {  	_ =	shalt  }
0x45: {  	_ =	shalt  }
0x46: {  	_ =	shalt  }
0x47: {  	_ =	shalt  }
0x48: {  	_ =	shalt  }
0x49: {  	_ =	shalt  }
0x4a: {  	_ =	shalt  }
0x4b: {  	_ =	shalt  }
0x4c: {  	_ =	shalt  }
0x4d: {  	_ =	shalt  }
0x4e: {  	_ =	shalt  }
0x4f: {  	_ =	shalt  }
0x50: {  	_ =	shalt  }
0x51: {  	_ =	shalt  }
0x52: {  	_ =	shalt  }
0x53: {  	_ =	shalt  }
0x54: {  	_ =	shalt  }
0x55: {  	_ =	shalt  }
0x56: {  	_ =	shalt  }
0x57: {  	_ =	shalt  }
0x58: {  	_ =	shalt  }
0x59: {  	_ =	shalt  }
0x5a: {  	_ =	shalt  }
0x5b: {  	_ =	shalt  }
0x5c: {  	_ =	shalt  }
0x5d: {  	_ =	shalt  }
0x5e: {  	_ =	shalt  }
0x5f: {  	_ =	shalt  }
0x60: {  	_ =	shalt  }
0x61: {  	_ =	shalt  }
0x62: {  	_ =	shalt  }
0x63: {  	_ =	shalt  }
0x64: {  	_ =	shalt  }
0x65: {  	_ =	shalt  }
0x66: {  	_ =	shalt  }
0x67: {  	_ =	shalt  }
0x68: {  	_ =	shalt  }
0x69: {  	_ =	shalt  }
0x6a: {  	_ =	shalt  }
0x6b: {  	_ =	shalt  }
0x6c: {  	_ =	shalt  }
0x6d: {  	_ =	shalt  }
0x6e: {  	_ =	shalt  }
0x6f: {  	_ =	shalt  }
0x70: {  	_ =	shalt  }
0x71: {  	_ =	shalt  }
0x72: {  	_ =	shalt  }
0x73: {  	_ =	shalt  }
0x74: {  	_ =	shalt  }
0x75: {  	_ =	shalt  }
0x76: {  	_ =	shalt  }
0x77: {  	_ =	shalt  }
0x78: {  	_ =	shalt  }
0x79: {  	_ =	shalt  }
0x7a: {  	_ =	shalt  }
0x7b: {  	_ =	shalt  }
0x7c: {  	_ =	shalt  }
0x7d: {  	_ =	shalt  }
0x7e: {  	_ =	shalt  }
0x7f: {  	_ =	shalt  }
0x80: {  	_ =	shalt  }
0x81: {  	_ =	shalt  }
0x82: {  	_ =	shalt  }
0x83: {  	_ =	shalt  }
0x84: {  	_ =	shalt  }
0x85: {  	_ =	shalt  }
0x86: {  	_ =	shalt  }
0x87: {  	_ =	shalt  }
.Lfunc_end0:
.L_simem_size_0:
called_computation.2_lowered:
.L_overlay_start_0:
0x88: {  	s2 =	sld [smem:$0x3FD9]  }
0x89: {  	s3 =	sld [smem:$0x3FFE];
	_ =	sdelay $0x1  }
0x8a: {  	s1 =	srdreg.scid  }
0x8b: {  	s0 =	sand.u32 $0x1, s1  }
0x8c: {  	s17 =	sshll.u32 s0, $0xA;
	s2 =	sadd.s32 s3, s2  }
0x8d: {  	s2 =	sadd.s32 s2, s17  }
0x8e: {  	[smem:$0x3FC2] =	sst s2  }
0x8f: {  	_ = 	snop  }
0x90: {  	s2 =	sld [smem:$0x3FD0];
	(tm) =	ssettm $0x1  }
0x91: {  	s18 =	sld [smem:$0x3FFB];
	_ =	sdelay $0x3  }
0x92: {  	_ =	strace s18  }
0x93: {  	s3 =	sld [smem:$0x3FFC];
	_ =	sdelay $0x3  }
0x94: {  	_ =	strace s3  }
0x95: {  	s3 =	sld [smem:$0x3FFD];
	_ =	sdelay $0x3  }
0x96: {  	_ =	strace s3  }
0x97: {  	_ =	strace $0x8FFFFFFF  }
0x98: {  	s19 =	sld [smem:$0x3FDB];
	_ =	sdelay $0x1  }
0x99: {  	s4 =	simm.s32 $_scs_section_size  }
0x9a: {  	s5 =	simm.s32 $_size__tile_overlayer_lowered;
	s6 =	simm.s32 $_tile_overlayer_lowered  }
0x9b: {  	s22 =	simm.s32 $0x1BFF;
	s21 =	sshll.u32 s6, $0x1;
	s3 =	sadd.s32 s4, s19  }
0x9c: {  	s7 =	simm.s32 $0x0;
	s20 =	sshll.u32 s5, $0x1;
	s5 =	sadd.s32 s21, s3  }
0x9d: {  	[timem:s7], [sflag:s22] =	dma.local [hbm:s5], s20  }
0x9e: {  	_ =	swait.ge [sflag:s22], s20  }
0x9f: {  	s4 =	ssub.s32 $0x0, s20;
	[sflag:s22] =	ssyncset.done $0x0  }
0xa0: {  	[sflag:s22] =	ssyncadd.s32 s4;
	_ =	sdelay $0x1  }
0xa1: {  	s23 =	simm.s32 $0x1B8B  }
0xa2: {  	_ =	swait.ge [sflag:s23], $0x1  }
0xa3: {  	[sflag:s23] =	ssyncset.done $0x0  }
0xa4: {  	s25 =	simm.s32 $0x1B8E;
	s24 =	sld [smem:$0x3FFE];
	[sflag:s23] =	ssyncadd.s32 $0xFFFFFFFF  }
0xa5: {  	s26 =	simm.s32 $execute0_lowered;
	[smem:$0x3FD2] =	sst s25  }
0xa6: {  	s5 =	sshll.u32 s26, $0x1;
	_ =	strace $0x8000004C;
	[dreg:$0x1] =	wrdreg $0xFFFFFFFF  }
0xa7: {  	s28 =	simm.s32 $_size_execute0_lowered;
	s3 =	sadd.s32 s3, s5;
	[dreg:$0x0] =	wrdreg $0x0  }
0xa8: {  	s5 =	sshll.u32 s28, $0x1;
	[dreg:$0x2] =	wrdreg s3  }
0xa9: {  	[dreg:$0x3] =	wrdreg s5  }
0xaa: {  	[dreg:$0x4] =	wrdreg $0xC0  }
0xab: {  	_ =	task [dreg:s7], $0x5FFFF  }
0xac: {  	[dreg:$0x1] =	wrdreg $0xFFFFFFFF  }
0xad: {  	[dreg:$0x0] =	wrdreg $0x60  }
0xae: {  	[dreg:$0x2] =	wrdreg s24  }
0xaf: {  	[dreg:$0x3] =	wrdreg s2  }
0xb0: {  	[dreg:$0x4] =	wrdreg $0x8C000  }
0xb1: {  	[dreg:$0x5] =	wrdreg $0x9  }
0xb2: {  	_ =	task.clear_ibuf [dreg:s7], $0x6FFFF;
	_ =	strace $0x9000004C  }
0xb3: {  	s29 =	simm.s32 $0x9;
	_ =	strace $0x8000004E  }
0xb4: {  	_ =	swait.ge [sflag:s29], $0x1  }
0xb5: {  	[sflag:s29] =	ssyncadd.s32 $0xFFFFFFFF  }
0xb6: {  	_ =	strace $0x9000004E  }
0xb7: {  	_ =	sfence  }
0xb8: {  	s30 =	sld [smem:$0x0];
	_ =	sdelay $0x2  }
0xb9: {  	s31 =	sshll.u32 s1, $0xD;
	s1 =	sshrl.u32 s1, $0x2  }
0xba: {  	s3 =	sand.u32 $0x4000, s31;
	s1 =	sadd.s32 s1, s30  }
0xbb: {  	s0 =	sor.u32 s3, s0;
	s1 =	sshll.u32 s1, $0x11  }
0xbc: {  	s0 =	sor.u32 s1, s0  }
0xbd: {  	s0 =	sadd.s32 $0x8F2B, s0  }
0xbe: {  	[sflag:s0] =	ssyncadd.remote.s32 $0x1  }
0xbf: {  	_ =	sfence.sel $0xFFFF  }
0xc0: {  	[dreg:$0x0] =	wrdreg $0xFFFFFFFF;
	(pc) =	sbr.abs _section_cstart, $3  }
0xc1: {  	[dreg:$0x1] =	wrdreg $0xFFFFFFFF  }
0xc2: {  	_ =	task.clear_ibuf [dreg:s7], $0x2FFFF;
	_ =	strace $0x9FFFFFFF  }
0xc3: {  	(tm) =	ssettm $0x7FFFFFFF  }
tec
execute0_lowered:
.L_overlay_start_1:
0x0: {  	(tag) =	ssettag $0x1  }
0x1: {  	s0 =	rddreg [dreg:$0x0]  }
0x2: {  	s1 =	rddreg [dreg:$0x1]  }
0x3: {  	s2 =	rddreg [dreg:$0x2]  }
0x4: {  	s3 =	srdreg.scid;
	s13 =	stileid.u32;
	s15 =	simm.s32 $0x400  }
0x5: {  	s16 =	simm.s32 $0x980;
	s18 =	simm.s32 $0x480;
	s28 =	simm.s32 $0x6C00  }
0x6: {  	s29 =	simm.s32 $0x6;
	s30 =	simm.s32 $0x1;
	s31 =	simm.s32 $0x7  }
0x7: {  	s5 =	sand.u32 $0x1, s3;
	s4 =	sshll.u32 s13, $0x1;
	s10 =	smul.u32 $0x27000, s13  }
0x8: {  	s3 =	simm.s32 $0x0;
	s12 =	smul.u32 $0x9C, s13;
	s24 =	sadd.s32 $0x9C000, s2  }
0x9: {  	p0 =	sne.s32 s13, $0xF;
	p1 =	sgt.u32 s13, $0x1;
	[smem:$0x7FF] =	sst s3  }
0xa: {  	s6 =	smul.u32 $0x13880, s5;
	_ =	strace $0x8000004D;
	[dreg:$0x17] =	wrdreg s24  }
0xb: {  	s7 =	sor.u32 s5, s4;
	s9 =	ssub.s32 $0x2, s5;
	[dreg:$0x9] =	wrdreg s15  }
0xc: {  	s4 =	sadd.s32 $0x2400, s0;
	s5 =	smul.u32 $0x4E, s5;
	[dreg:$0xa] =	wrdreg s16  }
0xd: {  	s11 =	sshrl.u32 s9, $0x1;
	s10 =	sshrl.u32 s10, $0x2;
	[dreg:$0xb] =	wrdreg s18  }
0xe: {  	s24 =	simm.s32 $0xB00;
	s0 =	sadd.s32 s6, s0;
	s6 =	ssub.s32 s9, s11  }
0xf: {  	s10 =	sadd.s32 s10, s2;
	s11 =	sadd.s32 $0x9C40, s1;
	[dreg:$0x10] =	wrdreg s24  }
0x10: {  	s5 =	sadd.s32 s5, s12;
	s12 =	simm.s32 $0x380;
	[dreg:$0x1c] =	wrdreg s11  }
0x11: {  	s8 =	smul.u32 $0x4E, s7;
	s20 =	sadd.s32 $0x2000, s10;
	[dreg:$0x8] =	wrdreg s12  }
0x12: {  	s7 =	smin.u32 s7, $0x4;
	s21 =	sadd.s32 $0x4000, s10;
	[dreg:$0x13] =	wrdreg s20  }
0x13: {  	s16 =	simm.s32 $0x4;
	s22 =	sadd.s32 $0x6000, s10;
	[dreg:$0x14] =	wrdreg s21  }
0x14: {  	s18 =	simm.s32 $0x700;
	s23 =	sadd.s32 $0x8000, s10;
	[dreg:$0x15] =	wrdreg s22  }
0x15: {  	s9 =	smul.u32 $0x9C00, s13;
	s6 =	smax.u32 s6, $0x1;
	[dreg:$0x16] =	wrdreg s23  }
0x16: {  	s24 =	simm.s32 $0x2C00;
	s17 =	sadd.s32 $0x15E00, s0;
	[smem:$0x7FC] =	sst s6  }
0x17: {  	s8 =	sadd.s32 s7, s8;
	s19 =	sadd.s32 s9, s2;
	[dreg:$0x1f] =	wrdreg s17  }
0x18: {  	s13 =	simm.s32 $0x800;
	s8 =	sshll.u32 s8, $0x4;
	[dreg:$0x12] =	wrdreg s19  }
0x19: {  	s5 =	sadd.s32 s7, s5;
	s20 =	simm.s32 $0xA00;
	[dreg:$0x19] =	wrdreg s8  }
0x1a: {  	s11 =	simm.s32 $0x900;
	s21 =	simm.s32 $0x500;
	[dreg:$0xc] =	wrdreg s20  }
0x1b: {  	s12 =	simm.s32 $0x780;
	s22 =	simm.s32 $0xA80;
	[dreg:$0xd] =	wrdreg s21  }
0x1c: {  	s5 =	sshll.u32 s5, $0x4;
	s23 =	simm.s32 $0x580;
	[dreg:$0xe] =	wrdreg s22  }
0x1d: {  	s25 =	sadd.s32 $0xC0, s5;
	s5 =	sadd.s32 $0x60, s5;
	[dreg:$0xf] =	wrdreg s23  }
0x1e: {  	s26 =	sadd.s32 s1, s8;
	s14 =	sadd.s32 $0x4E0, s8;
	[dreg:$0x18] =	wrdreg s25  }
0x1f: {  	s19 =	sshrl.u32 s9, $0x3;
	s20 =	simm.s32 $0xC00;
	[dreg:$0x1b] =	wrdreg s26  }
0x20: {  	s21 =	simm.s32 $0x9;
	s22 =	simm.s32 $0x600;
	[dreg:$0x1a] =	wrdreg s5  }
0x21: {  	s23 =	simm.s32 $0x80;
	s7 =	sadd.s32 s1, s25;
	[dreg:$0x1d] =	wrdreg s14  }
0x22: {  	s9 =	simm.s32 $0x3;
	s5 =	sadd.s32 s5, s1;
	[dreg:$0x4] =	wrdreg s7  }
0x23: {  	s1 =	sadd.s32 s1, s14;
	s25 =	simm.s32 $0xB80;
	[dreg:$0x5] =	wrdreg s5  }
0x24: {  	s26 =	sadd.s32 s19, s17;
	s17 =	simm.s32 $0x300;
	[dreg:$0x1e] =	wrdreg s1  }
0x25: {  	s19 =	simm.s32 $0x5;
	s14 =	simm.s32 $0x880;
	[dreg:$0x11] =	wrdreg s25  }
0x26: {  	[smem:$0x7FD] =	sst s26;
	s26 =	simm.s32 $0x4C00;
	s1 =	simm.s32 $0x2  }
0x27: {  	v0 =	vimm.f32 $0.0e+00;
	s7 =	simm.s32 $0x8;
	s5 =	simm.s32 $0x0;
	s25 =	simm.s32 $0x200  }
.LBB2_1:
0x28: {  	s10 =	simm.s32 $0x100;
	s15 =	simm.s32 $0x0  }
.LBB2_2:
0x29: {  	p2 =	sne.s32 s10, $0x7F00;
	[tilespmem:s15+$0xC30] =	vst v0;
	s0 =	smov.u32 s10;
	s10 =	sadd.s32 $0x100, s10  }
.Ltmp0:
0x2a: {  	[tilespmem:s15+$0xC20] =	vst v0;
	(pc) =	sbr.rel @p2 .LBB2_2-.Ltmp0, $3  }
0x2b: {  	[tilespmem:s15+$0xC00] =	vst v0  }
0x2c: {  	[tilespmem:s15+$0xC10] =	vst v0;
	_ =	sdelay $0x1  }
0x2d: {  	s15 =	sshra.s32 s0, $0x2  }
0x2e: {  	[tilespmem:s15+$0xC30] =	vst v0  }
0x2f: {  	[tilespmem:s15+$0xC20] =	vst v0  }
0x30: {  	[tilespmem:s15+$0xC00] =	vst v0  }
0x31: {  	s10 =	simm.s32 $0x0;
	[tilespmem:s15+$0xC10] =	vst v0;
	s0 =	simm.s32 $0x100;
	s15 =	simm.s32 $0x0  }
.LBB2_4:
0x32: {  	p2 =	sne.s32 s0, $0x7F00;
	[tilespmem:s15+$0x2C30] =	vst v0;
	s6 =	smov.u32 s0;
	s0 =	sadd.s32 $0x100, s0  }
.Ltmp1:
0x33: {  	[tilespmem:s15+$0x2C20] =	vst v0;
	(pc) =	sbr.rel @p2 .LBB2_4-.Ltmp1, $3  }
0x34: {  	[tilespmem:s15+$0x2C00] =	vst v0  }
0x35: {  	[tilespmem:s15+$0x2C10] =	vst v0;
	_ =	sdelay $0x1  }
0x36: {  	s15 =	sshra.s32 s6, $0x2  }
0x37: {  	[tilespmem:s15+$0x2C30] =	vst v0  }
0x38: {  	[tilespmem:s15+$0x2C20] =	vst v0  }
0x39: {  	[tilespmem:s15+$0x2C00] =	vst v0  }
0x3a: {  	[tilespmem:s15+$0x2C10] =	vst v0  }
.LBB2_6:
0x3b: {  	p2 =	sne.s32 s10, $0x7F00  }
.Ltmp2:
0x3c: {  	s0 =	sshra.s32 s10, $0x2;
	(pc) =	sbr.rel @p2 .LBB2_6-.Ltmp2, $4  }
0x3d: {  	[tilespmem:s0+$0x4C00] =	vst v0  }
0x3e: {  	[tilespmem:s0+$0x4C10] =	vst v0  }
0x3f: {  	[tilespmem:s0+$0x4C20] =	vst v0  }
0x40: {  	s10 =	sadd.s32 $0x100, s10;
	[tilespmem:s0+$0x4C30] =	vst v0  }
0x41: {  	[smem:$0x7FB] =	sst s5  }
0x42: {  	s0 =	simm.s32 $0x100;
	s10 =	simm.s32 $0x0;
	s8 =	simm.s32 $0x100  }
.LBB2_8:
0x43: {  	p2 =	sne.s32 s0, $0x7F00;
	[tilespmem:s10+$0x6C30] =	vst v0;
	s6 =	smov.u32 s0;
	s0 =	sadd.s32 $0x100, s0  }
.Ltmp3:
0x44: {  	[tilespmem:s10+$0x6C20] =	vst v0;
	(pc) =	sbr.rel @p2 .LBB2_8-.Ltmp3, $3  }
0x45: {  	[tilespmem:s10+$0x6C00] =	vst v0  }
0x46: {  	[tilespmem:s10+$0x6C10] =	vst v0;
	_ =	sdelay $0x1  }
0x47: {  	s10 =	sshra.s32 s6, $0x2  }
0x48: {  	[tilespmem:s10+$0x6C30] =	vst v0  }
0x49: {  	[tilespmem:s10+$0x6C20] =	vst v0  }
0x4a: {  	[tilespmem:s10+$0x6C00] =	vst v0  }
0x4b: {  	[tilespmem:s10+$0x6C10] =	vst v0;
	s0 =	rddreg [dreg:$0x12]  }
0x4c: {  	[spmem:s0] =	stream.linear.scatter [tilespmem:s20], [sflag:$0x9], $0x2000, $0x38;
	[tilespmem:$0x12840] =	vst v63  }
0x4d: {  	_ =	swait.ge [sflag:s21], $0x2000  }
0x4e: {  	[sflag:s21] =	ssyncset.done $0x0  }
0x4f: {  	s5 =	rddreg [dreg:$0x13];
	[sflag:s21] =	ssyncadd.s32 $0xFFFFE000  }
0x50: {  	[spmem:s5] =	stream.linear.scatter [tilespmem:s20], [sflag:$0x9], $0x2000, $0x38;
	[tilespmem:$0x12840] =	vst v63  }
0x51: {  	_ =	swait.ge [sflag:s21], $0x2000  }
0x52: {  	[sflag:s21] =	ssyncset.done $0x0  }
0x53: {  	s6 =	rddreg [dreg:$0x14];
	[sflag:s21] =	ssyncadd.s32 $0xFFFFE000  }
0x54: {  	[spmem:s6] =	stream.linear.scatter [tilespmem:s20], [sflag:$0x9], $0x2000, $0x38;
	[tilespmem:$0x12840] =	vst v63  }
0x55: {  	_ =	swait.ge [sflag:s21], $0x2000  }
0x56: {  	[sflag:s21] =	ssyncset.done $0x0  }
0x57: {  	s10 =	rddreg [dreg:$0x15];
	[sflag:s21] =	ssyncadd.s32 $0xFFFFE000  }
0x58: {  	[spmem:s10] =	stream.linear.scatter [tilespmem:s20], [sflag:$0x9], $0x2000, $0x38;
	[tilespmem:$0x12840] =	vst v63  }
0x59: {  	_ =	swait.ge [sflag:s21], $0x2000  }
0x5a: {  	[sflag:s21] =	ssyncset.done $0x0  }
0x5b: {  	s15 =	rddreg [dreg:$0x16];
	[sflag:s21] =	ssyncadd.s32 $0xFFFFE000  }
0x5c: {  	[spmem:s15] =	stream.linear.scatter [tilespmem:s20], [sflag:$0x9], $0x1C00, $0x38;
	[tilespmem:$0x12840] =	vst v63  }
0x5d: {  	_ =	swait.ge [sflag:s21], $0x1C00  }
0x5e: {  	[sflag:s21] =	ssyncset.done $0x0  }
0x5f: {  	s0 =	simm.s32 @!p0 $0xC00;
	s6 =	rddreg [dreg:$0x17];
	[sflag:s21] =	ssyncadd.s32 $0xFFFFE400  }
0x60: {  	[spmem:s6] =	stream.linear.scatter @!p0 [tilespmem:s0], [sflag:$0x9], $0x400, $0x38;
	[tilespmem:$0x12840] =	vst v63  }
0x61: {  	s0 =	simm.s32 @!p0 $0x9  }
0x62: {  	_ =	swait.ge @!p0 [sflag:s0], $0x400  }
0x63: {  	[sflag:s0] =	ssyncset.done @!p0 $0x0  }
0x64: {  	[sflag:s0] =	ssyncadd.s32 @!p0 $0xFFFFFC00  }
0x65: {  	[bflag:$0x0] =	sbarrier.arrive $0xFFFF  }
0x66: {  	s0 =	simm.s32 $0x0;
	s5 =	rddreg [dreg:$0x1b]  }
0x67: {  	[tilespmem:s0], [sflag:$0x9] =	stream.linear.gather [hbm4b:s5+s0], $0x300, $0x38;
	[tilespmem:$0x12840] =	vst v63  }
0x68: {  	_ =	swait.ge [sflag:s21], $0x300  }
0x69: {  	s10 =	rddreg [dreg:$0x19]  }
0x6a: {  	[sflag:s21] =	ssyncset.done $0x0;
	s15 =	rddreg [dreg:$0x1c]  }
0x6b: {  	[sflag:s21] =	ssyncadd.s32 $0xFFFFFD00;
	s6 =	sadd.s32 s10, s15  }
0x6c: {  	[tilespmem:s22], [sflag:$0x9] =	stream.linear.gather [hbm4b:s6+s0], $0x300, $0x38;
	[tilespmem:$0x12840] =	vst v63  }
0x6d: {  	_ =	swait.ge [sflag:s21], $0x300  }
0x6e: {  	[sflag:s21] =	ssyncset.done $0x0  }
0x6f: {  	[sflag:s21] =	ssyncadd.s32 $0xFFFFFD00  }
0x70: {  	[spmem:s2] =	stream.indirect.scatter.add.f32 [tilespmem:s24], [sflag:$0x6], $0x40, s22, s23, $0xb8;
	[tilespmem:$0x12840] =	vst v63  }
0x71: {  	_ = 	snop  }
0x72: {  	[spmem:s2] =	stream.indirect.scatter.add.f32 [tilespmem:s26], [sflag:$0x7], $0x40, s22, s23, $0xb8;
	[tilespmem:$0x12840] =	vst v63  }
0x73: {  	_ = 	snop  }
0x74: {  	[spmem:s2] =	stream.indirect.scatter.add.f32 [tilespmem:s28], [sflag:$0x8], $0x40, s22, s23, $0xb8;
	[tilespmem:$0x12840] =	vst v63  }
0x75: {  	s5 =	rddreg [dreg:$0x18]  }
0x76: {  	[tilespmem:s20], [sflag:$0x1] =	stream.indirect.gather [hbm4b:s4+s23], $0x40, s0, s23, $0xb8;
	[tilespmem:$0x12840] =	vst v63  }
0x77: {  	s6 =	rddreg [dreg:$0x1a];
	s0 =	sadd.s32 s15, s5  }
0x78: {  	[dreg:$0x6] =	wrdreg s0;
	s0 =	sadd.s32 s15, s6  }
0x79: {  	[dreg:$0x7] =	wrdreg s0  }
0x7a: {  	_ =	swait.ge [sflag:s29], $0x2000  }
0x7b: {  	[sflag:s29] =	ssyncset.done $0x0  }
0x7c: {  	[sflag:s29] =	ssyncadd.s32 $0xFFFFE000  }
0x7d: {  	[tilespmem:s24], [sflag:$0x2] =	stream.indirect.gather [hbm4b:s4+s23], $0x40, s23, s23, $0xb8;
	[tilespmem:$0x12840] =	vst v63  }
0x7e: {  	_ =	swait.ge [sflag:s30], $0x2000  }
0x7f: {  	[sflag:s30] =	ssyncset.done $0x0  }
0x80: {  	[sflag:s30] =	ssyncadd.s32 $0xFFFFE000  }
0x81: {  	[spmem:s2] =	stream.indirect.scatter.add.f32 [tilespmem:s20], [sflag:$0x5], $0x40, s22, s23, $0xb8;
	[tilespmem:$0x12840] =	vst v63  }
0x82: {  	_ =	swait.ge [sflag:s31], $0x2000  }
0x83: {  	[sflag:s31] =	ssyncset.done $0x0  }
0x84: {  	[sflag:s31] =	ssyncadd.s32 $0xFFFFE000  }
0x85: {  	[tilespmem:s26], [sflag:$0x3] =	stream.indirect.gather [hbm4b:s4+s23], $0x40, s8, s23, $0xb8;
	[tilespmem:$0x12840] =	vst v63  }
0x86: {  	_ =	swait.ge [sflag:s1], $0x2000  }
0x87: {  	[sflag:s1] =	ssyncset.done $0x0  }
0x88: {  	s8 =	simm.s32 $0x680;
	[sflag:s1] =	ssyncadd.s32 $0xFFFFE000  }
0x89: {  	[spmem:s2] =	stream.indirect.scatter.add.f32 [tilespmem:s24], [sflag:$0x6], $0x40, s8, s23, $0xb8;
	[tilespmem:$0x12840] =	vst v63  }
0x8a: {  	_ =	swait.ge [sflag:s7], $0x2000  }
0x8b: {  	[sflag:s7] =	ssyncset.done $0x0  }
0x8c: {  	s10 =	simm.s32 $0x180;
	[sflag:s7] =	ssyncadd.s32 $0xFFFFE000  }
0x8d: {  	[tilespmem:s28], [sflag:$0x4] =	stream.indirect.gather [hbm4b:s4+s23], $0x40, s10, s23, $0xb8;
	[tilespmem:$0x12840] =	vst v63  }
0x8e: {  	_ =	swait.ge [sflag:s9], $0x2000  }
0x8f: {  	[sflag:s9] =	ssyncset.done $0x0  }
0x90: {  	s15 =	rddreg [dreg:$0x5];
	[sflag:s9] =	ssyncadd.s32 $0xFFFFE000  }
0x91: {  	[spmem:s2] =	stream.indirect.scatter.add.f32 [tilespmem:s26], [sflag:$0x7], $0x40, s18, s23, $0xb8;
	[tilespmem:$0x12840] =	vst v63  }
0x92: {  	s0 =	sadd.s32 $0x0, s15  }
0x93: {  	[tilespmem:s17], [sflag:$0x9] =	stream.linear.gather [hbm4b:s0+s3], $0x300, $0x38;
	[tilespmem:$0x12840] =	vst v63  }
0x94: {  	_ =	swait.ge [sflag:s21], $0x300  }
0x95: {  	s5 =	rddreg [dreg:$0x7];
	[sflag:s21] =	ssyncset.done $0x0  }
0x96: {  	[sflag:s21] =	ssyncadd.s32 $0xFFFFFD00;
	s0 =	sadd.s32 $0x0, s5  }
0x97: {  	[tilespmem:s11], [sflag:$0x9] =	stream.linear.gather [hbm4b:s0+s3], $0x300, $0x38;
	[tilespmem:$0x12840] =	vst v63  }
0x98: {  	_ =	swait.ge [sflag:s21], $0x300  }
0x99: {  	[sflag:s21] =	ssyncset.done $0x0  }
0x9a: {  	[sflag:s21] =	ssyncadd.s32 $0xFFFFFD00  }
0x9b: {  	_ =	swait.ge [sflag:s19], $0x2000  }
0x9c: {  	[sflag:s19] =	ssyncset.done $0x0  }
0x9d: {  	[sflag:s19] =	ssyncadd.s32 $0xFFFFE000  }
0x9e: {  	[tilespmem:s20], [sflag:$0x1] =	stream.indirect.gather [hbm4b:s4+s23], $0x40, s25, s23, $0xb8;
	[tilespmem:$0x12840] =	vst v63  }
0x9f: {  	_ =	swait.ge [sflag:s16], $0x2000  }
0xa0: {  	[sflag:s16] =	ssyncset.done $0x0  }
0xa1: {  	[sflag:s16] =	ssyncadd.s32 $0xFFFFE000  }
0xa2: {  	[spmem:s2] =	stream.indirect.scatter.add.f32 [tilespmem:s28], [sflag:$0x8], $0x40, s12, s23, $0xb8;
	[tilespmem:$0x12840] =	vst v63  }
0xa3: {  	_ =	swait.ge [sflag:s29], $0x2000  }
0xa4: {  	[sflag:s29] =	ssyncset.done $0x0  }
0xa5: {  	s5 =	simm.s32 $0x280;
	[sflag:s29] =	ssyncadd.s32 $0xFFFFE000  }
0xa6: {  	[tilespmem:s24], [sflag:$0x2] =	stream.indirect.gather [hbm4b:s4+s23], $0x40, s5, s23, $0xb8;
	[tilespmem:$0x12840] =	vst v63  }
0xa7: {  	_ =	swait.ge [sflag:s30], $0x2000  }
0xa8: {  	[sflag:s30] =	ssyncset.done $0x0  }
0xa9: {  	[sflag:s30] =	ssyncadd.s32 $0xFFFFE000  }
0xaa: {  	[spmem:s2] =	stream.indirect.scatter.add.f32 [tilespmem:s20], [sflag:$0x5], $0x40, s13, s23, $0xb8;
	[tilespmem:$0x12840] =	vst v63  }
0xab: {  	_ =	swait.ge [sflag:s31], $0x2000  }
0xac: {  	[sflag:s31] =	ssyncset.done $0x0  }
0xad: {  	[sflag:s31] =	ssyncadd.s32 $0xFFFFE000  }
0xae: {  	[tilespmem:s26], [sflag:$0x3] =	stream.indirect.gather [hbm4b:s4+s23], $0x40, s17, s23, $0xb8;
	[tilespmem:$0x12840] =	vst v63  }
0xaf: {  	_ =	swait.ge [sflag:s1], $0x2000  }
0xb0: {  	[sflag:s1] =	ssyncset.done $0x0  }
0xb1: {  	[sflag:s1] =	ssyncadd.s32 $0xFFFFE000  }
0xb2: {  	[spmem:s2] =	stream.indirect.scatter.add.f32 [tilespmem:s24], [sflag:$0x6], $0x40, s14, s23, $0xb8;
	[tilespmem:$0x12840] =	vst v63  }
0xb3: {  	_ =	swait.ge [sflag:s7], $0x2000  }
0xb4: {  	[sflag:s7] =	ssyncset.done $0x0  }
0xb5: {  	s6 =	rddreg [dreg:$0x8];
	[sflag:s7] =	ssyncadd.s32 $0xFFFFE000  }
0xb6: {  	[tilespmem:s28], [sflag:$0x4] =	stream.indirect.gather [hbm4b:s4+s23], $0x40, s6, s23, $0xb8;
	[tilespmem:$0x12840] =	vst v63  }
0xb7: {  	_ =	swait.ge [sflag:s9], $0x2000  }
0xb8: {  	[sflag:s9] =	ssyncset.done $0x0  }
0xb9: {  	[sflag:s9] =	ssyncadd.s32 $0xFFFFE000  }
0xba: {  	[spmem:s2] =	stream.indirect.scatter.add.f32 [tilespmem:s26], [sflag:$0x7], $0x40, s11, s23, $0xb8;
	[tilespmem:$0x12840] =	vst v63  }
0xbb: {  	_ =	swait.ge [sflag:s19], $0x2000  }
0xbc: {  	[sflag:s19] =	ssyncset.done $0x0  }
0xbd: {  	s8 =	rddreg [dreg:$0x9];
	[sflag:s19] =	ssyncadd.s32 $0xFFFFE000  }
0xbe: {  	[tilespmem:s20], [sflag:$0x1] =	stream.indirect.gather [hbm4b:s4+s23], $0x40, s8, s23, $0xb8;
	[tilespmem:$0x12840] =	vst v63  }
0xbf: {  	_ =	swait.ge [sflag:s16], $0x2000  }
0xc0: {  	[sflag:s16] =	ssyncset.done $0x0  }
0xc1: {  	s10 =	rddreg [dreg:$0xa];
	[sflag:s16] =	ssyncadd.s32 $0xFFFFE000  }
0xc2: {  	[spmem:s2] =	stream.indirect.scatter.add.f32 [tilespmem:s28], [sflag:$0x8], $0x40, s10, s23, $0xb8;
	[tilespmem:$0x12840] =	vst v63  }
0xc3: {  	_ =	swait.ge [sflag:s29], $0x2000  }
0xc4: {  	[sflag:s29] =	ssyncset.done $0x0  }
0xc5: {  	s15 =	rddreg [dreg:$0xb];
	[sflag:s29] =	ssyncadd.s32 $0xFFFFE000  }
0xc6: {  	[tilespmem:s24], [sflag:$0x2] =	stream.indirect.gather [hbm4b:s4+s23], $0x40, s15, s23, $0xb8;
	[tilespmem:$0x12840] =	vst v63  }
0xc7: {  	_ =	swait.ge [sflag:s30], $0x2000  }
0xc8: {  	s6 =	rddreg [dreg:$0xc];
	[sflag:s30] =	ssyncset.done $0x0  }
0xc9: {  	s8 =	rddreg [dreg:$0x4];
	[sflag:s30] =	ssyncadd.s32 $0xFFFFE000  }
0xca: {  	[spmem:s2] =	stream.indirect.scatter.add.f32 [tilespmem:s20], [sflag:$0x5], $0x40, s6, s23, $0xb8;
	[tilespmem:$0x12840] =	vst v63  }
0xcb: {  	s10 =	sadd.s32 $0x0, s8  }
0xcc: {  	[tilespmem:s3], [sflag:$0x9] =	stream.linear.gather [hbm4b:s10+s3], $0x300, $0x38;
	[tilespmem:$0x12840] =	vst v63  }
0xcd: {  	_ =	swait.ge [sflag:s21], $0x300  }
0xce: {  	s15 =	rddreg [dreg:$0x6];
	[sflag:s21] =	ssyncset.done $0x0  }
0xcf: {  	[sflag:s21] =	ssyncadd.s32 $0xFFFFFD00;
	s0 =	sadd.s32 $0x0, s15  }
0xd0: {  	[tilespmem:s22], [sflag:$0x9] =	stream.linear.gather [hbm4b:s0+s3], $0x300, $0x38;
	[tilespmem:$0x12840] =	vst v63  }
0xd1: {  	_ =	swait.ge [sflag:s21], $0x300  }
0xd2: {  	[sflag:s21] =	ssyncset.done $0x0  }
0xd3: {  	[sflag:s21] =	ssyncadd.s32 $0xFFFFFD00  }
0xd4: {  	_ =	swait.ge [sflag:s31], $0x2000  }
0xd5: {  	[sflag:s31] =	ssyncset.done $0x0  }
0xd6: {  	s6 =	rddreg [dreg:$0xd];
	[sflag:s31] =	ssyncadd.s32 $0xFFFFE000  }
0xd7: {  	[tilespmem:s26], [sflag:$0x3] =	stream.indirect.gather [hbm4b:s4+s23], $0x40, s6, s23, $0xb8;
	[tilespmem:$0x12840] =	vst v63  }
0xd8: {  	_ =	swait.ge [sflag:s1], $0x2000  }
0xd9: {  	[sflag:s1] =	ssyncset.done $0x0  }
0xda: {  	s8 =	rddreg [dreg:$0xe];
	[sflag:s1] =	ssyncadd.s32 $0xFFFFE000  }
0xdb: {  	[spmem:s2] =	stream.indirect.scatter.add.f32 [tilespmem:s24], [sflag:$0x6], $0x40, s8, s23, $0xb8;
	[tilespmem:$0x12840] =	vst v63  }
0xdc: {  	_ =	swait.ge [sflag:s7], $0x2000  }
0xdd: {  	[sflag:s7] =	ssyncset.done $0x0  }
0xde: {  	s10 =	rddreg [dreg:$0xf];
	[sflag:s7] =	ssyncadd.s32 $0xFFFFE000  }
0xdf: {  	[tilespmem:s28], [sflag:$0x4] =	stream.indirect.gather [hbm4b:s4+s23], $0x40, s10, s23, $0xb8;
	[tilespmem:$0x12840] =	vst v63  }
0xe0: {  	_ =	swait.ge [sflag:s9], $0x2000  }
0xe1: {  	[sflag:s9] =	ssyncset.done $0x0  }
0xe2: {  	s15 =	rddreg [dreg:$0x10];
	[sflag:s9] =	ssyncadd.s32 $0xFFFFE000  }
0xe3: {  	[spmem:s2] =	stream.indirect.scatter.add.f32 [tilespmem:s26], [sflag:$0x7], $0x40, s15, s23, $0xb8;
	[tilespmem:$0x12840] =	vst v63  }
0xe4: {  	_ =	swait.ge [sflag:s19], $0x2000  }
0xe5: {  	[sflag:s19] =	ssyncset.done $0x0  }
0xe6: {  	[sflag:s19] =	ssyncadd.s32 $0xFFFFE000  }
0xe7: {  	[tilespmem:s20], [sflag:$0x1] =	stream.indirect.gather [hbm4b:s4+s23], $0x40, s3, s23, $0xb8;
	[tilespmem:$0x12840] =	vst v63  }
0xe8: {  	_ =	swait.ge [sflag:s16], $0x2000  }
0xe9: {  	s8 =	simm.s32 $0x100;
	[sflag:s16] =	ssyncset.done $0x0  }
0xea: {  	s15 =	simm.s32 $0xC0;
	s0 =	rddreg [dreg:$0x11];
	[sflag:s16] =	ssyncadd.s32 $0xFFFFE000  }
.LBB2_10:
0xeb: {  	[spmem:s2] =	stream.indirect.scatter.add.f32 [tilespmem:s28], [sflag:$0x8], $0x40, s0, s23, $0xb8;
	[tilespmem:$0x12840] =	vst v63  }
0xec: {  	_ =	swait.ge [sflag:s29], $0x2000  }
0xed: {  	[sflag:s29] =	ssyncset.done $0x0  }
0xee: {  	[sflag:s29] =	ssyncadd.s32 $0xFFFFE000  }
0xef: {  	[tilespmem:s24], [sflag:$0x2] =	stream.indirect.gather [hbm4b:s4+s23], $0x40, s23, s23, $0xb8;
	[tilespmem:$0x12840] =	vst v63  }
0xf0: {  	_ =	swait.ge [sflag:s30], $0x2000  }
0xf1: {  	[sflag:s30] =	ssyncset.done $0x0  }
0xf2: {  	[sflag:s30] =	ssyncadd.s32 $0xFFFFE000  }
0xf3: {  	[spmem:s2] =	stream.indirect.scatter.add.f32 [tilespmem:s20], [sflag:$0x5], $0x40, s22, s23, $0xb8;
	[tilespmem:$0x12840] =	vst v63  }
0xf4: {  	_ =	swait.ge [sflag:s31], $0x2000  }
0xf5: {  	[sflag:s31] =	ssyncset.done $0x0  }
0xf6: {  	[sflag:s31] =	ssyncadd.s32 $0xFFFFE000  }
0xf7: {  	[tilespmem:s26], [sflag:$0x3] =	stream.indirect.gather [hbm4b:s4+s23], $0x40, s8, s23, $0xb8;
	[tilespmem:$0x12840] =	vst v63  }
0xf8: {  	_ =	swait.ge [sflag:s1], $0x2000  }
0xf9: {  	[sflag:s1] =	ssyncset.done $0x0  }
0xfa: {  	s6 =	simm.s32 $0x680;
	[sflag:s1] =	ssyncadd.s32 $0xFFFFE000  }
0xfb: {  	[spmem:s2] =	stream.indirect.scatter.add.f32 [tilespmem:s24], [sflag:$0x6], $0x40, s6, s23, $0xb8;
	[tilespmem:$0x12840] =	vst v63  }
0xfc: {  	_ =	swait.ge [sflag:s7], $0x2000  }
0xfd: {  	[sflag:s7] =	ssyncset.done $0x0  }
0xfe: {  	s6 =	simm.s32 $0x180;
	[sflag:s7] =	ssyncadd.s32 $0xFFFFE000  }
0xff: {  	[tilespmem:s28], [sflag:$0x4] =	stream.indirect.gather [hbm4b:s4+s23], $0x40, s6, s23, $0xb8;
	[tilespmem:$0x12840] =	vst v63  }
0x100: {  	_ =	swait.ge [sflag:s9], $0x2000  }
0x101: {  	[sflag:s9] =	ssyncset.done $0x0  }
0x102: {  	s10 =	smov.u32 s15;
	s6 =	rddreg [dreg:$0x5];
	[sflag:s9] =	ssyncadd.s32 $0xFFFFE000  }
0x103: {  	[spmem:s2] =	stream.indirect.scatter.add.f32 [tilespmem:s26], [sflag:$0x7], $0x40, s18, s23, $0xb8;
	[tilespmem:$0x12840] =	vst v63  }
0x104: {  	s0 =	sadd.s32 s10, s6  }
0x105: {  	[tilespmem:s17], [sflag:$0x9] =	stream.linear.gather [hbm4b:s0+s3], $0x300, $0x38;
	[tilespmem:$0x12840] =	vst v63  }
0x106: {  	_ =	swait.ge [sflag:s21], $0x300  }
0x107: {  	s6 =	rddreg [dreg:$0x7];
	[sflag:s21] =	ssyncset.done $0x0  }
0x108: {  	[sflag:s21] =	ssyncadd.s32 $0xFFFFFD00;
	s0 =	sadd.s32 s10, s6  }
0x109: {  	[tilespmem:s11], [sflag:$0x9] =	stream.linear.gather [hbm4b:s0+s3], $0x300, $0x38;
	[tilespmem:$0x12840] =	vst v63  }
0x10a: {  	_ =	swait.ge [sflag:s21], $0x300  }
0x10b: {  	[sflag:s21] =	ssyncset.done $0x0  }
0x10c: {  	[sflag:s21] =	ssyncadd.s32 $0xFFFFFD00  }
0x10d: {  	_ =	swait.ge [sflag:s19], $0x2000  }
0x10e: {  	[sflag:s19] =	ssyncset.done $0x0  }
0x10f: {  	[sflag:s19] =	ssyncadd.s32 $0xFFFFE000  }
0x110: {  	[tilespmem:s20], [sflag:$0x1] =	stream.indirect.gather [hbm4b:s4+s23], $0x40, s25, s23, $0xb8;
	[tilespmem:$0x12840] =	vst v63  }
0x111: {  	_ =	swait.ge [sflag:s16], $0x2000  }
0x112: {  	[sflag:s16] =	ssyncset.done $0x0  }
0x113: {  	[sflag:s16] =	ssyncadd.s32 $0xFFFFE000  }
0x114: {  	[spmem:s2] =	stream.indirect.scatter.add.f32 [tilespmem:s28], [sflag:$0x8], $0x40, s12, s23, $0xb8;
	[tilespmem:$0x12840] =	vst v63  }
0x115: {  	_ =	swait.ge [sflag:s29], $0x2000  }
0x116: {  	[sflag:s29] =	ssyncset.done $0x0  }
0x117: {  	[sflag:s29] =	ssyncadd.s32 $0xFFFFE000  }
0x118: {  	[tilespmem:s24], [sflag:$0x2] =	stream.indirect.gather [hbm4b:s4+s23], $0x40, s5, s23, $0xb8;
	[tilespmem:$0x12840] =	vst v63  }
0x119: {  	_ =	swait.ge [sflag:s30], $0x2000  }
0x11a: {  	[sflag:s30] =	ssyncset.done $0x0  }
0x11b: {  	[sflag:s30] =	ssyncadd.s32 $0xFFFFE000  }
0x11c: {  	[spmem:s2] =	stream.indirect.scatter.add.f32 [tilespmem:s20], [sflag:$0x5], $0x40, s13, s23, $0xb8;
	[tilespmem:$0x12840] =	vst v63  }
0x11d: {  	_ =	swait.ge [sflag:s31], $0x2000  }
0x11e: {  	[sflag:s31] =	ssyncset.done $0x0  }
0x11f: {  	[sflag:s31] =	ssyncadd.s32 $0xFFFFE000  }
0x120: {  	[tilespmem:s26], [sflag:$0x3] =	stream.indirect.gather [hbm4b:s4+s23], $0x40, s17, s23, $0xb8;
	[tilespmem:$0x12840] =	vst v63  }
0x121: {  	_ =	swait.ge [sflag:s1], $0x2000  }
0x122: {  	[sflag:s1] =	ssyncset.done $0x0  }
0x123: {  	[sflag:s1] =	ssyncadd.s32 $0xFFFFE000  }
0x124: {  	[spmem:s2] =	stream.indirect.scatter.add.f32 [tilespmem:s24], [sflag:$0x6], $0x40, s14, s23, $0xb8;
	[tilespmem:$0x12840] =	vst v63  }
0x125: {  	_ =	swait.ge [sflag:s7], $0x2000  }
0x126: {  	[sflag:s7] =	ssyncset.done $0x0  }
0x127: {  	s6 =	rddreg [dreg:$0x8];
	[sflag:s7] =	ssyncadd.s32 $0xFFFFE000  }
0x128: {  	[tilespmem:s28], [sflag:$0x4] =	stream.indirect.gather [hbm4b:s4+s23], $0x40, s6, s23, $0xb8;
	[tilespmem:$0x12840] =	vst v63  }
0x129: {  	_ =	swait.ge [sflag:s9], $0x2000  }
0x12a: {  	[sflag:s9] =	ssyncset.done $0x0  }
0x12b: {  	[sflag:s9] =	ssyncadd.s32 $0xFFFFE000  }
0x12c: {  	[spmem:s2] =	stream.indirect.scatter.add.f32 [tilespmem:s26], [sflag:$0x7], $0x40, s11, s23, $0xb8;
	[tilespmem:$0x12840] =	vst v63  }
0x12d: {  	_ =	swait.ge [sflag:s19], $0x2000  }
0x12e: {  	[sflag:s19] =	ssyncset.done $0x0  }
0x12f: {  	s6 =	rddreg [dreg:$0x9];
	[sflag:s19] =	ssyncadd.s32 $0xFFFFE000  }
0x130: {  	[tilespmem:s20], [sflag:$0x1] =	stream.indirect.gather [hbm4b:s4+s23], $0x40, s6, s23, $0xb8;
	[tilespmem:$0x12840] =	vst v63  }
0x131: {  	_ =	swait.ge [sflag:s16], $0x2000  }
0x132: {  	[sflag:s16] =	ssyncset.done $0x0  }
0x133: {  	s6 =	rddreg [dreg:$0xa];
	[sflag:s16] =	ssyncadd.s32 $0xFFFFE000  }
0x134: {  	[spmem:s2] =	stream.indirect.scatter.add.f32 [tilespmem:s28], [sflag:$0x8], $0x40, s6, s23, $0xb8;
	[tilespmem:$0x12840] =	vst v63  }
0x135: {  	_ =	swait.ge [sflag:s29], $0x2000  }
0x136: {  	[sflag:s29] =	ssyncset.done $0x0  }
0x137: {  	s6 =	rddreg [dreg:$0xb];
	[sflag:s29] =	ssyncadd.s32 $0xFFFFE000  }
0x138: {  	[tilespmem:s24], [sflag:$0x2] =	stream.indirect.gather [hbm4b:s4+s23], $0x40, s6, s23, $0xb8;
	[tilespmem:$0x12840] =	vst v63  }
0x139: {  	_ =	swait.ge [sflag:s30], $0x2000  }
0x13a: {  	s0 =	rddreg [dreg:$0xc];
	[sflag:s30] =	ssyncset.done $0x0  }
0x13b: {  	s6 =	rddreg [dreg:$0x4];
	[sflag:s30] =	ssyncadd.s32 $0xFFFFE000  }
0x13c: {  	[spmem:s2] =	stream.indirect.scatter.add.f32 [tilespmem:s20], [sflag:$0x5], $0x40, s0, s23, $0xb8;
	[tilespmem:$0x12840] =	vst v63  }
0x13d: {  	s6 =	sadd.s32 s10, s6  }
0x13e: {  	[tilespmem:s3], [sflag:$0x9] =	stream.linear.gather [hbm4b:s6+s3], $0x300, $0x38;
	[tilespmem:$0x12840] =	vst v63  }
0x13f: {  	_ =	swait.ge [sflag:s21], $0x300  }
0x140: {  	s6 =	rddreg [dreg:$0x6];
	[sflag:s21] =	ssyncset.done $0x0  }
0x141: {  	[sflag:s21] =	ssyncadd.s32 $0xFFFFFD00;
	s0 =	sadd.s32 s10, s6  }
0x142: {  	[tilespmem:s22], [sflag:$0x9] =	stream.linear.gather [hbm4b:s0+s3], $0x300, $0x38;
	[tilespmem:$0x12840] =	vst v63  }
0x143: {  	_ =	swait.ge [sflag:s21], $0x300  }
0x144: {  	[sflag:s21] =	ssyncset.done $0x0  }
0x145: {  	[sflag:s21] =	ssyncadd.s32 $0xFFFFFD00  }
0x146: {  	_ =	swait.ge [sflag:s31], $0x2000  }
0x147: {  	[sflag:s31] =	ssyncset.done $0x0  }
0x148: {  	s6 =	rddreg [dreg:$0xd];
	[sflag:s31] =	ssyncadd.s32 $0xFFFFE000  }
0x149: {  	[tilespmem:s26], [sflag:$0x3] =	stream.indirect.gather [hbm4b:s4+s23], $0x40, s6, s23, $0xb8;
	[tilespmem:$0x12840] =	vst v63  }
0x14a: {  	_ =	swait.ge [sflag:s1], $0x2000  }
0x14b: {  	[sflag:s1] =	ssyncset.done $0x0  }
0x14c: {  	s10 =	rddreg [dreg:$0xe];
	[sflag:s1] =	ssyncadd.s32 $0xFFFFE000  }
0x14d: {  	[spmem:s2] =	stream.indirect.scatter.add.f32 [tilespmem:s24], [sflag:$0x6], $0x40, s10, s23, $0xb8;
	[tilespmem:$0x12840] =	vst v63  }
0x14e: {  	_ =	swait.ge [sflag:s7], $0x2000  }
0x14f: {  	[sflag:s7] =	ssyncset.done $0x0  }
0x150: {  	s6 =	rddreg [dreg:$0xf];
	[sflag:s7] =	ssyncadd.s32 $0xFFFFE000  }
0x151: {  	[tilespmem:s28], [sflag:$0x4] =	stream.indirect.gather [hbm4b:s4+s23], $0x40, s6, s23, $0xb8;
	[tilespmem:$0x12840] =	vst v63  }
0x152: {  	_ =	swait.ge [sflag:s9], $0x2000  }
0x153: {  	[sflag:s9] =	ssyncset.done $0x0  }
0x154: {  	s10 =	rddreg [dreg:$0x10];
	[sflag:s9] =	ssyncadd.s32 $0xFFFFE000  }
0x155: {  	[spmem:s2] =	stream.indirect.scatter.add.f32 [tilespmem:s26], [sflag:$0x7], $0x40, s10, s23, $0xb8;
	[tilespmem:$0x12840] =	vst v63  }
0x156: {  	_ =	swait.ge [sflag:s19], $0x2000  }
0x157: {  	p2 =	sne.s32 s15, $0x3C0;
	[sflag:s19] =	ssyncset.done $0x0  }
.Ltmp4:
0x158: {  	[sflag:s19] =	ssyncadd.s32 $0xFFFFE000;
	(pc) =	sbr.rel @p2 .LBB2_10-.Ltmp4, $4  }
0x159: {  	[tilespmem:s20], [sflag:$0x1] =	stream.indirect.gather [hbm4b:s4+s23], $0x40, s3, s23, $0xb8;
	[tilespmem:$0x12840] =	vst v63  }
0x15a: {  	_ =	swait.ge [sflag:s16], $0x2000  }
0x15b: {  	[sflag:s16] =	ssyncset.done $0x0  }
0x15c: {  	s15 =	sadd.s32 $0xC0, s15;
	s0 =	rddreg [dreg:$0x11];
	[sflag:s16] =	ssyncadd.s32 $0xFFFFE000  }
0x15d: {  	[spmem:s2] =	stream.indirect.scatter.add.f32 [tilespmem:s28], [sflag:$0x8], $0x40, s0, s23, $0xb8;
	[tilespmem:$0x12840] =	vst v63  }
0x15e: {  	_ =	swait.ge [sflag:s29], $0x2000  }
0x15f: {  	[sflag:s29] =	ssyncset.done $0x0  }
0x160: {  	[sflag:s29] =	ssyncadd.s32 $0xFFFFE000  }
0x161: {  	[tilespmem:s24], [sflag:$0x2] =	stream.indirect.gather [hbm4b:s4+s23], $0x40, s23, s23, $0xb8;
	[tilespmem:$0x12840] =	vst v63  }
0x162: {  	_ =	swait.ge [sflag:s30], $0x2000  }
0x163: {  	[sflag:s30] =	ssyncset.done $0x0  }
0x164: {  	[sflag:s30] =	ssyncadd.s32 $0xFFFFE000  }
0x165: {  	[spmem:s2] =	stream.indirect.scatter.add.f32 [tilespmem:s20], [sflag:$0x5], $0x40, s22, s23, $0xb8;
	[tilespmem:$0x12840] =	vst v63  }
0x166: {  	_ =	swait.ge [sflag:s31], $0x2000  }
0x167: {  	[sflag:s31] =	ssyncset.done $0x0  }
0x168: {  	[sflag:s31] =	ssyncadd.s32 $0xFFFFE000  }
0x169: {  	[tilespmem:s26], [sflag:$0x3] =	stream.indirect.gather [hbm4b:s4+s23], $0x40, s8, s23, $0xb8;
	[tilespmem:$0x12840] =	vst v63  }
0x16a: {  	_ =	swait.ge [sflag:s1], $0x2000  }
0x16b: {  	[sflag:s1] =	ssyncset.done $0x0  }
0x16c: {  	s8 =	simm.s32 $0x680;
	[sflag:s1] =	ssyncadd.s32 $0xFFFFE000  }
0x16d: {  	[spmem:s2] =	stream.indirect.scatter.add.f32 [tilespmem:s24], [sflag:$0x6], $0x40, s8, s23, $0xb8;
	[tilespmem:$0x12840] =	vst v63  }
0x16e: {  	_ =	swait.ge [sflag:s7], $0x2000  }
0x16f: {  	[sflag:s7] =	ssyncset.done $0x0  }
0x170: {  	s10 =	simm.s32 $0x180;
	[sflag:s7] =	ssyncadd.s32 $0xFFFFE000  }
0x171: {  	[tilespmem:s28], [sflag:$0x4] =	stream.indirect.gather [hbm4b:s4+s23], $0x40, s10, s23, $0xb8;
	[tilespmem:$0x12840] =	vst v63  }
0x172: {  	_ =	swait.ge [sflag:s9], $0x2000  }
0x173: {  	[sflag:s9] =	ssyncset.done $0x0  }
0x174: {  	[sflag:s9] =	ssyncadd.s32 $0xFFFFE000  }
0x175: {  	[spmem:s2] =	stream.indirect.scatter.add.f32 [tilespmem:s26], [sflag:$0x7], $0x40, s18, s23, $0xb8;
	[tilespmem:$0x12840] =	vst v63  }
0x176: {  	_ =	swait.ge [sflag:s19], $0x2000  }
0x177: {  	[sflag:s19] =	ssyncset.done $0x0  }
0x178: {  	[sflag:s19] =	ssyncadd.s32 $0xFFFFE000  }
0x179: {  	[tilespmem:s20], [sflag:$0x1] =	stream.indirect.gather [hbm4b:s4+s23], $0x40, s25, s23, $0xb8;
	[tilespmem:$0x12840] =	vst v63  }
0x17a: {  	_ =	swait.ge [sflag:s16], $0x2000  }
0x17b: {  	[sflag:s16] =	ssyncset.done $0x0  }
0x17c: {  	[sflag:s16] =	ssyncadd.s32 $0xFFFFE000  }
0x17d: {  	[spmem:s2] =	stream.indirect.scatter.add.f32 [tilespmem:s28], [sflag:$0x8], $0x40, s12, s23, $0xb8;
	[tilespmem:$0x12840] =	vst v63  }
0x17e: {  	_ =	swait.ge [sflag:s29], $0x2000  }
0x17f: {  	[sflag:s29] =	ssyncset.done $0x0  }
0x180: {  	[sflag:s29] =	ssyncadd.s32 $0xFFFFE000  }
0x181: {  	[tilespmem:s24], [sflag:$0x2] =	stream.indirect.gather [hbm4b:s4+s23], $0x40, s5, s23, $0xb8;
	[tilespmem:$0x12840] =	vst v63  }
0x182: {  	_ =	swait.ge [sflag:s30], $0x2000  }
0x183: {  	[sflag:s30] =	ssyncset.done $0x0  }
0x184: {  	[sflag:s30] =	ssyncadd.s32 $0xFFFFE000  }
0x185: {  	[spmem:s2] =	stream.indirect.scatter.add.f32 [tilespmem:s20], [sflag:$0x5], $0x40, s13, s23, $0xb8;
	[tilespmem:$0x12840] =	vst v63  }
0x186: {  	_ =	swait.ge [sflag:s31], $0x2000  }
0x187: {  	[sflag:s31] =	ssyncset.done $0x0  }
0x188: {  	[sflag:s31] =	ssyncadd.s32 $0xFFFFE000  }
0x189: {  	_ =	swait.ge [sflag:s1], $0x2000  }
0x18a: {  	[sflag:s1] =	ssyncset.done $0x0  }
0x18b: {  	[sflag:s1] =	ssyncadd.s32 $0xFFFFE000  }
0x18c: {  	[spmem:s2] =	stream.indirect.scatter.add.f32 [tilespmem:s24], [sflag:$0x6], $0x40, s14, s23, $0xb8;
	[tilespmem:$0x12840] =	vst v63  }
0x18d: {  	_ =	swait.ge [sflag:s19], $0x2000  }
0x18e: {  	[sflag:s19] =	ssyncset.done $0x0  }
0x18f: {  	[sflag:s19] =	ssyncadd.s32 $0xFFFFE000  }
0x190: {  	_ =	swait.ge [sflag:s29], $0x2000  }
0x191: {  	[sflag:s29] =	ssyncset.done $0x0  }
0x192: {  	[sflag:s29] =	ssyncadd.s32 $0xFFFFE000  }
0x193: {  	_ =	swait.ge [sflag:s7], $0x2000  }
0x194: {  	s0 =	simm.s32 @!p1 $0x0;
	s10 =	simm.s32 @!p1 $0x9;
	[sflag:s7] =	ssyncset.done $0x0  }
0x195: {  	s5 =	simm.s32 @!p1 $0x300;
	s6 =	rddreg [dreg:$0x1e];
	[sflag:s7] =	ssyncadd.s32 $0xFFFFE000  }
0x196: {  	[tilespmem:s5], [sflag:$0x9] =	stream.linear.gather @!p1 [hbm4b:s6+s0], $0x80, $0x38;
	[tilespmem:$0x12840] =	vst v63  }
0x197: {  	_ =	swait.ge @!p1 [sflag:s10], $0x80  }
0x198: {  	s6 =	rddreg [dreg:$0x1c]  }
0x199: {  	[sflag:s10] =	ssyncset.done @!p1 $0x0;
	s15 =	rddreg [dreg:$0x1d]  }
0x19a: {  	s8 =	simm.s32 @!p1 $0x900;
	[sflag:s10] =	ssyncadd.s32 @!p1 $0xFFFFFF80;
	s15 =	sadd.s32 @!p1 s15, s6  }
0x19b: {  	[tilespmem:s8], [sflag:$0x9] =	stream.linear.gather @!p1 [hbm4b:s15+s0], $0x80, $0x38;
	[tilespmem:$0x12840] =	vst v63  }
0x19c: {  	_ =	swait.ge @!p1 [sflag:s10], $0x80  }
0x19d: {  	s6 =	simm.s32 @!p1 $0x80;
	[sflag:s10] =	ssyncset.done @!p1 $0x0  }
0x19e: {  	s15 =	simm.s32 @!p1 $0xC00;
	s0 =	simm.s32 @!p1 $0x1;
	[sflag:s10] =	ssyncadd.s32 @!p1 $0xFFFFFF80  }
0x19f: {  	[tilespmem:s15], [sflag:$0x1] =	stream.indirect.gather @!p1 [hbm4b:s4+s6], $0x40, s5, s6, $0xb8;
	[tilespmem:$0x12840] =	vst v63  }
0x1a0: {  	_ =	swait.ge @!p1 [sflag:s0], $0x2000  }
0x1a1: {  	[sflag:s0] =	ssyncset.done @!p1 $0x0  }
0x1a2: {  	[sflag:s0] =	ssyncadd.s32 @!p1 $0xFFFFE000  }
0x1a3: {  	[spmem:s2] =	stream.indirect.scatter.add.f32 @!p1 [tilespmem:s15], [sflag:$0x9], $0x40, s8, s6, $0xb8;
	[tilespmem:$0x12840] =	vst v63  }
0x1a4: {  	_ =	swait.ge @!p1 [sflag:s10], $0x2000  }
0x1a5: {  	[sflag:s10] =	ssyncset.done @!p1 $0x0  }
0x1a6: {  	[sflag:s10] =	ssyncadd.s32 @!p1 $0xFFFFE000  }
0x1a7: {  	[bflag:$0x0] =	sbarrier.arrive $0xFFFF  }
0x1a8: {  	s15 =	stileid.u32;
	s8 =	sld [smem:$0x7FD]  }
0x1a9: {  	s0 =	sshll.u32 s15, $0x6;
	s5 =	rddreg [dreg:$0x12]  }
0x1aa: {  	s0 =	sor.u32 $0x1C09, s0;
	s6 =	sshrl.u32 s5, $0x3  }
0x1ab: {  	[hbm:s8], [sflag:s0] =	dma.local [spmem:s6], $0x1380  }
0x1ac: {  	_ =	swait.ge [sflag:s21], $0x1380  }
0x1ad: {  	s6 =	rddreg [dreg:$0x1f]  }
0x1ae: {  	[sflag:s21] =	ssyncset.done $0x0;
	s10 =	rddreg [dreg:$0x17]  }
0x1af: {  	[sflag:s21] =	ssyncadd.s32 $0xFFFFEC80;
	s6 =	sadd.s32 @!p0 $0x13800, s6;
	s10 =	sshrl.u32 @!p0 s10, $0x3  }
0x1b0: {  	[hbm:s6], [sflag:s0] =	dma.local @!p0 [spmem:s10], $0x80  }
0x1b1: {  	s0 =	simm.s32 @!p0 $0x9  }
0x1b2: {  	_ =	swait.ge @!p0 [sflag:s0], $0x80  }
0x1b3: {  	s10 =	sld [smem:$0x7FB]  }
0x1b4: {  	s15 =	sld [smem:$0x7FC];
	_ =	sdelay $0x1  }
0x1b5: {  	s5 =	sadd.s32 $0x1, s10  }
0x1b6: {  	p2 =	sne.s32 s5, s15  }
.Ltmp5:
0x1b7: {  	_ = 	snop;
	(pc) =	sbr.rel @p2 .LBB2_1-.Ltmp5, $3  }
0x1b8: {  	_ =	sdelay $0x1  }
0x1b9: {  	[sflag:s0] =	ssyncset.done @!p0 $0x0  }
0x1ba: {  	[sflag:s0] =	ssyncadd.s32 @!p0 $0xFFFFFF80  }
0x1bb: {  	_ =	sfence.sel $0x180000  }
0x1bc: {  	[bflag:$0x0] =	sbarrier.arrive $0xFFFF  }
0x1bd: {  	_ =	strace $0x9000004D  }
0x1be: {  	s0 =	stileid.u32;
	[bflag:$0x2] =	sbarrier.arrive $0xFFFF  }
0x1bf: {  	p0 =	sne.s32 s0, $0x0;
	s0 =	rddreg [dreg:$0x3]  }
0x1c0: {  	s0 =	sadd.s32 @!p0 $0x100000, s0  }
0x1c1: {  	[sflag:s0] =	ssyncadd.tile.s32 @!p0 $0x1;
	_ =	shalt  }
.Lfunc_end2:
_tile_overlayer_lowered:
.L_overlay_start_2:
0x1c2: {  	(tag) =	ssettag $0x2  }
0x1c3: {  	s0 =	rddreg [dreg:$0x0];
	s2 =	stileid.u32  }
0x1c4: {  	s1 =	rddreg [dreg:$0x1];
	p0 =	sne.s32 s2, $0x0  }
0x1c5: {  	s3 =	rddreg [dreg:$0x2];
	[bflag:$0x3] =	sbarrier.arrive $0xFFFF;
	s2 =	simm.s32 @!p0 $0x1C09  }
0x1c6: {  	[timem:s3], [sflag:s2] =	dma.local @!p0 [hbm:s0], s1  }
0x1c7: {  	s0 =	simm.s32 @!p0 $0x9  }
0x1c8: {  	_ =	swait.ge @!p0 [sflag:s0], s1  }
0x1c9: {  	s1 =	ssub.s32 @!p0 $0x0, s1;
	[sflag:s0] =	ssyncset.done @!p0 $0x0  }
0x1ca: {  	[sflag:s0] =	ssyncadd.s32 @!p0 s1  }
0x1cb: {  	[bflag:$0x3] =	sbarrier.arrive $0xFFFF  }
0x1cc: {  	_ =	shalt  }

// kernel: kernel.8.cloned.1.call-start
scs
__scs_entry_jumppad:
0x0: {  	(pc) =	sbr.rel $0x88, $3  }
0x1: {  	(tag) =	ssettag $0x0;
	lr =	simm.s32 $0x1  }
0x2: {  	[smem:$0x3F9B] =	sst lr;
	_ =	strace $0xD0000000  }
0x3: {  	_ = 	snop  }
0x4: {  	_ = 	snop  }
0x5: {  	_ = 	snop  }
0x6: {  	_ = 	snop  }
0x7: {  	_ = 	snop  }
__scs_overlays_trampoline_lowered:
0x8: {  	[smem:$0x3FAA] =	sst s0  }
0x9: {  	[smem:$0x3FAB] =	sst s1  }
0xa: {  	[smem:$0x3FAC] =	sst s2  }
0xb: {  	[smem:$0x3FAD] =	sst s3  }
0xc: {  	[smem:$0x3FAE] =	sst s4  }
0xd: {  	[smem:$0x3FAF] =	sst s5  }
0xe: {  	[smem:$0x3FB0] =	sst s6  }
0xf: {  	[smem:$0x3FB1] =	sst s7  }
0x10: {  	[smem:$0x3FB2] =	sst s8  }
0x11: {  	[smem:$0x3FB3] =	sst s9;
	s0 =	simm.s32 @!p0 $0x0  }
0x12: {  	s1 =	sld [smem:$0x3F99];
	s0 =	simm.s32 @p0 $0x1  }
0x13: {  	[smem:$0x3FB4] =	sst s0;
	s0 =	simm.s32 @!p1 $0x0  }
0x14: {  	s2 =	sld [smem:$0x3F98];
	s0 =	simm.s32 @p1 $0x1  }
0x15: {  	[smem:$0x3FB5] =	sst s0;
	s0 =	simm.s32 @!p2 $0x0  }
0x16: {  	s3 =	sld [smem:$0x3FDB];
	s0 =	simm.s32 @p2 $0x1  }
0x17: {  	s4 =	simm.s32 $0x1BF5;
	[smem:$0x3FB7] =	sst s0  }
0x18: {  	s0 =	sld [smem:$0x3F9A];
	_ =	swait.ge [sflag:s4], $0x0  }
0x19: {  	s7 =	sld [smem:$0x3F9B]  }
0x1a: {  	s8 =	sadd.s32 $0xFFFFE003, lr  }
0x1b: {  	s9 =	sadd.s32 $0xFFFFFEF7, lr;
	s5 =	simm.s32 $0xFFFFFFFF;
	p2 =	slt.u32 s8, $0xFFFFF086  }
0x1c: {  	p1 =	slt.u32 s9, $0xF7A;
	s5 =	simm.s32 @!p2 $0x0  }
0x1d: {  	s5 =	simm.s32 @p1 $0x1;
	p0 =	seq.s32 s7, s2  }
0x1e: {  	s7 =	smul.u32 @!p0 $0xF7A, s2;
	p2 =	seq.s32 @!p0 s5, $0x0  }
0x1f: {  	s9 =	smul.u32 $0xF7A, s1;
	s8 =	simm.s32 @!p0 $0x1BF5;
	p2 =	por !p2, p0  }
0x20: {  	[sflag:s8] =	ssyncset.s32 @!p0 $0xFFFFF086;
	s6 =	sadd.s32 @!p0 s3, s7;
	s7 =	simm.s32 @!p0 $0x108  }
0x21: {  	s3 =	sadd.s32 s3, s9;
	s6 =	sadd.s32 @!p0 $0x88, s6;
	s7 =	simm.s32 @p2 $0x1082  }
0x22: {  	[simem:s7], [sflag:s8] =	dma.local @!p0 [hbm:s6], $0xF7A  }
0x23: {  	s9 =	sor.u32 $0xD0000000, s2;
	s6 =	simm.s32 $0x108;
	_ =	swait.ge @!p0 [sflag:s8], $0x0  }
0x24: {  	s3 =	sadd.s32 $0x88, s3;
	s6 =	simm.s32 @!p1 $0x1082;
	[sflag:s4] =	ssyncset.s32 $0xFFFFF086  }
0x25: {  	[simem:s6], [sflag:s4] =	dma.local [hbm:s3], $0xF7A  }
0x26: {  	[smem:$0x3F9B] =	sst s1;
	(tag) =	ssettag s2;
	_ =	strace s9  }
0x27: {  	s1 =	sld [smem:$0x3FAB]  }
0x28: {  	s2 =	sld [smem:$0x3FAC]  }
0x29: {  	s4 =	sld [smem:$0x3FAE]  }
0x2a: {  	p0 =	seq.s32 s5, $0x0;
	s5 =	sld [smem:$0x3FAF]  }
0x2b: {  	s6 =	sld [smem:$0x3FB0]  }
0x2c: {  	s7 =	sld [smem:$0x3FB1]  }
0x2d: {  	s3 =	simm.s32 $0x108;
	s8 =	sld [smem:$0x3FB2]  }
0x2e: {  	s3 =	simm.s32 @!p0 $0x1082;
	s9 =	sld [smem:$0x3FB3]  }
0x2f: {  	lr =	sadd.s32 s0, s3;
	s0 =	sld [smem:$0x3FAA]  }
0x30: {  	s3 =	sld [smem:$0x3FAD]  }
0x31: {  	[smem:$0x3FB6] =	sst s10  }
0x32: {  	s10 =	sld [smem:$0x3FB4];
	_ =	sdelay $0x3  }
0x33: {  	p0 =	seq.s32 s10, $0x1;
	s10 =	sld [smem:$0x3FB6];
	_ =	sdelay $0x3  }
0x34: {  	[smem:$0x3FB6] =	sst s10  }
0x35: {  	s10 =	sld [smem:$0x3FB5];
	_ =	sdelay $0x3  }
0x36: {  	p1 =	seq.s32 s10, $0x1;
	s10 =	sld [smem:$0x3FB6];
	_ =	sdelay $0x3  }
0x37: {  	[smem:$0x3FB6] =	sst s10  }
0x38: {  	s10 =	sld [smem:$0x3FB7]  }
0x39: {  	_ = 	snop;
	(pc) =	sbr.ind lr, $3  }
0x3a: {  	_ = 	snop  }
0x3b: {  	_ = 	snop  }
0x3c: {  	p2 =	seq.s32 s10, $0x1;
	s10 =	sld [smem:$0x3FB6]  }
0x3d: {  	_ =	shalt  }
0x3e: {  	_ =	shalt  }
0x3f: {  	_ =	shalt  }
0x40: {  	_ =	shalt  }
0x41: {  	_ =	shalt  }
0x42: {  	_ =	shalt  }
0x43: {  	_ =	shalt  }
0x44: {  	_ =	shalt  }
0x45: {  	_ =	shalt  }
0x46: {  	_ =	shalt  }
0x47: {  	_ =	shalt  }
0x48: {  	_ =	shalt  }
0x49: {  	_ =	shalt  }
0x4a: {  	_ =	shalt  }
0x4b: {  	_ =	shalt  }
0x4c: {  	_ =	shalt  }
0x4d: {  	_ =	shalt  }
0x4e: {  	_ =	shalt  }
0x4f: {  	_ =	shalt  }
0x50: {  	_ =	shalt  }
0x51: {  	_ =	shalt  }
0x52: {  	_ =	shalt  }
0x53: {  	_ =	shalt  }
0x54: {  	_ =	shalt  }
0x55: {  	_ =	shalt  }
0x56: {  	_ =	shalt  }
0x57: {  	_ =	shalt  }
0x58: {  	_ =	shalt  }
0x59: {  	_ =	shalt  }
0x5a: {  	_ =	shalt  }
0x5b: {  	_ =	shalt  }
0x5c: {  	_ =	shalt  }
0x5d: {  	_ =	shalt  }
0x5e: {  	_ =	shalt  }
0x5f: {  	_ =	shalt  }
0x60: {  	_ =	shalt  }
0x61: {  	_ =	shalt  }
0x62: {  	_ =	shalt  }
0x63: {  	_ =	shalt  }
0x64: {  	_ =	shalt  }
0x65: {  	_ =	shalt  }
0x66: {  	_ =	shalt  }
0x67: {  	_ =	shalt  }
0x68: {  	_ =	shalt  }
0x69: {  	_ =	shalt  }
0x6a: {  	_ =	shalt  }
0x6b: {  	_ =	shalt  }
0x6c: {  	_ =	shalt  }
0x6d: {  	_ =	shalt  }
0x6e: {  	_ =	shalt  }
0x6f: {  	_ =	shalt  }
0x70: {  	_ =	shalt  }
0x71: {  	_ =	shalt  }
0x72: {  	_ =	shalt  }
0x73: {  	_ =	shalt  }
0x74: {  	_ =	shalt  }
0x75: {  	_ =	shalt  }
0x76: {  	_ =	shalt  }
0x77: {  	_ =	shalt  }
0x78: {  	_ =	shalt  }
0x79: {  	_ =	shalt  }
0x7a: {  	_ =	shalt  }
0x7b: {  	_ =	shalt  }
0x7c: {  	_ =	shalt  }
0x7d: {  	_ =	shalt  }
0x7e: {  	_ =	shalt  }
0x7f: {  	_ =	shalt  }
0x80: {  	_ =	shalt  }
0x81: {  	_ =	shalt  }
0x82: {  	_ =	shalt  }
0x83: {  	_ =	shalt  }
0x84: {  	_ =	shalt  }
0x85: {  	_ =	shalt  }
0x86: {  	_ =	shalt  }
0x87: {  	_ =	shalt  }
.Lfunc_end0:
.L_simem_size_0:
called_computation_lowered:
.L_overlay_start_0:
0x88: {  	s2 =	sld [smem:$0x3FD9]  }
0x89: {  	s3 =	sld [smem:$0x3FFE];
	_ =	sdelay $0x1  }
0x8a: {  	s1 =	srdreg.scid  }
0x8b: {  	s0 =	sand.u32 $0x1, s1  }
0x8c: {  	s17 =	sshll.u32 s0, $0xA;
	s2 =	sadd.s32 s3, s2  }
0x8d: {  	s2 =	sadd.s32 s2, s17  }
0x8e: {  	[smem:$0x3FC2] =	sst s2  }
0x8f: {  	_ = 	snop  }
0x90: {  	s2 =	sld [smem:$0x3FD0];
	(tm) =	ssettm $0x1  }
0x91: {  	s18 =	sld [smem:$0x3FFB];
	_ =	sdelay $0x3  }
0x92: {  	_ =	strace s18  }
0x93: {  	s3 =	sld [smem:$0x3FFC];
	_ =	sdelay $0x3  }
0x94: {  	_ =	strace s3  }
0x95: {  	s3 =	sld [smem:$0x3FFD];
	_ =	sdelay $0x3  }
0x96: {  	_ =	strace s3  }
0x97: {  	_ =	strace $0x8FFFFFFF  }
0x98: {  	s19 =	sld [smem:$0x3FDB];
	_ =	sdelay $0x1  }
0x99: {  	s4 =	simm.s32 $_scs_section_size  }
0x9a: {  	s5 =	simm.s32 $_size__tile_overlayer_lowered;
	s6 =	simm.s32 $_tile_overlayer_lowered  }
0x9b: {  	s22 =	simm.s32 $0x1BFF;
	s21 =	sshll.u32 s6, $0x1;
	s3 =	sadd.s32 s4, s19  }
0x9c: {  	s7 =	simm.s32 $0x0;
	s20 =	sshll.u32 s5, $0x1;
	s5 =	sadd.s32 s21, s3  }
0x9d: {  	[timem:s7], [sflag:s22] =	dma.local [hbm:s5], s20  }
0x9e: {  	_ =	swait.ge [sflag:s22], s20  }
0x9f: {  	s4 =	ssub.s32 $0x0, s20;
	[sflag:s22] =	ssyncset.done $0x0  }
0xa0: {  	[sflag:s22] =	ssyncadd.s32 s4;
	_ =	sdelay $0x1  }
0xa1: {  	s23 =	simm.s32 $0x1B8B  }
0xa2: {  	_ =	swait.ge [sflag:s23], $0x1  }
0xa3: {  	[sflag:s23] =	ssyncset.done $0x0  }
0xa4: {  	s25 =	simm.s32 $0x1B8E;
	s24 =	sld [smem:$0x3FFE];
	[sflag:s23] =	ssyncadd.s32 $0xFFFFFFFF  }
0xa5: {  	s26 =	simm.s32 $execute0_lowered;
	[smem:$0x3FD2] =	sst s25  }
0xa6: {  	s5 =	sshll.u32 s26, $0x1;
	_ =	strace $0x80000046;
	[dreg:$0x1] =	wrdreg $0xFFFFFFFF  }
0xa7: {  	s28 =	simm.s32 $_size_execute0_lowered;
	s3 =	sadd.s32 s3, s5;
	[dreg:$0x0] =	wrdreg $0x0  }
0xa8: {  	s5 =	sshll.u32 s28, $0x1;
	[dreg:$0x2] =	wrdreg s3  }
0xa9: {  	[dreg:$0x3] =	wrdreg s5  }
0xaa: {  	[dreg:$0x4] =	wrdreg $0xC0  }
0xab: {  	_ =	task [dreg:s7], $0x5FFFF  }
0xac: {  	[dreg:$0x1] =	wrdreg $0xFFFFFFFF  }
0xad: {  	[dreg:$0x0] =	wrdreg $0x60  }
0xae: {  	[dreg:$0x2] =	wrdreg s2  }
0xaf: {  	[dreg:$0x3] =	wrdreg s24  }
0xb0: {  	[dreg:$0x4] =	wrdreg $0x2F800  }
0xb1: {  	[dreg:$0x5] =	wrdreg $0x9  }
0xb2: {  	_ =	task.clear_ibuf [dreg:s7], $0x6FFFF;
	_ =	strace $0x90000046  }
0xb3: {  	s29 =	simm.s32 $0x9;
	_ =	strace $0x80000048  }
0xb4: {  	_ =	swait.ge [sflag:s29], $0x1  }
0xb5: {  	[sflag:s29] =	ssyncadd.s32 $0xFFFFFFFF  }
0xb6: {  	_ =	strace $0x90000048  }
0xb7: {  	_ =	sfence  }
0xb8: {  	s30 =	sld [smem:$0x0];
	_ =	sdelay $0x2  }
0xb9: {  	s31 =	sshll.u32 s1, $0xD;
	s1 =	sshrl.u32 s1, $0x2  }
0xba: {  	s3 =	sand.u32 $0x4000, s31;
	s1 =	sadd.s32 s1, s30  }
0xbb: {  	s0 =	sor.u32 s3, s0;
	s1 =	sshll.u32 s1, $0x11  }
0xbc: {  	s0 =	sor.u32 s1, s0  }
0xbd: {  	s0 =	sadd.s32 $0x8F2B, s0  }
0xbe: {  	[sflag:s0] =	ssyncadd.remote.s32 $0x1  }
0xbf: {  	_ =	sfence.sel $0xFFFF  }
0xc0: {  	[dreg:$0x0] =	wrdreg $0xFFFFFFFF;
	(pc) =	sbr.abs _section_cstart, $3  }
0xc1: {  	[dreg:$0x1] =	wrdreg $0xFFFFFFFF  }
0xc2: {  	_ =	task.clear_ibuf [dreg:s7], $0x2FFFF;
	_ =	strace $0x9FFFFFFF  }
0xc3: {  	(tm) =	ssettm $0x7FFFFFFF  }
tec
execute0_lowered:
.L_overlay_start_1:
0x0: {  	(tag) =	ssettag $0x1  }
0x1: {  	s10 =	rddreg [dreg:$0x0]  }
0x2: {  	s4 =	rddreg [dreg:$0x1]  }
0x3: {  	s2 =	rddreg [dreg:$0x2];
	s3 =	srdreg.scid  }
0x4: {  	s1 =	stileid.u32;
	s0 =	rddreg [dreg:$0x3];
	s17 =	simm.s32 $0x1  }
0x5: {  	s19 =	simm.s32 $0x0;
	s5 =	sand.u32 $0x1, s3;
	s9 =	smul.u32 $0x9C00, s1  }
0x6: {  	s6 =	sshll.u32 s1, $0x1;
	s3 =	simm.s32 $0x0;
	s12 =	smul.u32 $0x2700, s1  }
0x7: {  	s15 =	sadd.s32 $0x9C40, s10;
	p0 =	sne.s32 s1, $0xF;
	p1 =	sgt.u32 s1, $0x1  }
0x8: {  	s7 =	smul.u32 $0x4E20, s5;
	s6 =	sor.u32 s5, s6;
	[smem:$0x7FF] =	sst s3  }
0x9: {  	s5 =	ssub.s32 $0x2, s5;
	s8 =	smul.u32 $0x4E, s6;
	_ =	strace $0x80000047  }
0xa: {  	s28 =	sshrl.u32 s5, $0x1;
	s29 =	smin.u32 s6, $0x4;
	s30 =	sshrl.u32 s9, $0x2  }
0xb: {  	s9 =	sadd.s32 $0x27000, s2;
	s18 =	sshrl.u32 s12, $0x3;
	s11 =	sadd.s32 s7, s4  }
0xc: {  	s13 =	ssub.s32 s5, s28;
	s4 =	sadd.s32 s12, s2;
	s31 =	sadd.s32 s30, s2  }
0xd: {  	s12 =	simm.s32 $0x2780;
	s14 =	sadd.s32 s29, s8;
	s5 =	sadd.s32 $0x800, s31  }
0xe: {  	s6 =	sadd.s32 $0x1000, s31;
	s7 =	sadd.s32 $0x1800, s31;
	s8 =	sadd.s32 $0x2000, s31  }
0xf: {  	s10 =	sadd.s32 $0x2400, s11;
	s11 =	smax.u32 s13, $0x1;
	s14 =	sshll.u32 s14, $0x4  }
0x10: {  	s13 =	simm.s32 $0x2;
	s18 =	sadd.s32 s18, s10;
	s16 =	sadd.s32 $0x4E0, s14  }
0x11: {  	v0 =	vimm.f32 $0.0e+00;
	v1 =	vimm.f32 $1.000000000e+00;
	s14 =	sadd.s32 s14, s15;
	s15 =	sadd.s32 @!p1 s15, s16;
	s16 =	simm.s32 $0x80  }
.LBB2_1:
0x12: {  	s20 =	simm.s32 $0x40;
	s21 =	simm.s32 $0x0  }
.LBB2_2:
0x13: {  	p2 =	sne.s32 s20, $0x1FC0;
	[tilespmem:s21+$0x2780] =	vst v0;
	s21 =	smov.u32 s20;
	s20 =	sadd.s32 $0x40, s20  }
.Ltmp0:
0x14: {  	(pc) =	sbr.rel @p2 .LBB2_2-.Ltmp0, $2  }
0x15: {  	_ =	sdelay $0x2  }
0x16: {  	s21 =	sshra.s32 s21, $0x2  }
0x17: {  	[tilespmem:s21+$0x2780] =	vst v0  }
0x18: {  	[spmem:s4] =	stream.linear.scatter [tilespmem:s12], [sflag:$0x2], $0x800, $0x38;
	[tilespmem:$0x5690] =	vst v63  }
0x19: {  	_ =	swait.ge [sflag:s13], $0x800  }
0x1a: {  	[sflag:s13] =	ssyncset.done $0x0  }
0x1b: {  	[sflag:s13] =	ssyncadd.s32 $0xFFFFF800  }
0x1c: {  	[spmem:s5] =	stream.linear.scatter [tilespmem:s12], [sflag:$0x2], $0x800, $0x38;
	[tilespmem:$0x5690] =	vst v63  }
0x1d: {  	_ =	swait.ge [sflag:s13], $0x800  }
0x1e: {  	[sflag:s13] =	ssyncset.done $0x0  }
0x1f: {  	[sflag:s13] =	ssyncadd.s32 $0xFFFFF800  }
0x20: {  	[spmem:s6] =	stream.linear.scatter [tilespmem:s12], [sflag:$0x2], $0x800, $0x38;
	[tilespmem:$0x5690] =	vst v63  }
0x21: {  	_ =	swait.ge [sflag:s13], $0x800  }
0x22: {  	[sflag:s13] =	ssyncset.done $0x0  }
0x23: {  	[sflag:s13] =	ssyncadd.s32 $0xFFFFF800  }
0x24: {  	[spmem:s7] =	stream.linear.scatter [tilespmem:s12], [sflag:$0x2], $0x800, $0x38;
	[tilespmem:$0x5690] =	vst v63  }
0x25: {  	_ =	swait.ge [sflag:s13], $0x800  }
0x26: {  	[sflag:s13] =	ssyncset.done $0x0  }
0x27: {  	[sflag:s13] =	ssyncadd.s32 $0xFFFFF800  }
0x28: {  	[spmem:s8] =	stream.linear.scatter [tilespmem:s12], [sflag:$0x2], $0x700, $0x38;
	[tilespmem:$0x5690] =	vst v63  }
0x29: {  	_ =	swait.ge [sflag:s13], $0x700  }
0x2a: {  	[sflag:s13] =	ssyncset.done $0x0  }
0x2b: {  	s20 =	simm.s32 @!p0 $0x2780;
	[sflag:s13] =	ssyncadd.s32 $0xFFFFF900  }
0x2c: {  	[spmem:s9] =	stream.linear.scatter @!p0 [tilespmem:s20], [sflag:$0x2], $0x100, $0x38;
	[tilespmem:$0x5690] =	vst v63  }
0x2d: {  	s20 =	simm.s32 @!p0 $0x2  }
0x2e: {  	_ =	swait.ge @!p0 [sflag:s20], $0x100  }
0x2f: {  	[sflag:s20] =	ssyncset.done @!p0 $0x0  }
0x30: {  	[sflag:s20] =	ssyncadd.s32 @!p0 $0xFFFFFF00  }
0x31: {  	[tilespmem:s3], [sflag:$0x2] =	stream.linear.gather [hbm4b:s14+s3], $0x2700, $0x38;
	[tilespmem:$0x5690] =	vst v63  }
0x32: {  	_ =	swait.ge [sflag:s13], $0x2700  }
0x33: {  	[sflag:s13] =	ssyncset.done $0x0  }
0x34: {  	s21 =	simm.s32 @!p1 $0x2700;
	s20 =	simm.s32 @!p1 $0x0;
	[sflag:s13] =	ssyncadd.s32 $0xFFFFD900  }
0x35: {  	[tilespmem:s21], [sflag:$0x2] =	stream.linear.gather @!p1 [hbm4b:s15+s20], $0x80, $0x38;
	[tilespmem:$0x5690] =	vst v63  }
0x36: {  	s20 =	simm.s32 @!p1 $0x2  }
0x37: {  	_ =	swait.ge @!p1 [sflag:s20], $0x80  }
0x38: {  	[sflag:s20] =	ssyncset.done @!p1 $0x0  }
0x39: {  	s21 =	simm.s32 $0x0;
	[sflag:s20] =	ssyncadd.s32 @!p1 $0xFFFFFF80;
	s20 =	simm.s32 $0x40  }
.LBB2_4:
0x3a: {  	p2 =	sne.s32 s20, $0x1FC0;
	[tilespmem:s21+$0x2780] =	vst v1;
	s21 =	smov.u32 s20;
	s20 =	sadd.s32 $0x40, s20  }
.Ltmp1:
0x3b: {  	(pc) =	sbr.rel @p2 .LBB2_4-.Ltmp1, $2  }
0x3c: {  	_ =	sdelay $0x2  }
0x3d: {  	s21 =	sshra.s32 s21, $0x2  }
0x3e: {  	[tilespmem:s21+$0x2780] =	vst v1  }
0x3f: {  	s20 =	simm.s32 $0x0;
	[bflag:$0x0] =	sbarrier.arrive $0xFFFF  }
0x40: {  	[spmem:s2] =	stream.indirect.scatter.add.f32 [tilespmem:s12], [sflag:$0x1], $0x10, s20, s16, $0xb8;
	[tilespmem:$0x5690] =	vst v63  }
0x41: {  	s30 =	simm.s32 $0x80  }
0x42: {  	[spmem:s2] =	stream.indirect.scatter.add.f32 [tilespmem:s12], [sflag:$0x1], $0x10, s30, s16, $0xb8;
	[tilespmem:$0x5690] =	vst v63  }
0x43: {  	s31 =	simm.s32 $0x100  }
0x44: {  	[spmem:s2] =	stream.indirect.scatter.add.f32 [tilespmem:s12], [sflag:$0x1], $0x10, s31, s16, $0xb8;
	[tilespmem:$0x5690] =	vst v63  }
0x45: {  	s21 =	simm.s32 $0x180  }
0x46: {  	[spmem:s2] =	stream.indirect.scatter.add.f32 [tilespmem:s12], [sflag:$0x1], $0x10, s21, s16, $0xb8;
	[tilespmem:$0x5690] =	vst v63  }
0x47: {  	s22 =	simm.s32 $0x200  }
0x48: {  	[spmem:s2] =	stream.indirect.scatter.add.f32 [tilespmem:s12], [sflag:$0x1], $0x10, s22, s16, $0xb8;
	[tilespmem:$0x5690] =	vst v63  }
0x49: {  	s23 =	simm.s32 $0x280  }
0x4a: {  	[spmem:s2] =	stream.indirect.scatter.add.f32 [tilespmem:s12], [sflag:$0x1], $0x10, s23, s16, $0xb8;
	[tilespmem:$0x5690] =	vst v63  }
0x4b: {  	s24 =	simm.s32 $0x300  }
0x4c: {  	[spmem:s2] =	stream.indirect.scatter.add.f32 [tilespmem:s12], [sflag:$0x1], $0x10, s24, s16, $0xb8;
	[tilespmem:$0x5690] =	vst v63  }
0x4d: {  	s25 =	simm.s32 $0x380  }
0x4e: {  	[spmem:s2] =	stream.indirect.scatter.add.f32 [tilespmem:s12], [sflag:$0x1], $0x10, s25, s16, $0xb8;
	[tilespmem:$0x5690] =	vst v63  }
0x4f: {  	s26 =	simm.s32 $0x400  }
0x50: {  	[spmem:s2] =	stream.indirect.scatter.add.f32 [tilespmem:s12], [sflag:$0x1], $0x10, s26, s16, $0xb8;
	[tilespmem:$0x5690] =	vst v63  }
0x51: {  	s28 =	simm.s32 $0x480  }
0x52: {  	[spmem:s2] =	stream.indirect.scatter.add.f32 [tilespmem:s12], [sflag:$0x1], $0x10, s28, s16, $0xb8;
	[tilespmem:$0x5690] =	vst v63  }
0x53: {  	s29 =	simm.s32 $0x500  }
0x54: {  	[spmem:s2] =	stream.indirect.scatter.add.f32 [tilespmem:s12], [sflag:$0x1], $0x10, s29, s16, $0xb8;
	[tilespmem:$0x5690] =	vst v63  }
0x55: {  	s30 =	simm.s32 $0x580  }
0x56: {  	[spmem:s2] =	stream.indirect.scatter.add.f32 [tilespmem:s12], [sflag:$0x1], $0x10, s30, s16, $0xb8;
	[tilespmem:$0x5690] =	vst v63  }
0x57: {  	s31 =	simm.s32 $0x600  }
0x58: {  	[spmem:s2] =	stream.indirect.scatter.add.f32 [tilespmem:s12], [sflag:$0x1], $0x10, s31, s16, $0xb8;
	[tilespmem:$0x5690] =	vst v63  }
0x59: {  	_ =	swait.ge [sflag:s17], $0x800  }
0x5a: {  	[sflag:s17] =	ssyncset.done $0x0  }
0x5b: {  	[sflag:s17] =	ssyncadd.s32 $0xFFFFF800  }
0x5c: {  	_ =	swait.ge [sflag:s17], $0x800  }
0x5d: {  	[sflag:s17] =	ssyncset.done $0x0  }
0x5e: {  	[sflag:s17] =	ssyncadd.s32 $0xFFFFF800  }
0x5f: {  	_ =	swait.ge [sflag:s17], $0x800  }
0x60: {  	[sflag:s17] =	ssyncset.done $0x0  }
0x61: {  	[sflag:s17] =	ssyncadd.s32 $0xFFFFF800  }
0x62: {  	_ =	swait.ge [sflag:s17], $0x800  }
0x63: {  	[sflag:s17] =	ssyncset.done $0x0  }
0x64: {  	[sflag:s17] =	ssyncadd.s32 $0xFFFFF800  }
0x65: {  	_ =	swait.ge [sflag:s17], $0x800  }
0x66: {  	[sflag:s17] =	ssyncset.done $0x0  }
0x67: {  	[sflag:s17] =	ssyncadd.s32 $0xFFFFF800  }
0x68: {  	_ =	swait.ge [sflag:s17], $0x800  }
0x69: {  	[sflag:s17] =	ssyncset.done $0x0  }
0x6a: {  	[sflag:s17] =	ssyncadd.s32 $0xFFFFF800  }
0x6b: {  	_ =	swait.ge [sflag:s17], $0x800  }
0x6c: {  	[sflag:s17] =	ssyncset.done $0x0  }
0x6d: {  	[sflag:s17] =	ssyncadd.s32 $0xFFFFF800  }
0x6e: {  	_ =	swait.ge [sflag:s17], $0x800  }
0x6f: {  	[sflag:s17] =	ssyncset.done $0x0  }
0x70: {  	[sflag:s17] =	ssyncadd.s32 $0xFFFFF800  }
0x71: {  	_ =	swait.ge [sflag:s17], $0x800  }
0x72: {  	[sflag:s17] =	ssyncset.done $0x0  }
0x73: {  	[sflag:s17] =	ssyncadd.s32 $0xFFFFF800  }
0x74: {  	_ =	swait.ge [sflag:s17], $0x800  }
0x75: {  	[sflag:s17] =	ssyncset.done $0x0  }
0x76: {  	[sflag:s17] =	ssyncadd.s32 $0xFFFFF800  }
0x77: {  	_ =	swait.ge [sflag:s17], $0x800  }
0x78: {  	[sflag:s17] =	ssyncset.done $0x0  }
0x79: {  	[sflag:s17] =	ssyncadd.s32 $0xFFFFF800  }
0x7a: {  	_ =	swait.ge [sflag:s17], $0x800  }
0x7b: {  	[sflag:s17] =	ssyncset.done $0x0  }
0x7c: {  	[sflag:s17] =	ssyncadd.s32 $0xFFFFF800  }
0x7d: {  	_ =	swait.ge [sflag:s17], $0x800  }
0x7e: {  	s20 =	simm.s32 $0x1A00;
	s22 =	simm.s32 $0x3400;
	[sflag:s17] =	ssyncset.done $0x0  }
.LBB2_6:
0x7f: {  	s23 =	sshra.s32 s20, $0x2  }
0x80: {  	[sflag:s17] =	ssyncadd.s32 $0xFFFFF800;
	s20 =	smov.u32 s22;
	s21 =	sadd.s32 $0x1A00, s22  }
0x81: {  	[spmem:s2] =	stream.indirect.scatter.add.f32 [tilespmem:s12], [sflag:$0x1], $0x10, s23, s16, $0xb8;
	[tilespmem:$0x5690] =	vst v63  }
0x82: {  	p2 =	sne.s32 s22, $0x8200;
	s22 =	sadd.s32 $0x80, s23  }
0x83: {  	[spmem:s2] =	stream.indirect.scatter.add.f32 [tilespmem:s12], [sflag:$0x1], $0x10, s22, s16, $0xb8;
	[tilespmem:$0x5690] =	vst v63  }
0x84: {  	s22 =	sadd.s32 $0x100, s23  }
0x85: {  	[spmem:s2] =	stream.indirect.scatter.add.f32 [tilespmem:s12], [sflag:$0x1], $0x10, s22, s16, $0xb8;
	[tilespmem:$0x5690] =	vst v63  }
0x86: {  	s22 =	sadd.s32 $0x180, s23  }
0x87: {  	[spmem:s2] =	stream.indirect.scatter.add.f32 [tilespmem:s12], [sflag:$0x1], $0x10, s22, s16, $0xb8;
	[tilespmem:$0x5690] =	vst v63  }
0x88: {  	s22 =	sadd.s32 $0x200, s23  }
0x89: {  	[spmem:s2] =	stream.indirect.scatter.add.f32 [tilespmem:s12], [sflag:$0x1], $0x10, s22, s16, $0xb8;
	[tilespmem:$0x5690] =	vst v63  }
0x8a: {  	s22 =	sadd.s32 $0x280, s23  }
0x8b: {  	[spmem:s2] =	stream.indirect.scatter.add.f32 [tilespmem:s12], [sflag:$0x1], $0x10, s22, s16, $0xb8;
	[tilespmem:$0x5690] =	vst v63  }
0x8c: {  	s22 =	sadd.s32 $0x300, s23  }
0x8d: {  	[spmem:s2] =	stream.indirect.scatter.add.f32 [tilespmem:s12], [sflag:$0x1], $0x10, s22, s16, $0xb8;
	[tilespmem:$0x5690] =	vst v63  }
0x8e: {  	s22 =	sadd.s32 $0x380, s23  }
0x8f: {  	[spmem:s2] =	stream.indirect.scatter.add.f32 [tilespmem:s12], [sflag:$0x1], $0x10, s22, s16, $0xb8;
	[tilespmem:$0x5690] =	vst v63  }
0x90: {  	s22 =	sadd.s32 $0x400, s23  }
0x91: {  	[spmem:s2] =	stream.indirect.scatter.add.f32 [tilespmem:s12], [sflag:$0x1], $0x10, s22, s16, $0xb8;
	[tilespmem:$0x5690] =	vst v63  }
0x92: {  	s22 =	sadd.s32 $0x480, s23  }
0x93: {  	[spmem:s2] =	stream.indirect.scatter.add.f32 [tilespmem:s12], [sflag:$0x1], $0x10, s22, s16, $0xb8;
	[tilespmem:$0x5690] =	vst v63  }
0x94: {  	s22 =	sadd.s32 $0x500, s23  }
0x95: {  	[spmem:s2] =	stream.indirect.scatter.add.f32 [tilespmem:s12], [sflag:$0x1], $0x10, s22, s16, $0xb8;
	[tilespmem:$0x5690] =	vst v63  }
0x96: {  	s22 =	sadd.s32 $0x580, s23  }
0x97: {  	[spmem:s2] =	stream.indirect.scatter.add.f32 [tilespmem:s12], [sflag:$0x1], $0x10, s22, s16, $0xb8;
	[tilespmem:$0x5690] =	vst v63  }
0x98: {  	s22 =	sadd.s32 $0x600, s23  }
0x99: {  	[spmem:s2] =	stream.indirect.scatter.add.f32 [tilespmem:s12], [sflag:$0x1], $0x10, s22, s16, $0xb8;
	[tilespmem:$0x5690] =	vst v63  }
0x9a: {  	_ =	swait.ge [sflag:s17], $0x800  }
0x9b: {  	[sflag:s17] =	ssyncset.done $0x0  }
0x9c: {  	[sflag:s17] =	ssyncadd.s32 $0xFFFFF800  }
0x9d: {  	_ =	swait.ge [sflag:s17], $0x800  }
0x9e: {  	[sflag:s17] =	ssyncset.done $0x0  }
0x9f: {  	[sflag:s17] =	ssyncadd.s32 $0xFFFFF800  }
0xa0: {  	_ =	swait.ge [sflag:s17], $0x800  }
0xa1: {  	[sflag:s17] =	ssyncset.done $0x0  }
0xa2: {  	[sflag:s17] =	ssyncadd.s32 $0xFFFFF800  }
0xa3: {  	_ =	swait.ge [sflag:s17], $0x800  }
0xa4: {  	[sflag:s17] =	ssyncset.done $0x0  }
0xa5: {  	[sflag:s17] =	ssyncadd.s32 $0xFFFFF800  }
0xa6: {  	_ =	swait.ge [sflag:s17], $0x800  }
0xa7: {  	[sflag:s17] =	ssyncset.done $0x0  }
0xa8: {  	[sflag:s17] =	ssyncadd.s32 $0xFFFFF800  }
0xa9: {  	_ =	swait.ge [sflag:s17], $0x800  }
0xaa: {  	[sflag:s17] =	ssyncset.done $0x0  }
0xab: {  	[sflag:s17] =	ssyncadd.s32 $0xFFFFF800  }
0xac: {  	_ =	swait.ge [sflag:s17], $0x800  }
0xad: {  	[sflag:s17] =	ssyncset.done $0x0  }
0xae: {  	[sflag:s17] =	ssyncadd.s32 $0xFFFFF800  }
0xaf: {  	_ =	swait.ge [sflag:s17], $0x800  }
0xb0: {  	[sflag:s17] =	ssyncset.done $0x0  }
0xb1: {  	[sflag:s17] =	ssyncadd.s32 $0xFFFFF800  }
0xb2: {  	_ =	swait.ge [sflag:s17], $0x800  }
0xb3: {  	[sflag:s17] =	ssyncset.done $0x0  }
0xb4: {  	[sflag:s17] =	ssyncadd.s32 $0xFFFFF800  }
0xb5: {  	_ =	swait.ge [sflag:s17], $0x800  }
0xb6: {  	[sflag:s17] =	ssyncset.done $0x0  }
0xb7: {  	[sflag:s17] =	ssyncadd.s32 $0xFFFFF800  }
0xb8: {  	_ =	swait.ge [sflag:s17], $0x800  }
0xb9: {  	[sflag:s17] =	ssyncset.done $0x0  }
0xba: {  	[sflag:s17] =	ssyncadd.s32 $0xFFFFF800  }
.Ltmp2:
0xbb: {  	_ =	swait.ge [sflag:s17], $0x800;
	(pc) =	sbr.rel @p2 .LBB2_6-.Ltmp2, $4  }
0xbc: {  	[sflag:s17] =	ssyncset.done $0x0  }
0xbd: {  	[sflag:s17] =	ssyncadd.s32 $0xFFFFF800  }
0xbe: {  	_ =	swait.ge [sflag:s17], $0x800  }
0xbf: {  	s22 =	smov.u32 s21;
	[sflag:s17] =	ssyncset.done $0x0  }
0xc0: {  	s20 =	sshra.s32 s20, $0x2;
	[sflag:s17] =	ssyncadd.s32 $0xFFFFF800  }
0xc1: {  	[spmem:s2] =	stream.indirect.scatter.add.f32 [tilespmem:s12], [sflag:$0x1], $0x10, s20, s16, $0xb8;
	[tilespmem:$0x5690] =	vst v63  }
0xc2: {  	s21 =	sadd.s32 $0x80, s20  }
0xc3: {  	[spmem:s2] =	stream.indirect.scatter.add.f32 [tilespmem:s12], [sflag:$0x1], $0x10, s21, s16, $0xb8;
	[tilespmem:$0x5690] =	vst v63  }
0xc4: {  	s29 =	sadd.s32 $0x100, s20  }
0xc5: {  	[spmem:s2] =	stream.indirect.scatter.add.f32 [tilespmem:s12], [sflag:$0x1], $0x10, s29, s16, $0xb8;
	[tilespmem:$0x5690] =	vst v63  }
0xc6: {  	s30 =	sadd.s32 $0x180, s20  }
0xc7: {  	[spmem:s2] =	stream.indirect.scatter.add.f32 [tilespmem:s12], [sflag:$0x1], $0x10, s30, s16, $0xb8;
	[tilespmem:$0x5690] =	vst v63  }
0xc8: {  	s31 =	sadd.s32 $0x200, s20  }
0xc9: {  	[spmem:s2] =	stream.indirect.scatter.add.f32 [tilespmem:s12], [sflag:$0x1], $0x10, s31, s16, $0xb8;
	[tilespmem:$0x5690] =	vst v63  }
0xca: {  	s22 =	sadd.s32 $0x280, s20  }
0xcb: {  	[spmem:s2] =	stream.indirect.scatter.add.f32 [tilespmem:s12], [sflag:$0x1], $0x10, s22, s16, $0xb8;
	[tilespmem:$0x5690] =	vst v63  }
0xcc: {  	s23 =	sadd.s32 $0x300, s20  }
0xcd: {  	[spmem:s2] =	stream.indirect.scatter.add.f32 [tilespmem:s12], [sflag:$0x1], $0x10, s23, s16, $0xb8;
	[tilespmem:$0x5690] =	vst v63  }
0xce: {  	s24 =	sadd.s32 $0x380, s20  }
0xcf: {  	[spmem:s2] =	stream.indirect.scatter.add.f32 [tilespmem:s12], [sflag:$0x1], $0x10, s24, s16, $0xb8;
	[tilespmem:$0x5690] =	vst v63  }
0xd0: {  	s25 =	sadd.s32 $0x400, s20  }
0xd1: {  	[spmem:s2] =	stream.indirect.scatter.add.f32 [tilespmem:s12], [sflag:$0x1], $0x10, s25, s16, $0xb8;
	[tilespmem:$0x5690] =	vst v63  }
0xd2: {  	s26 =	sadd.s32 $0x480, s20  }
0xd3: {  	[spmem:s2] =	stream.indirect.scatter.add.f32 [tilespmem:s12], [sflag:$0x1], $0x10, s26, s16, $0xb8;
	[tilespmem:$0x5690] =	vst v63  }
0xd4: {  	s28 =	sadd.s32 $0x500, s20  }
0xd5: {  	[spmem:s2] =	stream.indirect.scatter.add.f32 [tilespmem:s12], [sflag:$0x1], $0x10, s28, s16, $0xb8;
	[tilespmem:$0x5690] =	vst v63  }
0xd6: {  	s29 =	sadd.s32 $0x580, s20  }
0xd7: {  	[spmem:s2] =	stream.indirect.scatter.add.f32 [tilespmem:s12], [sflag:$0x1], $0x10, s29, s16, $0xb8;
	[tilespmem:$0x5690] =	vst v63  }
0xd8: {  	s20 =	sadd.s32 $0x600, s20  }
0xd9: {  	[spmem:s2] =	stream.indirect.scatter.add.f32 [tilespmem:s12], [sflag:$0x1], $0x10, s20, s16, $0xb8;
	[tilespmem:$0x5690] =	vst v63  }
0xda: {  	_ =	swait.ge [sflag:s17], $0x800  }
0xdb: {  	[sflag:s17] =	ssyncset.done $0x0  }
0xdc: {  	[sflag:s17] =	ssyncadd.s32 $0xFFFFF800  }
0xdd: {  	_ =	swait.ge [sflag:s17], $0x800  }
0xde: {  	[sflag:s17] =	ssyncset.done $0x0  }
0xdf: {  	[sflag:s17] =	ssyncadd.s32 $0xFFFFF800  }
0xe0: {  	_ =	swait.ge [sflag:s17], $0x800  }
0xe1: {  	[sflag:s17] =	ssyncset.done $0x0  }
0xe2: {  	[sflag:s17] =	ssyncadd.s32 $0xFFFFF800  }
0xe3: {  	_ =	swait.ge [sflag:s17], $0x800  }
0xe4: {  	[sflag:s17] =	ssyncset.done $0x0  }
0xe5: {  	[sflag:s17] =	ssyncadd.s32 $0xFFFFF800  }
0xe6: {  	_ =	swait.ge [sflag:s17], $0x800  }
0xe7: {  	[sflag:s17] =	ssyncset.done $0x0  }
0xe8: {  	[sflag:s17] =	ssyncadd.s32 $0xFFFFF800  }
0xe9: {  	_ =	swait.ge [sflag:s17], $0x800  }
0xea: {  	[sflag:s17] =	ssyncset.done $0x0  }
0xeb: {  	[sflag:s17] =	ssyncadd.s32 $0xFFFFF800  }
0xec: {  	_ =	swait.ge [sflag:s17], $0x800  }
0xed: {  	[sflag:s17] =	ssyncset.done $0x0  }
0xee: {  	[sflag:s17] =	ssyncadd.s32 $0xFFFFF800  }
0xef: {  	_ =	swait.ge [sflag:s17], $0x800  }
0xf0: {  	[sflag:s17] =	ssyncset.done $0x0  }
0xf1: {  	[sflag:s17] =	ssyncadd.s32 $0xFFFFF800  }
0xf2: {  	_ =	swait.ge [sflag:s17], $0x800  }
0xf3: {  	[sflag:s17] =	ssyncset.done $0x0  }
0xf4: {  	[sflag:s17] =	ssyncadd.s32 $0xFFFFF800  }
0xf5: {  	_ =	swait.ge [sflag:s17], $0x800  }
0xf6: {  	[sflag:s17] =	ssyncset.done $0x0  }
0xf7: {  	[sflag:s17] =	ssyncadd.s32 $0xFFFFF800  }
0xf8: {  	_ =	swait.ge [sflag:s17], $0x800  }
0xf9: {  	[sflag:s17] =	ssyncset.done $0x0  }
0xfa: {  	[sflag:s17] =	ssyncadd.s32 $0xFFFFF800  }
0xfb: {  	_ =	swait.ge [sflag:s17], $0x800  }
0xfc: {  	[sflag:s17] =	ssyncset.done $0x0  }
0xfd: {  	[sflag:s17] =	ssyncadd.s32 $0xFFFFF800  }
0xfe: {  	_ =	swait.ge [sflag:s17], $0x800  }
0xff: {  	s21 =	simm.s32 @!p1 $0x2700;
	[sflag:s17] =	ssyncset.done $0x0  }
0x100: {  	s22 =	simm.s32 @!p1 $0x2780;
	s20 =	simm.s32 @!p1 $0x80;
	[sflag:s17] =	ssyncadd.s32 $0xFFFFF800  }
0x101: {  	[spmem:s2] =	stream.indirect.scatter.add.f32 @!p1 [tilespmem:s22], [sflag:$0x2], $0x10, s21, s20, $0xb8;
	[tilespmem:$0x5690] =	vst v63  }
0x102: {  	s20 =	simm.s32 @!p1 $0x2  }
0x103: {  	_ =	swait.ge @!p1 [sflag:s20], $0x800  }
0x104: {  	[sflag:s20] =	ssyncset.done @!p1 $0x0  }
0x105: {  	s30 =	sshll.u32 s1, $0x6;
	[sflag:s20] =	ssyncadd.s32 @!p1 $0xFFFFF800  }
0x106: {  	s31 =	sshrl.u32 s4, $0x3;
	s20 =	sor.u32 $0x1C02, s30;
	[bflag:$0x0] =	sbarrier.arrive $0xFFFF  }
0x107: {  	[hbm:s18], [sflag:s20] =	dma.local [spmem:s31], $0x4E0  }
0x108: {  	s19 =	sadd.s32 $0x1, s19;
	_ =	swait.ge [sflag:s13], $0x4E0  }
0x109: {  	p2 =	sne.s32 s19, s11;
	[sflag:s13] =	ssyncset.done $0x0  }
0x10a: {  	s21 =	sadd.s32 @!p0 $0x4E00, s10;
	s22 =	sshrl.u32 @!p0 s9, $0x3;
	[sflag:s13] =	ssyncadd.s32 $0xFFFFFB20  }
0x10b: {  	[hbm:s21], [sflag:s20] =	dma.local @!p0 [spmem:s22], $0x20  }
.Ltmp3:
0x10c: {  	_ = 	snop;
	(pc) =	sbr.rel @p2 .LBB2_1-.Ltmp3, $4  }
0x10d: {  	s20 =	simm.s32 @!p0 $0x2  }
0x10e: {  	_ =	swait.ge @!p0 [sflag:s20], $0x20  }
0x10f: {  	[sflag:s20] =	ssyncset.done @!p0 $0x0  }
0x110: {  	[sflag:s20] =	ssyncadd.s32 @!p0 $0xFFFFFFE0  }
0x111: {  	_ =	sfence.sel $0x180000  }
0x112: {  	[bflag:$0x0] =	sbarrier.arrive $0xFFFF  }
0x113: {  	p0 =	sne.s32 s1, $0x0;
	_ =	strace $0x90000047  }
0x114: {  	s0 =	sadd.s32 @!p0 $0x100000, s0;
	[bflag:$0x2] =	sbarrier.arrive $0xFFFF  }
0x115: {  	[sflag:s0] =	ssyncadd.tile.s32 @!p0 $0x1;
	_ =	shalt  }
.Lfunc_end2:
_tile_overlayer_lowered:
.L_overlay_start_2:
0x116: {  	(tag) =	ssettag $0x2  }
0x117: {  	s0 =	rddreg [dreg:$0x0];
	s2 =	stileid.u32  }
0x118: {  	s1 =	rddreg [dreg:$0x1];
	p0 =	sne.s32 s2, $0x0  }
0x119: {  	s3 =	rddreg [dreg:$0x2];
	[bflag:$0x3] =	sbarrier.arrive $0xFFFF;
	s2 =	simm.s32 @!p0 $0x1C02  }
0x11a: {  	[timem:s3], [sflag:s2] =	dma.local @!p0 [hbm:s0], s1  }
0x11b: {  	s0 =	simm.s32 @!p0 $0x2  }
0x11c: {  	_ =	swait.ge @!p0 [sflag:s0], s1  }
0x11d: {  	s1 =	ssub.s32 @!p0 $0x0, s1;
	[sflag:s0] =	ssyncset.done @!p0 $0x0  }
0x11e: {  	[sflag:s0] =	ssyncadd.s32 @!p0 s1  }
0x11f: {  	[bflag:$0x3] =	sbarrier.arrive $0xFFFF  }
0x120: {  	_ =	shalt  }

</sc_bundles>
